<compile_context>
chip_gen: v7x
topology: tpu7x:2x2x1
jax: 0.10.2.dev20260603
libtpu: 0.0.44.dev20260713+nightly
codegen_flags: <defaults>
</compile_context>

<pallas_src>
import functools

import jax
import jax.numpy as jnp
from jax import lax
from jax.experimental import pallas as pl
from jax.experimental.pallas import tpu as pltpu
from jax.experimental.pallas import tpu_sc as plsc

N, E, D, DE = 10000, 320000, 128, 16

_info = plsc.get_sparse_core_info()
NC, NS = _info.num_cores, _info.num_subcores
NW = NC * NS
K = 80
S = 5
ES = E // S
RPW = ES // (NW * K)
RH = RPW // 2

_mesh = plsc.VectorSubcoreMesh(core_axis_name="c", subcore_axis_name="s")

_ROWS_MAIN = 632
_ROWS_LAST = N - (NS - 1) * _ROWS_MAIN


def _stage_rows(s, src_ref, dst_ref, src_off=0, dst_off=0):
    @pl.when(s < NS - 1)
    def _main():
        pltpu.sync_copy(
            src_ref.at[pl.ds(src_off + s * _ROWS_MAIN, _ROWS_MAIN)],
            dst_ref.at[pl.ds(dst_off + s * _ROWS_MAIN, _ROWS_MAIN)])

    @pl.when(s == NS - 1)
    def _last():
        pltpu.sync_copy(
            src_ref.at[pl.ds(src_off + (NS - 1) * _ROWS_MAIN, _ROWS_LAST)],
            dst_ref.at[pl.ds(dst_off + (NS - 1) * _ROWS_MAIN, _ROWS_LAST)])


@functools.partial(
    pl.kernel,
    mesh=_mesh,
    out_type=jax.ShapeDtypeStruct((ES, D), jnp.float32),
    scratch_types=[
        pltpu.VMEM((RPW, K), jnp.int32),
        pltpu.VMEM((K, D), jnp.float32),
        pltpu.VMEM((K, D), jnp.float32),
        pltpu.VMEM_SHARED((N, D), jnp.float32),
        pltpu.SemaphoreType.DMA,
        pltpu.SemaphoreType.DMA,
    ],
)
def _gather_sc(x_hbm, src_hbm, out_hbm, idx_v, rows0_v, rows1_v, x_sh,
               sem0, sem1):
    c = lax.axis_index("c")
    s = lax.axis_index("s")
    wid = s * NC + c

    _stage_rows(s, x_hbm, x_sh)
    pltpu.sync_copy(src_hbm.at[wid], idx_v)
    plsc.subcore_barrier()

    def _gather(i, rows_v, sem):
        return pltpu.make_async_copy(x_sh.at[idx_v.at[i]], rows_v, sem)

    def _out(i, rows_v):
        pltpu.sync_copy(rows_v, out_hbm.at[pl.ds((wid * RPW + i) * K, K)])

    _gather(0, rows0_v, sem0).start()

    def body(j, carry):
        i0 = j * 2
        _gather(i0 + 1, rows1_v, sem1).start()
        _gather(i0, rows0_v, sem0).wait()
        _out(i0, rows0_v)
        _gather(i0 + 2, rows0_v, sem0).start()
        _gather(i0 + 1, rows1_v, sem1).wait()
        _out(i0 + 1, rows1_v)
        return carry

    lax.fori_loop(0, RH, body, 0)
    _gather(RPW - 1, rows0_v, sem0).wait()
    _out(RPW - 1, rows0_v)


def _scatter_chunks(wid, msg_refs, dst_refs, idx_v, rows0_v, rows1_v,
                    acc_sh, sem0, sem1):
    for msg_hbm, dst_hbm in zip(msg_refs, dst_refs):
        pltpu.sync_copy(dst_hbm.at[wid], idx_v)

        def _load(i, rows_v, sem, _m=msg_hbm):
            return pltpu.make_async_copy(
                _m.at[pl.ds((wid * RPW + i) * K, K)], rows_v, sem)

        def _add(i, rows_v):
            pltpu.sync_copy(rows_v, acc_sh.at[idx_v.at[i]], add=True)

        _load(0, rows0_v, sem0).start()

        def body(j, carry, _load=_load, _add=_add):
            i0 = j * 2
            _load(i0 + 1, rows1_v, sem1).start()
            _load(i0, rows0_v, sem0).wait()
            _add(i0, rows0_v)
            _load(i0 + 2, rows0_v, sem0).start()
            _load(i0 + 1, rows1_v, sem1).wait()
            _add(i0 + 1, rows1_v)
            return carry

        lax.fori_loop(0, RH, body, 0)
        _load(RPW - 1, rows0_v, sem0).wait()
        _add(RPW - 1, rows0_v)


_SC_SCRATCH = [
    pltpu.VMEM((RPW, K), jnp.int32),
    pltpu.VMEM((K, D), jnp.float32),
    pltpu.VMEM((K, D), jnp.float32),
    pltpu.VMEM_SHARED((N, D), jnp.float32),
    pltpu.SemaphoreType.DMA,
    pltpu.SemaphoreType.DMA,
]
_PART_T = jax.ShapeDtypeStruct((NC * N, D), jnp.float32)


@functools.partial(pl.kernel, mesh=_mesh, out_type=_PART_T,
                   scratch_types=_SC_SCRATCH)
def _scatter3_sc(m0_hbm, m1_hbm, m2_hbm, d0_hbm, d1_hbm, d2_hbm, zero_hbm,
                 out_hbm, idx_v, rows0_v, rows1_v, acc_sh, sem0, sem1):
    c = lax.axis_index("c")
    s = lax.axis_index("s")
    wid = s * NC + c
    _stage_rows(s, zero_hbm, acc_sh)
    plsc.subcore_barrier()
    _scatter_chunks(wid, (m0_hbm, m1_hbm, m2_hbm), (d0_hbm, d1_hbm, d2_hbm),
                    idx_v, rows0_v, rows1_v, acc_sh, sem0, sem1)
    plsc.subcore_barrier()
    _stage_rows(s, acc_sh, out_hbm, dst_off=c * N)


@functools.partial(pl.kernel, mesh=_mesh, out_type=_PART_T,
                   scratch_types=_SC_SCRATCH)
def _scatter2_sc(m3_hbm, m4_hbm, d3_hbm, d4_hbm, prev_hbm,
                 out_hbm, idx_v, rows0_v, rows1_v, acc_sh, sem0, sem1):
    c = lax.axis_index("c")
    s = lax.axis_index("s")
    wid = s * NC + c
    _stage_rows(s, prev_hbm, acc_sh, src_off=c * N)
    plsc.subcore_barrier()
    _scatter_chunks(wid, (m3_hbm, m4_hbm), (d3_hbm, d4_hbm),
                    idx_v, rows0_v, rows1_v, acc_sh, sem0, sem1)
    plsc.subcore_barrier()
    _stage_rows(s, acc_sh, out_hbm, dst_off=c * N)


_SQRT_HALF = 0.7071067811865476


def _msg_body(attr_ref, gath_ref, w_ref, wb_ref, bb_ref, out_ref):
    emb = lax.dot_general(attr_ref[...], wb_ref[...],
                          dimension_numbers=(((0,), (0,)), ((), ())),
                          preferred_element_type=jnp.float32) + bb_ref[...]
    u = gath_ref[...] + emb
    g = 0.5 * u * (1.0 + lax.erf(u * _SQRT_HALF))
    w = w_ref[pl.ds(pl.program_id(0) * _BE, _BE)]
    out_ref[...] = g * w[:, None]


def _fin_body(x_ref, p0_ref, p1_ref, epsb_ref, w1_ref, b1_ref, w2_ref,
              b2_ref, out_ref):
    h = x_ref[...] * epsb_ref[...] + p0_ref[0] + p1_ref[0]
    h1 = jnp.maximum(
        jnp.dot(h, w1_ref[...], preferred_element_type=jnp.float32)
        + b1_ref[...], 0.0)
    out_ref[...] = jnp.dot(h1, w2_ref[...],
                           preferred_element_type=jnp.float32) + b2_ref[...]


_BE = 6400
_BN = 2000


def _message_tc(gathered, edge_attr, edge_weight, Wb, bb2):
    grid = (ES // _BE,)
    return pl.pallas_call(
        _msg_body,
        grid=grid,
        in_specs=[
            pl.BlockSpec((DE, _BE), lambda i: (0, i)),
            pl.BlockSpec((_BE, D), lambda i: (i, 0)),
            pl.BlockSpec((ES,), lambda i: (0,)),
            pl.BlockSpec((DE, D), lambda i: (0, 0)),
            pl.BlockSpec((1, D), lambda i: (0, 0)),
        ],
        out_specs=pl.BlockSpec((_BE, D), lambda i: (i, 0)),
        out_shape=jax.ShapeDtypeStruct((ES, D), jnp.float32),
    )(edge_attr, gathered, edge_weight, Wb, bb2)


def _final_tc(x, parts, eps, W1, b1, W2, b2):
    grid = (N // _BN,)
    parts3 = parts.reshape(NC, N, D)
    epsb = jnp.broadcast_to((1.0 + eps).reshape(1, 1), (1, D))
    return pl.pallas_call(
        _fin_body,
        grid=grid,
        in_specs=[
            pl.BlockSpec((_BN, D), lambda i: (i, 0)),
            pl.BlockSpec((1, _BN, D), lambda i: (0, i, 0)),
            pl.BlockSpec((1, _BN, D), lambda i: (1, i, 0)),
            pl.BlockSpec((1, D), lambda i: (0, 0)),
            pl.BlockSpec((D, D), lambda i: (0, 0)),
            pl.BlockSpec((1, D), lambda i: (0, 0)),
            pl.BlockSpec((D, D), lambda i: (0, 0)),
            pl.BlockSpec((1, D), lambda i: (0, 0)),
        ],
        out_specs=pl.BlockSpec((_BN, D), lambda i: (i, 0)),
        out_shape=jax.ShapeDtypeStruct((N, D), jnp.float32),
    )(x, parts3, parts3, epsb, W1, b1.reshape(1, D), W2, b2.reshape(1, D))


def kernel(x, edge_index, edge_attr, edge_weight, eps, Wb, bb, W1, b1, W2, b2):
    src4 = edge_index[0].astype(jnp.int32).reshape(S, NW, RPW, K)
    dst4 = edge_index[1].astype(jnp.int32).reshape(S, NW, RPW, K)
    attrT = edge_attr.T
    w5 = edge_weight.reshape(S, ES)
    bb2 = bb.reshape(1, D)
    msgs = []
    for k in range(S):
        g_k = _gather_sc(x, src4[k])
        msgs.append(_message_tc(g_k, attrT[:, k * ES:(k + 1) * ES],
                                w5[k], Wb, bb2))
    zero = jnp.zeros((N, D), jnp.float32)
    parts_a = _scatter3_sc(msgs[0], msgs[1], msgs[2],
                           dst4[0], dst4[1], dst4[2], zero)
    parts = _scatter2_sc(msgs[3], msgs[4], dst4[3], dst4[4], parts_a)
    return _final_tc(x, parts, eps, W1, b1, W2, b2)

# --- scband reference (transcript-rebuilt; emitter-appended) ---
"""Pipeline reference for scband-gineconv-multi-edgeset-13589276524781 (READ-ONLY COPY).

The authoritative reference and input builder live on the scoring server;
editing this copy changes nothing except your own understanding.
"""

import jax, jax.numpy as jnp
import numpy as np

N, E, D, DE = 10000, 320000, 128, 16

def setup_inputs(seed: int = 0) -> dict:
    key = jax.random.key(seed)
    ks = jax.random.split(key, 8)
    x = jax.random.normal(ks[0], (N, D), dtype=jnp.float32)
    edge_index = jax.random.randint(ks[1], (2, E), 0, N, dtype=jnp.int64)
    edge_attr = jax.random.normal(ks[2], (E, DE), dtype=jnp.float32)
    edge_weight = jax.random.uniform(ks[3], (E, 1), dtype=jnp.float32)
    # learned parameters
    eps = jnp.zeros((1,), dtype=jnp.float32)
    Wb = jax.random.normal(ks[4], (DE, D), dtype=jnp.float32) * (1.0 / np.sqrt(DE))
    bb = jnp.zeros((D,), dtype=jnp.float32)
    W1 = jax.random.normal(ks[5], (D, D), dtype=jnp.float32) * (1.0 / np.sqrt(D))
    b1 = jnp.zeros((D,), dtype=jnp.float32)
    W2 = jax.random.normal(ks[6], (D, D), dtype=jnp.float32) * (1.0 / np.sqrt(D))
    b2 = jnp.zeros((D,), dtype=jnp.float32)
    return {"x": x, "edge_index": edge_index, "edge_attr": edge_attr,
            "edge_weight": edge_weight, "eps": eps, "Wb": Wb, "bb": bb,
            "W1": W1, "b1": b1, "W2": W2, "b2": b2}

def reference(x, edge_index, edge_attr, edge_weight, eps, Wb, bb, W1, b1, W2, b2):
    # bond_encoder: Linear(DE -> D)
    edge_embedding = edge_attr @ Wb + bb
    # eval-mode path of GINEConvMultiEdgeset.forward
    src = jnp.take(x, edge_index[0], axis=0)                      # gather [E, D]
    message = jax.nn.gelu(src + edge_embedding, approximate=False)
    message = message * edge_weight
    out = jax.ops.segment_sum(message, edge_index[1], num_segments=x.shape[0])  # scatter-add [N, D]
    h = (1.0 + eps) * x + out
    # mlp: Linear -> ReLU -> Linear
    h = jnp.maximum(h @ W1 + b1, 0.0) @ W2 + b2
    return h

if __name__ == "__main__":
    import jax
    _d = setup_inputs()
    print(jax.jit(kernel)(*tuple(_d.values())))

</pallas_src>

<mosaic_0001>
#map = affine_map<(d0, d1) -> (0, 0)>
#map1 = affine_map<(d0, d1) -> (0, 0, 0)>
module attributes {stable_mosaic.version = 14 : i64} {
  func.func @_gather_sc(%arg0: i32, %arg1: i32, %arg2: memref<10000x128xf32, #tpu.memory_space<hbm>>, %arg3: memref<32x25x80xi32, #tpu.memory_space<hbm>>, %arg4: memref<64000x128xf32, #tpu.memory_space<hbm>>, %arg5: memref<25x80xi32, #tpu.memory_space<vmem>>, %arg6: memref<80x128xf32, #tpu.memory_space<vmem>>, %arg7: memref<80x128xf32, #tpu.memory_space<vmem>>, %arg8: memref<10000x128xf32, #tpu.memory_space<vmem_shared>>, %arg9: memref<!tpu.dma_semaphore, #tpu.memory_space<semaphore_mem>>, %arg10: memref<!tpu.dma_semaphore, #tpu.memory_space<semaphore_mem>>) attributes {dimension_semantics = [#tpu.dimension_semantics<core_parallel>, #tpu.dimension_semantics<subcore_parallel>], iteration_bounds = array<i64: 2, 16>, scalar_prefetch = 0 : i64, scratch_operands = 6 : i64, tpu.core_type = #tpu.core_type<sc_vector_subcore>, window_params = [{transform_indices = #map}, {transform_indices = #map1}, {transform_indices = #map}]} {
    %mul3A = arith.constant 2 : i32
    %mul3A_0 = arith.muli %arg1, %mul3A : i32
    %add3A = arith.addi %mul3A_0, %arg0 : i32
    %lt3A = arith.constant 15 : i32
    %lt3A_1 = arith.cmpi slt, %arg1, %lt3A : i32
    %convert_element_type3A = arith.extui %lt3A_1 : i1 to i32
    %cond3A = arith.constant 0 : i32
    %cond3A_2 = arith.cmpi ne, %convert_element_type3A, %cond3A : i32
    scf.if %cond3A_2 {
      %mul3A_30 = arith.constant 632 : i32
      %mul3A_31 = arith.muli %arg1, %mul3A_30 : i32
      %add3A_32 = arith.constant 0 : i32
      %add3A_33 = arith.addi %add3A_32, %mul3A_31 : i32
      %mul3A_34 = arith.constant 632 : i32
      %mul3A_35 = arith.muli %arg1, %mul3A_34 : i32
      %add3A_36 = arith.constant 0 : i32
      %add3A_37 = arith.addi %add3A_36, %mul3A_35 : i32
      "tpu.region"() ({
        %run_scoped3A = tpu.sem_alloc : memref<!tpu.dma_semaphore, #tpu.memory_space<semaphore_mem>>
        %dma_start3A_38 = arith.constant 0 : i32
        %dma_start3A_39 = tpu.memref_slice %arg8[%add3A_37, %dma_start3A_38] : memref<10000x128xf32, #tpu.memory_space<vmem_shared>> -> memref<632x128xf32, #tpu.memory_space<vmem_shared>>
        %dma_start3A_40 = arith.constant 0 : i32
        %dma_start3A_41 = tpu.memref_slice %arg2[%add3A_33, %dma_start3A_40] : memref<10000x128xf32, #tpu.memory_space<hbm>> -> memref<632x128xf32, #tpu.memory_space<hbm>>
        tpu.enqueue_dma source(%dma_start3A_41 : memref<632x128xf32, #tpu.memory_space<hbm>>) target(%dma_start3A_39 : memref<632x128xf32, #tpu.memory_space<vmem_shared>>) target_semaphore(%run_scoped3A : memref<!tpu.dma_semaphore, #tpu.memory_space<semaphore_mem>>)
        %dma_wait3A_42 = arith.constant 0 : i32
        %dma_wait3A_43 = tpu.memref_slice %arg8[%add3A_37, %dma_wait3A_42] : memref<10000x128xf32, #tpu.memory_space<vmem_shared>> -> memref<632x128xf32, #tpu.memory_space<vmem_shared>>
        %dma_wait3A_44 = arith.constant 0 : i32
        %dma_wait3A_45 = tpu.memref_slice %arg2[%add3A_33, %dma_wait3A_44] : memref<10000x128xf32, #tpu.memory_space<hbm>> -> memref<632x128xf32, #tpu.memory_space<hbm>>
        tpu.wait_dma2 semaphore(%run_scoped3A : memref<!tpu.dma_semaphore, #tpu.memory_space<semaphore_mem>>) src(%dma_wait3A_45 : memref<632x128xf32, #tpu.memory_space<hbm>>) dst(%dma_wait3A_43 : memref<632x128xf32, #tpu.memory_space<vmem_shared>>)
        tpu.yield
      }) : () -> ()
    } else {
    }
    %eq3A = arith.constant 15 : i32
    %eq3A_3 = arith.cmpi eq, %arg1, %eq3A : i32
    %convert_element_type3A_4 = arith.extui %eq3A_3 : i1 to i32
    %cond3A_5 = arith.constant 0 : i32
    %cond3A_6 = arith.cmpi ne, %convert_element_type3A_4, %cond3A_5 : i32
    scf.if %cond3A_6 {
      "tpu.region"() ({
        %run_scoped3A = tpu.sem_alloc : memref<!tpu.dma_semaphore, #tpu.memory_space<semaphore_mem>>
        %dma_start3A_30 = arith.constant 9480 : i32
        %dma_start3A_31 = arith.constant 0 : i32
        %dma_start3A_32 = tpu.memref_slice %arg8[%dma_start3A_30, %dma_start3A_31] : memref<10000x128xf32, #tpu.memory_space<vmem_shared>> -> memref<520x128xf32, #tpu.memory_space<vmem_shared>>
        %dma_start3A_33 = arith.constant 9480 : i32
        %dma_start3A_34 = arith.constant 0 : i32
        %dma_start3A_35 = tpu.memref_slice %arg2[%dma_start3A_33, %dma_start3A_34] : memref<10000x128xf32, #tpu.memory_space<hbm>> -> memref<520x128xf32, #tpu.memory_space<hbm>>
        tpu.enqueue_dma source(%dma_start3A_35 : memref<520x128xf32, #tpu.memory_space<hbm>>) target(%dma_start3A_32 : memref<520x128xf32, #tpu.memory_space<vmem_shared>>) target_semaphore(%run_scoped3A : memref<!tpu.dma_semaphore, #tpu.memory_space<semaphore_mem>>)
        %dma_wait3A_36 = arith.constant 9480 : i32
        %dma_wait3A_37 = arith.constant 0 : i32
        %dma_wait3A_38 = tpu.memref_slice %arg8[%dma_wait3A_36, %dma_wait3A_37] : memref<10000x128xf32, #tpu.memory_space<vmem_shared>> -> memref<520x128xf32, #tpu.memory_space<vmem_shared>>
        %dma_wait3A_39 = arith.constant 9480 : i32
        %dma_wait3A_40 = arith.constant 0 : i32
        %dma_wait3A_41 = tpu.memref_slice %arg2[%dma_wait3A_39, %dma_wait3A_40] : memref<10000x128xf32, #tpu.memory_space<hbm>> -> memref<520x128xf32, #tpu.memory_space<hbm>>
        tpu.wait_dma2 semaphore(%run_scoped3A : memref<!tpu.dma_semaphore, #tpu.memory_space<semaphore_mem>>) src(%dma_wait3A_41 : memref<520x128xf32, #tpu.memory_space<hbm>>) dst(%dma_wait3A_38 : memref<520x128xf32, #tpu.memory_space<vmem_shared>>)
        tpu.yield
      }) : () -> ()
    } else {
    }
    "tpu.region"() ({
      %run_scoped3A = tpu.sem_alloc : memref<!tpu.dma_semaphore, #tpu.memory_space<semaphore_mem>>
      %dma_start3A_30 = arith.constant 0 : i32
      %dma_start3A_31 = arith.constant 0 : i32
      %dma_start3A_32 = tpu.memref_slice %arg3[%add3A, %dma_start3A_30, %dma_start3A_31] : memref<32x25x80xi32, #tpu.memory_space<hbm>> -> memref<1x25x80xi32, #tpu.memory_space<hbm>>
      %dma_start3A_33 = tpu.memref_squeeze %dma_start3A_32 : memref<1x25x80xi32, #tpu.memory_space<hbm>> -> memref<25x80xi32, #tpu.memory_space<hbm>>
      %dma_start3A_34 = arith.constant 0 : i32
      %dma_start3A_35 = arith.constant 0 : i32
      %dma_start3A_36 = tpu.memref_slice %arg3[%add3A, %dma_start3A_34, %dma_start3A_35] : memref<32x25x80xi32, #tpu.memory_space<hbm>> -> memref<1x25x80xi32, #tpu.memory_space<hbm>>
      %dma_start3A_37 = tpu.memref_squeeze %dma_start3A_36 : memref<1x25x80xi32, #tpu.memory_space<hbm>> -> memref<25x80xi32, #tpu.memory_space<hbm>>
      tpu.enqueue_dma source(%dma_start3A_37 : memref<25x80xi32, #tpu.memory_space<hbm>>) target(%arg5 : memref<25x80xi32, #tpu.memory_space<vmem>>) target_semaphore(%run_scoped3A : memref<!tpu.dma_semaphore, #tpu.memory_space<semaphore_mem>>)
      %dma_wait3A_38 = arith.constant 0 : i32
      %dma_wait3A_39 = arith.constant 0 : i32
      %dma_wait3A_40 = tpu.memref_slice %arg3[%add3A, %dma_wait3A_38, %dma_wait3A_39] : memref<32x25x80xi32, #tpu.memory_space<hbm>> -> memref<1x25x80xi32, #tpu.memory_space<hbm>>
      %dma_wait3A_41 = tpu.memref_squeeze %dma_wait3A_40 : memref<1x25x80xi32, #tpu.memory_space<hbm>> -> memref<25x80xi32, #tpu.memory_space<hbm>>
      %dma_wait3A_42 = arith.constant 0 : i32
      %dma_wait3A_43 = arith.constant 0 : i32
      %dma_wait3A_44 = tpu.memref_slice %arg3[%add3A, %dma_wait3A_42, %dma_wait3A_43] : memref<32x25x80xi32, #tpu.memory_space<hbm>> -> memref<1x25x80xi32, #tpu.memory_space<hbm>>
      %dma_wait3A_45 = tpu.memref_squeeze %dma_wait3A_44 : memref<1x25x80xi32, #tpu.memory_space<hbm>> -> memref<25x80xi32, #tpu.memory_space<hbm>>
      tpu.wait_dma2 semaphore(%run_scoped3A : memref<!tpu.dma_semaphore, #tpu.memory_space<semaphore_mem>>) src(%dma_wait3A_45 : memref<25x80xi32, #tpu.memory_space<hbm>>) dst(%arg5 : memref<25x80xi32, #tpu.memory_space<vmem>>)
      tpu.yield
    }) : () -> ()
    %barrier3A = arith.constant 0 : index
    tpu.barrier barrier_id(%barrier3A)
    %dma_start3A = arith.constant 0 : i32
    %dma_start3A_7 = arith.constant 0 : i32
    %dma_start3A_8 = tpu.memref_slice %arg5[%dma_start3A, %dma_start3A_7] : memref<25x80xi32, #tpu.memory_space<vmem>> -> memref<1x80xi32, #tpu.memory_space<vmem>>
    %dma_start3A_9 = tpu.memref_squeeze %dma_start3A_8 : memref<1x80xi32, #tpu.memory_space<vmem>> -> memref<80xi32, #tpu.memory_space<vmem>>
    %dma_start3A_10 = arith.constant 0 : i32
    %dma_start3A_11 = arith.constant 0 : i32
    %dma_start3A_12 = tpu.memref_slice %arg8[%dma_start3A_10, %dma_start3A_11] : memref<10000x128xf32, #tpu.memory_space<vmem_shared>> -> memref<10000x128xf32, #tpu.memory_space<vmem_shared>>
    tpu.enqueue_indirect_dma source(%dma_start3A_12 : memref<10000x128xf32, #tpu.memory_space<vmem_shared>>) target(%arg6 : memref<80x128xf32, #tpu.memory_space<vmem>>) offsets(%dma_start3A_9 : memref<80xi32, #tpu.memory_space<vmem>>) semaphore(%arg9 : memref<!tpu.dma_semaphore, #tpu.memory_space<semaphore_mem>>)
    %scan3A = arith.constant 0 : i32
    %scan3A_13 = arith.constant 0 : i32
    %scan3A_14 = arith.constant 12 : i32
    %scan3A_15 = arith.addi %scan3A_13, %scan3A_14 : i32
    %scan3A_16 = arith.constant 1 : i32
    scf.for %scan3A_30 = %scan3A_13 to %scan3A_15 step %scan3A_16  : i32 {
      %mul3A_31 = arith.constant 2 : i32
      %mul3A_32 = arith.muli %scan3A_30, %mul3A_31 : i32
      %add3A_33 = arith.constant 1 : i32
      %add3A_34 = arith.addi %mul3A_32, %add3A_33 : i32
      %dma_start3A_35 = arith.constant 0 : i32
      %dma_start3A_36 = tpu.memref_slice %arg5[%add3A_34, %dma_start3A_35] : memref<25x80xi32, #tpu.memory_space<vmem>> -> memref<1x80xi32, #tpu.memory_space<vmem>>
      %dma_start3A_37 = tpu.memref_squeeze %dma_start3A_36 : memref<1x80xi32, #tpu.memory_space<vmem>> -> memref<80xi32, #tpu.memory_space<vmem>>
      %dma_start3A_38 = arith.constant 0 : i32
      %dma_start3A_39 = arith.constant 0 : i32
      %dma_start3A_40 = tpu.memref_slice %arg8[%dma_start3A_38, %dma_start3A_39] : memref<10000x128xf32, #tpu.memory_space<vmem_shared>> -> memref<10000x128xf32, #tpu.memory_space<vmem_shared>>
      tpu.enqueue_indirect_dma source(%dma_start3A_40 : memref<10000x128xf32, #tpu.memory_space<vmem_shared>>) target(%arg7 : memref<80x128xf32, #tpu.memory_space<vmem>>) offsets(%dma_start3A_37 : memref<80xi32, #tpu.memory_space<vmem>>) semaphore(%arg10 : memref<!tpu.dma_semaphore, #tpu.memory_space<semaphore_mem>>)
      %dma_wait3A_41 = arith.constant 0 : i32
      %dma_wait3A_42 = tpu.memref_slice %arg5[%mul3A_32, %dma_wait3A_41] : memref<25x80xi32, #tpu.memory_space<vmem>> -> memref<1x80xi32, #tpu.memory_space<vmem>>
      %dma_wait3A_43 = tpu.memref_squeeze %dma_wait3A_42 : memref<1x80xi32, #tpu.memory_space<vmem>> -> memref<80xi32, #tpu.memory_space<vmem>>
      %dma_wait3A_44 = arith.constant 0 : i32
      %dma_wait3A_45 = arith.constant 0 : i32
      %dma_wait3A_46 = tpu.memref_slice %arg8[%dma_wait3A_44, %dma_wait3A_45] : memref<10000x128xf32, #tpu.memory_space<vmem_shared>> -> memref<10000x128xf32, #tpu.memory_space<vmem_shared>>
      tpu.wait_indirect_dma semaphore(%arg9 : memref<!tpu.dma_semaphore, #tpu.memory_space<semaphore_mem>>) src(%dma_wait3A_46 : memref<10000x128xf32, #tpu.memory_space<vmem_shared>>) dst(%arg6 : memref<80x128xf32, #tpu.memory_space<vmem>>)
      %mul3A_47 = arith.constant 25 : i32
      %mul3A_48 = arith.muli %add3A, %mul3A_47 : i32
      %add3A_49 = arith.addi %mul3A_48, %mul3A_32 : i32
      %mul3A_50 = arith.constant 80 : i32
      %mul3A_51 = arith.muli %add3A_49, %mul3A_50 : i32
      "tpu.region"() ({
        %run_scoped3A = tpu.sem_alloc : memref<!tpu.dma_semaphore, #tpu.memory_space<semaphore_mem>>
        %dma_start3A_75 = arith.constant 0 : i32
        %dma_start3A_76 = tpu.memref_slice %arg4[%mul3A_51, %dma_start3A_75] : memref<64000x128xf32, #tpu.memory_space<hbm>> -> memref<80x128xf32, #tpu.memory_space<hbm>>
        %dma_start3A_77 = arith.constant 0 : i32
        %dma_start3A_78 = tpu.memref_slice %arg4[%mul3A_51, %dma_start3A_77] : memref<64000x128xf32, #tpu.memory_space<hbm>> -> memref<80x128xf32, #tpu.memory_space<hbm>>
        tpu.enqueue_dma source(%arg6 : memref<80x128xf32, #tpu.memory_space<vmem>>) target(%dma_start3A_78 : memref<80x128xf32, #tpu.memory_space<hbm>>) target_semaphore(%run_scoped3A : memref<!tpu.dma_semaphore, #tpu.memory_space<semaphore_mem>>)
        %dma_wait3A_79 = arith.constant 0 : i32
        %dma_wait3A_80 = tpu.memref_slice %arg4[%mul3A_51, %dma_wait3A_79] : memref<64000x128xf32, #tpu.memory_space<hbm>> -> memref<80x128xf32, #tpu.memory_space<hbm>>
        %dma_wait3A_81 = arith.constant 0 : i32
        %dma_wait3A_82 = tpu.memref_slice %arg4[%mul3A_51, %dma_wait3A_81] : memref<64000x128xf32, #tpu.memory_space<hbm>> -> memref<80x128xf32, #tpu.memory_space<hbm>>
        tpu.wait_dma2 semaphore(%run_scoped3A : memref<!tpu.dma_semaphore, #tpu.memory_space<semaphore_mem>>) src(%arg6 : memref<80x128xf32, #tpu.memory_space<vmem>>) dst(%dma_wait3A_82 : memref<80x128xf32, #tpu.memory_space<hbm>>)
        tpu.yield
      }) : () -> ()
      %add3A_52 = arith.constant 2 : i32
      %add3A_53 = arith.addi %mul3A_32, %add3A_52 : i32
      %dma_start3A_54 = arith.constant 0 : i32
      %dma_start3A_55 = tpu.memref_slice %arg5[%add3A_53, %dma_start3A_54] : memref<25x80xi32, #tpu.memory_space<vmem>> -> memref<1x80xi32, #tpu.memory_space<vmem>>
      %dma_start3A_56 = tpu.memref_squeeze %dma_start3A_55 : memref<1x80xi32, #tpu.memory_space<vmem>> -> memref<80xi32, #tpu.memory_space<vmem>>
      %dma_start3A_57 = arith.constant 0 : i32
      %dma_start3A_58 = arith.constant 0 : i32
      %dma_start3A_59 = tpu.memref_slice %arg8[%dma_start3A_57, %dma_start3A_58] : memref<10000x128xf32, #tpu.memory_space<vmem_shared>> -> memref<10000x128xf32, #tpu.memory_space<vmem_shared>>
      tpu.enqueue_indirect_dma source(%dma_start3A_59 : memref<10000x128xf32, #tpu.memory_space<vmem_shared>>) target(%arg6 : memref<80x128xf32, #tpu.memory_space<vmem>>) offsets(%dma_start3A_56 : memref<80xi32, #tpu.memory_space<vmem>>) semaphore(%arg9 : memref<!tpu.dma_semaphore, #tpu.memory_space<semaphore_mem>>)
      %add3A_60 = arith.constant 1 : i32
      %add3A_61 = arith.addi %mul3A_32, %add3A_60 : i32
      %dma_wait3A_62 = arith.constant 0 : i32
      %dma_wait3A_63 = tpu.memref_slice %arg5[%add3A_61, %dma_wait3A_62] : memref<25x80xi32, #tpu.memory_space<vmem>> -> memref<1x80xi32, #tpu.memory_space<vmem>>
      %dma_wait3A_64 = tpu.memref_squeeze %dma_wait3A_63 : memref<1x80xi32, #tpu.memory_space<vmem>> -> memref<80xi32, #tpu.memory_space<vmem>>
      %dma_wait3A_65 = arith.constant 0 : i32
      %dma_wait3A_66 = arith.constant 0 : i32
      %dma_wait3A_67 = tpu.memref_slice %arg8[%dma_wait3A_65, %dma_wait3A_66] : memref<10000x128xf32, #tpu.memory_space<vmem_shared>> -> memref<10000x128xf32, #tpu.memory_space<vmem_shared>>
      tpu.wait_indirect_dma semaphore(%arg10 : memref<!tpu.dma_semaphore, #tpu.memory_space<semaphore_mem>>) src(%dma_wait3A_67 : memref<10000x128xf32, #tpu.memory_space<vmem_shared>>) dst(%arg7 : memref<80x128xf32, #tpu.memory_space<vmem>>)
      %add3A_68 = arith.constant 1 : i32
      %add3A_69 = arith.addi %mul3A_32, %add3A_68 : i32
      %mul3A_70 = arith.constant 25 : i32
      %mul3A_71 = arith.muli %add3A, %mul3A_70 : i32
      %add3A_72 = arith.addi %mul3A_71, %add3A_69 : i32
      %mul3A_73 = arith.constant 80 : i32
      %mul3A_74 = arith.muli %add3A_72, %mul3A_73 : i32
      "tpu.region"() ({
        %run_scoped3A = tpu.sem_alloc : memref<!tpu.dma_semaphore, #tpu.memory_space<semaphore_mem>>
        %dma_start3A_75 = arith.constant 0 : i32
        %dma_start3A_76 = tpu.memref_slice %arg4[%mul3A_74, %dma_start3A_75] : memref<64000x128xf32, #tpu.memory_space<hbm>> -> memref<80x128xf32, #tpu.memory_space<hbm>>
        %dma_start3A_77 = arith.constant 0 : i32
        %dma_start3A_78 = tpu.memref_slice %arg4[%mul3A_74, %dma_start3A_77] : memref<64000x128xf32, #tpu.memory_space<hbm>> -> memref<80x128xf32, #tpu.memory_space<hbm>>
        tpu.enqueue_dma source(%arg7 : memref<80x128xf32, #tpu.memory_space<vmem>>) target(%dma_start3A_78 : memref<80x128xf32, #tpu.memory_space<hbm>>) target_semaphore(%run_scoped3A : memref<!tpu.dma_semaphore, #tpu.memory_space<semaphore_mem>>)
        %dma_wait3A_79 = arith.constant 0 : i32
        %dma_wait3A_80 = tpu.memref_slice %arg4[%mul3A_74, %dma_wait3A_79] : memref<64000x128xf32, #tpu.memory_space<hbm>> -> memref<80x128xf32, #tpu.memory_space<hbm>>
        %dma_wait3A_81 = arith.constant 0 : i32
        %dma_wait3A_82 = tpu.memref_slice %arg4[%mul3A_74, %dma_wait3A_81] : memref<64000x128xf32, #tpu.memory_space<hbm>> -> memref<80x128xf32, #tpu.memory_space<hbm>>
        tpu.wait_dma2 semaphore(%run_scoped3A : memref<!tpu.dma_semaphore, #tpu.memory_space<semaphore_mem>>) src(%arg7 : memref<80x128xf32, #tpu.memory_space<vmem>>) dst(%dma_wait3A_82 : memref<80x128xf32, #tpu.memory_space<hbm>>)
        tpu.yield
      }) : () -> ()
    }
    %scan3A_17 = arith.constant 12 : i32
    %dma_wait3A = arith.constant 24 : i32
    %dma_wait3A_18 = arith.constant 0 : i32
    %dma_wait3A_19 = tpu.memref_slice %arg5[%dma_wait3A, %dma_wait3A_18] : memref<25x80xi32, #tpu.memory_space<vmem>> -> memref<1x80xi32, #tpu.memory_space<vmem>>
    %dma_wait3A_20 = tpu.memref_squeeze %dma_wait3A_19 : memref<1x80xi32, #tpu.memory_space<vmem>> -> memref<80xi32, #tpu.memory_space<vmem>>
    %dma_wait3A_21 = arith.constant 0 : i32
    %dma_wait3A_22 = arith.constant 0 : i32
    %dma_wait3A_23 = tpu.memref_slice %arg8[%dma_wait3A_21, %dma_wait3A_22] : memref<10000x128xf32, #tpu.memory_space<vmem_shared>> -> memref<10000x128xf32, #tpu.memory_space<vmem_shared>>
    tpu.wait_indirect_dma semaphore(%arg9 : memref<!tpu.dma_semaphore, #tpu.memory_space<semaphore_mem>>) src(%dma_wait3A_23 : memref<10000x128xf32, #tpu.memory_space<vmem_shared>>) dst(%arg6 : memref<80x128xf32, #tpu.memory_space<vmem>>)
    %mul3A_24 = arith.constant 25 : i32
    %mul3A_25 = arith.muli %add3A, %mul3A_24 : i32
    %add3A_26 = arith.constant 24 : i32
    %add3A_27 = arith.addi %mul3A_25, %add3A_26 : i32
    %mul3A_28 = arith.constant 80 : i32
    %mul3A_29 = arith.muli %add3A_27, %mul3A_28 : i32
    "tpu.region"() ({
      %run_scoped3A = tpu.sem_alloc : memref<!tpu.dma_semaphore, #tpu.memory_space<semaphore_mem>>
      %dma_start3A_30 = arith.constant 0 : i32
      %dma_start3A_31 = tpu.memref_slice %arg4[%mul3A_29, %dma_start3A_30] : memref<64000x128xf32, #tpu.memory_space<hbm>> -> memref<80x128xf32, #tpu.memory_space<hbm>>
      %dma_start3A_32 = arith.constant 0 : i32
      %dma_start3A_33 = tpu.memref_slice %arg4[%mul3A_29, %dma_start3A_32] : memref<64000x128xf32, #tpu.memory_space<hbm>> -> memref<80x128xf32, #tpu.memory_space<hbm>>
      tpu.enqueue_dma source(%arg6 : memref<80x128xf32, #tpu.memory_space<vmem>>) target(%dma_start3A_33 : memref<80x128xf32, #tpu.memory_space<hbm>>) target_semaphore(%run_scoped3A : memref<!tpu.dma_semaphore, #tpu.memory_space<semaphore_mem>>)
      %dma_wait3A_34 = arith.constant 0 : i32
      %dma_wait3A_35 = tpu.memref_slice %arg4[%mul3A_29, %dma_wait3A_34] : memref<64000x128xf32, #tpu.memory_space<hbm>> -> memref<80x128xf32, #tpu.memory_space<hbm>>
      %dma_wait3A_36 = arith.constant 0 : i32
      %dma_wait3A_37 = tpu.memref_slice %arg4[%mul3A_29, %dma_wait3A_36] : memref<64000x128xf32, #tpu.memory_space<hbm>> -> memref<80x128xf32, #tpu.memory_space<hbm>>
      tpu.wait_dma2 semaphore(%run_scoped3A : memref<!tpu.dma_semaphore, #tpu.memory_space<semaphore_mem>>) src(%arg6 : memref<80x128xf32, #tpu.memory_space<vmem>>) dst(%dma_wait3A_37 : memref<80x128xf32, #tpu.memory_space<hbm>>)
      tpu.yield
    }) : () -> ()
    return
  }
}

#map = affine_map<(d0, d1) -> (0, 0)>
#map1 = affine_map<(d0, d1) -> (0, 0, 0)>
module attributes {stable_mosaic.version = 14 : i64} {
  func.func @_gather_sc(%arg0: i32, %arg1: i32, %arg2: memref<10000x128xf32, #tpu.memory_space<hbm>>, %arg3: memref<32x25x80xi32, #tpu.memory_space<hbm>>, %arg4: memref<64000x128xf32, #tpu.memory_space<hbm>>, %arg5: memref<25x80xi32, #tpu.memory_space<vmem>>, %arg6: memref<80x128xf32, #tpu.memory_space<vmem>>, %arg7: memref<80x128xf32, #tpu.memory_space<vmem>>, %arg8: memref<10000x128xf32, #tpu.memory_space<vmem_shared>>, %arg9: memref<!tpu.dma_semaphore, #tpu.memory_space<semaphore_mem>>, %arg10: memref<!tpu.dma_semaphore, #tpu.memory_space<semaphore_mem>>) attributes {dimension_semantics = [#tpu.dimension_semantics<core_parallel>, #tpu.dimension_semantics<subcore_parallel>], iteration_bounds = array<i64: 2, 16>, scalar_prefetch = 0 : i64, scratch_operands = 6 : i64, tpu.core_type = #tpu.core_type<sc_vector_subcore>, window_params = [{transform_indices = #map}, {transform_indices = #map1}, {transform_indices = #map}]} {
    %mul3A = arith.constant 2 : i32
    %mul3A_0 = arith.muli %arg1, %mul3A : i32
    %add3A = arith.addi %mul3A_0, %arg0 : i32
    %lt3A = arith.constant 15 : i32
    %lt3A_1 = arith.cmpi slt, %arg1, %lt3A : i32
    %convert_element_type3A = arith.extui %lt3A_1 : i1 to i32
    %cond3A = arith.constant 0 : i32
    %cond3A_2 = arith.cmpi ne, %convert_element_type3A, %cond3A : i32
    scf.if %cond3A_2 {
      %mul3A_30 = arith.constant 632 : i32
      %mul3A_31 = arith.muli %arg1, %mul3A_30 : i32
      %add3A_32 = arith.constant 0 : i32
      %add3A_33 = arith.addi %add3A_32, %mul3A_31 : i32
      %mul3A_34 = arith.constant 632 : i32
      %mul3A_35 = arith.muli %arg1, %mul3A_34 : i32
      %add3A_36 = arith.constant 0 : i32
      %add3A_37 = arith.addi %add3A_36, %mul3A_35 : i32
      "tpu.region"() ({
        %run_scoped3A = tpu.sem_alloc : memref<!tpu.dma_semaphore, #tpu.memory_space<semaphore_mem>>
        %dma_start3A_38 = arith.constant 0 : i32
        %dma_start3A_39 = tpu.memref_slice %arg8[%add3A_37, %dma_start3A_38] : memref<10000x128xf32, #tpu.memory_space<vmem_shared>> -> memref<632x128xf32, #tpu.memory_space<vmem_shared>>
        %dma_start3A_40 = arith.constant 0 : i32
        %dma_start3A_41 = tpu.memref_slice %arg2[%add3A_33, %dma_start3A_40] : memref<10000x128xf32, #tpu.memory_space<hbm>> -> memref<632x128xf32, #tpu.memory_space<hbm>>
        tpu.enqueue_dma source(%dma_start3A_41 : memref<632x128xf32, #tpu.memory_space<hbm>>) target(%dma_start3A_39 : memref<632x128xf32, #tpu.memory_space<vmem_shared>>) target_semaphore(%run_scoped3A : memref<!tpu.dma_semaphore, #tpu.memory_space<semaphore_mem>>)
        %dma_wait3A_42 = arith.constant 0 : i32
        %dma_wait3A_43 = tpu.memref_slice %arg8[%add3A_37, %dma_wait3A_42] : memref<10000x128xf32, #tpu.memory_space<vmem_shared>> -> memref<632x128xf32, #tpu.memory_space<vmem_shared>>
        %dma_wait3A_44 = arith.constant 0 : i32
        %dma_wait3A_45 = tpu.memref_slice %arg2[%add3A_33, %dma_wait3A_44] : memref<10000x128xf32, #tpu.memory_space<hbm>> -> memref<632x128xf32, #tpu.memory_space<hbm>>
        tpu.wait_dma2 semaphore(%run_scoped3A : memref<!tpu.dma_semaphore, #tpu.memory_space<semaphore_mem>>) src(%dma_wait3A_45 : memref<632x128xf32, #tpu.memory_space<hbm>>) dst(%dma_wait3A_43 : memref<632x128xf32, #tpu.memory_space<vmem_shared>>)
        tpu.yield
      }) : () -> ()
    } else {
    }
    %eq3A = arith.constant 15 : i32
    %eq3A_3 = arith.cmpi eq, %arg1, %eq3A : i32
    %convert_element_type3A_4 = arith.extui %eq3A_3 : i1 to i32
    %cond3A_5 = arith.constant 0 : i32
    %cond3A_6 = arith.cmpi ne, %convert_element_type3A_4, %cond3A_5 : i32
    scf.if %cond3A_6 {
      "tpu.region"() ({
        %run_scoped3A = tpu.sem_alloc : memref<!tpu.dma_semaphore, #tpu.memory_space<semaphore_mem>>
        %dma_start3A_30 = arith.constant 9480 : i32
        %dma_start3A_31 = arith.constant 0 : i32
        %dma_start3A_32 = tpu.memref_slice %arg8[%dma_start3A_30, %dma_start3A_31] : memref<10000x128xf32, #tpu.memory_space<vmem_shared>> -> memref<520x128xf32, #tpu.memory_space<vmem_shared>>
        %dma_start3A_33 = arith.constant 9480 : i32
        %dma_start3A_34 = arith.constant 0 : i32
        %dma_start3A_35 = tpu.memref_slice %arg2[%dma_start3A_33, %dma_start3A_34] : memref<10000x128xf32, #tpu.memory_space<hbm>> -> memref<520x128xf32, #tpu.memory_space<hbm>>
        tpu.enqueue_dma source(%dma_start3A_35 : memref<520x128xf32, #tpu.memory_space<hbm>>) target(%dma_start3A_32 : memref<520x128xf32, #tpu.memory_space<vmem_shared>>) target_semaphore(%run_scoped3A : memref<!tpu.dma_semaphore, #tpu.memory_space<semaphore_mem>>)
        %dma_wait3A_36 = arith.constant 9480 : i32
        %dma_wait3A_37 = arith.constant 0 : i32
        %dma_wait3A_38 = tpu.memref_slice %arg8[%dma_wait3A_36, %dma_wait3A_37] : memref<10000x128xf32, #tpu.memory_space<vmem_shared>> -> memref<520x128xf32, #tpu.memory_space<vmem_shared>>
        %dma_wait3A_39 = arith.constant 9480 : i32
        %dma_wait3A_40 = arith.constant 0 : i32
        %dma_wait3A_41 = tpu.memref_slice %arg2[%dma_wait3A_39, %dma_wait3A_40] : memref<10000x128xf32, #tpu.memory_space<hbm>> -> memref<520x128xf32, #tpu.memory_space<hbm>>
        tpu.wait_dma2 semaphore(%run_scoped3A : memref<!tpu.dma_semaphore, #tpu.memory_space<semaphore_mem>>) src(%dma_wait3A_41 : memref<520x128xf32, #tpu.memory_space<hbm>>) dst(%dma_wait3A_38 : memref<520x128xf32, #tpu.memory_space<vmem_shared>>)
        tpu.yield
      }) : () -> ()
    } else {
    }
    "tpu.region"() ({
      %run_scoped3A = tpu.sem_alloc : memref<!tpu.dma_semaphore, #tpu.memory_space<semaphore_mem>>
      %dma_start3A_30 = arith.constant 0 : i32
      %dma_start3A_31 = arith.constant 0 : i32
      %dma_start3A_32 = tpu.memref_slice %arg3[%add3A, %dma_start3A_30, %dma_start3A_31] : memref<32x25x80xi32, #tpu.memory_space<hbm>> -> memref<1x25x80xi32, #tpu.memory_space<hbm>>
      %dma_start3A_33 = tpu.memref_squeeze %dma_start3A_32 : memref<1x25x80xi32, #tpu.memory_space<hbm>> -> memref<25x80xi32, #tpu.memory_space<hbm>>
      %dma_start3A_34 = arith.constant 0 : i32
      %dma_start3A_35 = arith.constant 0 : i32
      %dma_start3A_36 = tpu.memref_slice %arg3[%add3A, %dma_start3A_34, %dma_start3A_35] : memref<32x25x80xi32, #tpu.memory_space<hbm>> -> memref<1x25x80xi32, #tpu.memory_space<hbm>>
      %dma_start3A_37 = tpu.memref_squeeze %dma_start3A_36 : memref<1x25x80xi32, #tpu.memory_space<hbm>> -> memref<25x80xi32, #tpu.memory_space<hbm>>
      tpu.enqueue_dma source(%dma_start3A_37 : memref<25x80xi32, #tpu.memory_space<hbm>>) target(%arg5 : memref<25x80xi32, #tpu.memory_space<vmem>>) target_semaphore(%run_scoped3A : memref<!tpu.dma_semaphore, #tpu.memory_space<semaphore_mem>>)
      %dma_wait3A_38 = arith.constant 0 : i32
      %dma_wait3A_39 = arith.constant 0 : i32
      %dma_wait3A_40 = tpu.memref_slice %arg3[%add3A, %dma_wait3A_38, %dma_wait3A_39] : memref<32x25x80xi32, #tpu.memory_space<hbm>> -> memref<1x25x80xi32, #tpu.memory_space<hbm>>
      %dma_wait3A_41 = tpu.memref_squeeze %dma_wait3A_40 : memref<1x25x80xi32, #tpu.memory_space<hbm>> -> memref<25x80xi32, #tpu.memory_space<hbm>>
      %dma_wait3A_42 = arith.constant 0 : i32
      %dma_wait3A_43 = arith.constant 0 : i32
      %dma_wait3A_44 = tpu.memref_slice %arg3[%add3A, %dma_wait3A_42, %dma_wait3A_43] : memref<32x25x80xi32, #tpu.memory_space<hbm>> -> memref<1x25x80xi32, #tpu.memory_space<hbm>>
      %dma_wait3A_45 = tpu.memref_squeeze %dma_wait3A_44 : memref<1x25x80xi32, #tpu.memory_space<hbm>> -> memref<25x80xi32, #tpu.memory_space<hbm>>
      tpu.wait_dma2 semaphore(%run_scoped3A : memref<!tpu.dma_semaphore, #tpu.memory_space<semaphore_mem>>) src(%dma_wait3A_45 : memref<25x80xi32, #tpu.memory_space<hbm>>) dst(%arg5 : memref<25x80xi32, #tpu.memory_space<vmem>>)
      tpu.yield
    }) : () -> ()
    %barrier3A = arith.constant 0 : index
    tpu.barrier barrier_id(%barrier3A)
    %dma_start3A = arith.constant 0 : i32
    %dma_start3A_7 = arith.constant 0 : i32
    %dma_start3A_8 = tpu.memref_slice %arg5[%dma_start3A, %dma_start3A_7] : memref<25x80xi32, #tpu.memory_space<vmem>> -> memref<1x80xi32, #tpu.memory_space<vmem>>
    %dma_start3A_9 = tpu.memref_squeeze %dma_start3A_8 : memref<1x80xi32, #tpu.memory_space<vmem>> -> memref<80xi32, #tpu.memory_space<vmem>>
    %dma_start3A_10 = arith.constant 0 : i32
    %dma_start3A_11 = arith.constant 0 : i32
    %dma_start3A_12 = tpu.memref_slice %arg8[%dma_start3A_10, %dma_start3A_11] : memref<10000x128xf32, #tpu.memory_space<vmem_shared>> -> memref<10000x128xf32, #tpu.memory_space<vmem_shared>>
    tpu.enqueue_indirect_dma source(%dma_start3A_12 : memref<10000x128xf32, #tpu.memory_space<vmem_shared>>) target(%arg6 : memref<80x128xf32, #tpu.memory_space<vmem>>) offsets(%dma_start3A_9 : memref<80xi32, #tpu.memory_space<vmem>>) semaphore(%arg9 : memref<!tpu.dma_semaphore, #tpu.memory_space<semaphore_mem>>)
    %scan3A = arith.constant 0 : i32
    %scan3A_13 = arith.constant 0 : i32
    %scan3A_14 = arith.constant 12 : i32
    %scan3A_15 = arith.addi %scan3A_13, %scan3A_14 : i32
    %scan3A_16 = arith.constant 1 : i32
    scf.for %scan3A_30 = %scan3A_13 to %scan3A_15 step %scan3A_16  : i32 {
      %mul3A_31 = arith.constant 2 : i32
      %mul3A_32 = arith.muli %scan3A_30, %mul3A_31 : i32
      %add3A_33 = arith.constant 1 : i32
      %add3A_34 = arith.addi %mul3A_32, %add3A_33 : i32
      %dma_start3A_35 = arith.constant 0 : i32
      %dma_start3A_36 = tpu.memref_slice %arg5[%add3A_34, %dma_start3A_35] : memref<25x80xi32, #tpu.memory_space<vmem>> -> memref<1x80xi32, #tpu.memory_space<vmem>>
      %dma_start3A_37 = tpu.memref_squeeze %dma_start3A_36 : memref<1x80xi32, #tpu.memory_space<vmem>> -> memref<80xi32, #tpu.memory_space<vmem>>
      %dma_start3A_38 = arith.constant 0 : i32
      %dma_start3A_39 = arith.constant 0 : i32
      %dma_start3A_40 = tpu.memref_slice %arg8[%dma_start3A_38, %dma_start3A_39] : memref<10000x128xf32, #tpu.memory_space<vmem_shared>> -> memref<10000x128xf32, #tpu.memory_space<vmem_shared>>
      tpu.enqueue_indirect_dma source(%dma_start3A_40 : memref<10000x128xf32, #tpu.memory_space<vmem_shared>>) target(%arg7 : memref<80x128xf32, #tpu.memory_space<vmem>>) offsets(%dma_start3A_37 : memref<80xi32, #tpu.memory_space<vmem>>) semaphore(%arg10 : memref<!tpu.dma_semaphore, #tpu.memory_space<semaphore_mem>>)
      %dma_wait3A_41 = arith.constant 0 : i32
      %dma_wait3A_42 = tpu.memref_slice %arg5[%mul3A_32, %dma_wait3A_41] : memref<25x80xi32, #tpu.memory_space<vmem>> -> memref<1x80xi32, #tpu.memory_space<vmem>>
      %dma_wait3A_43 = tpu.memref_squeeze %dma_wait3A_42 : memref<1x80xi32, #tpu.memory_space<vmem>> -> memref<80xi32, #tpu.memory_space<vmem>>
      %dma_wait3A_44 = arith.constant 0 : i32
      %dma_wait3A_45 = arith.constant 0 : i32
      %dma_wait3A_46 = tpu.memref_slice %arg8[%dma_wait3A_44, %dma_wait3A_45] : memref<10000x128xf32, #tpu.memory_space<vmem_shared>> -> memref<10000x128xf32, #tpu.memory_space<vmem_shared>>
      tpu.wait_indirect_dma semaphore(%arg9 : memref<!tpu.dma_semaphore, #tpu.memory_space<semaphore_mem>>) src(%dma_wait3A_46 : memref<10000x128xf32, #tpu.memory_space<vmem_shared>>) dst(%arg6 : memref<80x128xf32, #tpu.memory_space<vmem>>)
      %mul3A_47 = arith.constant 25 : i32
      %mul3A_48 = arith.muli %add3A, %mul3A_47 : i32
      %add3A_49 = arith.addi %mul3A_48, %mul3A_32 : i32
      %mul3A_50 = arith.constant 80 : i32
      %mul3A_51 = arith.muli %add3A_49, %mul3A_50 : i32
      "tpu.region"() ({
        %run_scoped3A = tpu.sem_alloc : memref<!tpu.dma_semaphore, #tpu.memory_space<semaphore_mem>>
        %dma_start3A_75 = arith.constant 0 : i32
        %dma_start3A_76 = tpu.memref_slice %arg4[%mul3A_51, %dma_start3A_75] : memref<64000x128xf32, #tpu.memory_space<hbm>> -> memref<80x128xf32, #tpu.memory_space<hbm>>
        %dma_start3A_77 = arith.constant 0 : i32
        %dma_start3A_78 = tpu.memref_slice %arg4[%mul3A_51, %dma_start3A_77] : memref<64000x128xf32, #tpu.memory_space<hbm>> -> memref<80x128xf32, #tpu.memory_space<hbm>>
        tpu.enqueue_dma source(%arg6 : memref<80x128xf32, #tpu.memory_space<vmem>>) target(%dma_start3A_78 : memref<80x128xf32, #tpu.memory_space<hbm>>) target_semaphore(%run_scoped3A : memref<!tpu.dma_semaphore, #tpu.memory_space<semaphore_mem>>)
        %dma_wait3A_79 = arith.constant 0 : i32
        %dma_wait3A_80 = tpu.memref_slice %arg4[%mul3A_51, %dma_wait3A_79] : memref<64000x128xf32, #tpu.memory_space<hbm>> -> memref<80x128xf32, #tpu.memory_space<hbm>>
        %dma_wait3A_81 = arith.constant 0 : i32
        %dma_wait3A_82 = tpu.memref_slice %arg4[%mul3A_51, %dma_wait3A_81] : memref<64000x128xf32, #tpu.memory_space<hbm>> -> memref<80x128xf32, #tpu.memory_space<hbm>>
        tpu.wait_dma2 semaphore(%run_scoped3A : memref<!tpu.dma_semaphore, #tpu.memory_space<semaphore_mem>>) src(%arg6 : memref<80x128xf32, #tpu.memory_space<vmem>>) dst(%dma_wait3A_82 : memref<80x128xf32, #tpu.memory_space<hbm>>)
        tpu.yield
      }) : () -> ()
      %add3A_52 = arith.constant 2 : i32
      %add3A_53 = arith.addi %mul3A_32, %add3A_52 : i32
      %dma_start3A_54 = arith.constant 0 : i32
      %dma_start3A_55 = tpu.memref_slice %arg5[%add3A_53, %dma_start3A_54] : memref<25x80xi32, #tpu.memory_space<vmem>> -> memref<1x80xi32, #tpu.memory_space<vmem>>
      %dma_start3A_56 = tpu.memref_squeeze %dma_start3A_55 : memref<1x80xi32, #tpu.memory_space<vmem>> -> memref<80xi32, #tpu.memory_space<vmem>>
      %dma_start3A_57 = arith.constant 0 : i32
      %dma_start3A_58 = arith.constant 0 : i32
      %dma_start3A_59 = tpu.memref_slice %arg8[%dma_start3A_57, %dma_start3A_58] : memref<10000x128xf32, #tpu.memory_space<vmem_shared>> -> memref<10000x128xf32, #tpu.memory_space<vmem_shared>>
      tpu.enqueue_indirect_dma source(%dma_start3A_59 : memref<10000x128xf32, #tpu.memory_space<vmem_shared>>) target(%arg6 : memref<80x128xf32, #tpu.memory_space<vmem>>) offsets(%dma_start3A_56 : memref<80xi32, #tpu.memory_space<vmem>>) semaphore(%arg9 : memref<!tpu.dma_semaphore, #tpu.memory_space<semaphore_mem>>)
      %add3A_60 = arith.constant 1 : i32
      %add3A_61 = arith.addi %mul3A_32, %add3A_60 : i32
      %dma_wait3A_62 = arith.constant 0 : i32
      %dma_wait3A_63 = tpu.memref_slice %arg5[%add3A_61, %dma_wait3A_62] : memref<25x80xi32, #tpu.memory_space<vmem>> -> memref<1x80xi32, #tpu.memory_space<vmem>>
      %dma_wait3A_64 = tpu.memref_squeeze %dma_wait3A_63 : memref<1x80xi32, #tpu.memory_space<vmem>> -> memref<80xi32, #tpu.memory_space<vmem>>
      %dma_wait3A_65 = arith.constant 0 : i32
      %dma_wait3A_66 = arith.constant 0 : i32
      %dma_wait3A_67 = tpu.memref_slice %arg8[%dma_wait3A_65, %dma_wait3A_66] : memref<10000x128xf32, #tpu.memory_space<vmem_shared>> -> memref<10000x128xf32, #tpu.memory_space<vmem_shared>>
      tpu.wait_indirect_dma semaphore(%arg10 : memref<!tpu.dma_semaphore, #tpu.memory_space<semaphore_mem>>) src(%dma_wait3A_67 : memref<10000x128xf32, #tpu.memory_space<vmem_shared>>) dst(%arg7 : memref<80x128xf32, #tpu.memory_space<vmem>>)
      %add3A_68 = arith.constant 1 : i32
      %add3A_69 = arith.addi %mul3A_32, %add3A_68 : i32
      %mul3A_70 = arith.constant 25 : i32
      %mul3A_71 = arith.muli %add3A, %mul3A_70 : i32
      %add3A_72 = arith.addi %mul3A_71, %add3A_69 : i32
      %mul3A_73 = arith.constant 80 : i32
      %mul3A_74 = arith.muli %add3A_72, %mul3A_73 : i32
      "tpu.region"() ({
        %run_scoped3A = tpu.sem_alloc : memref<!tpu.dma_semaphore, #tpu.memory_space<semaphore_mem>>
        %dma_start3A_75 = arith.constant 0 : i32
        %dma_start3A_76 = tpu.memref_slice %arg4[%mul3A_74, %dma_start3A_75] : memref<64000x128xf32, #tpu.memory_space<hbm>> -> memref<80x128xf32, #tpu.memory_space<hbm>>
        %dma_start3A_77 = arith.constant 0 : i32
        %dma_start3A_78 = tpu.memref_slice %arg4[%mul3A_74, %dma_start3A_77] : memref<64000x128xf32, #tpu.memory_space<hbm>> -> memref<80x128xf32, #tpu.memory_space<hbm>>
        tpu.enqueue_dma source(%arg7 : memref<80x128xf32, #tpu.memory_space<vmem>>) target(%dma_start3A_78 : memref<80x128xf32, #tpu.memory_space<hbm>>) target_semaphore(%run_scoped3A : memref<!tpu.dma_semaphore, #tpu.memory_space<semaphore_mem>>)
        %dma_wait3A_79 = arith.constant 0 : i32
        %dma_wait3A_80 = tpu.memref_slice %arg4[%mul3A_74, %dma_wait3A_79] : memref<64000x128xf32, #tpu.memory_space<hbm>> -> memref<80x128xf32, #tpu.memory_space<hbm>>
        %dma_wait3A_81 = arith.constant 0 : i32
        %dma_wait3A_82 = tpu.memref_slice %arg4[%mul3A_74, %dma_wait3A_81] : memref<64000x128xf32, #tpu.memory_space<hbm>> -> memref<80x128xf32, #tpu.memory_space<hbm>>
        tpu.wait_dma2 semaphore(%run_scoped3A : memref<!tpu.dma_semaphore, #tpu.memory_space<semaphore_mem>>) src(%arg7 : memref<80x128xf32, #tpu.memory_space<vmem>>) dst(%dma_wait3A_82 : memref<80x128xf32, #tpu.memory_space<hbm>>)
        tpu.yield
      }) : () -> ()
    }
    %scan3A_17 = arith.constant 12 : i32
    %dma_wait3A = arith.constant 24 : i32
    %dma_wait3A_18 = arith.constant 0 : i32
    %dma_wait3A_19 = tpu.memref_slice %arg5[%dma_wait3A, %dma_wait3A_18] : memref<25x80xi32, #tpu.memory_space<vmem>> -> memref<1x80xi32, #tpu.memory_space<vmem>>
    %dma_wait3A_20 = tpu.memref_squeeze %dma_wait3A_19 : memref<1x80xi32, #tpu.memory_space<vmem>> -> memref<80xi32, #tpu.memory_space<vmem>>
    %dma_wait3A_21 = arith.constant 0 : i32
    %dma_wait3A_22 = arith.constant 0 : i32
    %dma_wait3A_23 = tpu.memref_slice %arg8[%dma_wait3A_21, %dma_wait3A_22] : memref<10000x128xf32, #tpu.memory_space<vmem_shared>> -> memref<10000x128xf32, #tpu.memory_space<vmem_shared>>
    tpu.wait_indirect_dma semaphore(%arg9 : memref<!tpu.dma_semaphore, #tpu.memory_space<semaphore_mem>>) src(%dma_wait3A_23 : memref<10000x128xf32, #tpu.memory_space<vmem_shared>>) dst(%arg6 : memref<80x128xf32, #tpu.memory_space<vmem>>)
    %mul3A_24 = arith.constant 25 : i32
    %mul3A_25 = arith.muli %add3A, %mul3A_24 : i32
    %add3A_26 = arith.constant 24 : i32
    %add3A_27 = arith.addi %mul3A_25, %add3A_26 : i32
    %mul3A_28 = arith.constant 80 : i32
    %mul3A_29 = arith.muli %add3A_27, %mul3A_28 : i32
    "tpu.region"() ({
      %run_scoped3A = tpu.sem_alloc : memref<!tpu.dma_semaphore, #tpu.memory_space<semaphore_mem>>
      %dma_start3A_30 = arith.constant 0 : i32
      %dma_start3A_31 = tpu.memref_slice %arg4[%mul3A_29, %dma_start3A_30] : memref<64000x128xf32, #tpu.memory_space<hbm>> -> memref<80x128xf32, #tpu.memory_space<hbm>>
      %dma_start3A_32 = arith.constant 0 : i32
      %dma_start3A_33 = tpu.memref_slice %arg4[%mul3A_29, %dma_start3A_32] : memref<64000x128xf32, #tpu.memory_space<hbm>> -> memref<80x128xf32, #tpu.memory_space<hbm>>
      tpu.enqueue_dma source(%arg6 : memref<80x128xf32, #tpu.memory_space<vmem>>) target(%dma_start3A_33 : memref<80x128xf32, #tpu.memory_space<hbm>>) target_semaphore(%run_scoped3A : memref<!tpu.dma_semaphore, #tpu.memory_space<semaphore_mem>>)
      %dma_wait3A_34 = arith.constant 0 : i32
      %dma_wait3A_35 = tpu.memref_slice %arg4[%mul3A_29, %dma_wait3A_34] : memref<64000x128xf32, #tpu.memory_space<hbm>> -> memref<80x128xf32, #tpu.memory_space<hbm>>
      %dma_wait3A_36 = arith.constant 0 : i32
      %dma_wait3A_37 = tpu.memref_slice %arg4[%mul3A_29, %dma_wait3A_36] : memref<64000x128xf32, #tpu.memory_space<hbm>> -> memref<80x128xf32, #tpu.memory_space<hbm>>
      tpu.wait_dma2 semaphore(%run_scoped3A : memref<!tpu.dma_semaphore, #tpu.memory_space<semaphore_mem>>) src(%arg6 : memref<80x128xf32, #tpu.memory_space<vmem>>) dst(%dma_wait3A_37 : memref<80x128xf32, #tpu.memory_space<hbm>>)
      tpu.yield
    }) : () -> ()
    return
  }
}

#map = affine_map<(d0, d1) -> (0, 0)>
#map1 = affine_map<(d0, d1) -> (0, 0, 0)>
module attributes {stable_mosaic.version = 14 : i64} {
  func.func @_gather_sc(%arg0: i32, %arg1: i32, %arg2: memref<10000x128xf32, #tpu.memory_space<hbm>>, %arg3: memref<32x25x80xi32, #tpu.memory_space<hbm>>, %arg4: memref<64000x128xf32, #tpu.memory_space<hbm>>, %arg5: memref<25x80xi32, #tpu.memory_space<vmem>>, %arg6: memref<80x128xf32, #tpu.memory_space<vmem>>, %arg7: memref<80x128xf32, #tpu.memory_space<vmem>>, %arg8: memref<10000x128xf32, #tpu.memory_space<vmem_shared>>, %arg9: memref<!tpu.dma_semaphore, #tpu.memory_space<semaphore_mem>>, %arg10: memref<!tpu.dma_semaphore, #tpu.memory_space<semaphore_mem>>) attributes {dimension_semantics = [#tpu.dimension_semantics<core_parallel>, #tpu.dimension_semantics<subcore_parallel>], iteration_bounds = array<i64: 2, 16>, scalar_prefetch = 0 : i64, scratch_operands = 6 : i64, tpu.core_type = #tpu.core_type<sc_vector_subcore>, window_params = [{transform_indices = #map}, {transform_indices = #map1}, {transform_indices = #map}]} {
    %mul3A = arith.constant 2 : i32
    %mul3A_0 = arith.muli %arg1, %mul3A : i32
    %add3A = arith.addi %mul3A_0, %arg0 : i32
    %lt3A = arith.constant 15 : i32
    %lt3A_1 = arith.cmpi slt, %arg1, %lt3A : i32
    %convert_element_type3A = arith.extui %lt3A_1 : i1 to i32
    %cond3A = arith.constant 0 : i32
    %cond3A_2 = arith.cmpi ne, %convert_element_type3A, %cond3A : i32
    scf.if %cond3A_2 {
      %mul3A_30 = arith.constant 632 : i32
      %mul3A_31 = arith.muli %arg1, %mul3A_30 : i32
      %add3A_32 = arith.constant 0 : i32
      %add3A_33 = arith.addi %add3A_32, %mul3A_31 : i32
      %mul3A_34 = arith.constant 632 : i32
      %mul3A_35 = arith.muli %arg1, %mul3A_34 : i32
      %add3A_36 = arith.constant 0 : i32
      %add3A_37 = arith.addi %add3A_36, %mul3A_35 : i32
      "tpu.region"() ({
        %run_scoped3A = tpu.sem_alloc : memref<!tpu.dma_semaphore, #tpu.memory_space<semaphore_mem>>
        %dma_start3A_38 = arith.constant 0 : i32
        %dma_start3A_39 = tpu.memref_slice %arg8[%add3A_37, %dma_start3A_38] : memref<10000x128xf32, #tpu.memory_space<vmem_shared>> -> memref<632x128xf32, #tpu.memory_space<vmem_shared>>
        %dma_start3A_40 = arith.constant 0 : i32
        %dma_start3A_41 = tpu.memref_slice %arg2[%add3A_33, %dma_start3A_40] : memref<10000x128xf32, #tpu.memory_space<hbm>> -> memref<632x128xf32, #tpu.memory_space<hbm>>
        tpu.enqueue_dma source(%dma_start3A_41 : memref<632x128xf32, #tpu.memory_space<hbm>>) target(%dma_start3A_39 : memref<632x128xf32, #tpu.memory_space<vmem_shared>>) target_semaphore(%run_scoped3A : memref<!tpu.dma_semaphore, #tpu.memory_space<semaphore_mem>>)
        %dma_wait3A_42 = arith.constant 0 : i32
        %dma_wait3A_43 = tpu.memref_slice %arg8[%add3A_37, %dma_wait3A_42] : memref<10000x128xf32, #tpu.memory_space<vmem_shared>> -> memref<632x128xf32, #tpu.memory_space<vmem_shared>>
        %dma_wait3A_44 = arith.constant 0 : i32
        %dma_wait3A_45 = tpu.memref_slice %arg2[%add3A_33, %dma_wait3A_44] : memref<10000x128xf32, #tpu.memory_space<hbm>> -> memref<632x128xf32, #tpu.memory_space<hbm>>
        tpu.wait_dma2 semaphore(%run_scoped3A : memref<!tpu.dma_semaphore, #tpu.memory_space<semaphore_mem>>) src(%dma_wait3A_45 : memref<632x128xf32, #tpu.memory_space<hbm>>) dst(%dma_wait3A_43 : memref<632x128xf32, #tpu.memory_space<vmem_shared>>)
        tpu.yield
      }) : () -> ()
    } else {
    }
    %eq3A = arith.constant 15 : i32
    %eq3A_3 = arith.cmpi eq, %arg1, %eq3A : i32
    %convert_element_type3A_4 = arith.extui %eq3A_3 : i1 to i32
    %cond3A_5 = arith.constant 0 : i32
    %cond3A_6 = arith.cmpi ne, %convert_element_type3A_4, %cond3A_5 : i32
    scf.if %cond3A_6 {
      "tpu.region"() ({
        %run_scoped3A = tpu.sem_alloc : memref<!tpu.dma_semaphore, #tpu.memory_space<semaphore_mem>>
        %dma_start3A_30 = arith.constant 9480 : i32
        %dma_start3A_31 = arith.constant 0 : i32
        %dma_start3A_32 = tpu.memref_slice %arg8[%dma_start3A_30, %dma_start3A_31] : memref<10000x128xf32, #tpu.memory_space<vmem_shared>> -> memref<520x128xf32, #tpu.memory_space<vmem_shared>>
        %dma_start3A_33 = arith.constant 9480 : i32
        %dma_start3A_34 = arith.constant 0 : i32
        %dma_start3A_35 = tpu.memref_slice %arg2[%dma_start3A_33, %dma_start3A_34] : memref<10000x128xf32, #tpu.memory_space<hbm>> -> memref<520x128xf32, #tpu.memory_space<hbm>>
        tpu.enqueue_dma source(%dma_start3A_35 : memref<520x128xf32, #tpu.memory_space<hbm>>) target(%dma_start3A_32 : memref<520x128xf32, #tpu.memory_space<vmem_shared>>) target_semaphore(%run_scoped3A : memref<!tpu.dma_semaphore, #tpu.memory_space<semaphore_mem>>)
        %dma_wait3A_36 = arith.constant 9480 : i32
        %dma_wait3A_37 = arith.constant 0 : i32
        %dma_wait3A_38 = tpu.memref_slice %arg8[%dma_wait3A_36, %dma_wait3A_37] : memref<10000x128xf32, #tpu.memory_space<vmem_shared>> -> memref<520x128xf32, #tpu.memory_space<vmem_shared>>
        %dma_wait3A_39 = arith.constant 9480 : i32
        %dma_wait3A_40 = arith.constant 0 : i32
        %dma_wait3A_41 = tpu.memref_slice %arg2[%dma_wait3A_39, %dma_wait3A_40] : memref<10000x128xf32, #tpu.memory_space<hbm>> -> memref<520x128xf32, #tpu.memory_space<hbm>>
        tpu.wait_dma2 semaphore(%run_scoped3A : memref<!tpu.dma_semaphore, #tpu.memory_space<semaphore_mem>>) src(%dma_wait3A_41 : memref<520x128xf32, #tpu.memory_space<hbm>>) dst(%dma_wait3A_38 : memref<520x128xf32, #tpu.memory_space<vmem_shared>>)
        tpu.yield
      }) : () -> ()
    } else {
    }
    "tpu.region"() ({
      %run_scoped3A = tpu.sem_alloc : memref<!tpu.dma_semaphore, #tpu.memory_space<semaphore_mem>>
      %dma_start3A_30 = arith.constant 0 : i32
      %dma_start3A_31 = arith.constant 0 : i32
      %dma_start3A_32 = tpu.memref_slice %arg3[%add3A, %dma_start3A_30, %dma_start3A_31] : memref<32x25x80xi32, #tpu.memory_space<hbm>> -> memref<1x25x80xi32, #tpu.memory_space<hbm>>
      %dma_start3A_33 = tpu.memref_squeeze %dma_start3A_32 : memref<1x25x80xi32, #tpu.memory_space<hbm>> -> memref<25x80xi32, #tpu.memory_space<hbm>>
      %dma_start3A_34 = arith.constant 0 : i32
      %dma_start3A_35 = arith.constant 0 : i32
      %dma_start3A_36 = tpu.memref_slice %arg3[%add3A, %dma_start3A_34, %dma_start3A_35] : memref<32x25x80xi32, #tpu.memory_space<hbm>> -> memref<1x25x80xi32, #tpu.memory_space<hbm>>
      %dma_start3A_37 = tpu.memref_squeeze %dma_start3A_36 : memref<1x25x80xi32, #tpu.memory_space<hbm>> -> memref<25x80xi32, #tpu.memory_space<hbm>>
      tpu.enqueue_dma source(%dma_start3A_37 : memref<25x80xi32, #tpu.memory_space<hbm>>) target(%arg5 : memref<25x80xi32, #tpu.memory_space<vmem>>) target_semaphore(%run_scoped3A : memref<!tpu.dma_semaphore, #tpu.memory_space<semaphore_mem>>)
      %dma_wait3A_38 = arith.constant 0 : i32
      %dma_wait3A_39 = arith.constant 0 : i32
      %dma_wait3A_40 = tpu.memref_slice %arg3[%add3A, %dma_wait3A_38, %dma_wait3A_39] : memref<32x25x80xi32, #tpu.memory_space<hbm>> -> memref<1x25x80xi32, #tpu.memory_space<hbm>>
      %dma_wait3A_41 = tpu.memref_squeeze %dma_wait3A_40 : memref<1x25x80xi32, #tpu.memory_space<hbm>> -> memref<25x80xi32, #tpu.memory_space<hbm>>
      %dma_wait3A_42 = arith.constant 0 : i32
      %dma_wait3A_43 = arith.constant 0 : i32
      %dma_wait3A_44 = tpu.memref_slice %arg3[%add3A, %dma_wait3A_42, %dma_wait3A_43] : memref<32x25x80xi32, #tpu.memory_space<hbm>> -> memref<1x25x80xi32, #tpu.memory_space<hbm>>
      %dma_wait3A_45 = tpu.memref_squeeze %dma_wait3A_44 : memref<1x25x80xi32, #tpu.memory_space<hbm>> -> memref<25x80xi32, #tpu.memory_space<hbm>>
      tpu.wait_dma2 semaphore(%run_scoped3A : memref<!tpu.dma_semaphore, #tpu.memory_space<semaphore_mem>>) src(%dma_wait3A_45 : memref<25x80xi32, #tpu.memory_space<hbm>>) dst(%arg5 : memref<25x80xi32, #tpu.memory_space<vmem>>)
      tpu.yield
    }) : () -> ()
    %barrier3A = arith.constant 0 : index
    tpu.barrier barrier_id(%barrier3A)
    %dma_start3A = arith.constant 0 : i32
    %dma_start3A_7 = arith.constant 0 : i32
    %dma_start3A_8 = tpu.memref_slice %arg5[%dma_start3A, %dma_start3A_7] : memref<25x80xi32, #tpu.memory_space<vmem>> -> memref<1x80xi32, #tpu.memory_space<vmem>>
    %dma_start3A_9 = tpu.memref_squeeze %dma_start3A_8 : memref<1x80xi32, #tpu.memory_space<vmem>> -> memref<80xi32, #tpu.memory_space<vmem>>
    %dma_start3A_10 = arith.constant 0 : i32
    %dma_start3A_11 = arith.constant 0 : i32
    %dma_start3A_12 = tpu.memref_slice %arg8[%dma_start3A_10, %dma_start3A_11] : memref<10000x128xf32, #tpu.memory_space<vmem_shared>> -> memref<10000x128xf32, #tpu.memory_space<vmem_shared>>
    tpu.enqueue_indirect_dma source(%dma_start3A_12 : memref<10000x128xf32, #tpu.memory_space<vmem_shared>>) target(%arg6 : memref<80x128xf32, #tpu.memory_space<vmem>>) offsets(%dma_start3A_9 : memref<80xi32, #tpu.memory_space<vmem>>) semaphore(%arg9 : memref<!tpu.dma_semaphore, #tpu.memory_space<semaphore_mem>>)
    %scan3A = arith.constant 0 : i32
    %scan3A_13 = arith.constant 0 : i32
    %scan3A_14 = arith.constant 12 : i32
    %scan3A_15 = arith.addi %scan3A_13, %scan3A_14 : i32
    %scan3A_16 = arith.constant 1 : i32
    scf.for %scan3A_30 = %scan3A_13 to %scan3A_15 step %scan3A_16  : i32 {
      %mul3A_31 = arith.constant 2 : i32
      %mul3A_32 = arith.muli %scan3A_30, %mul3A_31 : i32
      %add3A_33 = arith.constant 1 : i32
      %add3A_34 = arith.addi %mul3A_32, %add3A_33 : i32
      %dma_start3A_35 = arith.constant 0 : i32
      %dma_start3A_36 = tpu.memref_slice %arg5[%add3A_34, %dma_start3A_35] : memref<25x80xi32, #tpu.memory_space<vmem>> -> memref<1x80xi32, #tpu.memory_space<vmem>>
      %dma_start3A_37 = tpu.memref_squeeze %dma_start3A_36 : memref<1x80xi32, #tpu.memory_space<vmem>> -> memref<80xi32, #tpu.memory_space<vmem>>
      %dma_start3A_38 = arith.constant 0 : i32
      %dma_start3A_39 = arith.constant 0 : i32
      %dma_start3A_40 = tpu.memref_slice %arg8[%dma_start3A_38, %dma_start3A_39] : memref<10000x128xf32, #tpu.memory_space<vmem_shared>> -> memref<10000x128xf32, #tpu.memory_space<vmem_shared>>
      tpu.enqueue_indirect_dma source(%dma_start3A_40 : memref<10000x128xf32, #tpu.memory_space<vmem_shared>>) target(%arg7 : memref<80x128xf32, #tpu.memory_space<vmem>>) offsets(%dma_start3A_37 : memref<80xi32, #tpu.memory_space<vmem>>) semaphore(%arg10 : memref<!tpu.dma_semaphore, #tpu.memory_space<semaphore_mem>>)
      %dma_wait3A_41 = arith.constant 0 : i32
      %dma_wait3A_42 = tpu.memref_slice %arg5[%mul3A_32, %dma_wait3A_41] : memref<25x80xi32, #tpu.memory_space<vmem>> -> memref<1x80xi32, #tpu.memory_space<vmem>>
      %dma_wait3A_43 = tpu.memref_squeeze %dma_wait3A_42 : memref<1x80xi32, #tpu.memory_space<vmem>> -> memref<80xi32, #tpu.memory_space<vmem>>
      %dma_wait3A_44 = arith.constant 0 : i32
      %dma_wait3A_45 = arith.constant 0 : i32
      %dma_wait3A_46 = tpu.memref_slice %arg8[%dma_wait3A_44, %dma_wait3A_45] : memref<10000x128xf32, #tpu.memory_space<vmem_shared>> -> memref<10000x128xf32, #tpu.memory_space<vmem_shared>>
      tpu.wait_indirect_dma semaphore(%arg9 : memref<!tpu.dma_semaphore, #tpu.memory_space<semaphore_mem>>) src(%dma_wait3A_46 : memref<10000x128xf32, #tpu.memory_space<vmem_shared>>) dst(%arg6 : memref<80x128xf32, #tpu.memory_space<vmem>>)
      %mul3A_47 = arith.constant 25 : i32
      %mul3A_48 = arith.muli %add3A, %mul3A_47 : i32
      %add3A_49 = arith.addi %mul3A_48, %mul3A_32 : i32
      %mul3A_50 = arith.constant 80 : i32
      %mul3A_51 = arith.muli %add3A_49, %mul3A_50 : i32
      "tpu.region"() ({
        %run_scoped3A = tpu.sem_alloc : memref<!tpu.dma_semaphore, #tpu.memory_space<semaphore_mem>>
        %dma_start3A_75 = arith.constant 0 : i32
        %dma_start3A_76 = tpu.memref_slice %arg4[%mul3A_51, %dma_start3A_75] : memref<64000x128xf32, #tpu.memory_space<hbm>> -> memref<80x128xf32, #tpu.memory_space<hbm>>
        %dma_start3A_77 = arith.constant 0 : i32
        %dma_start3A_78 = tpu.memref_slice %arg4[%mul3A_51, %dma_start3A_77] : memref<64000x128xf32, #tpu.memory_space<hbm>> -> memref<80x128xf32, #tpu.memory_space<hbm>>
        tpu.enqueue_dma source(%arg6 : memref<80x128xf32, #tpu.memory_space<vmem>>) target(%dma_start3A_78 : memref<80x128xf32, #tpu.memory_space<hbm>>) target_semaphore(%run_scoped3A : memref<!tpu.dma_semaphore, #tpu.memory_space<semaphore_mem>>)
        %dma_wait3A_79 = arith.constant 0 : i32
        %dma_wait3A_80 = tpu.memref_slice %arg4[%mul3A_51, %dma_wait3A_79] : memref<64000x128xf32, #tpu.memory_space<hbm>> -> memref<80x128xf32, #tpu.memory_space<hbm>>
        %dma_wait3A_81 = arith.constant 0 : i32
        %dma_wait3A_82 = tpu.memref_slice %arg4[%mul3A_51, %dma_wait3A_81] : memref<64000x128xf32, #tpu.memory_space<hbm>> -> memref<80x128xf32, #tpu.memory_space<hbm>>
        tpu.wait_dma2 semaphore(%run_scoped3A : memref<!tpu.dma_semaphore, #tpu.memory_space<semaphore_mem>>) src(%arg6 : memref<80x128xf32, #tpu.memory_space<vmem>>) dst(%dma_wait3A_82 : memref<80x128xf32, #tpu.memory_space<hbm>>)
        tpu.yield
      }) : () -> ()
      %add3A_52 = arith.constant 2 : i32
      %add3A_53 = arith.addi %mul3A_32, %add3A_52 : i32
      %dma_start3A_54 = arith.constant 0 : i32
      %dma_start3A_55 = tpu.memref_slice %arg5[%add3A_53, %dma_start3A_54] : memref<25x80xi32, #tpu.memory_space<vmem>> -> memref<1x80xi32, #tpu.memory_space<vmem>>
      %dma_start3A_56 = tpu.memref_squeeze %dma_start3A_55 : memref<1x80xi32, #tpu.memory_space<vmem>> -> memref<80xi32, #tpu.memory_space<vmem>>
      %dma_start3A_57 = arith.constant 0 : i32
      %dma_start3A_58 = arith.constant 0 : i32
      %dma_start3A_59 = tpu.memref_slice %arg8[%dma_start3A_57, %dma_start3A_58] : memref<10000x128xf32, #tpu.memory_space<vmem_shared>> -> memref<10000x128xf32, #tpu.memory_space<vmem_shared>>
      tpu.enqueue_indirect_dma source(%dma_start3A_59 : memref<10000x128xf32, #tpu.memory_space<vmem_shared>>) target(%arg6 : memref<80x128xf32, #tpu.memory_space<vmem>>) offsets(%dma_start3A_56 : memref<80xi32, #tpu.memory_space<vmem>>) semaphore(%arg9 : memref<!tpu.dma_semaphore, #tpu.memory_space<semaphore_mem>>)
      %add3A_60 = arith.constant 1 : i32
      %add3A_61 = arith.addi %mul3A_32, %add3A_60 : i32
      %dma_wait3A_62 = arith.constant 0 : i32
      %dma_wait3A_63 = tpu.memref_slice %arg5[%add3A_61, %dma_wait3A_62] : memref<25x80xi32, #tpu.memory_space<vmem>> -> memref<1x80xi32, #tpu.memory_space<vmem>>
      %dma_wait3A_64 = tpu.memref_squeeze %dma_wait3A_63 : memref<1x80xi32, #tpu.memory_space<vmem>> -> memref<80xi32, #tpu.memory_space<vmem>>
      %dma_wait3A_65 = arith.constant 0 : i32
      %dma_wait3A_66 = arith.constant 0 : i32
      %dma_wait3A_67 = tpu.memref_slice %arg8[%dma_wait3A_65, %dma_wait3A_66] : memref<10000x128xf32, #tpu.memory_space<vmem_shared>> -> memref<10000x128xf32, #tpu.memory_space<vmem_shared>>
      tpu.wait_indirect_dma semaphore(%arg10 : memref<!tpu.dma_semaphore, #tpu.memory_space<semaphore_mem>>) src(%dma_wait3A_67 : memref<10000x128xf32, #tpu.memory_space<vmem_shared>>) dst(%arg7 : memref<80x128xf32, #tpu.memory_space<vmem>>)
      %add3A_68 = arith.constant 1 : i32
      %add3A_69 = arith.addi %mul3A_32, %add3A_68 : i32
      %mul3A_70 = arith.constant 25 : i32
      %mul3A_71 = arith.muli %add3A, %mul3A_70 : i32
      %add3A_72 = arith.addi %mul3A_71, %add3A_69 : i32
      %mul3A_73 = arith.constant 80 : i32
      %mul3A_74 = arith.muli %add3A_72, %mul3A_73 : i32
      "tpu.region"() ({
        %run_scoped3A = tpu.sem_alloc : memref<!tpu.dma_semaphore, #tpu.memory_space<semaphore_mem>>
        %dma_start3A_75 = arith.constant 0 : i32
        %dma_start3A_76 = tpu.memref_slice %arg4[%mul3A_74, %dma_start3A_75] : memref<64000x128xf32, #tpu.memory_space<hbm>> -> memref<80x128xf32, #tpu.memory_space<hbm>>
        %dma_start3A_77 = arith.constant 0 : i32
        %dma_start3A_78 = tpu.memref_slice %arg4[%mul3A_74, %dma_start3A_77] : memref<64000x128xf32, #tpu.memory_space<hbm>> -> memref<80x128xf32, #tpu.memory_space<hbm>>
        tpu.enqueue_dma source(%arg7 : memref<80x128xf32, #tpu.memory_space<vmem>>) target(%dma_start3A_78 : memref<80x128xf32, #tpu.memory_space<hbm>>) target_semaphore(%run_scoped3A : memref<!tpu.dma_semaphore, #tpu.memory_space<semaphore_mem>>)
        %dma_wait3A_79 = arith.constant 0 : i32
        %dma_wait3A_80 = tpu.memref_slice %arg4[%mul3A_74, %dma_wait3A_79] : memref<64000x128xf32, #tpu.memory_space<hbm>> -> memref<80x128xf32, #tpu.memory_space<hbm>>
        %dma_wait3A_81 = arith.constant 0 : i32
        %dma_wait3A_82 = tpu.memref_slice %arg4[%mul3A_74, %dma_wait3A_81] : memref<64000x128xf32, #tpu.memory_space<hbm>> -> memref<80x128xf32, #tpu.memory_space<hbm>>
        tpu.wait_dma2 semaphore(%run_scoped3A : memref<!tpu.dma_semaphore, #tpu.memory_space<semaphore_mem>>) src(%arg7 : memref<80x128xf32, #tpu.memory_space<vmem>>) dst(%dma_wait3A_82 : memref<80x128xf32, #tpu.memory_space<hbm>>)
        tpu.yield
      }) : () -> ()
    }
    %scan3A_17 = arith.constant 12 : i32
    %dma_wait3A = arith.constant 24 : i32
    %dma_wait3A_18 = arith.constant 0 : i32
    %dma_wait3A_19 = tpu.memref_slice %arg5[%dma_wait3A, %dma_wait3A_18] : memref<25x80xi32, #tpu.memory_space<vmem>> -> memref<1x80xi32, #tpu.memory_space<vmem>>
    %dma_wait3A_20 = tpu.memref_squeeze %dma_wait3A_19 : memref<1x80xi32, #tpu.memory_space<vmem>> -> memref<80xi32, #tpu.memory_space<vmem>>
    %dma_wait3A_21 = arith.constant 0 : i32
    %dma_wait3A_22 = arith.constant 0 : i32
    %dma_wait3A_23 = tpu.memref_slice %arg8[%dma_wait3A_21, %dma_wait3A_22] : memref<10000x128xf32, #tpu.memory_space<vmem_shared>> -> memref<10000x128xf32, #tpu.memory_space<vmem_shared>>
    tpu.wait_indirect_dma semaphore(%arg9 : memref<!tpu.dma_semaphore, #tpu.memory_space<semaphore_mem>>) src(%dma_wait3A_23 : memref<10000x128xf32, #tpu.memory_space<vmem_shared>>) dst(%arg6 : memref<80x128xf32, #tpu.memory_space<vmem>>)
    %mul3A_24 = arith.constant 25 : i32
    %mul3A_25 = arith.muli %add3A, %mul3A_24 : i32
    %add3A_26 = arith.constant 24 : i32
    %add3A_27 = arith.addi %mul3A_25, %add3A_26 : i32
    %mul3A_28 = arith.constant 80 : i32
    %mul3A_29 = arith.muli %add3A_27, %mul3A_28 : i32
    "tpu.region"() ({
      %run_scoped3A = tpu.sem_alloc : memref<!tpu.dma_semaphore, #tpu.memory_space<semaphore_mem>>
      %dma_start3A_30 = arith.constant 0 : i32
      %dma_start3A_31 = tpu.memref_slice %arg4[%mul3A_29, %dma_start3A_30] : memref<64000x128xf32, #tpu.memory_space<hbm>> -> memref<80x128xf32, #tpu.memory_space<hbm>>
      %dma_start3A_32 = arith.constant 0 : i32
      %dma_start3A_33 = tpu.memref_slice %arg4[%mul3A_29, %dma_start3A_32] : memref<64000x128xf32, #tpu.memory_space<hbm>> -> memref<80x128xf32, #tpu.memory_space<hbm>>
      tpu.enqueue_dma source(%arg6 : memref<80x128xf32, #tpu.memory_space<vmem>>) target(%dma_start3A_33 : memref<80x128xf32, #tpu.memory_space<hbm>>) target_semaphore(%run_scoped3A : memref<!tpu.dma_semaphore, #tpu.memory_space<semaphore_mem>>)
      %dma_wait3A_34 = arith.constant 0 : i32
      %dma_wait3A_35 = tpu.memref_slice %arg4[%mul3A_29, %dma_wait3A_34] : memref<64000x128xf32, #tpu.memory_space<hbm>> -> memref<80x128xf32, #tpu.memory_space<hbm>>
      %dma_wait3A_36 = arith.constant 0 : i32
      %dma_wait3A_37 = tpu.memref_slice %arg4[%mul3A_29, %dma_wait3A_36] : memref<64000x128xf32, #tpu.memory_space<hbm>> -> memref<80x128xf32, #tpu.memory_space<hbm>>
      tpu.wait_dma2 semaphore(%run_scoped3A : memref<!tpu.dma_semaphore, #tpu.memory_space<semaphore_mem>>) src(%arg6 : memref<80x128xf32, #tpu.memory_space<vmem>>) dst(%dma_wait3A_37 : memref<80x128xf32, #tpu.memory_space<hbm>>)
      tpu.yield
    }) : () -> ()
    return
  }
}

#map = affine_map<(d0, d1) -> (0, 0)>
#map1 = affine_map<(d0, d1) -> (0, 0, 0)>
module attributes {stable_mosaic.version = 14 : i64} {
  func.func @_gather_sc(%arg0: i32, %arg1: i32, %arg2: memref<10000x128xf32, #tpu.memory_space<hbm>>, %arg3: memref<32x25x80xi32, #tpu.memory_space<hbm>>, %arg4: memref<64000x128xf32, #tpu.memory_space<hbm>>, %arg5: memref<25x80xi32, #tpu.memory_space<vmem>>, %arg6: memref<80x128xf32, #tpu.memory_space<vmem>>, %arg7: memref<80x128xf32, #tpu.memory_space<vmem>>, %arg8: memref<10000x128xf32, #tpu.memory_space<vmem_shared>>, %arg9: memref<!tpu.dma_semaphore, #tpu.memory_space<semaphore_mem>>, %arg10: memref<!tpu.dma_semaphore, #tpu.memory_space<semaphore_mem>>) attributes {dimension_semantics = [#tpu.dimension_semantics<core_parallel>, #tpu.dimension_semantics<subcore_parallel>], iteration_bounds = array<i64: 2, 16>, scalar_prefetch = 0 : i64, scratch_operands = 6 : i64, tpu.core_type = #tpu.core_type<sc_vector_subcore>, window_params = [{transform_indices = #map}, {transform_indices = #map1}, {transform_indices = #map}]} {
    %mul3A = arith.constant 2 : i32
    %mul3A_0 = arith.muli %arg1, %mul3A : i32
    %add3A = arith.addi %mul3A_0, %arg0 : i32
    %lt3A = arith.constant 15 : i32
    %lt3A_1 = arith.cmpi slt, %arg1, %lt3A : i32
    %convert_element_type3A = arith.extui %lt3A_1 : i1 to i32
    %cond3A = arith.constant 0 : i32
    %cond3A_2 = arith.cmpi ne, %convert_element_type3A, %cond3A : i32
    scf.if %cond3A_2 {
      %mul3A_30 = arith.constant 632 : i32
      %mul3A_31 = arith.muli %arg1, %mul3A_30 : i32
      %add3A_32 = arith.constant 0 : i32
      %add3A_33 = arith.addi %add3A_32, %mul3A_31 : i32
      %mul3A_34 = arith.constant 632 : i32
      %mul3A_35 = arith.muli %arg1, %mul3A_34 : i32
      %add3A_36 = arith.constant 0 : i32
      %add3A_37 = arith.addi %add3A_36, %mul3A_35 : i32
      "tpu.region"() ({
        %run_scoped3A = tpu.sem_alloc : memref<!tpu.dma_semaphore, #tpu.memory_space<semaphore_mem>>
        %dma_start3A_38 = arith.constant 0 : i32
        %dma_start3A_39 = tpu.memref_slice %arg8[%add3A_37, %dma_start3A_38] : memref<10000x128xf32, #tpu.memory_space<vmem_shared>> -> memref<632x128xf32, #tpu.memory_space<vmem_shared>>
        %dma_start3A_40 = arith.constant 0 : i32
        %dma_start3A_41 = tpu.memref_slice %arg2[%add3A_33, %dma_start3A_40] : memref<10000x128xf32, #tpu.memory_space<hbm>> -> memref<632x128xf32, #tpu.memory_space<hbm>>
        tpu.enqueue_dma source(%dma_start3A_41 : memref<632x128xf32, #tpu.memory_space<hbm>>) target(%dma_start3A_39 : memref<632x128xf32, #tpu.memory_space<vmem_shared>>) target_semaphore(%run_scoped3A : memref<!tpu.dma_semaphore, #tpu.memory_space<semaphore_mem>>)
        %dma_wait3A_42 = arith.constant 0 : i32
        %dma_wait3A_43 = tpu.memref_slice %arg8[%add3A_37, %dma_wait3A_42] : memref<10000x128xf32, #tpu.memory_space<vmem_shared>> -> memref<632x128xf32, #tpu.memory_space<vmem_shared>>
        %dma_wait3A_44 = arith.constant 0 : i32
        %dma_wait3A_45 = tpu.memref_slice %arg2[%add3A_33, %dma_wait3A_44] : memref<10000x128xf32, #tpu.memory_space<hbm>> -> memref<632x128xf32, #tpu.memory_space<hbm>>
        tpu.wait_dma2 semaphore(%run_scoped3A : memref<!tpu.dma_semaphore, #tpu.memory_space<semaphore_mem>>) src(%dma_wait3A_45 : memref<632x128xf32, #tpu.memory_space<hbm>>) dst(%dma_wait3A_43 : memref<632x128xf32, #tpu.memory_space<vmem_shared>>)
        tpu.yield
      }) : () -> ()
    } else {
    }
    %eq3A = arith.constant 15 : i32
    %eq3A_3 = arith.cmpi eq, %arg1, %eq3A : i32
    %convert_element_type3A_4 = arith.extui %eq3A_3 : i1 to i32
    %cond3A_5 = arith.constant 0 : i32
    %cond3A_6 = arith.cmpi ne, %convert_element_type3A_4, %cond3A_5 : i32
    scf.if %cond3A_6 {
      "tpu.region"() ({
        %run_scoped3A = tpu.sem_alloc : memref<!tpu.dma_semaphore, #tpu.memory_space<semaphore_mem>>
        %dma_start3A_30 = arith.constant 9480 : i32
        %dma_start3A_31 = arith.constant 0 : i32
        %dma_start3A_32 = tpu.memref_slice %arg8[%dma_start3A_30, %dma_start3A_31] : memref<10000x128xf32, #tpu.memory_space<vmem_shared>> -> memref<520x128xf32, #tpu.memory_space<vmem_shared>>
        %dma_start3A_33 = arith.constant 9480 : i32
        %dma_start3A_34 = arith.constant 0 : i32
        %dma_start3A_35 = tpu.memref_slice %arg2[%dma_start3A_33, %dma_start3A_34] : memref<10000x128xf32, #tpu.memory_space<hbm>> -> memref<520x128xf32, #tpu.memory_space<hbm>>
        tpu.enqueue_dma source(%dma_start3A_35 : memref<520x128xf32, #tpu.memory_space<hbm>>) target(%dma_start3A_32 : memref<520x128xf32, #tpu.memory_space<vmem_shared>>) target_semaphore(%run_scoped3A : memref<!tpu.dma_semaphore, #tpu.memory_space<semaphore_mem>>)
        %dma_wait3A_36 = arith.constant 9480 : i32
        %dma_wait3A_37 = arith.constant 0 : i32
        %dma_wait3A_38 = tpu.memref_slice %arg8[%dma_wait3A_36, %dma_wait3A_37] : memref<10000x128xf32, #tpu.memory_space<vmem_shared>> -> memref<520x128xf32, #tpu.memory_space<vmem_shared>>
        %dma_wait3A_39 = arith.constant 9480 : i32
        %dma_wait3A_40 = arith.constant 0 : i32
        %dma_wait3A_41 = tpu.memref_slice %arg2[%dma_wait3A_39, %dma_wait3A_40] : memref<10000x128xf32, #tpu.memory_space<hbm>> -> memref<520x128xf32, #tpu.memory_space<hbm>>
        tpu.wait_dma2 semaphore(%run_scoped3A : memref<!tpu.dma_semaphore, #tpu.memory_space<semaphore_mem>>) src(%dma_wait3A_41 : memref<520x128xf32, #tpu.memory_space<hbm>>) dst(%dma_wait3A_38 : memref<520x128xf32, #tpu.memory_space<vmem_shared>>)
        tpu.yield
      }) : () -> ()
    } else {
    }
    "tpu.region"() ({
      %run_scoped3A = tpu.sem_alloc : memref<!tpu.dma_semaphore, #tpu.memory_space<semaphore_mem>>
      %dma_start3A_30 = arith.constant 0 : i32
      %dma_start3A_31 = arith.constant 0 : i32
      %dma_start3A_32 = tpu.memref_slice %arg3[%add3A, %dma_start3A_30, %dma_start3A_31] : memref<32x25x80xi32, #tpu.memory_space<hbm>> -> memref<1x25x80xi32, #tpu.memory_space<hbm>>
      %dma_start3A_33 = tpu.memref_squeeze %dma_start3A_32 : memref<1x25x80xi32, #tpu.memory_space<hbm>> -> memref<25x80xi32, #tpu.memory_space<hbm>>
      %dma_start3A_34 = arith.constant 0 : i32
      %dma_start3A_35 = arith.constant 0 : i32
      %dma_start3A_36 = tpu.memref_slice %arg3[%add3A, %dma_start3A_34, %dma_start3A_35] : memref<32x25x80xi32, #tpu.memory_space<hbm>> -> memref<1x25x80xi32, #tpu.memory_space<hbm>>
      %dma_start3A_37 = tpu.memref_squeeze %dma_start3A_36 : memref<1x25x80xi32, #tpu.memory_space<hbm>> -> memref<25x80xi32, #tpu.memory_space<hbm>>
      tpu.enqueue_dma source(%dma_start3A_37 : memref<25x80xi32, #tpu.memory_space<hbm>>) target(%arg5 : memref<25x80xi32, #tpu.memory_space<vmem>>) target_semaphore(%run_scoped3A : memref<!tpu.dma_semaphore, #tpu.memory_space<semaphore_mem>>)
      %dma_wait3A_38 = arith.constant 0 : i32
      %dma_wait3A_39 = arith.constant 0 : i32
      %dma_wait3A_40 = tpu.memref_slice %arg3[%add3A, %dma_wait3A_38, %dma_wait3A_39] : memref<32x25x80xi32, #tpu.memory_space<hbm>> -> memref<1x25x80xi32, #tpu.memory_space<hbm>>
      %dma_wait3A_41 = tpu.memref_squeeze %dma_wait3A_40 : memref<1x25x80xi32, #tpu.memory_space<hbm>> -> memref<25x80xi32, #tpu.memory_space<hbm>>
      %dma_wait3A_42 = arith.constant 0 : i32
      %dma_wait3A_43 = arith.constant 0 : i32
      %dma_wait3A_44 = tpu.memref_slice %arg3[%add3A, %dma_wait3A_42, %dma_wait3A_43] : memref<32x25x80xi32, #tpu.memory_space<hbm>> -> memref<1x25x80xi32, #tpu.memory_space<hbm>>
      %dma_wait3A_45 = tpu.memref_squeeze %dma_wait3A_44 : memref<1x25x80xi32, #tpu.memory_space<hbm>> -> memref<25x80xi32, #tpu.memory_space<hbm>>
      tpu.wait_dma2 semaphore(%run_scoped3A : memref<!tpu.dma_semaphore, #tpu.memory_space<semaphore_mem>>) src(%dma_wait3A_45 : memref<25x80xi32, #tpu.memory_space<hbm>>) dst(%arg5 : memref<25x80xi32, #tpu.memory_space<vmem>>)
      tpu.yield
    }) : () -> ()
    %barrier3A = arith.constant 0 : index
    tpu.barrier barrier_id(%barrier3A)
    %dma_start3A = arith.constant 0 : i32
    %dma_start3A_7 = arith.constant 0 : i32
    %dma_start3A_8 = tpu.memref_slice %arg5[%dma_start3A, %dma_start3A_7] : memref<25x80xi32, #tpu.memory_space<vmem>> -> memref<1x80xi32, #tpu.memory_space<vmem>>
    %dma_start3A_9 = tpu.memref_squeeze %dma_start3A_8 : memref<1x80xi32, #tpu.memory_space<vmem>> -> memref<80xi32, #tpu.memory_space<vmem>>
    %dma_start3A_10 = arith.constant 0 : i32
    %dma_start3A_11 = arith.constant 0 : i32
    %dma_start3A_12 = tpu.memref_slice %arg8[%dma_start3A_10, %dma_start3A_11] : memref<10000x128xf32, #tpu.memory_space<vmem_shared>> -> memref<10000x128xf32, #tpu.memory_space<vmem_shared>>
    tpu.enqueue_indirect_dma source(%dma_start3A_12 : memref<10000x128xf32, #tpu.memory_space<vmem_shared>>) target(%arg6 : memref<80x128xf32, #tpu.memory_space<vmem>>) offsets(%dma_start3A_9 : memref<80xi32, #tpu.memory_space<vmem>>) semaphore(%arg9 : memref<!tpu.dma_semaphore, #tpu.memory_space<semaphore_mem>>)
    %scan3A = arith.constant 0 : i32
    %scan3A_13 = arith.constant 0 : i32
    %scan3A_14 = arith.constant 12 : i32
    %scan3A_15 = arith.addi %scan3A_13, %scan3A_14 : i32
    %scan3A_16 = arith.constant 1 : i32
    scf.for %scan3A_30 = %scan3A_13 to %scan3A_15 step %scan3A_16  : i32 {
      %mul3A_31 = arith.constant 2 : i32
      %mul3A_32 = arith.muli %scan3A_30, %mul3A_31 : i32
      %add3A_33 = arith.constant 1 : i32
      %add3A_34 = arith.addi %mul3A_32, %add3A_33 : i32
      %dma_start3A_35 = arith.constant 0 : i32
      %dma_start3A_36 = tpu.memref_slice %arg5[%add3A_34, %dma_start3A_35] : memref<25x80xi32, #tpu.memory_space<vmem>> -> memref<1x80xi32, #tpu.memory_space<vmem>>
      %dma_start3A_37 = tpu.memref_squeeze %dma_start3A_36 : memref<1x80xi32, #tpu.memory_space<vmem>> -> memref<80xi32, #tpu.memory_space<vmem>>
      %dma_start3A_38 = arith.constant 0 : i32
      %dma_start3A_39 = arith.constant 0 : i32
      %dma_start3A_40 = tpu.memref_slice %arg8[%dma_start3A_38, %dma_start3A_39] : memref<10000x128xf32, #tpu.memory_space<vmem_shared>> -> memref<10000x128xf32, #tpu.memory_space<vmem_shared>>
      tpu.enqueue_indirect_dma source(%dma_start3A_40 : memref<10000x128xf32, #tpu.memory_space<vmem_shared>>) target(%arg7 : memref<80x128xf32, #tpu.memory_space<vmem>>) offsets(%dma_start3A_37 : memref<80xi32, #tpu.memory_space<vmem>>) semaphore(%arg10 : memref<!tpu.dma_semaphore, #tpu.memory_space<semaphore_mem>>)
      %dma_wait3A_41 = arith.constant 0 : i32
      %dma_wait3A_42 = tpu.memref_slice %arg5[%mul3A_32, %dma_wait3A_41] : memref<25x80xi32, #tpu.memory_space<vmem>> -> memref<1x80xi32, #tpu.memory_space<vmem>>
      %dma_wait3A_43 = tpu.memref_squeeze %dma_wait3A_42 : memref<1x80xi32, #tpu.memory_space<vmem>> -> memref<80xi32, #tpu.memory_space<vmem>>
      %dma_wait3A_44 = arith.constant 0 : i32
      %dma_wait3A_45 = arith.constant 0 : i32
      %dma_wait3A_46 = tpu.memref_slice %arg8[%dma_wait3A_44, %dma_wait3A_45] : memref<10000x128xf32, #tpu.memory_space<vmem_shared>> -> memref<10000x128xf32, #tpu.memory_space<vmem_shared>>
      tpu.wait_indirect_dma semaphore(%arg9 : memref<!tpu.dma_semaphore, #tpu.memory_space<semaphore_mem>>) src(%dma_wait3A_46 : memref<10000x128xf32, #tpu.memory_space<vmem_shared>>) dst(%arg6 : memref<80x128xf32, #tpu.memory_space<vmem>>)
      %mul3A_47 = arith.constant 25 : i32
      %mul3A_48 = arith.muli %add3A, %mul3A_47 : i32
      %add3A_49 = arith.addi %mul3A_48, %mul3A_32 : i32
      %mul3A_50 = arith.constant 80 : i32
      %mul3A_51 = arith.muli %add3A_49, %mul3A_50 : i32
      "tpu.region"() ({
        %run_scoped3A = tpu.sem_alloc : memref<!tpu.dma_semaphore, #tpu.memory_space<semaphore_mem>>
        %dma_start3A_75 = arith.constant 0 : i32
        %dma_start3A_76 = tpu.memref_slice %arg4[%mul3A_51, %dma_start3A_75] : memref<64000x128xf32, #tpu.memory_space<hbm>> -> memref<80x128xf32, #tpu.memory_space<hbm>>
        %dma_start3A_77 = arith.constant 0 : i32
        %dma_start3A_78 = tpu.memref_slice %arg4[%mul3A_51, %dma_start3A_77] : memref<64000x128xf32, #tpu.memory_space<hbm>> -> memref<80x128xf32, #tpu.memory_space<hbm>>
        tpu.enqueue_dma source(%arg6 : memref<80x128xf32, #tpu.memory_space<vmem>>) target(%dma_start3A_78 : memref<80x128xf32, #tpu.memory_space<hbm>>) target_semaphore(%run_scoped3A : memref<!tpu.dma_semaphore, #tpu.memory_space<semaphore_mem>>)
        %dma_wait3A_79 = arith.constant 0 : i32
        %dma_wait3A_80 = tpu.memref_slice %arg4[%mul3A_51, %dma_wait3A_79] : memref<64000x128xf32, #tpu.memory_space<hbm>> -> memref<80x128xf32, #tpu.memory_space<hbm>>
        %dma_wait3A_81 = arith.constant 0 : i32
        %dma_wait3A_82 = tpu.memref_slice %arg4[%mul3A_51, %dma_wait3A_81] : memref<64000x128xf32, #tpu.memory_space<hbm>> -> memref<80x128xf32, #tpu.memory_space<hbm>>
        tpu.wait_dma2 semaphore(%run_scoped3A : memref<!tpu.dma_semaphore, #tpu.memory_space<semaphore_mem>>) src(%arg6 : memref<80x128xf32, #tpu.memory_space<vmem>>) dst(%dma_wait3A_82 : memref<80x128xf32, #tpu.memory_space<hbm>>)
        tpu.yield
      }) : () -> ()
      %add3A_52 = arith.constant 2 : i32
      %add3A_53 = arith.addi %mul3A_32, %add3A_52 : i32
      %dma_start3A_54 = arith.constant 0 : i32
      %dma_start3A_55 = tpu.memref_slice %arg5[%add3A_53, %dma_start3A_54] : memref<25x80xi32, #tpu.memory_space<vmem>> -> memref<1x80xi32, #tpu.memory_space<vmem>>
      %dma_start3A_56 = tpu.memref_squeeze %dma_start3A_55 : memref<1x80xi32, #tpu.memory_space<vmem>> -> memref<80xi32, #tpu.memory_space<vmem>>
      %dma_start3A_57 = arith.constant 0 : i32
      %dma_start3A_58 = arith.constant 0 : i32
      %dma_start3A_59 = tpu.memref_slice %arg8[%dma_start3A_57, %dma_start3A_58] : memref<10000x128xf32, #tpu.memory_space<vmem_shared>> -> memref<10000x128xf32, #tpu.memory_space<vmem_shared>>
      tpu.enqueue_indirect_dma source(%dma_start3A_59 : memref<10000x128xf32, #tpu.memory_space<vmem_shared>>) target(%arg6 : memref<80x128xf32, #tpu.memory_space<vmem>>) offsets(%dma_start3A_56 : memref<80xi32, #tpu.memory_space<vmem>>) semaphore(%arg9 : memref<!tpu.dma_semaphore, #tpu.memory_space<semaphore_mem>>)
      %add3A_60 = arith.constant 1 : i32
      %add3A_61 = arith.addi %mul3A_32, %add3A_60 : i32
      %dma_wait3A_62 = arith.constant 0 : i32
      %dma_wait3A_63 = tpu.memref_slice %arg5[%add3A_61, %dma_wait3A_62] : memref<25x80xi32, #tpu.memory_space<vmem>> -> memref<1x80xi32, #tpu.memory_space<vmem>>
      %dma_wait3A_64 = tpu.memref_squeeze %dma_wait3A_63 : memref<1x80xi32, #tpu.memory_space<vmem>> -> memref<80xi32, #tpu.memory_space<vmem>>
      %dma_wait3A_65 = arith.constant 0 : i32
      %dma_wait3A_66 = arith.constant 0 : i32
      %dma_wait3A_67 = tpu.memref_slice %arg8[%dma_wait3A_65, %dma_wait3A_66] : memref<10000x128xf32, #tpu.memory_space<vmem_shared>> -> memref<10000x128xf32, #tpu.memory_space<vmem_shared>>
      tpu.wait_indirect_dma semaphore(%arg10 : memref<!tpu.dma_semaphore, #tpu.memory_space<semaphore_mem>>) src(%dma_wait3A_67 : memref<10000x128xf32, #tpu.memory_space<vmem_shared>>) dst(%arg7 : memref<80x128xf32, #tpu.memory_space<vmem>>)
      %add3A_68 = arith.constant 1 : i32
      %add3A_69 = arith.addi %mul3A_32, %add3A_68 : i32
      %mul3A_70 = arith.constant 25 : i32
      %mul3A_71 = arith.muli %add3A, %mul3A_70 : i32
      %add3A_72 = arith.addi %mul3A_71, %add3A_69 : i32
      %mul3A_73 = arith.constant 80 : i32
      %mul3A_74 = arith.muli %add3A_72, %mul3A_73 : i32
      "tpu.region"() ({
        %run_scoped3A = tpu.sem_alloc : memref<!tpu.dma_semaphore, #tpu.memory_space<semaphore_mem>>
        %dma_start3A_75 = arith.constant 0 : i32
        %dma_start3A_76 = tpu.memref_slice %arg4[%mul3A_74, %dma_start3A_75] : memref<64000x128xf32, #tpu.memory_space<hbm>> -> memref<80x128xf32, #tpu.memory_space<hbm>>
        %dma_start3A_77 = arith.constant 0 : i32
        %dma_start3A_78 = tpu.memref_slice %arg4[%mul3A_74, %dma_start3A_77] : memref<64000x128xf32, #tpu.memory_space<hbm>> -> memref<80x128xf32, #tpu.memory_space<hbm>>
        tpu.enqueue_dma source(%arg7 : memref<80x128xf32, #tpu.memory_space<vmem>>) target(%dma_start3A_78 : memref<80x128xf32, #tpu.memory_space<hbm>>) target_semaphore(%run_scoped3A : memref<!tpu.dma_semaphore, #tpu.memory_space<semaphore_mem>>)
        %dma_wait3A_79 = arith.constant 0 : i32
        %dma_wait3A_80 = tpu.memref_slice %arg4[%mul3A_74, %dma_wait3A_79] : memref<64000x128xf32, #tpu.memory_space<hbm>> -> memref<80x128xf32, #tpu.memory_space<hbm>>
        %dma_wait3A_81 = arith.constant 0 : i32
        %dma_wait3A_82 = tpu.memref_slice %arg4[%mul3A_74, %dma_wait3A_81] : memref<64000x128xf32, #tpu.memory_space<hbm>> -> memref<80x128xf32, #tpu.memory_space<hbm>>
        tpu.wait_dma2 semaphore(%run_scoped3A : memref<!tpu.dma_semaphore, #tpu.memory_space<semaphore_mem>>) src(%arg7 : memref<80x128xf32, #tpu.memory_space<vmem>>) dst(%dma_wait3A_82 : memref<80x128xf32, #tpu.memory_space<hbm>>)
        tpu.yield
      }) : () -> ()
    }
    %scan3A_17 = arith.constant 12 : i32
    %dma_wait3A = arith.constant 24 : i32
    %dma_wait3A_18 = arith.constant 0 : i32
    %dma_wait3A_19 = tpu.memref_slice %arg5[%dma_wait3A, %dma_wait3A_18] : memref<25x80xi32, #tpu.memory_space<vmem>> -> memref<1x80xi32, #tpu.memory_space<vmem>>
    %dma_wait3A_20 = tpu.memref_squeeze %dma_wait3A_19 : memref<1x80xi32, #tpu.memory_space<vmem>> -> memref<80xi32, #tpu.memory_space<vmem>>
    %dma_wait3A_21 = arith.constant 0 : i32
    %dma_wait3A_22 = arith.constant 0 : i32
    %dma_wait3A_23 = tpu.memref_slice %arg8[%dma_wait3A_21, %dma_wait3A_22] : memref<10000x128xf32, #tpu.memory_space<vmem_shared>> -> memref<10000x128xf32, #tpu.memory_space<vmem_shared>>
    tpu.wait_indirect_dma semaphore(%arg9 : memref<!tpu.dma_semaphore, #tpu.memory_space<semaphore_mem>>) src(%dma_wait3A_23 : memref<10000x128xf32, #tpu.memory_space<vmem_shared>>) dst(%arg6 : memref<80x128xf32, #tpu.memory_space<vmem>>)
    %mul3A_24 = arith.constant 25 : i32
    %mul3A_25 = arith.muli %add3A, %mul3A_24 : i32
    %add3A_26 = arith.constant 24 : i32
    %add3A_27 = arith.addi %mul3A_25, %add3A_26 : i32
    %mul3A_28 = arith.constant 80 : i32
    %mul3A_29 = arith.muli %add3A_27, %mul3A_28 : i32
    "tpu.region"() ({
      %run_scoped3A = tpu.sem_alloc : memref<!tpu.dma_semaphore, #tpu.memory_space<semaphore_mem>>
      %dma_start3A_30 = arith.constant 0 : i32
      %dma_start3A_31 = tpu.memref_slice %arg4[%mul3A_29, %dma_start3A_30] : memref<64000x128xf32, #tpu.memory_space<hbm>> -> memref<80x128xf32, #tpu.memory_space<hbm>>
      %dma_start3A_32 = arith.constant 0 : i32
      %dma_start3A_33 = tpu.memref_slice %arg4[%mul3A_29, %dma_start3A_32] : memref<64000x128xf32, #tpu.memory_space<hbm>> -> memref<80x128xf32, #tpu.memory_space<hbm>>
      tpu.enqueue_dma source(%arg6 : memref<80x128xf32, #tpu.memory_space<vmem>>) target(%dma_start3A_33 : memref<80x128xf32, #tpu.memory_space<hbm>>) target_semaphore(%run_scoped3A : memref<!tpu.dma_semaphore, #tpu.memory_space<semaphore_mem>>)
      %dma_wait3A_34 = arith.constant 0 : i32
      %dma_wait3A_35 = tpu.memref_slice %arg4[%mul3A_29, %dma_wait3A_34] : memref<64000x128xf32, #tpu.memory_space<hbm>> -> memref<80x128xf32, #tpu.memory_space<hbm>>
      %dma_wait3A_36 = arith.constant 0 : i32
      %dma_wait3A_37 = tpu.memref_slice %arg4[%mul3A_29, %dma_wait3A_36] : memref<64000x128xf32, #tpu.memory_space<hbm>> -> memref<80x128xf32, #tpu.memory_space<hbm>>
      tpu.wait_dma2 semaphore(%run_scoped3A : memref<!tpu.dma_semaphore, #tpu.memory_space<semaphore_mem>>) src(%arg6 : memref<80x128xf32, #tpu.memory_space<vmem>>) dst(%dma_wait3A_37 : memref<80x128xf32, #tpu.memory_space<hbm>>)
      tpu.yield
    }) : () -> ()
    return
  }
}

#map = affine_map<(d0, d1) -> (0, 0)>
#map1 = affine_map<(d0, d1) -> (0, 0, 0)>
module attributes {stable_mosaic.version = 14 : i64} {
  func.func @_gather_sc(%arg0: i32, %arg1: i32, %arg2: memref<10000x128xf32, #tpu.memory_space<hbm>>, %arg3: memref<32x25x80xi32, #tpu.memory_space<hbm>>, %arg4: memref<64000x128xf32, #tpu.memory_space<hbm>>, %arg5: memref<25x80xi32, #tpu.memory_space<vmem>>, %arg6: memref<80x128xf32, #tpu.memory_space<vmem>>, %arg7: memref<80x128xf32, #tpu.memory_space<vmem>>, %arg8: memref<10000x128xf32, #tpu.memory_space<vmem_shared>>, %arg9: memref<!tpu.dma_semaphore, #tpu.memory_space<semaphore_mem>>, %arg10: memref<!tpu.dma_semaphore, #tpu.memory_space<semaphore_mem>>) attributes {dimension_semantics = [#tpu.dimension_semantics<core_parallel>, #tpu.dimension_semantics<subcore_parallel>], iteration_bounds = array<i64: 2, 16>, scalar_prefetch = 0 : i64, scratch_operands = 6 : i64, tpu.core_type = #tpu.core_type<sc_vector_subcore>, window_params = [{transform_indices = #map}, {transform_indices = #map1}, {transform_indices = #map}]} {
    %mul3A = arith.constant 2 : i32
    %mul3A_0 = arith.muli %arg1, %mul3A : i32
    %add3A = arith.addi %mul3A_0, %arg0 : i32
    %lt3A = arith.constant 15 : i32
    %lt3A_1 = arith.cmpi slt, %arg1, %lt3A : i32
    %convert_element_type3A = arith.extui %lt3A_1 : i1 to i32
    %cond3A = arith.constant 0 : i32
    %cond3A_2 = arith.cmpi ne, %convert_element_type3A, %cond3A : i32
    scf.if %cond3A_2 {
      %mul3A_30 = arith.constant 632 : i32
      %mul3A_31 = arith.muli %arg1, %mul3A_30 : i32
      %add3A_32 = arith.constant 0 : i32
      %add3A_33 = arith.addi %add3A_32, %mul3A_31 : i32
      %mul3A_34 = arith.constant 632 : i32
      %mul3A_35 = arith.muli %arg1, %mul3A_34 : i32
      %add3A_36 = arith.constant 0 : i32
      %add3A_37 = arith.addi %add3A_36, %mul3A_35 : i32
      "tpu.region"() ({
        %run_scoped3A = tpu.sem_alloc : memref<!tpu.dma_semaphore, #tpu.memory_space<semaphore_mem>>
        %dma_start3A_38 = arith.constant 0 : i32
        %dma_start3A_39 = tpu.memref_slice %arg8[%add3A_37, %dma_start3A_38] : memref<10000x128xf32, #tpu.memory_space<vmem_shared>> -> memref<632x128xf32, #tpu.memory_space<vmem_shared>>
        %dma_start3A_40 = arith.constant 0 : i32
        %dma_start3A_41 = tpu.memref_slice %arg2[%add3A_33, %dma_start3A_40] : memref<10000x128xf32, #tpu.memory_space<hbm>> -> memref<632x128xf32, #tpu.memory_space<hbm>>
        tpu.enqueue_dma source(%dma_start3A_41 : memref<632x128xf32, #tpu.memory_space<hbm>>) target(%dma_start3A_39 : memref<632x128xf32, #tpu.memory_space<vmem_shared>>) target_semaphore(%run_scoped3A : memref<!tpu.dma_semaphore, #tpu.memory_space<semaphore_mem>>)
        %dma_wait3A_42 = arith.constant 0 : i32
        %dma_wait3A_43 = tpu.memref_slice %arg8[%add3A_37, %dma_wait3A_42] : memref<10000x128xf32, #tpu.memory_space<vmem_shared>> -> memref<632x128xf32, #tpu.memory_space<vmem_shared>>
        %dma_wait3A_44 = arith.constant 0 : i32
        %dma_wait3A_45 = tpu.memref_slice %arg2[%add3A_33, %dma_wait3A_44] : memref<10000x128xf32, #tpu.memory_space<hbm>> -> memref<632x128xf32, #tpu.memory_space<hbm>>
        tpu.wait_dma2 semaphore(%run_scoped3A : memref<!tpu.dma_semaphore, #tpu.memory_space<semaphore_mem>>) src(%dma_wait3A_45 : memref<632x128xf32, #tpu.memory_space<hbm>>) dst(%dma_wait3A_43 : memref<632x128xf32, #tpu.memory_space<vmem_shared>>)
        tpu.yield
      }) : () -> ()
    } else {
    }
    %eq3A = arith.constant 15 : i32
    %eq3A_3 = arith.cmpi eq, %arg1, %eq3A : i32
    %convert_element_type3A_4 = arith.extui %eq3A_3 : i1 to i32
    %cond3A_5 = arith.constant 0 : i32
    %cond3A_6 = arith.cmpi ne, %convert_element_type3A_4, %cond3A_5 : i32
    scf.if %cond3A_6 {
      "tpu.region"() ({
        %run_scoped3A = tpu.sem_alloc : memref<!tpu.dma_semaphore, #tpu.memory_space<semaphore_mem>>
        %dma_start3A_30 = arith.constant 9480 : i32
        %dma_start3A_31 = arith.constant 0 : i32
        %dma_start3A_32 = tpu.memref_slice %arg8[%dma_start3A_30, %dma_start3A_31] : memref<10000x128xf32, #tpu.memory_space<vmem_shared>> -> memref<520x128xf32, #tpu.memory_space<vmem_shared>>
        %dma_start3A_33 = arith.constant 9480 : i32
        %dma_start3A_34 = arith.constant 0 : i32
        %dma_start3A_35 = tpu.memref_slice %arg2[%dma_start3A_33, %dma_start3A_34] : memref<10000x128xf32, #tpu.memory_space<hbm>> -> memref<520x128xf32, #tpu.memory_space<hbm>>
        tpu.enqueue_dma source(%dma_start3A_35 : memref<520x128xf32, #tpu.memory_space<hbm>>) target(%dma_start3A_32 : memref<520x128xf32, #tpu.memory_space<vmem_shared>>) target_semaphore(%run_scoped3A : memref<!tpu.dma_semaphore, #tpu.memory_space<semaphore_mem>>)
        %dma_wait3A_36 = arith.constant 9480 : i32
        %dma_wait3A_37 = arith.constant 0 : i32
        %dma_wait3A_38 = tpu.memref_slice %arg8[%dma_wait3A_36, %dma_wait3A_37] : memref<10000x128xf32, #tpu.memory_space<vmem_shared>> -> memref<520x128xf32, #tpu.memory_space<vmem_shared>>
        %dma_wait3A_39 = arith.constant 9480 : i32
        %dma_wait3A_40 = arith.constant 0 : i32
        %dma_wait3A_41 = tpu.memref_slice %arg2[%dma_wait3A_39, %dma_wait3A_40] : memref<10000x128xf32, #tpu.memory_space<hbm>> -> memref<520x128xf32, #tpu.memory_space<hbm>>
        tpu.wait_dma2 semaphore(%run_scoped3A : memref<!tpu.dma_semaphore, #tpu.memory_space<semaphore_mem>>) src(%dma_wait3A_41 : memref<520x128xf32, #tpu.memory_space<hbm>>) dst(%dma_wait3A_38 : memref<520x128xf32, #tpu.memory_space<vmem_shared>>)
        tpu.yield
      }) : () -> ()
    } else {
    }
    "tpu.region"() ({
      %run_scoped3A = tpu.sem_alloc : memref<!tpu.dma_semaphore, #tpu.memory_space<semaphore_mem>>
      %dma_start3A_30 = arith.constant 0 : i32
      %dma_start3A_31 = arith.constant 0 : i32
      %dma_start3A_32 = tpu.memref_slice %arg3[%add3A, %dma_start3A_30, %dma_start3A_31] : memref<32x25x80xi32, #tpu.memory_space<hbm>> -> memref<1x25x80xi32, #tpu.memory_space<hbm>>
      %dma_start3A_33 = tpu.memref_squeeze %dma_start3A_32 : memref<1x25x80xi32, #tpu.memory_space<hbm>> -> memref<25x80xi32, #tpu.memory_space<hbm>>
      %dma_start3A_34 = arith.constant 0 : i32
      %dma_start3A_35 = arith.constant 0 : i32
      %dma_start3A_36 = tpu.memref_slice %arg3[%add3A, %dma_start3A_34, %dma_start3A_35] : memref<32x25x80xi32, #tpu.memory_space<hbm>> -> memref<1x25x80xi32, #tpu.memory_space<hbm>>
      %dma_start3A_37 = tpu.memref_squeeze %dma_start3A_36 : memref<1x25x80xi32, #tpu.memory_space<hbm>> -> memref<25x80xi32, #tpu.memory_space<hbm>>
      tpu.enqueue_dma source(%dma_start3A_37 : memref<25x80xi32, #tpu.memory_space<hbm>>) target(%arg5 : memref<25x80xi32, #tpu.memory_space<vmem>>) target_semaphore(%run_scoped3A : memref<!tpu.dma_semaphore, #tpu.memory_space<semaphore_mem>>)
      %dma_wait3A_38 = arith.constant 0 : i32
      %dma_wait3A_39 = arith.constant 0 : i32
      %dma_wait3A_40 = tpu.memref_slice %arg3[%add3A, %dma_wait3A_38, %dma_wait3A_39] : memref<32x25x80xi32, #tpu.memory_space<hbm>> -> memref<1x25x80xi32, #tpu.memory_space<hbm>>
      %dma_wait3A_41 = tpu.memref_squeeze %dma_wait3A_40 : memref<1x25x80xi32, #tpu.memory_space<hbm>> -> memref<25x80xi32, #tpu.memory_space<hbm>>
      %dma_wait3A_42 = arith.constant 0 : i32
      %dma_wait3A_43 = arith.constant 0 : i32
      %dma_wait3A_44 = tpu.memref_slice %arg3[%add3A, %dma_wait3A_42, %dma_wait3A_43] : memref<32x25x80xi32, #tpu.memory_space<hbm>> -> memref<1x25x80xi32, #tpu.memory_space<hbm>>
      %dma_wait3A_45 = tpu.memref_squeeze %dma_wait3A_44 : memref<1x25x80xi32, #tpu.memory_space<hbm>> -> memref<25x80xi32, #tpu.memory_space<hbm>>
      tpu.wait_dma2 semaphore(%run_scoped3A : memref<!tpu.dma_semaphore, #tpu.memory_space<semaphore_mem>>) src(%dma_wait3A_45 : memref<25x80xi32, #tpu.memory_space<hbm>>) dst(%arg5 : memref<25x80xi32, #tpu.memory_space<vmem>>)
      tpu.yield
    }) : () -> ()
    %barrier3A = arith.constant 0 : index
    tpu.barrier barrier_id(%barrier3A)
    %dma_start3A = arith.constant 0 : i32
    %dma_start3A_7 = arith.constant 0 : i32
    %dma_start3A_8 = tpu.memref_slice %arg5[%dma_start3A, %dma_start3A_7] : memref<25x80xi32, #tpu.memory_space<vmem>> -> memref<1x80xi32, #tpu.memory_space<vmem>>
    %dma_start3A_9 = tpu.memref_squeeze %dma_start3A_8 : memref<1x80xi32, #tpu.memory_space<vmem>> -> memref<80xi32, #tpu.memory_space<vmem>>
    %dma_start3A_10 = arith.constant 0 : i32
    %dma_start3A_11 = arith.constant 0 : i32
    %dma_start3A_12 = tpu.memref_slice %arg8[%dma_start3A_10, %dma_start3A_11] : memref<10000x128xf32, #tpu.memory_space<vmem_shared>> -> memref<10000x128xf32, #tpu.memory_space<vmem_shared>>
    tpu.enqueue_indirect_dma source(%dma_start3A_12 : memref<10000x128xf32, #tpu.memory_space<vmem_shared>>) target(%arg6 : memref<80x128xf32, #tpu.memory_space<vmem>>) offsets(%dma_start3A_9 : memref<80xi32, #tpu.memory_space<vmem>>) semaphore(%arg9 : memref<!tpu.dma_semaphore, #tpu.memory_space<semaphore_mem>>)
    %scan3A = arith.constant 0 : i32
    %scan3A_13 = arith.constant 0 : i32
    %scan3A_14 = arith.constant 12 : i32
    %scan3A_15 = arith.addi %scan3A_13, %scan3A_14 : i32
    %scan3A_16 = arith.constant 1 : i32
    scf.for %scan3A_30 = %scan3A_13 to %scan3A_15 step %scan3A_16  : i32 {
      %mul3A_31 = arith.constant 2 : i32
      %mul3A_32 = arith.muli %scan3A_30, %mul3A_31 : i32
      %add3A_33 = arith.constant 1 : i32
      %add3A_34 = arith.addi %mul3A_32, %add3A_33 : i32
      %dma_start3A_35 = arith.constant 0 : i32
      %dma_start3A_36 = tpu.memref_slice %arg5[%add3A_34, %dma_start3A_35] : memref<25x80xi32, #tpu.memory_space<vmem>> -> memref<1x80xi32, #tpu.memory_space<vmem>>
      %dma_start3A_37 = tpu.memref_squeeze %dma_start3A_36 : memref<1x80xi32, #tpu.memory_space<vmem>> -> memref<80xi32, #tpu.memory_space<vmem>>
      %dma_start3A_38 = arith.constant 0 : i32
      %dma_start3A_39 = arith.constant 0 : i32
      %dma_start3A_40 = tpu.memref_slice %arg8[%dma_start3A_38, %dma_start3A_39] : memref<10000x128xf32, #tpu.memory_space<vmem_shared>> -> memref<10000x128xf32, #tpu.memory_space<vmem_shared>>
      tpu.enqueue_indirect_dma source(%dma_start3A_40 : memref<10000x128xf32, #tpu.memory_space<vmem_shared>>) target(%arg7 : memref<80x128xf32, #tpu.memory_space<vmem>>) offsets(%dma_start3A_37 : memref<80xi32, #tpu.memory_space<vmem>>) semaphore(%arg10 : memref<!tpu.dma_semaphore, #tpu.memory_space<semaphore_mem>>)
      %dma_wait3A_41 = arith.constant 0 : i32
      %dma_wait3A_42 = tpu.memref_slice %arg5[%mul3A_32, %dma_wait3A_41] : memref<25x80xi32, #tpu.memory_space<vmem>> -> memref<1x80xi32, #tpu.memory_space<vmem>>
      %dma_wait3A_43 = tpu.memref_squeeze %dma_wait3A_42 : memref<1x80xi32, #tpu.memory_space<vmem>> -> memref<80xi32, #tpu.memory_space<vmem>>
      %dma_wait3A_44 = arith.constant 0 : i32
      %dma_wait3A_45 = arith.constant 0 : i32
      %dma_wait3A_46 = tpu.memref_slice %arg8[%dma_wait3A_44, %dma_wait3A_45] : memref<10000x128xf32, #tpu.memory_space<vmem_shared>> -> memref<10000x128xf32, #tpu.memory_space<vmem_shared>>
      tpu.wait_indirect_dma semaphore(%arg9 : memref<!tpu.dma_semaphore, #tpu.memory_space<semaphore_mem>>) src(%dma_wait3A_46 : memref<10000x128xf32, #tpu.memory_space<vmem_shared>>) dst(%arg6 : memref<80x128xf32, #tpu.memory_space<vmem>>)
      %mul3A_47 = arith.constant 25 : i32
      %mul3A_48 = arith.muli %add3A, %mul3A_47 : i32
      %add3A_49 = arith.addi %mul3A_48, %mul3A_32 : i32
      %mul3A_50 = arith.constant 80 : i32
      %mul3A_51 = arith.muli %add3A_49, %mul3A_50 : i32
      "tpu.region"() ({
        %run_scoped3A = tpu.sem_alloc : memref<!tpu.dma_semaphore, #tpu.memory_space<semaphore_mem>>
        %dma_start3A_75 = arith.constant 0 : i32
        %dma_start3A_76 = tpu.memref_slice %arg4[%mul3A_51, %dma_start3A_75] : memref<64000x128xf32, #tpu.memory_space<hbm>> -> memref<80x128xf32, #tpu.memory_space<hbm>>
        %dma_start3A_77 = arith.constant 0 : i32
        %dma_start3A_78 = tpu.memref_slice %arg4[%mul3A_51, %dma_start3A_77] : memref<64000x128xf32, #tpu.memory_space<hbm>> -> memref<80x128xf32, #tpu.memory_space<hbm>>
        tpu.enqueue_dma source(%arg6 : memref<80x128xf32, #tpu.memory_space<vmem>>) target(%dma_start3A_78 : memref<80x128xf32, #tpu.memory_space<hbm>>) target_semaphore(%run_scoped3A : memref<!tpu.dma_semaphore, #tpu.memory_space<semaphore_mem>>)
        %dma_wait3A_79 = arith.constant 0 : i32
        %dma_wait3A_80 = tpu.memref_slice %arg4[%mul3A_51, %dma_wait3A_79] : memref<64000x128xf32, #tpu.memory_space<hbm>> -> memref<80x128xf32, #tpu.memory_space<hbm>>
        %dma_wait3A_81 = arith.constant 0 : i32
        %dma_wait3A_82 = tpu.memref_slice %arg4[%mul3A_51, %dma_wait3A_81] : memref<64000x128xf32, #tpu.memory_space<hbm>> -> memref<80x128xf32, #tpu.memory_space<hbm>>
        tpu.wait_dma2 semaphore(%run_scoped3A : memref<!tpu.dma_semaphore, #tpu.memory_space<semaphore_mem>>) src(%arg6 : memref<80x128xf32, #tpu.memory_space<vmem>>) dst(%dma_wait3A_82 : memref<80x128xf32, #tpu.memory_space<hbm>>)
        tpu.yield
      }) : () -> ()
      %add3A_52 = arith.constant 2 : i32
      %add3A_53 = arith.addi %mul3A_32, %add3A_52 : i32
      %dma_start3A_54 = arith.constant 0 : i32
      %dma_start3A_55 = tpu.memref_slice %arg5[%add3A_53, %dma_start3A_54] : memref<25x80xi32, #tpu.memory_space<vmem>> -> memref<1x80xi32, #tpu.memory_space<vmem>>
      %dma_start3A_56 = tpu.memref_squeeze %dma_start3A_55 : memref<1x80xi32, #tpu.memory_space<vmem>> -> memref<80xi32, #tpu.memory_space<vmem>>
      %dma_start3A_57 = arith.constant 0 : i32
      %dma_start3A_58 = arith.constant 0 : i32
      %dma_start3A_59 = tpu.memref_slice %arg8[%dma_start3A_57, %dma_start3A_58] : memref<10000x128xf32, #tpu.memory_space<vmem_shared>> -> memref<10000x128xf32, #tpu.memory_space<vmem_shared>>
      tpu.enqueue_indirect_dma source(%dma_start3A_59 : memref<10000x128xf32, #tpu.memory_space<vmem_shared>>) target(%arg6 : memref<80x128xf32, #tpu.memory_space<vmem>>) offsets(%dma_start3A_56 : memref<80xi32, #tpu.memory_space<vmem>>) semaphore(%arg9 : memref<!tpu.dma_semaphore, #tpu.memory_space<semaphore_mem>>)
      %add3A_60 = arith.constant 1 : i32
      %add3A_61 = arith.addi %mul3A_32, %add3A_60 : i32
      %dma_wait3A_62 = arith.constant 0 : i32
      %dma_wait3A_63 = tpu.memref_slice %arg5[%add3A_61, %dma_wait3A_62] : memref<25x80xi32, #tpu.memory_space<vmem>> -> memref<1x80xi32, #tpu.memory_space<vmem>>
      %dma_wait3A_64 = tpu.memref_squeeze %dma_wait3A_63 : memref<1x80xi32, #tpu.memory_space<vmem>> -> memref<80xi32, #tpu.memory_space<vmem>>
      %dma_wait3A_65 = arith.constant 0 : i32
      %dma_wait3A_66 = arith.constant 0 : i32
      %dma_wait3A_67 = tpu.memref_slice %arg8[%dma_wait3A_65, %dma_wait3A_66] : memref<10000x128xf32, #tpu.memory_space<vmem_shared>> -> memref<10000x128xf32, #tpu.memory_space<vmem_shared>>
      tpu.wait_indirect_dma semaphore(%arg10 : memref<!tpu.dma_semaphore, #tpu.memory_space<semaphore_mem>>) src(%dma_wait3A_67 : memref<10000x128xf32, #tpu.memory_space<vmem_shared>>) dst(%arg7 : memref<80x128xf32, #tpu.memory_space<vmem>>)
      %add3A_68 = arith.constant 1 : i32
      %add3A_69 = arith.addi %mul3A_32, %add3A_68 : i32
      %mul3A_70 = arith.constant 25 : i32
      %mul3A_71 = arith.muli %add3A, %mul3A_70 : i32
      %add3A_72 = arith.addi %mul3A_71, %add3A_69 : i32
      %mul3A_73 = arith.constant 80 : i32
      %mul3A_74 = arith.muli %add3A_72, %mul3A_73 : i32
      "tpu.region"() ({
        %run_scoped3A = tpu.sem_alloc : memref<!tpu.dma_semaphore, #tpu.memory_space<semaphore_mem>>
        %dma_start3A_75 = arith.constant 0 : i32
        %dma_start3A_76 = tpu.memref_slice %arg4[%mul3A_74, %dma_start3A_75] : memref<64000x128xf32, #tpu.memory_space<hbm>> -> memref<80x128xf32, #tpu.memory_space<hbm>>
        %dma_start3A_77 = arith.constant 0 : i32
        %dma_start3A_78 = tpu.memref_slice %arg4[%mul3A_74, %dma_start3A_77] : memref<64000x128xf32, #tpu.memory_space<hbm>> -> memref<80x128xf32, #tpu.memory_space<hbm>>
        tpu.enqueue_dma source(%arg7 : memref<80x128xf32, #tpu.memory_space<vmem>>) target(%dma_start3A_78 : memref<80x128xf32, #tpu.memory_space<hbm>>) target_semaphore(%run_scoped3A : memref<!tpu.dma_semaphore, #tpu.memory_space<semaphore_mem>>)
        %dma_wait3A_79 = arith.constant 0 : i32
        %dma_wait3A_80 = tpu.memref_slice %arg4[%mul3A_74, %dma_wait3A_79] : memref<64000x128xf32, #tpu.memory_space<hbm>> -> memref<80x128xf32, #tpu.memory_space<hbm>>
        %dma_wait3A_81 = arith.constant 0 : i32
        %dma_wait3A_82 = tpu.memref_slice %arg4[%mul3A_74, %dma_wait3A_81] : memref<64000x128xf32, #tpu.memory_space<hbm>> -> memref<80x128xf32, #tpu.memory_space<hbm>>
        tpu.wait_dma2 semaphore(%run_scoped3A : memref<!tpu.dma_semaphore, #tpu.memory_space<semaphore_mem>>) src(%arg7 : memref<80x128xf32, #tpu.memory_space<vmem>>) dst(%dma_wait3A_82 : memref<80x128xf32, #tpu.memory_space<hbm>>)
        tpu.yield
      }) : () -> ()
    }
    %scan3A_17 = arith.constant 12 : i32
    %dma_wait3A = arith.constant 24 : i32
    %dma_wait3A_18 = arith.constant 0 : i32
    %dma_wait3A_19 = tpu.memref_slice %arg5[%dma_wait3A, %dma_wait3A_18] : memref<25x80xi32, #tpu.memory_space<vmem>> -> memref<1x80xi32, #tpu.memory_space<vmem>>
    %dma_wait3A_20 = tpu.memref_squeeze %dma_wait3A_19 : memref<1x80xi32, #tpu.memory_space<vmem>> -> memref<80xi32, #tpu.memory_space<vmem>>
    %dma_wait3A_21 = arith.constant 0 : i32
    %dma_wait3A_22 = arith.constant 0 : i32
    %dma_wait3A_23 = tpu.memref_slice %arg8[%dma_wait3A_21, %dma_wait3A_22] : memref<10000x128xf32, #tpu.memory_space<vmem_shared>> -> memref<10000x128xf32, #tpu.memory_space<vmem_shared>>
    tpu.wait_indirect_dma semaphore(%arg9 : memref<!tpu.dma_semaphore, #tpu.memory_space<semaphore_mem>>) src(%dma_wait3A_23 : memref<10000x128xf32, #tpu.memory_space<vmem_shared>>) dst(%arg6 : memref<80x128xf32, #tpu.memory_space<vmem>>)
    %mul3A_24 = arith.constant 25 : i32
    %mul3A_25 = arith.muli %add3A, %mul3A_24 : i32
    %add3A_26 = arith.constant 24 : i32
    %add3A_27 = arith.addi %mul3A_25, %add3A_26 : i32
    %mul3A_28 = arith.constant 80 : i32
    %mul3A_29 = arith.muli %add3A_27, %mul3A_28 : i32
    "tpu.region"() ({
      %run_scoped3A = tpu.sem_alloc : memref<!tpu.dma_semaphore, #tpu.memory_space<semaphore_mem>>
      %dma_start3A_30 = arith.constant 0 : i32
      %dma_start3A_31 = tpu.memref_slice %arg4[%mul3A_29, %dma_start3A_30] : memref<64000x128xf32, #tpu.memory_space<hbm>> -> memref<80x128xf32, #tpu.memory_space<hbm>>
      %dma_start3A_32 = arith.constant 0 : i32
      %dma_start3A_33 = tpu.memref_slice %arg4[%mul3A_29, %dma_start3A_32] : memref<64000x128xf32, #tpu.memory_space<hbm>> -> memref<80x128xf32, #tpu.memory_space<hbm>>
      tpu.enqueue_dma source(%arg6 : memref<80x128xf32, #tpu.memory_space<vmem>>) target(%dma_start3A_33 : memref<80x128xf32, #tpu.memory_space<hbm>>) target_semaphore(%run_scoped3A : memref<!tpu.dma_semaphore, #tpu.memory_space<semaphore_mem>>)
      %dma_wait3A_34 = arith.constant 0 : i32
      %dma_wait3A_35 = tpu.memref_slice %arg4[%mul3A_29, %dma_wait3A_34] : memref<64000x128xf32, #tpu.memory_space<hbm>> -> memref<80x128xf32, #tpu.memory_space<hbm>>
      %dma_wait3A_36 = arith.constant 0 : i32
      %dma_wait3A_37 = tpu.memref_slice %arg4[%mul3A_29, %dma_wait3A_36] : memref<64000x128xf32, #tpu.memory_space<hbm>> -> memref<80x128xf32, #tpu.memory_space<hbm>>
      tpu.wait_dma2 semaphore(%run_scoped3A : memref<!tpu.dma_semaphore, #tpu.memory_space<semaphore_mem>>) src(%arg6 : memref<80x128xf32, #tpu.memory_space<vmem>>) dst(%dma_wait3A_37 : memref<80x128xf32, #tpu.memory_space<hbm>>)
      tpu.yield
    }) : () -> ()
    return
  }
}

#map = affine_map<(d0, d1) -> (0, 0)>
#map1 = affine_map<(d0, d1) -> (0, 0, 0)>
module attributes {stable_mosaic.version = 14 : i64} {
  func.func @_scatter3_sc(%arg0: i32, %arg1: i32, %arg2: memref<64000x128xf32, #tpu.memory_space<hbm>>, %arg3: memref<64000x128xf32, #tpu.memory_space<hbm>>, %arg4: memref<64000x128xf32, #tpu.memory_space<hbm>>, %arg5: memref<32x25x80xi32, #tpu.memory_space<hbm>>, %arg6: memref<32x25x80xi32, #tpu.memory_space<hbm>>, %arg7: memref<32x25x80xi32, #tpu.memory_space<hbm>>, %arg8: memref<10000x128xf32, #tpu.memory_space<hbm>>, %arg9: memref<20000x128xf32, #tpu.memory_space<hbm>>, %arg10: memref<25x80xi32, #tpu.memory_space<vmem>>, %arg11: memref<80x128xf32, #tpu.memory_space<vmem>>, %arg12: memref<80x128xf32, #tpu.memory_space<vmem>>, %arg13: memref<10000x128xf32, #tpu.memory_space<vmem_shared>>, %arg14: memref<!tpu.dma_semaphore, #tpu.memory_space<semaphore_mem>>, %arg15: memref<!tpu.dma_semaphore, #tpu.memory_space<semaphore_mem>>) attributes {dimension_semantics = [#tpu.dimension_semantics<core_parallel>, #tpu.dimension_semantics<subcore_parallel>], iteration_bounds = array<i64: 2, 16>, scalar_prefetch = 0 : i64, scratch_operands = 6 : i64, tpu.core_type = #tpu.core_type<sc_vector_subcore>, window_params = [{transform_indices = #map}, {transform_indices = #map}, {transform_indices = #map}, {transform_indices = #map1}, {transform_indices = #map1}, {transform_indices = #map1}, {transform_indices = #map}, {transform_indices = #map}]} {
    %mul3A = arith.constant 2 : i32
    %mul3A_0 = arith.muli %arg1, %mul3A : i32
    %add3A = arith.addi %mul3A_0, %arg0 : i32
    %lt3A = arith.constant 15 : i32
    %lt3A_1 = arith.cmpi slt, %arg1, %lt3A : i32
    %convert_element_type3A = arith.extui %lt3A_1 : i1 to i32
    %cond3A = arith.constant 0 : i32
    %cond3A_2 = arith.cmpi ne, %convert_element_type3A, %cond3A : i32
    scf.if %cond3A_2 {
      %mul3A_97 = arith.constant 632 : i32
      %mul3A_98 = arith.muli %arg1, %mul3A_97 : i32
      %add3A_99 = arith.constant 0 : i32
      %add3A_100 = arith.addi %add3A_99, %mul3A_98 : i32
      %mul3A_101 = arith.constant 632 : i32
      %mul3A_102 = arith.muli %arg1, %mul3A_101 : i32
      %add3A_103 = arith.constant 0 : i32
      %add3A_104 = arith.addi %add3A_103, %mul3A_102 : i32
      "tpu.region"() ({
        %run_scoped3A_105 = tpu.sem_alloc : memref<!tpu.dma_semaphore, #tpu.memory_space<semaphore_mem>>
        %dma_start3A_106 = arith.constant 0 : i32
        %dma_start3A_107 = tpu.memref_slice %arg13[%add3A_104, %dma_start3A_106] : memref<10000x128xf32, #tpu.memory_space<vmem_shared>> -> memref<632x128xf32, #tpu.memory_space<vmem_shared>>
        %dma_start3A_108 = arith.constant 0 : i32
        %dma_start3A_109 = tpu.memref_slice %arg8[%add3A_100, %dma_start3A_108] : memref<10000x128xf32, #tpu.memory_space<hbm>> -> memref<632x128xf32, #tpu.memory_space<hbm>>
        tpu.enqueue_dma source(%dma_start3A_109 : memref<632x128xf32, #tpu.memory_space<hbm>>) target(%dma_start3A_107 : memref<632x128xf32, #tpu.memory_space<vmem_shared>>) target_semaphore(%run_scoped3A_105 : memref<!tpu.dma_semaphore, #tpu.memory_space<semaphore_mem>>)
        %dma_wait3A_110 = arith.constant 0 : i32
        %dma_wait3A_111 = tpu.memref_slice %arg13[%add3A_104, %dma_wait3A_110] : memref<10000x128xf32, #tpu.memory_space<vmem_shared>> -> memref<632x128xf32, #tpu.memory_space<vmem_shared>>
        %dma_wait3A_112 = arith.constant 0 : i32
        %dma_wait3A_113 = tpu.memref_slice %arg8[%add3A_100, %dma_wait3A_112] : memref<10000x128xf32, #tpu.memory_space<hbm>> -> memref<632x128xf32, #tpu.memory_space<hbm>>
        tpu.wait_dma2 semaphore(%run_scoped3A_105 : memref<!tpu.dma_semaphore, #tpu.memory_space<semaphore_mem>>) src(%dma_wait3A_113 : memref<632x128xf32, #tpu.memory_space<hbm>>) dst(%dma_wait3A_111 : memref<632x128xf32, #tpu.memory_space<vmem_shared>>)
        tpu.yield
      }) : () -> ()
    } else {
    }
    %eq3A = arith.constant 15 : i32
    %eq3A_3 = arith.cmpi eq, %arg1, %eq3A : i32
    %convert_element_type3A_4 = arith.extui %eq3A_3 : i1 to i32
    %cond3A_5 = arith.constant 0 : i32
    %cond3A_6 = arith.cmpi ne, %convert_element_type3A_4, %cond3A_5 : i32
    scf.if %cond3A_6 {
      "tpu.region"() ({
        %run_scoped3A_97 = tpu.sem_alloc : memref<!tpu.dma_semaphore, #tpu.memory_space<semaphore_mem>>
        %dma_start3A_98 = arith.constant 9480 : i32
        %dma_start3A_99 = arith.constant 0 : i32
        %dma_start3A_100 = tpu.memref_slice %arg13[%dma_start3A_98, %dma_start3A_99] : memref<10000x128xf32, #tpu.memory_space<vmem_shared>> -> memref<520x128xf32, #tpu.memory_space<vmem_shared>>
        %dma_start3A_101 = arith.constant 9480 : i32
        %dma_start3A_102 = arith.constant 0 : i32
        %dma_start3A_103 = tpu.memref_slice %arg8[%dma_start3A_101, %dma_start3A_102] : memref<10000x128xf32, #tpu.memory_space<hbm>> -> memref<520x128xf32, #tpu.memory_space<hbm>>
        tpu.enqueue_dma source(%dma_start3A_103 : memref<520x128xf32, #tpu.memory_space<hbm>>) target(%dma_start3A_100 : memref<520x128xf32, #tpu.memory_space<vmem_shared>>) target_semaphore(%run_scoped3A_97 : memref<!tpu.dma_semaphore, #tpu.memory_space<semaphore_mem>>)
        %dma_wait3A_104 = arith.constant 9480 : i32
        %dma_wait3A_105 = arith.constant 0 : i32
        %dma_wait3A_106 = tpu.memref_slice %arg13[%dma_wait3A_104, %dma_wait3A_105] : memref<10000x128xf32, #tpu.memory_space<vmem_shared>> -> memref<520x128xf32, #tpu.memory_space<vmem_shared>>
        %dma_wait3A_107 = arith.constant 9480 : i32
        %dma_wait3A_108 = arith.constant 0 : i32
        %dma_wait3A_109 = tpu.memref_slice %arg8[%dma_wait3A_107, %dma_wait3A_108] : memref<10000x128xf32, #tpu.memory_space<hbm>> -> memref<520x128xf32, #tpu.memory_space<hbm>>
        tpu.wait_dma2 semaphore(%run_scoped3A_97 : memref<!tpu.dma_semaphore, #tpu.memory_space<semaphore_mem>>) src(%dma_wait3A_109 : memref<520x128xf32, #tpu.memory_space<hbm>>) dst(%dma_wait3A_106 : memref<520x128xf32, #tpu.memory_space<vmem_shared>>)
        tpu.yield
      }) : () -> ()
    } else {
    }
    %barrier3A = arith.constant 0 : index
    tpu.barrier barrier_id(%barrier3A)
    "tpu.region"() ({
      %run_scoped3A_97 = tpu.sem_alloc : memref<!tpu.dma_semaphore, #tpu.memory_space<semaphore_mem>>
      %dma_start3A_98 = arith.constant 0 : i32
      %dma_start3A_99 = arith.constant 0 : i32
      %dma_start3A_100 = tpu.memref_slice %arg5[%add3A, %dma_start3A_98, %dma_start3A_99] : memref<32x25x80xi32, #tpu.memory_space<hbm>> -> memref<1x25x80xi32, #tpu.memory_space<hbm>>
      %dma_start3A_101 = tpu.memref_squeeze %dma_start3A_100 : memref<1x25x80xi32, #tpu.memory_space<hbm>> -> memref<25x80xi32, #tpu.memory_space<hbm>>
      %dma_start3A_102 = arith.constant 0 : i32
      %dma_start3A_103 = arith.constant 0 : i32
      %dma_start3A_104 = tpu.memref_slice %arg5[%add3A, %dma_start3A_102, %dma_start3A_103] : memref<32x25x80xi32, #tpu.memory_space<hbm>> -> memref<1x25x80xi32, #tpu.memory_space<hbm>>
      %dma_start3A_105 = tpu.memref_squeeze %dma_start3A_104 : memref<1x25x80xi32, #tpu.memory_space<hbm>> -> memref<25x80xi32, #tpu.memory_space<hbm>>
      tpu.enqueue_dma source(%dma_start3A_105 : memref<25x80xi32, #tpu.memory_space<hbm>>) target(%arg10 : memref<25x80xi32, #tpu.memory_space<vmem>>) target_semaphore(%run_scoped3A_97 : memref<!tpu.dma_semaphore, #tpu.memory_space<semaphore_mem>>)
      %dma_wait3A_106 = arith.constant 0 : i32
      %dma_wait3A_107 = arith.constant 0 : i32
      %dma_wait3A_108 = tpu.memref_slice %arg5[%add3A, %dma_wait3A_106, %dma_wait3A_107] : memref<32x25x80xi32, #tpu.memory_space<hbm>> -> memref<1x25x80xi32, #tpu.memory_space<hbm>>
      %dma_wait3A_109 = tpu.memref_squeeze %dma_wait3A_108 : memref<1x25x80xi32, #tpu.memory_space<hbm>> -> memref<25x80xi32, #tpu.memory_space<hbm>>
      %dma_wait3A_110 = arith.constant 0 : i32
      %dma_wait3A_111 = arith.constant 0 : i32
      %dma_wait3A_112 = tpu.memref_slice %arg5[%add3A, %dma_wait3A_110, %dma_wait3A_111] : memref<32x25x80xi32, #tpu.memory_space<hbm>> -> memref<1x25x80xi32, #tpu.memory_space<hbm>>
      %dma_wait3A_113 = tpu.memref_squeeze %dma_wait3A_112 : memref<1x25x80xi32, #tpu.memory_space<hbm>> -> memref<25x80xi32, #tpu.memory_space<hbm>>
      tpu.wait_dma2 semaphore(%run_scoped3A_97 : memref<!tpu.dma_semaphore, #tpu.memory_space<semaphore_mem>>) src(%dma_wait3A_113 : memref<25x80xi32, #tpu.memory_space<hbm>>) dst(%arg10 : memref<25x80xi32, #tpu.memory_space<vmem>>)
      tpu.yield
    }) : () -> ()
    %mul3A_7 = arith.constant 25 : i32
    %mul3A_8 = arith.muli %add3A, %mul3A_7 : i32
    %add3A_9 = arith.constant 0 : i32
    %add3A_10 = arith.addi %mul3A_8, %add3A_9 : i32
    %mul3A_11 = arith.constant 80 : i32
    %mul3A_12 = arith.muli %add3A_10, %mul3A_11 : i32
    %dma_start3A = arith.constant 0 : i32
    %dma_start3A_13 = tpu.memref_slice %arg2[%mul3A_12, %dma_start3A] : memref<64000x128xf32, #tpu.memory_space<hbm>> -> memref<80x128xf32, #tpu.memory_space<hbm>>
    %dma_start3A_14 = arith.constant 0 : i32
    %dma_start3A_15 = tpu.memref_slice %arg2[%mul3A_12, %dma_start3A_14] : memref<64000x128xf32, #tpu.memory_space<hbm>> -> memref<80x128xf32, #tpu.memory_space<hbm>>
    tpu.enqueue_dma source(%dma_start3A_15 : memref<80x128xf32, #tpu.memory_space<hbm>>) target(%arg11 : memref<80x128xf32, #tpu.memory_space<vmem>>) target_semaphore(%arg14 : memref<!tpu.dma_semaphore, #tpu.memory_space<semaphore_mem>>)
    %scan3A = arith.constant 0 : i32
    %scan3A_16 = arith.constant 0 : i32
    %scan3A_17 = arith.constant 12 : i32
    %scan3A_18 = arith.addi %scan3A_16, %scan3A_17 : i32
    %scan3A_19 = arith.constant 1 : i32
    scf.for %scan3A_97 = %scan3A_16 to %scan3A_18 step %scan3A_19  : i32 {
      %mul3A_98 = arith.constant 2 : i32
      %mul3A_99 = arith.muli %scan3A_97, %mul3A_98 : i32
      %add3A_100 = arith.constant 1 : i32
      %add3A_101 = arith.addi %mul3A_99, %add3A_100 : i32
      %mul3A_102 = arith.constant 25 : i32
      %mul3A_103 = arith.muli %add3A, %mul3A_102 : i32
      %add3A_104 = arith.addi %mul3A_103, %add3A_101 : i32
      %mul3A_105 = arith.constant 80 : i32
      %mul3A_106 = arith.muli %add3A_104, %mul3A_105 : i32
      %dma_start3A_107 = arith.constant 0 : i32
      %dma_start3A_108 = tpu.memref_slice %arg2[%mul3A_106, %dma_start3A_107] : memref<64000x128xf32, #tpu.memory_space<hbm>> -> memref<80x128xf32, #tpu.memory_space<hbm>>
      %dma_start3A_109 = arith.constant 0 : i32
      %dma_start3A_110 = tpu.memref_slice %arg2[%mul3A_106, %dma_start3A_109] : memref<64000x128xf32, #tpu.memory_space<hbm>> -> memref<80x128xf32, #tpu.memory_space<hbm>>
      tpu.enqueue_dma source(%dma_start3A_110 : memref<80x128xf32, #tpu.memory_space<hbm>>) target(%arg12 : memref<80x128xf32, #tpu.memory_space<vmem>>) target_semaphore(%arg15 : memref<!tpu.dma_semaphore, #tpu.memory_space<semaphore_mem>>)
      %mul3A_111 = arith.constant 25 : i32
      %mul3A_112 = arith.muli %add3A, %mul3A_111 : i32
      %add3A_113 = arith.addi %mul3A_112, %mul3A_99 : i32
      %mul3A_114 = arith.constant 80 : i32
      %mul3A_115 = arith.muli %add3A_113, %mul3A_114 : i32
      %dma_wait3A_116 = arith.constant 0 : i32
      %dma_wait3A_117 = tpu.memref_slice %arg2[%mul3A_115, %dma_wait3A_116] : memref<64000x128xf32, #tpu.memory_space<hbm>> -> memref<80x128xf32, #tpu.memory_space<hbm>>
      %dma_wait3A_118 = arith.constant 0 : i32
      %dma_wait3A_119 = tpu.memref_slice %arg2[%mul3A_115, %dma_wait3A_118] : memref<64000x128xf32, #tpu.memory_space<hbm>> -> memref<80x128xf32, #tpu.memory_space<hbm>>
      tpu.wait_dma2 semaphore(%arg14 : memref<!tpu.dma_semaphore, #tpu.memory_space<semaphore_mem>>) src(%dma_wait3A_119 : memref<80x128xf32, #tpu.memory_space<hbm>>) dst(%arg11 : memref<80x128xf32, #tpu.memory_space<vmem>>)
      "tpu.region"() ({
        %run_scoped3A_144 = tpu.sem_alloc : memref<!tpu.dma_semaphore, #tpu.memory_space<semaphore_mem>>
        %dma_start3A_145 = arith.constant 0 : i32
        %dma_start3A_146 = tpu.memref_slice %arg10[%mul3A_99, %dma_start3A_145] : memref<25x80xi32, #tpu.memory_space<vmem>> -> memref<1x80xi32, #tpu.memory_space<vmem>>
        %dma_start3A_147 = tpu.memref_squeeze %dma_start3A_146 : memref<1x80xi32, #tpu.memory_space<vmem>> -> memref<80xi32, #tpu.memory_space<vmem>>
        %dma_start3A_148 = arith.constant 0 : i32
        %dma_start3A_149 = arith.constant 0 : i32
        %dma_start3A_150 = tpu.memref_slice %arg13[%dma_start3A_148, %dma_start3A_149] : memref<10000x128xf32, #tpu.memory_space<vmem_shared>> -> memref<10000x128xf32, #tpu.memory_space<vmem_shared>>
        tpu.enqueue_indirect_dma source(%arg11 : memref<80x128xf32, #tpu.memory_space<vmem>>) target(%dma_start3A_150 : memref<10000x128xf32, #tpu.memory_space<vmem_shared>>) offsets(%dma_start3A_147 : memref<80xi32, #tpu.memory_space<vmem>>) semaphore(%run_scoped3A_144 : memref<!tpu.dma_semaphore, #tpu.memory_space<semaphore_mem>>) {add = true}
        %dma_wait3A_151 = arith.constant 0 : i32
        %dma_wait3A_152 = tpu.memref_slice %arg10[%mul3A_99, %dma_wait3A_151] : memref<25x80xi32, #tpu.memory_space<vmem>> -> memref<1x80xi32, #tpu.memory_space<vmem>>
        %dma_wait3A_153 = tpu.memref_squeeze %dma_wait3A_152 : memref<1x80xi32, #tpu.memory_space<vmem>> -> memref<80xi32, #tpu.memory_space<vmem>>
        %dma_wait3A_154 = arith.constant 0 : i32
        %dma_wait3A_155 = arith.constant 0 : i32
        %dma_wait3A_156 = tpu.memref_slice %arg13[%dma_wait3A_154, %dma_wait3A_155] : memref<10000x128xf32, #tpu.memory_space<vmem_shared>> -> memref<10000x128xf32, #tpu.memory_space<vmem_shared>>
        tpu.wait_indirect_dma semaphore(%run_scoped3A_144 : memref<!tpu.dma_semaphore, #tpu.memory_space<semaphore_mem>>) src(%arg11 : memref<80x128xf32, #tpu.memory_space<vmem>>) dst(%dma_wait3A_156 : memref<10000x128xf32, #tpu.memory_space<vmem_shared>>)
        tpu.yield
      }) : () -> ()
      %add3A_120 = arith.constant 2 : i32
      %add3A_121 = arith.addi %mul3A_99, %add3A_120 : i32
      %mul3A_122 = arith.constant 25 : i32
      %mul3A_123 = arith.muli %add3A, %mul3A_122 : i32
      %add3A_124 = arith.addi %mul3A_123, %add3A_121 : i32
      %mul3A_125 = arith.constant 80 : i32
      %mul3A_126 = arith.muli %add3A_124, %mul3A_125 : i32
      %dma_start3A_127 = arith.constant 0 : i32
      %dma_start3A_128 = tpu.memref_slice %arg2[%mul3A_126, %dma_start3A_127] : memref<64000x128xf32, #tpu.memory_space<hbm>> -> memref<80x128xf32, #tpu.memory_space<hbm>>
      %dma_start3A_129 = arith.constant 0 : i32
      %dma_start3A_130 = tpu.memref_slice %arg2[%mul3A_126, %dma_start3A_129] : memref<64000x128xf32, #tpu.memory_space<hbm>> -> memref<80x128xf32, #tpu.memory_space<hbm>>
      tpu.enqueue_dma source(%dma_start3A_130 : memref<80x128xf32, #tpu.memory_space<hbm>>) target(%arg11 : memref<80x128xf32, #tpu.memory_space<vmem>>) target_semaphore(%arg14 : memref<!tpu.dma_semaphore, #tpu.memory_space<semaphore_mem>>)
      %add3A_131 = arith.constant 1 : i32
      %add3A_132 = arith.addi %mul3A_99, %add3A_131 : i32
      %mul3A_133 = arith.constant 25 : i32
      %mul3A_134 = arith.muli %add3A, %mul3A_133 : i32
      %add3A_135 = arith.addi %mul3A_134, %add3A_132 : i32
      %mul3A_136 = arith.constant 80 : i32
      %mul3A_137 = arith.muli %add3A_135, %mul3A_136 : i32
      %dma_wait3A_138 = arith.constant 0 : i32
      %dma_wait3A_139 = tpu.memref_slice %arg2[%mul3A_137, %dma_wait3A_138] : memref<64000x128xf32, #tpu.memory_space<hbm>> -> memref<80x128xf32, #tpu.memory_space<hbm>>
      %dma_wait3A_140 = arith.constant 0 : i32
      %dma_wait3A_141 = tpu.memref_slice %arg2[%mul3A_137, %dma_wait3A_140] : memref<64000x128xf32, #tpu.memory_space<hbm>> -> memref<80x128xf32, #tpu.memory_space<hbm>>
      tpu.wait_dma2 semaphore(%arg15 : memref<!tpu.dma_semaphore, #tpu.memory_space<semaphore_mem>>) src(%dma_wait3A_141 : memref<80x128xf32, #tpu.memory_space<hbm>>) dst(%arg12 : memref<80x128xf32, #tpu.memory_space<vmem>>)
      %add3A_142 = arith.constant 1 : i32
      %add3A_143 = arith.addi %mul3A_99, %add3A_142 : i32
      "tpu.region"() ({
        %run_scoped3A_144 = tpu.sem_alloc : memref<!tpu.dma_semaphore, #tpu.memory_space<semaphore_mem>>
        %dma_start3A_145 = arith.constant 0 : i32
        %dma_start3A_146 = tpu.memref_slice %arg10[%add3A_143, %dma_start3A_145] : memref<25x80xi32, #tpu.memory_space<vmem>> -> memref<1x80xi32, #tpu.memory_space<vmem>>
        %dma_start3A_147 = tpu.memref_squeeze %dma_start3A_146 : memref<1x80xi32, #tpu.memory_space<vmem>> -> memref<80xi32, #tpu.memory_space<vmem>>
        %dma_start3A_148 = arith.constant 0 : i32
        %dma_start3A_149 = arith.constant 0 : i32
        %dma_start3A_150 = tpu.memref_slice %arg13[%dma_start3A_148, %dma_start3A_149] : memref<10000x128xf32, #tpu.memory_space<vmem_shared>> -> memref<10000x128xf32, #tpu.memory_space<vmem_shared>>
        tpu.enqueue_indirect_dma source(%arg12 : memref<80x128xf32, #tpu.memory_space<vmem>>) target(%dma_start3A_150 : memref<10000x128xf32, #tpu.memory_space<vmem_shared>>) offsets(%dma_start3A_147 : memref<80xi32, #tpu.memory_space<vmem>>) semaphore(%run_scoped3A_144 : memref<!tpu.dma_semaphore, #tpu.memory_space<semaphore_mem>>) {add = true}
        %dma_wait3A_151 = arith.constant 0 : i32
        %dma_wait3A_152 = tpu.memref_slice %arg10[%add3A_143, %dma_wait3A_151] : memref<25x80xi32, #tpu.memory_space<vmem>> -> memref<1x80xi32, #tpu.memory_space<vmem>>
        %dma_wait3A_153 = tpu.memref_squeeze %dma_wait3A_152 : memref<1x80xi32, #tpu.memory_space<vmem>> -> memref<80xi32, #tpu.memory_space<vmem>>
        %dma_wait3A_154 = arith.constant 0 : i32
        %dma_wait3A_155 = arith.constant 0 : i32
        %dma_wait3A_156 = tpu.memref_slice %arg13[%dma_wait3A_154, %dma_wait3A_155] : memref<10000x128xf32, #tpu.memory_space<vmem_shared>> -> memref<10000x128xf32, #tpu.memory_space<vmem_shared>>
        tpu.wait_indirect_dma semaphore(%run_scoped3A_144 : memref<!tpu.dma_semaphore, #tpu.memory_space<semaphore_mem>>) src(%arg12 : memref<80x128xf32, #tpu.memory_space<vmem>>) dst(%dma_wait3A_156 : memref<10000x128xf32, #tpu.memory_space<vmem_shared>>)
        tpu.yield
      }) : () -> ()
    }
    %scan3A_20 = arith.constant 12 : i32
    %mul3A_21 = arith.constant 25 : i32
    %mul3A_22 = arith.muli %add3A, %mul3A_21 : i32
    %add3A_23 = arith.constant 24 : i32
    %add3A_24 = arith.addi %mul3A_22, %add3A_23 : i32
    %mul3A_25 = arith.constant 80 : i32
    %mul3A_26 = arith.muli %add3A_24, %mul3A_25 : i32
    %dma_wait3A = arith.constant 0 : i32
    %dma_wait3A_27 = tpu.memref_slice %arg2[%mul3A_26, %dma_wait3A] : memref<64000x128xf32, #tpu.memory_space<hbm>> -> memref<80x128xf32, #tpu.memory_space<hbm>>
    %dma_wait3A_28 = arith.constant 0 : i32
    %dma_wait3A_29 = tpu.memref_slice %arg2[%mul3A_26, %dma_wait3A_28] : memref<64000x128xf32, #tpu.memory_space<hbm>> -> memref<80x128xf32, #tpu.memory_space<hbm>>
    tpu.wait_dma2 semaphore(%arg14 : memref<!tpu.dma_semaphore, #tpu.memory_space<semaphore_mem>>) src(%dma_wait3A_29 : memref<80x128xf32, #tpu.memory_space<hbm>>) dst(%arg11 : memref<80x128xf32, #tpu.memory_space<vmem>>)
    %run_scoped3A = arith.constant 24 : i32
    "tpu.region"() ({
      %run_scoped3A_97 = tpu.sem_alloc : memref<!tpu.dma_semaphore, #tpu.memory_space<semaphore_mem>>
      %dma_start3A_98 = arith.constant 0 : i32
      %dma_start3A_99 = tpu.memref_slice %arg10[%run_scoped3A, %dma_start3A_98] : memref<25x80xi32, #tpu.memory_space<vmem>> -> memref<1x80xi32, #tpu.memory_space<vmem>>
      %dma_start3A_100 = tpu.memref_squeeze %dma_start3A_99 : memref<1x80xi32, #tpu.memory_space<vmem>> -> memref<80xi32, #tpu.memory_space<vmem>>
      %dma_start3A_101 = arith.constant 0 : i32
      %dma_start3A_102 = arith.constant 0 : i32
      %dma_start3A_103 = tpu.memref_slice %arg13[%dma_start3A_101, %dma_start3A_102] : memref<10000x128xf32, #tpu.memory_space<vmem_shared>> -> memref<10000x128xf32, #tpu.memory_space<vmem_shared>>
      tpu.enqueue_indirect_dma source(%arg11 : memref<80x128xf32, #tpu.memory_space<vmem>>) target(%dma_start3A_103 : memref<10000x128xf32, #tpu.memory_space<vmem_shared>>) offsets(%dma_start3A_100 : memref<80xi32, #tpu.memory_space<vmem>>) semaphore(%run_scoped3A_97 : memref<!tpu.dma_semaphore, #tpu.memory_space<semaphore_mem>>) {add = true}
      %dma_wait3A_104 = arith.constant 0 : i32
      %dma_wait3A_105 = tpu.memref_slice %arg10[%run_scoped3A, %dma_wait3A_104] : memref<25x80xi32, #tpu.memory_space<vmem>> -> memref<1x80xi32, #tpu.memory_space<vmem>>
      %dma_wait3A_106 = tpu.memref_squeeze %dma_wait3A_105 : memref<1x80xi32, #tpu.memory_space<vmem>> -> memref<80xi32, #tpu.memory_space<vmem>>
      %dma_wait3A_107 = arith.constant 0 : i32
      %dma_wait3A_108 = arith.constant 0 : i32
      %dma_wait3A_109 = tpu.memref_slice %arg13[%dma_wait3A_107, %dma_wait3A_108] : memref<10000x128xf32, #tpu.memory_space<vmem_shared>> -> memref<10000x128xf32, #tpu.memory_space<vmem_shared>>
      tpu.wait_indirect_dma semaphore(%run_scoped3A_97 : memref<!tpu.dma_semaphore, #tpu.memory_space<semaphore_mem>>) src(%arg11 : memref<80x128xf32, #tpu.memory_space<vmem>>) dst(%dma_wait3A_109 : memref<10000x128xf32, #tpu.memory_space<vmem_shared>>)
      tpu.yield
    }) : () -> ()
    "tpu.region"() ({
      %run_scoped3A_97 = tpu.sem_alloc : memref<!tpu.dma_semaphore, #tpu.memory_space<semaphore_mem>>
      %dma_start3A_98 = arith.constant 0 : i32
      %dma_start3A_99 = arith.constant 0 : i32
      %dma_start3A_100 = tpu.memref_slice %arg6[%add3A, %dma_start3A_98, %dma_start3A_99] : memref<32x25x80xi32, #tpu.memory_space<hbm>> -> memref<1x25x80xi32, #tpu.memory_space<hbm>>
      %dma_start3A_101 = tpu.memref_squeeze %dma_start3A_100 : memref<1x25x80xi32, #tpu.memory_space<hbm>> -> memref<25x80xi32, #tpu.memory_space<hbm>>
      %dma_start3A_102 = arith.constant 0 : i32
      %dma_start3A_103 = arith.constant 0 : i32
      %dma_start3A_104 = tpu.memref_slice %arg6[%add3A, %dma_start3A_102, %dma_start3A_103] : memref<32x25x80xi32, #tpu.memory_space<hbm>> -> memref<1x25x80xi32, #tpu.memory_space<hbm>>
      %dma_start3A_105 = tpu.memref_squeeze %dma_start3A_104 : memref<1x25x80xi32, #tpu.memory_space<hbm>> -> memref<25x80xi32, #tpu.memory_space<hbm>>
      tpu.enqueue_dma source(%dma_start3A_105 : memref<25x80xi32, #tpu.memory_space<hbm>>) target(%arg10 : memref<25x80xi32, #tpu.memory_space<vmem>>) target_semaphore(%run_scoped3A_97 : memref<!tpu.dma_semaphore, #tpu.memory_space<semaphore_mem>>)
      %dma_wait3A_106 = arith.constant 0 : i32
      %dma_wait3A_107 = arith.constant 0 : i32
      %dma_wait3A_108 = tpu.memref_slice %arg6[%add3A, %dma_wait3A_106, %dma_wait3A_107] : memref<32x25x80xi32, #tpu.memory_space<hbm>> -> memref<1x25x80xi32, #tpu.memory_space<hbm>>
      %dma_wait3A_109 = tpu.memref_squeeze %dma_wait3A_108 : memref<1x25x80xi32, #tpu.memory_space<hbm>> -> memref<25x80xi32, #tpu.memory_space<hbm>>
      %dma_wait3A_110 = arith.constant 0 : i32
      %dma_wait3A_111 = arith.constant 0 : i32
      %dma_wait3A_112 = tpu.memref_slice %arg6[%add3A, %dma_wait3A_110, %dma_wait3A_111] : memref<32x25x80xi32, #tpu.memory_space<hbm>> -> memref<1x25x80xi32, #tpu.memory_space<hbm>>
      %dma_wait3A_113 = tpu.memref_squeeze %dma_wait3A_112 : memref<1x25x80xi32, #tpu.memory_space<hbm>> -> memref<25x80xi32, #tpu.memory_space<hbm>>
      tpu.wait_dma2 semaphore(%run_scoped3A_97 : memref<!tpu.dma_semaphore, #tpu.memory_space<semaphore_mem>>) src(%dma_wait3A_113 : memref<25x80xi32, #tpu.memory_space<hbm>>) dst(%arg10 : memref<25x80xi32, #tpu.memory_space<vmem>>)
      tpu.yield
    }) : () -> ()
    %mul3A_30 = arith.constant 25 : i32
    %mul3A_31 = arith.muli %add3A, %mul3A_30 : i32
    %add3A_32 = arith.constant 0 : i32
    %add3A_33 = arith.addi %mul3A_31, %add3A_32 : i32
    %mul3A_34 = arith.constant 80 : i32
    %mul3A_35 = arith.muli %add3A_33, %mul3A_34 : i32
    %dma_start3A_36 = arith.constant 0 : i32
    %dma_start3A_37 = tpu.memref_slice %arg3[%mul3A_35, %dma_start3A_36] : memref<64000x128xf32, #tpu.memory_space<hbm>> -> memref<80x128xf32, #tpu.memory_space<hbm>>
    %dma_start3A_38 = arith.constant 0 : i32
    %dma_start3A_39 = tpu.memref_slice %arg3[%mul3A_35, %dma_start3A_38] : memref<64000x128xf32, #tpu.memory_space<hbm>> -> memref<80x128xf32, #tpu.memory_space<hbm>>
    tpu.enqueue_dma source(%dma_start3A_39 : memref<80x128xf32, #tpu.memory_space<hbm>>) target(%arg11 : memref<80x128xf32, #tpu.memory_space<vmem>>) target_semaphore(%arg14 : memref<!tpu.dma_semaphore, #tpu.memory_space<semaphore_mem>>)
    %scan3A_40 = arith.constant 0 : i32
    %scan3A_41 = arith.constant 0 : i32
    %scan3A_42 = arith.constant 12 : i32
    %scan3A_43 = arith.addi %scan3A_41, %scan3A_42 : i32
    %scan3A_44 = arith.constant 1 : i32
    scf.for %scan3A_97 = %scan3A_41 to %scan3A_43 step %scan3A_44  : i32 {
      %mul3A_98 = arith.constant 2 : i32
      %mul3A_99 = arith.muli %scan3A_97, %mul3A_98 : i32
      %add3A_100 = arith.constant 1 : i32
      %add3A_101 = arith.addi %mul3A_99, %add3A_100 : i32
      %mul3A_102 = arith.constant 25 : i32
      %mul3A_103 = arith.muli %add3A, %mul3A_102 : i32
      %add3A_104 = arith.addi %mul3A_103, %add3A_101 : i32
      %mul3A_105 = arith.constant 80 : i32
      %mul3A_106 = arith.muli %add3A_104, %mul3A_105 : i32
      %dma_start3A_107 = arith.constant 0 : i32
      %dma_start3A_108 = tpu.memref_slice %arg3[%mul3A_106, %dma_start3A_107] : memref<64000x128xf32, #tpu.memory_space<hbm>> -> memref<80x128xf32, #tpu.memory_space<hbm>>
      %dma_start3A_109 = arith.constant 0 : i32
      %dma_start3A_110 = tpu.memref_slice %arg3[%mul3A_106, %dma_start3A_109] : memref<64000x128xf32, #tpu.memory_space<hbm>> -> memref<80x128xf32, #tpu.memory_space<hbm>>
      tpu.enqueue_dma source(%dma_start3A_110 : memref<80x128xf32, #tpu.memory_space<hbm>>) target(%arg12 : memref<80x128xf32, #tpu.memory_space<vmem>>) target_semaphore(%arg15 : memref<!tpu.dma_semaphore, #tpu.memory_space<semaphore_mem>>)
      %mul3A_111 = arith.constant 25 : i32
      %mul3A_112 = arith.muli %add3A, %mul3A_111 : i32
      %add3A_113 = arith.addi %mul3A_112, %mul3A_99 : i32
      %mul3A_114 = arith.constant 80 : i32
      %mul3A_115 = arith.muli %add3A_113, %mul3A_114 : i32
      %dma_wait3A_116 = arith.constant 0 : i32
      %dma_wait3A_117 = tpu.memref_slice %arg3[%mul3A_115, %dma_wait3A_116] : memref<64000x128xf32, #tpu.memory_space<hbm>> -> memref<80x128xf32, #tpu.memory_space<hbm>>
      %dma_wait3A_118 = arith.constant 0 : i32
      %dma_wait3A_119 = tpu.memref_slice %arg3[%mul3A_115, %dma_wait3A_118] : memref<64000x128xf32, #tpu.memory_space<hbm>> -> memref<80x128xf32, #tpu.memory_space<hbm>>
      tpu.wait_dma2 semaphore(%arg14 : memref<!tpu.dma_semaphore, #tpu.memory_space<semaphore_mem>>) src(%dma_wait3A_119 : memref<80x128xf32, #tpu.memory_space<hbm>>) dst(%arg11 : memref<80x128xf32, #tpu.memory_space<vmem>>)
      "tpu.region"() ({
        %run_scoped3A_144 = tpu.sem_alloc : memref<!tpu.dma_semaphore, #tpu.memory_space<semaphore_mem>>
        %dma_start3A_145 = arith.constant 0 : i32
        %dma_start3A_146 = tpu.memref_slice %arg10[%mul3A_99, %dma_start3A_145] : memref<25x80xi32, #tpu.memory_space<vmem>> -> memref<1x80xi32, #tpu.memory_space<vmem>>
        %dma_start3A_147 = tpu.memref_squeeze %dma_start3A_146 : memref<1x80xi32, #tpu.memory_space<vmem>> -> memref<80xi32, #tpu.memory_space<vmem>>
        %dma_start3A_148 = arith.constant 0 : i32
        %dma_start3A_149 = arith.constant 0 : i32
        %dma_start3A_150 = tpu.memref_slice %arg13[%dma_start3A_148, %dma_start3A_149] : memref<10000x128xf32, #tpu.memory_space<vmem_shared>> -> memref<10000x128xf32, #tpu.memory_space<vmem_shared>>
        tpu.enqueue_indirect_dma source(%arg11 : memref<80x128xf32, #tpu.memory_space<vmem>>) target(%dma_start3A_150 : memref<10000x128xf32, #tpu.memory_space<vmem_shared>>) offsets(%dma_start3A_147 : memref<80xi32, #tpu.memory_space<vmem>>) semaphore(%run_scoped3A_144 : memref<!tpu.dma_semaphore, #tpu.memory_space<semaphore_mem>>) {add = true}
        %dma_wait3A_151 = arith.constant 0 : i32
        %dma_wait3A_152 = tpu.memref_slice %arg10[%mul3A_99, %dma_wait3A_151] : memref<25x80xi32, #tpu.memory_space<vmem>> -> memref<1x80xi32, #tpu.memory_space<vmem>>
        %dma_wait3A_153 = tpu.memref_squeeze %dma_wait3A_152 : memref<1x80xi32, #tpu.memory_space<vmem>> -> memref<80xi32, #tpu.memory_space<vmem>>
        %dma_wait3A_154 = arith.constant 0 : i32
        %dma_wait3A_155 = arith.constant 0 : i32
        %dma_wait3A_156 = tpu.memref_slice %arg13[%dma_wait3A_154, %dma_wait3A_155] : memref<10000x128xf32, #tpu.memory_space<vmem_shared>> -> memref<10000x128xf32, #tpu.memory_space<vmem_shared>>
        tpu.wait_indirect_dma semaphore(%run_scoped3A_144 : memref<!tpu.dma_semaphore, #tpu.memory_space<semaphore_mem>>) src(%arg11 : memref<80x128xf32, #tpu.memory_space<vmem>>) dst(%dma_wait3A_156 : memref<10000x128xf32, #tpu.memory_space<vmem_shared>>)
        tpu.yield
      }) : () -> ()
      %add3A_120 = arith.constant 2 : i32
      %add3A_121 = arith.addi %mul3A_99, %add3A_120 : i32
      %mul3A_122 = arith.constant 25 : i32
      %mul3A_123 = arith.muli %add3A, %mul3A_122 : i32
      %add3A_124 = arith.addi %mul3A_123, %add3A_121 : i32
      %mul3A_125 = arith.constant 80 : i32
      %mul3A_126 = arith.muli %add3A_124, %mul3A_125 : i32
      %dma_start3A_127 = arith.constant 0 : i32
      %dma_start3A_128 = tpu.memref_slice %arg3[%mul3A_126, %dma_start3A_127] : memref<64000x128xf32, #tpu.memory_space<hbm>> -> memref<80x128xf32, #tpu.memory_space<hbm>>
      %dma_start3A_129 = arith.constant 0 : i32
      %dma_start3A_130 = tpu.memref_slice %arg3[%mul3A_126, %dma_start3A_129] : memref<64000x128xf32, #tpu.memory_space<hbm>> -> memref<80x128xf32, #tpu.memory_space<hbm>>
      tpu.enqueue_dma source(%dma_start3A_130 : memref<80x128xf32, #tpu.memory_space<hbm>>) target(%arg11 : memref<80x128xf32, #tpu.memory_space<vmem>>) target_semaphore(%arg14 : memref<!tpu.dma_semaphore, #tpu.memory_space<semaphore_mem>>)
      %add3A_131 = arith.constant 1 : i32
      %add3A_132 = arith.addi %mul3A_99, %add3A_131 : i32
      %mul3A_133 = arith.constant 25 : i32
      %mul3A_134 = arith.muli %add3A, %mul3A_133 : i32
      %add3A_135 = arith.addi %mul3A_134, %add3A_132 : i32
      %mul3A_136 = arith.constant 80 : i32
      %mul3A_137 = arith.muli %add3A_135, %mul3A_136 : i32
      %dma_wait3A_138 = arith.constant 0 : i32
      %dma_wait3A_139 = tpu.memref_slice %arg3[%mul3A_137, %dma_wait3A_138] : memref<64000x128xf32, #tpu.memory_space<hbm>> -> memref<80x128xf32, #tpu.memory_space<hbm>>
      %dma_wait3A_140 = arith.constant 0 : i32
      %dma_wait3A_141 = tpu.memref_slice %arg3[%mul3A_137, %dma_wait3A_140] : memref<64000x128xf32, #tpu.memory_space<hbm>> -> memref<80x128xf32, #tpu.memory_space<hbm>>
      tpu.wait_dma2 semaphore(%arg15 : memref<!tpu.dma_semaphore, #tpu.memory_space<semaphore_mem>>) src(%dma_wait3A_141 : memref<80x128xf32, #tpu.memory_space<hbm>>) dst(%arg12 : memref<80x128xf32, #tpu.memory_space<vmem>>)
      %add3A_142 = arith.constant 1 : i32
      %add3A_143 = arith.addi %mul3A_99, %add3A_142 : i32
      "tpu.region"() ({
        %run_scoped3A_144 = tpu.sem_alloc : memref<!tpu.dma_semaphore, #tpu.memory_space<semaphore_mem>>
        %dma_start3A_145 = arith.constant 0 : i32
        %dma_start3A_146 = tpu.memref_slice %arg10[%add3A_143, %dma_start3A_145] : memref<25x80xi32, #tpu.memory_space<vmem>> -> memref<1x80xi32, #tpu.memory_space<vmem>>
        %dma_start3A_147 = tpu.memref_squeeze %dma_start3A_146 : memref<1x80xi32, #tpu.memory_space<vmem>> -> memref<80xi32, #tpu.memory_space<vmem>>
        %dma_start3A_148 = arith.constant 0 : i32
        %dma_start3A_149 = arith.constant 0 : i32
        %dma_start3A_150 = tpu.memref_slice %arg13[%dma_start3A_148, %dma_start3A_149] : memref<10000x128xf32, #tpu.memory_space<vmem_shared>> -> memref<10000x128xf32, #tpu.memory_space<vmem_shared>>
        tpu.enqueue_indirect_dma source(%arg12 : memref<80x128xf32, #tpu.memory_space<vmem>>) target(%dma_start3A_150 : memref<10000x128xf32, #tpu.memory_space<vmem_shared>>) offsets(%dma_start3A_147 : memref<80xi32, #tpu.memory_space<vmem>>) semaphore(%run_scoped3A_144 : memref<!tpu.dma_semaphore, #tpu.memory_space<semaphore_mem>>) {add = true}
        %dma_wait3A_151 = arith.constant 0 : i32
        %dma_wait3A_152 = tpu.memref_slice %arg10[%add3A_143, %dma_wait3A_151] : memref<25x80xi32, #tpu.memory_space<vmem>> -> memref<1x80xi32, #tpu.memory_space<vmem>>
        %dma_wait3A_153 = tpu.memref_squeeze %dma_wait3A_152 : memref<1x80xi32, #tpu.memory_space<vmem>> -> memref<80xi32, #tpu.memory_space<vmem>>
        %dma_wait3A_154 = arith.constant 0 : i32
        %dma_wait3A_155 = arith.constant 0 : i32
        %dma_wait3A_156 = tpu.memref_slice %arg13[%dma_wait3A_154, %dma_wait3A_155] : memref<10000x128xf32, #tpu.memory_space<vmem_shared>> -> memref<10000x128xf32, #tpu.memory_space<vmem_shared>>
        tpu.wait_indirect_dma semaphore(%run_scoped3A_144 : memref<!tpu.dma_semaphore, #tpu.memory_space<semaphore_mem>>) src(%arg12 : memref<80x128xf32, #tpu.memory_space<vmem>>) dst(%dma_wait3A_156 : memref<10000x128xf32, #tpu.memory_space<vmem_shared>>)
        tpu.yield
      }) : () -> ()
    }
    %scan3A_45 = arith.constant 12 : i32
    %mul3A_46 = arith.constant 25 : i32
    %mul3A_47 = arith.muli %add3A, %mul3A_46 : i32
    %add3A_48 = arith.constant 24 : i32
    %add3A_49 = arith.addi %mul3A_47, %add3A_48 : i32
    %mul3A_50 = arith.constant 80 : i32
    %mul3A_51 = arith.muli %add3A_49, %mul3A_50 : i32
    %dma_wait3A_52 = arith.constant 0 : i32
    %dma_wait3A_53 = tpu.memref_slice %arg3[%mul3A_51, %dma_wait3A_52] : memref<64000x128xf32, #tpu.memory_space<hbm>> -> memref<80x128xf32, #tpu.memory_space<hbm>>
    %dma_wait3A_54 = arith.constant 0 : i32
    %dma_wait3A_55 = tpu.memref_slice %arg3[%mul3A_51, %dma_wait3A_54] : memref<64000x128xf32, #tpu.memory_space<hbm>> -> memref<80x128xf32, #tpu.memory_space<hbm>>
    tpu.wait_dma2 semaphore(%arg14 : memref<!tpu.dma_semaphore, #tpu.memory_space<semaphore_mem>>) src(%dma_wait3A_55 : memref<80x128xf32, #tpu.memory_space<hbm>>) dst(%arg11 : memref<80x128xf32, #tpu.memory_space<vmem>>)
    %run_scoped3A_56 = arith.constant 24 : i32
    "tpu.region"() ({
      %run_scoped3A_97 = tpu.sem_alloc : memref<!tpu.dma_semaphore, #tpu.memory_space<semaphore_mem>>
      %dma_start3A_98 = arith.constant 0 : i32
      %dma_start3A_99 = tpu.memref_slice %arg10[%run_scoped3A_56, %dma_start3A_98] : memref<25x80xi32, #tpu.memory_space<vmem>> -> memref<1x80xi32, #tpu.memory_space<vmem>>
      %dma_start3A_100 = tpu.memref_squeeze %dma_start3A_99 : memref<1x80xi32, #tpu.memory_space<vmem>> -> memref<80xi32, #tpu.memory_space<vmem>>
      %dma_start3A_101 = arith.constant 0 : i32
      %dma_start3A_102 = arith.constant 0 : i32
      %dma_start3A_103 = tpu.memref_slice %arg13[%dma_start3A_101, %dma_start3A_102] : memref<10000x128xf32, #tpu.memory_space<vmem_shared>> -> memref<10000x128xf32, #tpu.memory_space<vmem_shared>>
      tpu.enqueue_indirect_dma source(%arg11 : memref<80x128xf32, #tpu.memory_space<vmem>>) target(%dma_start3A_103 : memref<10000x128xf32, #tpu.memory_space<vmem_shared>>) offsets(%dma_start3A_100 : memref<80xi32, #tpu.memory_space<vmem>>) semaphore(%run_scoped3A_97 : memref<!tpu.dma_semaphore, #tpu.memory_space<semaphore_mem>>) {add = true}
      %dma_wait3A_104 = arith.constant 0 : i32
      %dma_wait3A_105 = tpu.memref_slice %arg10[%run_scoped3A_56, %dma_wait3A_104] : memref<25x80xi32, #tpu.memory_space<vmem>> -> memref<1x80xi32, #tpu.memory_space<vmem>>
      %dma_wait3A_106 = tpu.memref_squeeze %dma_wait3A_105 : memref<1x80xi32, #tpu.memory_space<vmem>> -> memref<80xi32, #tpu.memory_space<vmem>>
      %dma_wait3A_107 = arith.constant 0 : i32
      %dma_wait3A_108 = arith.constant 0 : i32
      %dma_wait3A_109 = tpu.memref_slice %arg13[%dma_wait3A_107, %dma_wait3A_108] : memref<10000x128xf32, #tpu.memory_space<vmem_shared>> -> memref<10000x128xf32, #tpu.memory_space<vmem_shared>>
      tpu.wait_indirect_dma semaphore(%run_scoped3A_97 : memref<!tpu.dma_semaphore, #tpu.memory_space<semaphore_mem>>) src(%arg11 : memref<80x128xf32, #tpu.memory_space<vmem>>) dst(%dma_wait3A_109 : memref<10000x128xf32, #tpu.memory_space<vmem_shared>>)
      tpu.yield
    }) : () -> ()
    "tpu.region"() ({
      %run_scoped3A_97 = tpu.sem_alloc : memref<!tpu.dma_semaphore, #tpu.memory_space<semaphore_mem>>
      %dma_start3A_98 = arith.constant 0 : i32
      %dma_start3A_99 = arith.constant 0 : i32
      %dma_start3A_100 = tpu.memref_slice %arg7[%add3A, %dma_start3A_98, %dma_start3A_99] : memref<32x25x80xi32, #tpu.memory_space<hbm>> -> memref<1x25x80xi32, #tpu.memory_space<hbm>>
      %dma_start3A_101 = tpu.memref_squeeze %dma_start3A_100 : memref<1x25x80xi32, #tpu.memory_space<hbm>> -> memref<25x80xi32, #tpu.memory_space<hbm>>
      %dma_start3A_102 = arith.constant 0 : i32
      %dma_start3A_103 = arith.constant 0 : i32
      %dma_start3A_104 = tpu.memref_slice %arg7[%add3A, %dma_start3A_102, %dma_start3A_103] : memref<32x25x80xi32, #tpu.memory_space<hbm>> -> memref<1x25x80xi32, #tpu.memory_space<hbm>>
      %dma_start3A_105 = tpu.memref_squeeze %dma_start3A_104 : memref<1x25x80xi32, #tpu.memory_space<hbm>> -> memref<25x80xi32, #tpu.memory_space<hbm>>
      tpu.enqueue_dma source(%dma_start3A_105 : memref<25x80xi32, #tpu.memory_space<hbm>>) target(%arg10 : memref<25x80xi32, #tpu.memory_space<vmem>>) target_semaphore(%run_scoped3A_97 : memref<!tpu.dma_semaphore, #tpu.memory_space<semaphore_mem>>)
      %dma_wait3A_106 = arith.constant 0 : i32
      %dma_wait3A_107 = arith.constant 0 : i32
      %dma_wait3A_108 = tpu.memref_slice %arg7[%add3A, %dma_wait3A_106, %dma_wait3A_107] : memref<32x25x80xi32, #tpu.memory_space<hbm>> -> memref<1x25x80xi32, #tpu.memory_space<hbm>>
      %dma_wait3A_109 = tpu.memref_squeeze %dma_wait3A_108 : memref<1x25x80xi32, #tpu.memory_space<hbm>> -> memref<25x80xi32, #tpu.memory_space<hbm>>
      %dma_wait3A_110 = arith.constant 0 : i32
      %dma_wait3A_111 = arith.constant 0 : i32
      %dma_wait3A_112 = tpu.memref_slice %arg7[%add3A, %dma_wait3A_110, %dma_wait3A_111] : memref<32x25x80xi32, #tpu.memory_space<hbm>> -> memref<1x25x80xi32, #tpu.memory_space<hbm>>
      %dma_wait3A_113 = tpu.memref_squeeze %dma_wait3A_112 : memref<1x25x80xi32, #tpu.memory_space<hbm>> -> memref<25x80xi32, #tpu.memory_space<hbm>>
      tpu.wait_dma2 semaphore(%run_scoped3A_97 : memref<!tpu.dma_semaphore, #tpu.memory_space<semaphore_mem>>) src(%dma_wait3A_113 : memref<25x80xi32, #tpu.memory_space<hbm>>) dst(%arg10 : memref<25x80xi32, #tpu.memory_space<vmem>>)
      tpu.yield
    }) : () -> ()
    %mul3A_57 = arith.constant 25 : i32
    %mul3A_58 = arith.muli %add3A, %mul3A_57 : i32
    %add3A_59 = arith.constant 0 : i32
    %add3A_60 = arith.addi %mul3A_58, %add3A_59 : i32
    %mul3A_61 = arith.constant 80 : i32
    %mul3A_62 = arith.muli %add3A_60, %mul3A_61 : i32
    %dma_start3A_63 = arith.constant 0 : i32
    %dma_start3A_64 = tpu.memref_slice %arg4[%mul3A_62, %dma_start3A_63] : memref<64000x128xf32, #tpu.memory_space<hbm>> -> memref<80x128xf32, #tpu.memory_space<hbm>>
    %dma_start3A_65 = arith.constant 0 : i32
    %dma_start3A_66 = tpu.memref_slice %arg4[%mul3A_62, %dma_start3A_65] : memref<64000x128xf32, #tpu.memory_space<hbm>> -> memref<80x128xf32, #tpu.memory_space<hbm>>
    tpu.enqueue_dma source(%dma_start3A_66 : memref<80x128xf32, #tpu.memory_space<hbm>>) target(%arg11 : memref<80x128xf32, #tpu.memory_space<vmem>>) target_semaphore(%arg14 : memref<!tpu.dma_semaphore, #tpu.memory_space<semaphore_mem>>)
    %scan3A_67 = arith.constant 0 : i32
    %scan3A_68 = arith.constant 0 : i32
    %scan3A_69 = arith.constant 12 : i32
    %scan3A_70 = arith.addi %scan3A_68, %scan3A_69 : i32
    %scan3A_71 = arith.constant 1 : i32
    scf.for %scan3A_97 = %scan3A_68 to %scan3A_70 step %scan3A_71  : i32 {
      %mul3A_98 = arith.constant 2 : i32
      %mul3A_99 = arith.muli %scan3A_97, %mul3A_98 : i32
      %add3A_100 = arith.constant 1 : i32
      %add3A_101 = arith.addi %mul3A_99, %add3A_100 : i32
      %mul3A_102 = arith.constant 25 : i32
      %mul3A_103 = arith.muli %add3A, %mul3A_102 : i32
      %add3A_104 = arith.addi %mul3A_103, %add3A_101 : i32
      %mul3A_105 = arith.constant 80 : i32
      %mul3A_106 = arith.muli %add3A_104, %mul3A_105 : i32
      %dma_start3A_107 = arith.constant 0 : i32
      %dma_start3A_108 = tpu.memref_slice %arg4[%mul3A_106, %dma_start3A_107] : memref<64000x128xf32, #tpu.memory_space<hbm>> -> memref<80x128xf32, #tpu.memory_space<hbm>>
      %dma_start3A_109 = arith.constant 0 : i32
      %dma_start3A_110 = tpu.memref_slice %arg4[%mul3A_106, %dma_start3A_109] : memref<64000x128xf32, #tpu.memory_space<hbm>> -> memref<80x128xf32, #tpu.memory_space<hbm>>
      tpu.enqueue_dma source(%dma_start3A_110 : memref<80x128xf32, #tpu.memory_space<hbm>>) target(%arg12 : memref<80x128xf32, #tpu.memory_space<vmem>>) target_semaphore(%arg15 : memref<!tpu.dma_semaphore, #tpu.memory_space<semaphore_mem>>)
      %mul3A_111 = arith.constant 25 : i32
      %mul3A_112 = arith.muli %add3A, %mul3A_111 : i32
      %add3A_113 = arith.addi %mul3A_112, %mul3A_99 : i32
      %mul3A_114 = arith.constant 80 : i32
      %mul3A_115 = arith.muli %add3A_113, %mul3A_114 : i32
      %dma_wait3A_116 = arith.constant 0 : i32
      %dma_wait3A_117 = tpu.memref_slice %arg4[%mul3A_115, %dma_wait3A_116] : memref<64000x128xf32, #tpu.memory_space<hbm>> -> memref<80x128xf32, #tpu.memory_space<hbm>>
      %dma_wait3A_118 = arith.constant 0 : i32
      %dma_wait3A_119 = tpu.memref_slice %arg4[%mul3A_115, %dma_wait3A_118] : memref<64000x128xf32, #tpu.memory_space<hbm>> -> memref<80x128xf32, #tpu.memory_space<hbm>>
      tpu.wait_dma2 semaphore(%arg14 : memref<!tpu.dma_semaphore, #tpu.memory_space<semaphore_mem>>) src(%dma_wait3A_119 : memref<80x128xf32, #tpu.memory_space<hbm>>) dst(%arg11 : memref<80x128xf32, #tpu.memory_space<vmem>>)
      "tpu.region"() ({
        %run_scoped3A_144 = tpu.sem_alloc : memref<!tpu.dma_semaphore, #tpu.memory_space<semaphore_mem>>
        %dma_start3A_145 = arith.constant 0 : i32
        %dma_start3A_146 = tpu.memref_slice %arg10[%mul3A_99, %dma_start3A_145] : memref<25x80xi32, #tpu.memory_space<vmem>> -> memref<1x80xi32, #tpu.memory_space<vmem>>
        %dma_start3A_147 = tpu.memref_squeeze %dma_start3A_146 : memref<1x80xi32, #tpu.memory_space<vmem>> -> memref<80xi32, #tpu.memory_space<vmem>>
        %dma_start3A_148 = arith.constant 0 : i32
        %dma_start3A_149 = arith.constant 0 : i32
        %dma_start3A_150 = tpu.memref_slice %arg13[%dma_start3A_148, %dma_start3A_149] : memref<10000x128xf32, #tpu.memory_space<vmem_shared>> -> memref<10000x128xf32, #tpu.memory_space<vmem_shared>>
        tpu.enqueue_indirect_dma source(%arg11 : memref<80x128xf32, #tpu.memory_space<vmem>>) target(%dma_start3A_150 : memref<10000x128xf32, #tpu.memory_space<vmem_shared>>) offsets(%dma_start3A_147 : memref<80xi32, #tpu.memory_space<vmem>>) semaphore(%run_scoped3A_144 : memref<!tpu.dma_semaphore, #tpu.memory_space<semaphore_mem>>) {add = true}
        %dma_wait3A_151 = arith.constant 0 : i32
        %dma_wait3A_152 = tpu.memref_slice %arg10[%mul3A_99, %dma_wait3A_151] : memref<25x80xi32, #tpu.memory_space<vmem>> -> memref<1x80xi32, #tpu.memory_space<vmem>>
        %dma_wait3A_153 = tpu.memref_squeeze %dma_wait3A_152 : memref<1x80xi32, #tpu.memory_space<vmem>> -> memref<80xi32, #tpu.memory_space<vmem>>
        %dma_wait3A_154 = arith.constant 0 : i32
        %dma_wait3A_155 = arith.constant 0 : i32
        %dma_wait3A_156 = tpu.memref_slice %arg13[%dma_wait3A_154, %dma_wait3A_155] : memref<10000x128xf32, #tpu.memory_space<vmem_shared>> -> memref<10000x128xf32, #tpu.memory_space<vmem_shared>>
        tpu.wait_indirect_dma semaphore(%run_scoped3A_144 : memref<!tpu.dma_semaphore, #tpu.memory_space<semaphore_mem>>) src(%arg11 : memref<80x128xf32, #tpu.memory_space<vmem>>) dst(%dma_wait3A_156 : memref<10000x128xf32, #tpu.memory_space<vmem_shared>>)
        tpu.yield
      }) : () -> ()
      %add3A_120 = arith.constant 2 : i32
      %add3A_121 = arith.addi %mul3A_99, %add3A_120 : i32
      %mul3A_122 = arith.constant 25 : i32
      %mul3A_123 = arith.muli %add3A, %mul3A_122 : i32
      %add3A_124 = arith.addi %mul3A_123, %add3A_121 : i32
      %mul3A_125 = arith.constant 80 : i32
      %mul3A_126 = arith.muli %add3A_124, %mul3A_125 : i32
      %dma_start3A_127 = arith.constant 0 : i32
      %dma_start3A_128 = tpu.memref_slice %arg4[%mul3A_126, %dma_start3A_127] : memref<64000x128xf32, #tpu.memory_space<hbm>> -> memref<80x128xf32, #tpu.memory_space<hbm>>
      %dma_start3A_129 = arith.constant 0 : i32
      %dma_start3A_130 = tpu.memref_slice %arg4[%mul3A_126, %dma_start3A_129] : memref<64000x128xf32, #tpu.memory_space<hbm>> -> memref<80x128xf32, #tpu.memory_space<hbm>>
      tpu.enqueue_dma source(%dma_start3A_130 : memref<80x128xf32, #tpu.memory_space<hbm>>) target(%arg11 : memref<80x128xf32, #tpu.memory_space<vmem>>) target_semaphore(%arg14 : memref<!tpu.dma_semaphore, #tpu.memory_space<semaphore_mem>>)
      %add3A_131 = arith.constant 1 : i32
      %add3A_132 = arith.addi %mul3A_99, %add3A_131 : i32
      %mul3A_133 = arith.constant 25 : i32
      %mul3A_134 = arith.muli %add3A, %mul3A_133 : i32
      %add3A_135 = arith.addi %mul3A_134, %add3A_132 : i32
      %mul3A_136 = arith.constant 80 : i32
      %mul3A_137 = arith.muli %add3A_135, %mul3A_136 : i32
      %dma_wait3A_138 = arith.constant 0 : i32
      %dma_wait3A_139 = tpu.memref_slice %arg4[%mul3A_137, %dma_wait3A_138] : memref<64000x128xf32, #tpu.memory_space<hbm>> -> memref<80x128xf32, #tpu.memory_space<hbm>>
      %dma_wait3A_140 = arith.constant 0 : i32
      %dma_wait3A_141 = tpu.memref_slice %arg4[%mul3A_137, %dma_wait3A_140] : memref<64000x128xf32, #tpu.memory_space<hbm>> -> memref<80x128xf32, #tpu.memory_space<hbm>>
      tpu.wait_dma2 semaphore(%arg15 : memref<!tpu.dma_semaphore, #tpu.memory_space<semaphore_mem>>) src(%dma_wait3A_141 : memref<80x128xf32, #tpu.memory_space<hbm>>) dst(%arg12 : memref<80x128xf32, #tpu.memory_space<vmem>>)
      %add3A_142 = arith.constant 1 : i32
      %add3A_143 = arith.addi %mul3A_99, %add3A_142 : i32
      "tpu.region"() ({
        %run_scoped3A_144 = tpu.sem_alloc : memref<!tpu.dma_semaphore, #tpu.memory_space<semaphore_mem>>
        %dma_start3A_145 = arith.constant 0 : i32
        %dma_start3A_146 = tpu.memref_slice %arg10[%add3A_143, %dma_start3A_145] : memref<25x80xi32, #tpu.memory_space<vmem>> -> memref<1x80xi32, #tpu.memory_space<vmem>>
        %dma_start3A_147 = tpu.memref_squeeze %dma_start3A_146 : memref<1x80xi32, #tpu.memory_space<vmem>> -> memref<80xi32, #tpu.memory_space<vmem>>
        %dma_start3A_148 = arith.constant 0 : i32
        %dma_start3A_149 = arith.constant 0 : i32
        %dma_start3A_150 = tpu.memref_slice %arg13[%dma_start3A_148, %dma_start3A_149] : memref<10000x128xf32, #tpu.memory_space<vmem_shared>> -> memref<10000x128xf32, #tpu.memory_space<vmem_shared>>
        tpu.enqueue_indirect_dma source(%arg12 : memref<80x128xf32, #tpu.memory_space<vmem>>) target(%dma_start3A_150 : memref<10000x128xf32, #tpu.memory_space<vmem_shared>>) offsets(%dma_start3A_147 : memref<80xi32, #tpu.memory_space<vmem>>) semaphore(%run_scoped3A_144 : memref<!tpu.dma_semaphore, #tpu.memory_space<semaphore_mem>>) {add = true}
        %dma_wait3A_151 = arith.constant 0 : i32
        %dma_wait3A_152 = tpu.memref_slice %arg10[%add3A_143, %dma_wait3A_151] : memref<25x80xi32, #tpu.memory_space<vmem>> -> memref<1x80xi32, #tpu.memory_space<vmem>>
        %dma_wait3A_153 = tpu.memref_squeeze %dma_wait3A_152 : memref<1x80xi32, #tpu.memory_space<vmem>> -> memref<80xi32, #tpu.memory_space<vmem>>
        %dma_wait3A_154 = arith.constant 0 : i32
        %dma_wait3A_155 = arith.constant 0 : i32
        %dma_wait3A_156 = tpu.memref_slice %arg13[%dma_wait3A_154, %dma_wait3A_155] : memref<10000x128xf32, #tpu.memory_space<vmem_shared>> -> memref<10000x128xf32, #tpu.memory_space<vmem_shared>>
        tpu.wait_indirect_dma semaphore(%run_scoped3A_144 : memref<!tpu.dma_semaphore, #tpu.memory_space<semaphore_mem>>) src(%arg12 : memref<80x128xf32, #tpu.memory_space<vmem>>) dst(%dma_wait3A_156 : memref<10000x128xf32, #tpu.memory_space<vmem_shared>>)
        tpu.yield
      }) : () -> ()
    }
    %scan3A_72 = arith.constant 12 : i32
    %mul3A_73 = arith.constant 25 : i32
    %mul3A_74 = arith.muli %add3A, %mul3A_73 : i32
    %add3A_75 = arith.constant 24 : i32
    %add3A_76 = arith.addi %mul3A_74, %add3A_75 : i32
    %mul3A_77 = arith.constant 80 : i32
    %mul3A_78 = arith.muli %add3A_76, %mul3A_77 : i32
    %dma_wait3A_79 = arith.constant 0 : i32
    %dma_wait3A_80 = tpu.memref_slice %arg4[%mul3A_78, %dma_wait3A_79] : memref<64000x128xf32, #tpu.memory_space<hbm>> -> memref<80x128xf32, #tpu.memory_space<hbm>>
    %dma_wait3A_81 = arith.constant 0 : i32
    %dma_wait3A_82 = tpu.memref_slice %arg4[%mul3A_78, %dma_wait3A_81] : memref<64000x128xf32, #tpu.memory_space<hbm>> -> memref<80x128xf32, #tpu.memory_space<hbm>>
    tpu.wait_dma2 semaphore(%arg14 : memref<!tpu.dma_semaphore, #tpu.memory_space<semaphore_mem>>) src(%dma_wait3A_82 : memref<80x128xf32, #tpu.memory_space<hbm>>) dst(%arg11 : memref<80x128xf32, #tpu.memory_space<vmem>>)
    %run_scoped3A_83 = arith.constant 24 : i32
    "tpu.region"() ({
      %run_scoped3A_97 = tpu.sem_alloc : memref<!tpu.dma_semaphore, #tpu.memory_space<semaphore_mem>>
      %dma_start3A_98 = arith.constant 0 : i32
      %dma_start3A_99 = tpu.memref_slice %arg10[%run_scoped3A_83, %dma_start3A_98] : memref<25x80xi32, #tpu.memory_space<vmem>> -> memref<1x80xi32, #tpu.memory_space<vmem>>
      %dma_start3A_100 = tpu.memref_squeeze %dma_start3A_99 : memref<1x80xi32, #tpu.memory_space<vmem>> -> memref<80xi32, #tpu.memory_space<vmem>>
      %dma_start3A_101 = arith.constant 0 : i32
      %dma_start3A_102 = arith.constant 0 : i32
      %dma_start3A_103 = tpu.memref_slice %arg13[%dma_start3A_101, %dma_start3A_102] : memref<10000x128xf32, #tpu.memory_space<vmem_shared>> -> memref<10000x128xf32, #tpu.memory_space<vmem_shared>>
      tpu.enqueue_indirect_dma source(%arg11 : memref<80x128xf32, #tpu.memory_space<vmem>>) target(%dma_start3A_103 : memref<10000x128xf32, #tpu.memory_space<vmem_shared>>) offsets(%dma_start3A_100 : memref<80xi32, #tpu.memory_space<vmem>>) semaphore(%run_scoped3A_97 : memref<!tpu.dma_semaphore, #tpu.memory_space<semaphore_mem>>) {add = true}
      %dma_wait3A_104 = arith.constant 0 : i32
      %dma_wait3A_105 = tpu.memref_slice %arg10[%run_scoped3A_83, %dma_wait3A_104] : memref<25x80xi32, #tpu.memory_space<vmem>> -> memref<1x80xi32, #tpu.memory_space<vmem>>
      %dma_wait3A_106 = tpu.memref_squeeze %dma_wait3A_105 : memref<1x80xi32, #tpu.memory_space<vmem>> -> memref<80xi32, #tpu.memory_space<vmem>>
      %dma_wait3A_107 = arith.constant 0 : i32
      %dma_wait3A_108 = arith.constant 0 : i32
      %dma_wait3A_109 = tpu.memref_slice %arg13[%dma_wait3A_107, %dma_wait3A_108] : memref<10000x128xf32, #tpu.memory_space<vmem_shared>> -> memref<10000x128xf32, #tpu.memory_space<vmem_shared>>
      tpu.wait_indirect_dma semaphore(%run_scoped3A_97 : memref<!tpu.dma_semaphore, #tpu.memory_space<semaphore_mem>>) src(%arg11 : memref<80x128xf32, #tpu.memory_space<vmem>>) dst(%dma_wait3A_109 : memref<10000x128xf32, #tpu.memory_space<vmem_shared>>)
      tpu.yield
    }) : () -> ()
    %barrier3A_84 = arith.constant 0 : index
    tpu.barrier barrier_id(%barrier3A_84)
    %mul3A_85 = arith.constant 10000 : i32
    %mul3A_86 = arith.muli %arg0, %mul3A_85 : i32
    %lt3A_87 = arith.constant 15 : i32
    %lt3A_88 = arith.cmpi slt, %arg1, %lt3A_87 : i32
    %convert_element_type3A_89 = arith.extui %lt3A_88 : i1 to i32
    %cond3A_90 = arith.constant 0 : i32
    %cond3A_91 = arith.cmpi ne, %convert_element_type3A_89, %cond3A_90 : i32
    scf.if %cond3A_91 {
      %mul3A_97 = arith.constant 632 : i32
      %mul3A_98 = arith.muli %arg1, %mul3A_97 : i32
      %add3A_99 = arith.constant 0 : i32
      %add3A_100 = arith.addi %add3A_99, %mul3A_98 : i32
      %mul3A_101 = arith.constant 632 : i32
      %mul3A_102 = arith.muli %arg1, %mul3A_101 : i32
      %add3A_103 = arith.addi %mul3A_86, %mul3A_102 : i32
      "tpu.region"() ({
        %run_scoped3A_104 = tpu.sem_alloc : memref<!tpu.dma_semaphore, #tpu.memory_space<semaphore_mem>>
        %dma_start3A_105 = arith.constant 0 : i32
        %dma_start3A_106 = tpu.memref_slice %arg9[%add3A_103, %dma_start3A_105] : memref<20000x128xf32, #tpu.memory_space<hbm>> -> memref<632x128xf32, #tpu.memory_space<hbm>>
        %dma_start3A_107 = arith.constant 0 : i32
        %dma_start3A_108 = tpu.memref_slice %arg13[%add3A_100, %dma_start3A_107] : memref<10000x128xf32, #tpu.memory_space<vmem_shared>> -> memref<632x128xf32, #tpu.memory_space<vmem_shared>>
        tpu.enqueue_dma source(%dma_start3A_108 : memref<632x128xf32, #tpu.memory_space<vmem_shared>>) target(%dma_start3A_106 : memref<632x128xf32, #tpu.memory_space<hbm>>) target_semaphore(%run_scoped3A_104 : memref<!tpu.dma_semaphore, #tpu.memory_space<semaphore_mem>>)
        %dma_wait3A_109 = arith.constant 0 : i32
        %dma_wait3A_110 = tpu.memref_slice %arg9[%add3A_103, %dma_wait3A_109] : memref<20000x128xf32, #tpu.memory_space<hbm>> -> memref<632x128xf32, #tpu.memory_space<hbm>>
        %dma_wait3A_111 = arith.constant 0 : i32
        %dma_wait3A_112 = tpu.memref_slice %arg13[%add3A_100, %dma_wait3A_111] : memref<10000x128xf32, #tpu.memory_space<vmem_shared>> -> memref<632x128xf32, #tpu.memory_space<vmem_shared>>
        tpu.wait_dma2 semaphore(%run_scoped3A_104 : memref<!tpu.dma_semaphore, #tpu.memory_space<semaphore_mem>>) src(%dma_wait3A_112 : memref<632x128xf32, #tpu.memory_space<vmem_shared>>) dst(%dma_wait3A_110 : memref<632x128xf32, #tpu.memory_space<hbm>>)
        tpu.yield
      }) : () -> ()
    } else {
    }
    %eq3A_92 = arith.constant 15 : i32
    %eq3A_93 = arith.cmpi eq, %arg1, %eq3A_92 : i32
    %convert_element_type3A_94 = arith.extui %eq3A_93 : i1 to i32
    %cond3A_95 = arith.constant 0 : i32
    %cond3A_96 = arith.cmpi ne, %convert_element_type3A_94, %cond3A_95 : i32
    scf.if %cond3A_96 {
      %add3A_97 = arith.constant 9480 : i32
      %add3A_98 = arith.addi %mul3A_86, %add3A_97 : i32
      "tpu.region"() ({
        %run_scoped3A_99 = tpu.sem_alloc : memref<!tpu.dma_semaphore, #tpu.memory_space<semaphore_mem>>
        %dma_start3A_100 = arith.constant 0 : i32
        %dma_start3A_101 = tpu.memref_slice %arg9[%add3A_98, %dma_start3A_100] : memref<20000x128xf32, #tpu.memory_space<hbm>> -> memref<520x128xf32, #tpu.memory_space<hbm>>
        %dma_start3A_102 = arith.constant 9480 : i32
        %dma_start3A_103 = arith.constant 0 : i32
        %dma_start3A_104 = tpu.memref_slice %arg13[%dma_start3A_102, %dma_start3A_103] : memref<10000x128xf32, #tpu.memory_space<vmem_shared>> -> memref<520x128xf32, #tpu.memory_space<vmem_shared>>
        tpu.enqueue_dma source(%dma_start3A_104 : memref<520x128xf32, #tpu.memory_space<vmem_shared>>) target(%dma_start3A_101 : memref<520x128xf32, #tpu.memory_space<hbm>>) target_semaphore(%run_scoped3A_99 : memref<!tpu.dma_semaphore, #tpu.memory_space<semaphore_mem>>)
        %dma_wait3A_105 = arith.constant 0 : i32
        %dma_wait3A_106 = tpu.memref_slice %arg9[%add3A_98, %dma_wait3A_105] : memref<20000x128xf32, #tpu.memory_space<hbm>> -> memref<520x128xf32, #tpu.memory_space<hbm>>
        %dma_wait3A_107 = arith.constant 9480 : i32
        %dma_wait3A_108 = arith.constant 0 : i32
        %dma_wait3A_109 = tpu.memref_slice %arg13[%dma_wait3A_107, %dma_wait3A_108] : memref<10000x128xf32, #tpu.memory_space<vmem_shared>> -> memref<520x128xf32, #tpu.memory_space<vmem_shared>>
        tpu.wait_dma2 semaphore(%run_scoped3A_99 : memref<!tpu.dma_semaphore, #tpu.memory_space<semaphore_mem>>) src(%dma_wait3A_109 : memref<520x128xf32, #tpu.memory_space<vmem_shared>>) dst(%dma_wait3A_106 : memref<520x128xf32, #tpu.memory_space<hbm>>)
        tpu.yield
      }) : () -> ()
    } else {
    }
    return
  }
}

#map = affine_map<(d0, d1) -> (0, 0)>
#map1 = affine_map<(d0, d1) -> (0, 0, 0)>
module attributes {stable_mosaic.version = 14 : i64} {
  func.func @_scatter2_sc(%arg0: i32, %arg1: i32, %arg2: memref<64000x128xf32, #tpu.memory_space<hbm>>, %arg3: memref<64000x128xf32, #tpu.memory_space<hbm>>, %arg4: memref<32x25x80xi32, #tpu.memory_space<hbm>>, %arg5: memref<32x25x80xi32, #tpu.memory_space<hbm>>, %arg6: memref<20000x128xf32, #tpu.memory_space<hbm>>, %arg7: memref<20000x128xf32, #tpu.memory_space<hbm>>, %arg8: memref<25x80xi32, #tpu.memory_space<vmem>>, %arg9: memref<80x128xf32, #tpu.memory_space<vmem>>, %arg10: memref<80x128xf32, #tpu.memory_space<vmem>>, %arg11: memref<10000x128xf32, #tpu.memory_space<vmem_shared>>, %arg12: memref<!tpu.dma_semaphore, #tpu.memory_space<semaphore_mem>>, %arg13: memref<!tpu.dma_semaphore, #tpu.memory_space<semaphore_mem>>) attributes {dimension_semantics = [#tpu.dimension_semantics<core_parallel>, #tpu.dimension_semantics<subcore_parallel>], iteration_bounds = array<i64: 2, 16>, scalar_prefetch = 0 : i64, scratch_operands = 6 : i64, tpu.core_type = #tpu.core_type<sc_vector_subcore>, window_params = [{transform_indices = #map}, {transform_indices = #map}, {transform_indices = #map1}, {transform_indices = #map1}, {transform_indices = #map}, {transform_indices = #map}]} {
    %mul3A = arith.constant 2 : i32
    %mul3A_0 = arith.muli %arg1, %mul3A : i32
    %add3A = arith.addi %mul3A_0, %arg0 : i32
    %mul3A_1 = arith.constant 10000 : i32
    %mul3A_2 = arith.muli %arg0, %mul3A_1 : i32
    %lt3A = arith.constant 15 : i32
    %lt3A_3 = arith.cmpi slt, %arg1, %lt3A : i32
    %convert_element_type3A = arith.extui %lt3A_3 : i1 to i32
    %cond3A = arith.constant 0 : i32
    %cond3A_4 = arith.cmpi ne, %convert_element_type3A, %cond3A : i32
    scf.if %cond3A_4 {
      %mul3A_72 = arith.constant 632 : i32
      %mul3A_73 = arith.muli %arg1, %mul3A_72 : i32
      %add3A_74 = arith.addi %mul3A_2, %mul3A_73 : i32
      %mul3A_75 = arith.constant 632 : i32
      %mul3A_76 = arith.muli %arg1, %mul3A_75 : i32
      %add3A_77 = arith.constant 0 : i32
      %add3A_78 = arith.addi %add3A_77, %mul3A_76 : i32
      "tpu.region"() ({
        %run_scoped3A_79 = tpu.sem_alloc : memref<!tpu.dma_semaphore, #tpu.memory_space<semaphore_mem>>
        %dma_start3A_80 = arith.constant 0 : i32
        %dma_start3A_81 = tpu.memref_slice %arg11[%add3A_78, %dma_start3A_80] : memref<10000x128xf32, #tpu.memory_space<vmem_shared>> -> memref<632x128xf32, #tpu.memory_space<vmem_shared>>
        %dma_start3A_82 = arith.constant 0 : i32
        %dma_start3A_83 = tpu.memref_slice %arg6[%add3A_74, %dma_start3A_82] : memref<20000x128xf32, #tpu.memory_space<hbm>> -> memref<632x128xf32, #tpu.memory_space<hbm>>
        tpu.enqueue_dma source(%dma_start3A_83 : memref<632x128xf32, #tpu.memory_space<hbm>>) target(%dma_start3A_81 : memref<632x128xf32, #tpu.memory_space<vmem_shared>>) target_semaphore(%run_scoped3A_79 : memref<!tpu.dma_semaphore, #tpu.memory_space<semaphore_mem>>)
        %dma_wait3A_84 = arith.constant 0 : i32
        %dma_wait3A_85 = tpu.memref_slice %arg11[%add3A_78, %dma_wait3A_84] : memref<10000x128xf32, #tpu.memory_space<vmem_shared>> -> memref<632x128xf32, #tpu.memory_space<vmem_shared>>
        %dma_wait3A_86 = arith.constant 0 : i32
        %dma_wait3A_87 = tpu.memref_slice %arg6[%add3A_74, %dma_wait3A_86] : memref<20000x128xf32, #tpu.memory_space<hbm>> -> memref<632x128xf32, #tpu.memory_space<hbm>>
        tpu.wait_dma2 semaphore(%run_scoped3A_79 : memref<!tpu.dma_semaphore, #tpu.memory_space<semaphore_mem>>) src(%dma_wait3A_87 : memref<632x128xf32, #tpu.memory_space<hbm>>) dst(%dma_wait3A_85 : memref<632x128xf32, #tpu.memory_space<vmem_shared>>)
        tpu.yield
      }) : () -> ()
    } else {
    }
    %eq3A = arith.constant 15 : i32
    %eq3A_5 = arith.cmpi eq, %arg1, %eq3A : i32
    %convert_element_type3A_6 = arith.extui %eq3A_5 : i1 to i32
    %cond3A_7 = arith.constant 0 : i32
    %cond3A_8 = arith.cmpi ne, %convert_element_type3A_6, %cond3A_7 : i32
    scf.if %cond3A_8 {
      %add3A_72 = arith.constant 9480 : i32
      %add3A_73 = arith.addi %mul3A_2, %add3A_72 : i32
      "tpu.region"() ({
        %run_scoped3A_74 = tpu.sem_alloc : memref<!tpu.dma_semaphore, #tpu.memory_space<semaphore_mem>>
        %dma_start3A_75 = arith.constant 9480 : i32
        %dma_start3A_76 = arith.constant 0 : i32
        %dma_start3A_77 = tpu.memref_slice %arg11[%dma_start3A_75, %dma_start3A_76] : memref<10000x128xf32, #tpu.memory_space<vmem_shared>> -> memref<520x128xf32, #tpu.memory_space<vmem_shared>>
        %dma_start3A_78 = arith.constant 0 : i32
        %dma_start3A_79 = tpu.memref_slice %arg6[%add3A_73, %dma_start3A_78] : memref<20000x128xf32, #tpu.memory_space<hbm>> -> memref<520x128xf32, #tpu.memory_space<hbm>>
        tpu.enqueue_dma source(%dma_start3A_79 : memref<520x128xf32, #tpu.memory_space<hbm>>) target(%dma_start3A_77 : memref<520x128xf32, #tpu.memory_space<vmem_shared>>) target_semaphore(%run_scoped3A_74 : memref<!tpu.dma_semaphore, #tpu.memory_space<semaphore_mem>>)
        %dma_wait3A_80 = arith.constant 9480 : i32
        %dma_wait3A_81 = arith.constant 0 : i32
        %dma_wait3A_82 = tpu.memref_slice %arg11[%dma_wait3A_80, %dma_wait3A_81] : memref<10000x128xf32, #tpu.memory_space<vmem_shared>> -> memref<520x128xf32, #tpu.memory_space<vmem_shared>>
        %dma_wait3A_83 = arith.constant 0 : i32
        %dma_wait3A_84 = tpu.memref_slice %arg6[%add3A_73, %dma_wait3A_83] : memref<20000x128xf32, #tpu.memory_space<hbm>> -> memref<520x128xf32, #tpu.memory_space<hbm>>
        tpu.wait_dma2 semaphore(%run_scoped3A_74 : memref<!tpu.dma_semaphore, #tpu.memory_space<semaphore_mem>>) src(%dma_wait3A_84 : memref<520x128xf32, #tpu.memory_space<hbm>>) dst(%dma_wait3A_82 : memref<520x128xf32, #tpu.memory_space<vmem_shared>>)
        tpu.yield
      }) : () -> ()
    } else {
    }
    %barrier3A = arith.constant 0 : index
    tpu.barrier barrier_id(%barrier3A)
    "tpu.region"() ({
      %run_scoped3A_72 = tpu.sem_alloc : memref<!tpu.dma_semaphore, #tpu.memory_space<semaphore_mem>>
      %dma_start3A_73 = arith.constant 0 : i32
      %dma_start3A_74 = arith.constant 0 : i32
      %dma_start3A_75 = tpu.memref_slice %arg4[%add3A, %dma_start3A_73, %dma_start3A_74] : memref<32x25x80xi32, #tpu.memory_space<hbm>> -> memref<1x25x80xi32, #tpu.memory_space<hbm>>
      %dma_start3A_76 = tpu.memref_squeeze %dma_start3A_75 : memref<1x25x80xi32, #tpu.memory_space<hbm>> -> memref<25x80xi32, #tpu.memory_space<hbm>>
      %dma_start3A_77 = arith.constant 0 : i32
      %dma_start3A_78 = arith.constant 0 : i32
      %dma_start3A_79 = tpu.memref_slice %arg4[%add3A, %dma_start3A_77, %dma_start3A_78] : memref<32x25x80xi32, #tpu.memory_space<hbm>> -> memref<1x25x80xi32, #tpu.memory_space<hbm>>
      %dma_start3A_80 = tpu.memref_squeeze %dma_start3A_79 : memref<1x25x80xi32, #tpu.memory_space<hbm>> -> memref<25x80xi32, #tpu.memory_space<hbm>>
      tpu.enqueue_dma source(%dma_start3A_80 : memref<25x80xi32, #tpu.memory_space<hbm>>) target(%arg8 : memref<25x80xi32, #tpu.memory_space<vmem>>) target_semaphore(%run_scoped3A_72 : memref<!tpu.dma_semaphore, #tpu.memory_space<semaphore_mem>>)
      %dma_wait3A_81 = arith.constant 0 : i32
      %dma_wait3A_82 = arith.constant 0 : i32
      %dma_wait3A_83 = tpu.memref_slice %arg4[%add3A, %dma_wait3A_81, %dma_wait3A_82] : memref<32x25x80xi32, #tpu.memory_space<hbm>> -> memref<1x25x80xi32, #tpu.memory_space<hbm>>
      %dma_wait3A_84 = tpu.memref_squeeze %dma_wait3A_83 : memref<1x25x80xi32, #tpu.memory_space<hbm>> -> memref<25x80xi32, #tpu.memory_space<hbm>>
      %dma_wait3A_85 = arith.constant 0 : i32
      %dma_wait3A_86 = arith.constant 0 : i32
      %dma_wait3A_87 = tpu.memref_slice %arg4[%add3A, %dma_wait3A_85, %dma_wait3A_86] : memref<32x25x80xi32, #tpu.memory_space<hbm>> -> memref<1x25x80xi32, #tpu.memory_space<hbm>>
      %dma_wait3A_88 = tpu.memref_squeeze %dma_wait3A_87 : memref<1x25x80xi32, #tpu.memory_space<hbm>> -> memref<25x80xi32, #tpu.memory_space<hbm>>
      tpu.wait_dma2 semaphore(%run_scoped3A_72 : memref<!tpu.dma_semaphore, #tpu.memory_space<semaphore_mem>>) src(%dma_wait3A_88 : memref<25x80xi32, #tpu.memory_space<hbm>>) dst(%arg8 : memref<25x80xi32, #tpu.memory_space<vmem>>)
      tpu.yield
    }) : () -> ()
    %mul3A_9 = arith.constant 25 : i32
    %mul3A_10 = arith.muli %add3A, %mul3A_9 : i32
    %add3A_11 = arith.constant 0 : i32
    %add3A_12 = arith.addi %mul3A_10, %add3A_11 : i32
    %mul3A_13 = arith.constant 80 : i32
    %mul3A_14 = arith.muli %add3A_12, %mul3A_13 : i32
    %dma_start3A = arith.constant 0 : i32
    %dma_start3A_15 = tpu.memref_slice %arg2[%mul3A_14, %dma_start3A] : memref<64000x128xf32, #tpu.memory_space<hbm>> -> memref<80x128xf32, #tpu.memory_space<hbm>>
    %dma_start3A_16 = arith.constant 0 : i32
    %dma_start3A_17 = tpu.memref_slice %arg2[%mul3A_14, %dma_start3A_16] : memref<64000x128xf32, #tpu.memory_space<hbm>> -> memref<80x128xf32, #tpu.memory_space<hbm>>
    tpu.enqueue_dma source(%dma_start3A_17 : memref<80x128xf32, #tpu.memory_space<hbm>>) target(%arg9 : memref<80x128xf32, #tpu.memory_space<vmem>>) target_semaphore(%arg12 : memref<!tpu.dma_semaphore, #tpu.memory_space<semaphore_mem>>)
    %scan3A = arith.constant 0 : i32
    %scan3A_18 = arith.constant 0 : i32
    %scan3A_19 = arith.constant 12 : i32
    %scan3A_20 = arith.addi %scan3A_18, %scan3A_19 : i32
    %scan3A_21 = arith.constant 1 : i32
    scf.for %scan3A_72 = %scan3A_18 to %scan3A_20 step %scan3A_21  : i32 {
      %mul3A_73 = arith.constant 2 : i32
      %mul3A_74 = arith.muli %scan3A_72, %mul3A_73 : i32
      %add3A_75 = arith.constant 1 : i32
      %add3A_76 = arith.addi %mul3A_74, %add3A_75 : i32
      %mul3A_77 = arith.constant 25 : i32
      %mul3A_78 = arith.muli %add3A, %mul3A_77 : i32
      %add3A_79 = arith.addi %mul3A_78, %add3A_76 : i32
      %mul3A_80 = arith.constant 80 : i32
      %mul3A_81 = arith.muli %add3A_79, %mul3A_80 : i32
      %dma_start3A_82 = arith.constant 0 : i32
      %dma_start3A_83 = tpu.memref_slice %arg2[%mul3A_81, %dma_start3A_82] : memref<64000x128xf32, #tpu.memory_space<hbm>> -> memref<80x128xf32, #tpu.memory_space<hbm>>
      %dma_start3A_84 = arith.constant 0 : i32
      %dma_start3A_85 = tpu.memref_slice %arg2[%mul3A_81, %dma_start3A_84] : memref<64000x128xf32, #tpu.memory_space<hbm>> -> memref<80x128xf32, #tpu.memory_space<hbm>>
      tpu.enqueue_dma source(%dma_start3A_85 : memref<80x128xf32, #tpu.memory_space<hbm>>) target(%arg10 : memref<80x128xf32, #tpu.memory_space<vmem>>) target_semaphore(%arg13 : memref<!tpu.dma_semaphore, #tpu.memory_space<semaphore_mem>>)
      %mul3A_86 = arith.constant 25 : i32
      %mul3A_87 = arith.muli %add3A, %mul3A_86 : i32
      %add3A_88 = arith.addi %mul3A_87, %mul3A_74 : i32
      %mul3A_89 = arith.constant 80 : i32
      %mul3A_90 = arith.muli %add3A_88, %mul3A_89 : i32
      %dma_wait3A_91 = arith.constant 0 : i32
      %dma_wait3A_92 = tpu.memref_slice %arg2[%mul3A_90, %dma_wait3A_91] : memref<64000x128xf32, #tpu.memory_space<hbm>> -> memref<80x128xf32, #tpu.memory_space<hbm>>
      %dma_wait3A_93 = arith.constant 0 : i32
      %dma_wait3A_94 = tpu.memref_slice %arg2[%mul3A_90, %dma_wait3A_93] : memref<64000x128xf32, #tpu.memory_space<hbm>> -> memref<80x128xf32, #tpu.memory_space<hbm>>
      tpu.wait_dma2 semaphore(%arg12 : memref<!tpu.dma_semaphore, #tpu.memory_space<semaphore_mem>>) src(%dma_wait3A_94 : memref<80x128xf32, #tpu.memory_space<hbm>>) dst(%arg9 : memref<80x128xf32, #tpu.memory_space<vmem>>)
      "tpu.region"() ({
        %run_scoped3A_119 = tpu.sem_alloc : memref<!tpu.dma_semaphore, #tpu.memory_space<semaphore_mem>>
        %dma_start3A_120 = arith.constant 0 : i32
        %dma_start3A_121 = tpu.memref_slice %arg8[%mul3A_74, %dma_start3A_120] : memref<25x80xi32, #tpu.memory_space<vmem>> -> memref<1x80xi32, #tpu.memory_space<vmem>>
        %dma_start3A_122 = tpu.memref_squeeze %dma_start3A_121 : memref<1x80xi32, #tpu.memory_space<vmem>> -> memref<80xi32, #tpu.memory_space<vmem>>
        %dma_start3A_123 = arith.constant 0 : i32
        %dma_start3A_124 = arith.constant 0 : i32
        %dma_start3A_125 = tpu.memref_slice %arg11[%dma_start3A_123, %dma_start3A_124] : memref<10000x128xf32, #tpu.memory_space<vmem_shared>> -> memref<10000x128xf32, #tpu.memory_space<vmem_shared>>
        tpu.enqueue_indirect_dma source(%arg9 : memref<80x128xf32, #tpu.memory_space<vmem>>) target(%dma_start3A_125 : memref<10000x128xf32, #tpu.memory_space<vmem_shared>>) offsets(%dma_start3A_122 : memref<80xi32, #tpu.memory_space<vmem>>) semaphore(%run_scoped3A_119 : memref<!tpu.dma_semaphore, #tpu.memory_space<semaphore_mem>>) {add = true}
        %dma_wait3A_126 = arith.constant 0 : i32
        %dma_wait3A_127 = tpu.memref_slice %arg8[%mul3A_74, %dma_wait3A_126] : memref<25x80xi32, #tpu.memory_space<vmem>> -> memref<1x80xi32, #tpu.memory_space<vmem>>
        %dma_wait3A_128 = tpu.memref_squeeze %dma_wait3A_127 : memref<1x80xi32, #tpu.memory_space<vmem>> -> memref<80xi32, #tpu.memory_space<vmem>>
        %dma_wait3A_129 = arith.constant 0 : i32
        %dma_wait3A_130 = arith.constant 0 : i32
        %dma_wait3A_131 = tpu.memref_slice %arg11[%dma_wait3A_129, %dma_wait3A_130] : memref<10000x128xf32, #tpu.memory_space<vmem_shared>> -> memref<10000x128xf32, #tpu.memory_space<vmem_shared>>
        tpu.wait_indirect_dma semaphore(%run_scoped3A_119 : memref<!tpu.dma_semaphore, #tpu.memory_space<semaphore_mem>>) src(%arg9 : memref<80x128xf32, #tpu.memory_space<vmem>>) dst(%dma_wait3A_131 : memref<10000x128xf32, #tpu.memory_space<vmem_shared>>)
        tpu.yield
      }) : () -> ()
      %add3A_95 = arith.constant 2 : i32
      %add3A_96 = arith.addi %mul3A_74, %add3A_95 : i32
      %mul3A_97 = arith.constant 25 : i32
      %mul3A_98 = arith.muli %add3A, %mul3A_97 : i32
      %add3A_99 = arith.addi %mul3A_98, %add3A_96 : i32
      %mul3A_100 = arith.constant 80 : i32
      %mul3A_101 = arith.muli %add3A_99, %mul3A_100 : i32
      %dma_start3A_102 = arith.constant 0 : i32
      %dma_start3A_103 = tpu.memref_slice %arg2[%mul3A_101, %dma_start3A_102] : memref<64000x128xf32, #tpu.memory_space<hbm>> -> memref<80x128xf32, #tpu.memory_space<hbm>>
      %dma_start3A_104 = arith.constant 0 : i32
      %dma_start3A_105 = tpu.memref_slice %arg2[%mul3A_101, %dma_start3A_104] : memref<64000x128xf32, #tpu.memory_space<hbm>> -> memref<80x128xf32, #tpu.memory_space<hbm>>
      tpu.enqueue_dma source(%dma_start3A_105 : memref<80x128xf32, #tpu.memory_space<hbm>>) target(%arg9 : memref<80x128xf32, #tpu.memory_space<vmem>>) target_semaphore(%arg12 : memref<!tpu.dma_semaphore, #tpu.memory_space<semaphore_mem>>)
      %add3A_106 = arith.constant 1 : i32
      %add3A_107 = arith.addi %mul3A_74, %add3A_106 : i32
      %mul3A_108 = arith.constant 25 : i32
      %mul3A_109 = arith.muli %add3A, %mul3A_108 : i32
      %add3A_110 = arith.addi %mul3A_109, %add3A_107 : i32
      %mul3A_111 = arith.constant 80 : i32
      %mul3A_112 = arith.muli %add3A_110, %mul3A_111 : i32
      %dma_wait3A_113 = arith.constant 0 : i32
      %dma_wait3A_114 = tpu.memref_slice %arg2[%mul3A_112, %dma_wait3A_113] : memref<64000x128xf32, #tpu.memory_space<hbm>> -> memref<80x128xf32, #tpu.memory_space<hbm>>
      %dma_wait3A_115 = arith.constant 0 : i32
      %dma_wait3A_116 = tpu.memref_slice %arg2[%mul3A_112, %dma_wait3A_115] : memref<64000x128xf32, #tpu.memory_space<hbm>> -> memref<80x128xf32, #tpu.memory_space<hbm>>
      tpu.wait_dma2 semaphore(%arg13 : memref<!tpu.dma_semaphore, #tpu.memory_space<semaphore_mem>>) src(%dma_wait3A_116 : memref<80x128xf32, #tpu.memory_space<hbm>>) dst(%arg10 : memref<80x128xf32, #tpu.memory_space<vmem>>)
      %add3A_117 = arith.constant 1 : i32
      %add3A_118 = arith.addi %mul3A_74, %add3A_117 : i32
      "tpu.region"() ({
        %run_scoped3A_119 = tpu.sem_alloc : memref<!tpu.dma_semaphore, #tpu.memory_space<semaphore_mem>>
        %dma_start3A_120 = arith.constant 0 : i32
        %dma_start3A_121 = tpu.memref_slice %arg8[%add3A_118, %dma_start3A_120] : memref<25x80xi32, #tpu.memory_space<vmem>> -> memref<1x80xi32, #tpu.memory_space<vmem>>
        %dma_start3A_122 = tpu.memref_squeeze %dma_start3A_121 : memref<1x80xi32, #tpu.memory_space<vmem>> -> memref<80xi32, #tpu.memory_space<vmem>>
        %dma_start3A_123 = arith.constant 0 : i32
        %dma_start3A_124 = arith.constant 0 : i32
        %dma_start3A_125 = tpu.memref_slice %arg11[%dma_start3A_123, %dma_start3A_124] : memref<10000x128xf32, #tpu.memory_space<vmem_shared>> -> memref<10000x128xf32, #tpu.memory_space<vmem_shared>>
        tpu.enqueue_indirect_dma source(%arg10 : memref<80x128xf32, #tpu.memory_space<vmem>>) target(%dma_start3A_125 : memref<10000x128xf32, #tpu.memory_space<vmem_shared>>) offsets(%dma_start3A_122 : memref<80xi32, #tpu.memory_space<vmem>>) semaphore(%run_scoped3A_119 : memref<!tpu.dma_semaphore, #tpu.memory_space<semaphore_mem>>) {add = true}
        %dma_wait3A_126 = arith.constant 0 : i32
        %dma_wait3A_127 = tpu.memref_slice %arg8[%add3A_118, %dma_wait3A_126] : memref<25x80xi32, #tpu.memory_space<vmem>> -> memref<1x80xi32, #tpu.memory_space<vmem>>
        %dma_wait3A_128 = tpu.memref_squeeze %dma_wait3A_127 : memref<1x80xi32, #tpu.memory_space<vmem>> -> memref<80xi32, #tpu.memory_space<vmem>>
        %dma_wait3A_129 = arith.constant 0 : i32
        %dma_wait3A_130 = arith.constant 0 : i32
        %dma_wait3A_131 = tpu.memref_slice %arg11[%dma_wait3A_129, %dma_wait3A_130] : memref<10000x128xf32, #tpu.memory_space<vmem_shared>> -> memref<10000x128xf32, #tpu.memory_space<vmem_shared>>
        tpu.wait_indirect_dma semaphore(%run_scoped3A_119 : memref<!tpu.dma_semaphore, #tpu.memory_space<semaphore_mem>>) src(%arg10 : memref<80x128xf32, #tpu.memory_space<vmem>>) dst(%dma_wait3A_131 : memref<10000x128xf32, #tpu.memory_space<vmem_shared>>)
        tpu.yield
      }) : () -> ()
    }
    %scan3A_22 = arith.constant 12 : i32
    %mul3A_23 = arith.constant 25 : i32
    %mul3A_24 = arith.muli %add3A, %mul3A_23 : i32
    %add3A_25 = arith.constant 24 : i32
    %add3A_26 = arith.addi %mul3A_24, %add3A_25 : i32
    %mul3A_27 = arith.constant 80 : i32
    %mul3A_28 = arith.muli %add3A_26, %mul3A_27 : i32
    %dma_wait3A = arith.constant 0 : i32
    %dma_wait3A_29 = tpu.memref_slice %arg2[%mul3A_28, %dma_wait3A] : memref<64000x128xf32, #tpu.memory_space<hbm>> -> memref<80x128xf32, #tpu.memory_space<hbm>>
    %dma_wait3A_30 = arith.constant 0 : i32
    %dma_wait3A_31 = tpu.memref_slice %arg2[%mul3A_28, %dma_wait3A_30] : memref<64000x128xf32, #tpu.memory_space<hbm>> -> memref<80x128xf32, #tpu.memory_space<hbm>>
    tpu.wait_dma2 semaphore(%arg12 : memref<!tpu.dma_semaphore, #tpu.memory_space<semaphore_mem>>) src(%dma_wait3A_31 : memref<80x128xf32, #tpu.memory_space<hbm>>) dst(%arg9 : memref<80x128xf32, #tpu.memory_space<vmem>>)
    %run_scoped3A = arith.constant 24 : i32
    "tpu.region"() ({
      %run_scoped3A_72 = tpu.sem_alloc : memref<!tpu.dma_semaphore, #tpu.memory_space<semaphore_mem>>
      %dma_start3A_73 = arith.constant 0 : i32
      %dma_start3A_74 = tpu.memref_slice %arg8[%run_scoped3A, %dma_start3A_73] : memref<25x80xi32, #tpu.memory_space<vmem>> -> memref<1x80xi32, #tpu.memory_space<vmem>>
      %dma_start3A_75 = tpu.memref_squeeze %dma_start3A_74 : memref<1x80xi32, #tpu.memory_space<vmem>> -> memref<80xi32, #tpu.memory_space<vmem>>
      %dma_start3A_76 = arith.constant 0 : i32
      %dma_start3A_77 = arith.constant 0 : i32
      %dma_start3A_78 = tpu.memref_slice %arg11[%dma_start3A_76, %dma_start3A_77] : memref<10000x128xf32, #tpu.memory_space<vmem_shared>> -> memref<10000x128xf32, #tpu.memory_space<vmem_shared>>
      tpu.enqueue_indirect_dma source(%arg9 : memref<80x128xf32, #tpu.memory_space<vmem>>) target(%dma_start3A_78 : memref<10000x128xf32, #tpu.memory_space<vmem_shared>>) offsets(%dma_start3A_75 : memref<80xi32, #tpu.memory_space<vmem>>) semaphore(%run_scoped3A_72 : memref<!tpu.dma_semaphore, #tpu.memory_space<semaphore_mem>>) {add = true}
      %dma_wait3A_79 = arith.constant 0 : i32
      %dma_wait3A_80 = tpu.memref_slice %arg8[%run_scoped3A, %dma_wait3A_79] : memref<25x80xi32, #tpu.memory_space<vmem>> -> memref<1x80xi32, #tpu.memory_space<vmem>>
      %dma_wait3A_81 = tpu.memref_squeeze %dma_wait3A_80 : memref<1x80xi32, #tpu.memory_space<vmem>> -> memref<80xi32, #tpu.memory_space<vmem>>
      %dma_wait3A_82 = arith.constant 0 : i32
      %dma_wait3A_83 = arith.constant 0 : i32
      %dma_wait3A_84 = tpu.memref_slice %arg11[%dma_wait3A_82, %dma_wait3A_83] : memref<10000x128xf32, #tpu.memory_space<vmem_shared>> -> memref<10000x128xf32, #tpu.memory_space<vmem_shared>>
      tpu.wait_indirect_dma semaphore(%run_scoped3A_72 : memref<!tpu.dma_semaphore, #tpu.memory_space<semaphore_mem>>) src(%arg9 : memref<80x128xf32, #tpu.memory_space<vmem>>) dst(%dma_wait3A_84 : memref<10000x128xf32, #tpu.memory_space<vmem_shared>>)
      tpu.yield
    }) : () -> ()
    "tpu.region"() ({
      %run_scoped3A_72 = tpu.sem_alloc : memref<!tpu.dma_semaphore, #tpu.memory_space<semaphore_mem>>
      %dma_start3A_73 = arith.constant 0 : i32
      %dma_start3A_74 = arith.constant 0 : i32
      %dma_start3A_75 = tpu.memref_slice %arg5[%add3A, %dma_start3A_73, %dma_start3A_74] : memref<32x25x80xi32, #tpu.memory_space<hbm>> -> memref<1x25x80xi32, #tpu.memory_space<hbm>>
      %dma_start3A_76 = tpu.memref_squeeze %dma_start3A_75 : memref<1x25x80xi32, #tpu.memory_space<hbm>> -> memref<25x80xi32, #tpu.memory_space<hbm>>
      %dma_start3A_77 = arith.constant 0 : i32
      %dma_start3A_78 = arith.constant 0 : i32
      %dma_start3A_79 = tpu.memref_slice %arg5[%add3A, %dma_start3A_77, %dma_start3A_78] : memref<32x25x80xi32, #tpu.memory_space<hbm>> -> memref<1x25x80xi32, #tpu.memory_space<hbm>>
      %dma_start3A_80 = tpu.memref_squeeze %dma_start3A_79 : memref<1x25x80xi32, #tpu.memory_space<hbm>> -> memref<25x80xi32, #tpu.memory_space<hbm>>
      tpu.enqueue_dma source(%dma_start3A_80 : memref<25x80xi32, #tpu.memory_space<hbm>>) target(%arg8 : memref<25x80xi32, #tpu.memory_space<vmem>>) target_semaphore(%run_scoped3A_72 : memref<!tpu.dma_semaphore, #tpu.memory_space<semaphore_mem>>)
      %dma_wait3A_81 = arith.constant 0 : i32
      %dma_wait3A_82 = arith.constant 0 : i32
      %dma_wait3A_83 = tpu.memref_slice %arg5[%add3A, %dma_wait3A_81, %dma_wait3A_82] : memref<32x25x80xi32, #tpu.memory_space<hbm>> -> memref<1x25x80xi32, #tpu.memory_space<hbm>>
      %dma_wait3A_84 = tpu.memref_squeeze %dma_wait3A_83 : memref<1x25x80xi32, #tpu.memory_space<hbm>> -> memref<25x80xi32, #tpu.memory_space<hbm>>
      %dma_wait3A_85 = arith.constant 0 : i32
      %dma_wait3A_86 = arith.constant 0 : i32
      %dma_wait3A_87 = tpu.memref_slice %arg5[%add3A, %dma_wait3A_85, %dma_wait3A_86] : memref<32x25x80xi32, #tpu.memory_space<hbm>> -> memref<1x25x80xi32, #tpu.memory_space<hbm>>
      %dma_wait3A_88 = tpu.memref_squeeze %dma_wait3A_87 : memref<1x25x80xi32, #tpu.memory_space<hbm>> -> memref<25x80xi32, #tpu.memory_space<hbm>>
      tpu.wait_dma2 semaphore(%run_scoped3A_72 : memref<!tpu.dma_semaphore, #tpu.memory_space<semaphore_mem>>) src(%dma_wait3A_88 : memref<25x80xi32, #tpu.memory_space<hbm>>) dst(%arg8 : memref<25x80xi32, #tpu.memory_space<vmem>>)
      tpu.yield
    }) : () -> ()
    %mul3A_32 = arith.constant 25 : i32
    %mul3A_33 = arith.muli %add3A, %mul3A_32 : i32
    %add3A_34 = arith.constant 0 : i32
    %add3A_35 = arith.addi %mul3A_33, %add3A_34 : i32
    %mul3A_36 = arith.constant 80 : i32
    %mul3A_37 = arith.muli %add3A_35, %mul3A_36 : i32
    %dma_start3A_38 = arith.constant 0 : i32
    %dma_start3A_39 = tpu.memref_slice %arg3[%mul3A_37, %dma_start3A_38] : memref<64000x128xf32, #tpu.memory_space<hbm>> -> memref<80x128xf32, #tpu.memory_space<hbm>>
    %dma_start3A_40 = arith.constant 0 : i32
    %dma_start3A_41 = tpu.memref_slice %arg3[%mul3A_37, %dma_start3A_40] : memref<64000x128xf32, #tpu.memory_space<hbm>> -> memref<80x128xf32, #tpu.memory_space<hbm>>
    tpu.enqueue_dma source(%dma_start3A_41 : memref<80x128xf32, #tpu.memory_space<hbm>>) target(%arg9 : memref<80x128xf32, #tpu.memory_space<vmem>>) target_semaphore(%arg12 : memref<!tpu.dma_semaphore, #tpu.memory_space<semaphore_mem>>)
    %scan3A_42 = arith.constant 0 : i32
    %scan3A_43 = arith.constant 0 : i32
    %scan3A_44 = arith.constant 12 : i32
    %scan3A_45 = arith.addi %scan3A_43, %scan3A_44 : i32
    %scan3A_46 = arith.constant 1 : i32
    scf.for %scan3A_72 = %scan3A_43 to %scan3A_45 step %scan3A_46  : i32 {
      %mul3A_73 = arith.constant 2 : i32
      %mul3A_74 = arith.muli %scan3A_72, %mul3A_73 : i32
      %add3A_75 = arith.constant 1 : i32
      %add3A_76 = arith.addi %mul3A_74, %add3A_75 : i32
      %mul3A_77 = arith.constant 25 : i32
      %mul3A_78 = arith.muli %add3A, %mul3A_77 : i32
      %add3A_79 = arith.addi %mul3A_78, %add3A_76 : i32
      %mul3A_80 = arith.constant 80 : i32
      %mul3A_81 = arith.muli %add3A_79, %mul3A_80 : i32
      %dma_start3A_82 = arith.constant 0 : i32
      %dma_start3A_83 = tpu.memref_slice %arg3[%mul3A_81, %dma_start3A_82] : memref<64000x128xf32, #tpu.memory_space<hbm>> -> memref<80x128xf32, #tpu.memory_space<hbm>>
      %dma_start3A_84 = arith.constant 0 : i32
      %dma_start3A_85 = tpu.memref_slice %arg3[%mul3A_81, %dma_start3A_84] : memref<64000x128xf32, #tpu.memory_space<hbm>> -> memref<80x128xf32, #tpu.memory_space<hbm>>
      tpu.enqueue_dma source(%dma_start3A_85 : memref<80x128xf32, #tpu.memory_space<hbm>>) target(%arg10 : memref<80x128xf32, #tpu.memory_space<vmem>>) target_semaphore(%arg13 : memref<!tpu.dma_semaphore, #tpu.memory_space<semaphore_mem>>)
      %mul3A_86 = arith.constant 25 : i32
      %mul3A_87 = arith.muli %add3A, %mul3A_86 : i32
      %add3A_88 = arith.addi %mul3A_87, %mul3A_74 : i32
      %mul3A_89 = arith.constant 80 : i32
      %mul3A_90 = arith.muli %add3A_88, %mul3A_89 : i32
      %dma_wait3A_91 = arith.constant 0 : i32
      %dma_wait3A_92 = tpu.memref_slice %arg3[%mul3A_90, %dma_wait3A_91] : memref<64000x128xf32, #tpu.memory_space<hbm>> -> memref<80x128xf32, #tpu.memory_space<hbm>>
      %dma_wait3A_93 = arith.constant 0 : i32
      %dma_wait3A_94 = tpu.memref_slice %arg3[%mul3A_90, %dma_wait3A_93] : memref<64000x128xf32, #tpu.memory_space<hbm>> -> memref<80x128xf32, #tpu.memory_space<hbm>>
      tpu.wait_dma2 semaphore(%arg12 : memref<!tpu.dma_semaphore, #tpu.memory_space<semaphore_mem>>) src(%dma_wait3A_94 : memref<80x128xf32, #tpu.memory_space<hbm>>) dst(%arg9 : memref<80x128xf32, #tpu.memory_space<vmem>>)
      "tpu.region"() ({
        %run_scoped3A_119 = tpu.sem_alloc : memref<!tpu.dma_semaphore, #tpu.memory_space<semaphore_mem>>
        %dma_start3A_120 = arith.constant 0 : i32
        %dma_start3A_121 = tpu.memref_slice %arg8[%mul3A_74, %dma_start3A_120] : memref<25x80xi32, #tpu.memory_space<vmem>> -> memref<1x80xi32, #tpu.memory_space<vmem>>
        %dma_start3A_122 = tpu.memref_squeeze %dma_start3A_121 : memref<1x80xi32, #tpu.memory_space<vmem>> -> memref<80xi32, #tpu.memory_space<vmem>>
        %dma_start3A_123 = arith.constant 0 : i32
        %dma_start3A_124 = arith.constant 0 : i32
        %dma_start3A_125 = tpu.memref_slice %arg11[%dma_start3A_123, %dma_start3A_124] : memref<10000x128xf32, #tpu.memory_space<vmem_shared>> -> memref<10000x128xf32, #tpu.memory_space<vmem_shared>>
        tpu.enqueue_indirect_dma source(%arg9 : memref<80x128xf32, #tpu.memory_space<vmem>>) target(%dma_start3A_125 : memref<10000x128xf32, #tpu.memory_space<vmem_shared>>) offsets(%dma_start3A_122 : memref<80xi32, #tpu.memory_space<vmem>>) semaphore(%run_scoped3A_119 : memref<!tpu.dma_semaphore, #tpu.memory_space<semaphore_mem>>) {add = true}
        %dma_wait3A_126 = arith.constant 0 : i32
        %dma_wait3A_127 = tpu.memref_slice %arg8[%mul3A_74, %dma_wait3A_126] : memref<25x80xi32, #tpu.memory_space<vmem>> -> memref<1x80xi32, #tpu.memory_space<vmem>>
        %dma_wait3A_128 = tpu.memref_squeeze %dma_wait3A_127 : memref<1x80xi32, #tpu.memory_space<vmem>> -> memref<80xi32, #tpu.memory_space<vmem>>
        %dma_wait3A_129 = arith.constant 0 : i32
        %dma_wait3A_130 = arith.constant 0 : i32
        %dma_wait3A_131 = tpu.memref_slice %arg11[%dma_wait3A_129, %dma_wait3A_130] : memref<10000x128xf32, #tpu.memory_space<vmem_shared>> -> memref<10000x128xf32, #tpu.memory_space<vmem_shared>>
        tpu.wait_indirect_dma semaphore(%run_scoped3A_119 : memref<!tpu.dma_semaphore, #tpu.memory_space<semaphore_mem>>) src(%arg9 : memref<80x128xf32, #tpu.memory_space<vmem>>) dst(%dma_wait3A_131 : memref<10000x128xf32, #tpu.memory_space<vmem_shared>>)
        tpu.yield
      }) : () -> ()
      %add3A_95 = arith.constant 2 : i32
      %add3A_96 = arith.addi %mul3A_74, %add3A_95 : i32
      %mul3A_97 = arith.constant 25 : i32
      %mul3A_98 = arith.muli %add3A, %mul3A_97 : i32
      %add3A_99 = arith.addi %mul3A_98, %add3A_96 : i32
      %mul3A_100 = arith.constant 80 : i32
      %mul3A_101 = arith.muli %add3A_99, %mul3A_100 : i32
      %dma_start3A_102 = arith.constant 0 : i32
      %dma_start3A_103 = tpu.memref_slice %arg3[%mul3A_101, %dma_start3A_102] : memref<64000x128xf32, #tpu.memory_space<hbm>> -> memref<80x128xf32, #tpu.memory_space<hbm>>
      %dma_start3A_104 = arith.constant 0 : i32
      %dma_start3A_105 = tpu.memref_slice %arg3[%mul3A_101, %dma_start3A_104] : memref<64000x128xf32, #tpu.memory_space<hbm>> -> memref<80x128xf32, #tpu.memory_space<hbm>>
      tpu.enqueue_dma source(%dma_start3A_105 : memref<80x128xf32, #tpu.memory_space<hbm>>) target(%arg9 : memref<80x128xf32, #tpu.memory_space<vmem>>) target_semaphore(%arg12 : memref<!tpu.dma_semaphore, #tpu.memory_space<semaphore_mem>>)
      %add3A_106 = arith.constant 1 : i32
      %add3A_107 = arith.addi %mul3A_74, %add3A_106 : i32
      %mul3A_108 = arith.constant 25 : i32
      %mul3A_109 = arith.muli %add3A, %mul3A_108 : i32
      %add3A_110 = arith.addi %mul3A_109, %add3A_107 : i32
      %mul3A_111 = arith.constant 80 : i32
      %mul3A_112 = arith.muli %add3A_110, %mul3A_111 : i32
      %dma_wait3A_113 = arith.constant 0 : i32
      %dma_wait3A_114 = tpu.memref_slice %arg3[%mul3A_112, %dma_wait3A_113] : memref<64000x128xf32, #tpu.memory_space<hbm>> -> memref<80x128xf32, #tpu.memory_space<hbm>>
      %dma_wait3A_115 = arith.constant 0 : i32
      %dma_wait3A_116 = tpu.memref_slice %arg3[%mul3A_112, %dma_wait3A_115] : memref<64000x128xf32, #tpu.memory_space<hbm>> -> memref<80x128xf32, #tpu.memory_space<hbm>>
      tpu.wait_dma2 semaphore(%arg13 : memref<!tpu.dma_semaphore, #tpu.memory_space<semaphore_mem>>) src(%dma_wait3A_116 : memref<80x128xf32, #tpu.memory_space<hbm>>) dst(%arg10 : memref<80x128xf32, #tpu.memory_space<vmem>>)
      %add3A_117 = arith.constant 1 : i32
      %add3A_118 = arith.addi %mul3A_74, %add3A_117 : i32
      "tpu.region"() ({
        %run_scoped3A_119 = tpu.sem_alloc : memref<!tpu.dma_semaphore, #tpu.memory_space<semaphore_mem>>
        %dma_start3A_120 = arith.constant 0 : i32
        %dma_start3A_121 = tpu.memref_slice %arg8[%add3A_118, %dma_start3A_120] : memref<25x80xi32, #tpu.memory_space<vmem>> -> memref<1x80xi32, #tpu.memory_space<vmem>>
        %dma_start3A_122 = tpu.memref_squeeze %dma_start3A_121 : memref<1x80xi32, #tpu.memory_space<vmem>> -> memref<80xi32, #tpu.memory_space<vmem>>
        %dma_start3A_123 = arith.constant 0 : i32
        %dma_start3A_124 = arith.constant 0 : i32
        %dma_start3A_125 = tpu.memref_slice %arg11[%dma_start3A_123, %dma_start3A_124] : memref<10000x128xf32, #tpu.memory_space<vmem_shared>> -> memref<10000x128xf32, #tpu.memory_space<vmem_shared>>
        tpu.enqueue_indirect_dma source(%arg10 : memref<80x128xf32, #tpu.memory_space<vmem>>) target(%dma_start3A_125 : memref<10000x128xf32, #tpu.memory_space<vmem_shared>>) offsets(%dma_start3A_122 : memref<80xi32, #tpu.memory_space<vmem>>) semaphore(%run_scoped3A_119 : memref<!tpu.dma_semaphore, #tpu.memory_space<semaphore_mem>>) {add = true}
        %dma_wait3A_126 = arith.constant 0 : i32
        %dma_wait3A_127 = tpu.memref_slice %arg8[%add3A_118, %dma_wait3A_126] : memref<25x80xi32, #tpu.memory_space<vmem>> -> memref<1x80xi32, #tpu.memory_space<vmem>>
        %dma_wait3A_128 = tpu.memref_squeeze %dma_wait3A_127 : memref<1x80xi32, #tpu.memory_space<vmem>> -> memref<80xi32, #tpu.memory_space<vmem>>
        %dma_wait3A_129 = arith.constant 0 : i32
        %dma_wait3A_130 = arith.constant 0 : i32
        %dma_wait3A_131 = tpu.memref_slice %arg11[%dma_wait3A_129, %dma_wait3A_130] : memref<10000x128xf32, #tpu.memory_space<vmem_shared>> -> memref<10000x128xf32, #tpu.memory_space<vmem_shared>>
        tpu.wait_indirect_dma semaphore(%run_scoped3A_119 : memref<!tpu.dma_semaphore, #tpu.memory_space<semaphore_mem>>) src(%arg10 : memref<80x128xf32, #tpu.memory_space<vmem>>) dst(%dma_wait3A_131 : memref<10000x128xf32, #tpu.memory_space<vmem_shared>>)
        tpu.yield
      }) : () -> ()
    }
    %scan3A_47 = arith.constant 12 : i32
    %mul3A_48 = arith.constant 25 : i32
    %mul3A_49 = arith.muli %add3A, %mul3A_48 : i32
    %add3A_50 = arith.constant 24 : i32
    %add3A_51 = arith.addi %mul3A_49, %add3A_50 : i32
    %mul3A_52 = arith.constant 80 : i32
    %mul3A_53 = arith.muli %add3A_51, %mul3A_52 : i32
    %dma_wait3A_54 = arith.constant 0 : i32
    %dma_wait3A_55 = tpu.memref_slice %arg3[%mul3A_53, %dma_wait3A_54] : memref<64000x128xf32, #tpu.memory_space<hbm>> -> memref<80x128xf32, #tpu.memory_space<hbm>>
    %dma_wait3A_56 = arith.constant 0 : i32
    %dma_wait3A_57 = tpu.memref_slice %arg3[%mul3A_53, %dma_wait3A_56] : memref<64000x128xf32, #tpu.memory_space<hbm>> -> memref<80x128xf32, #tpu.memory_space<hbm>>
    tpu.wait_dma2 semaphore(%arg12 : memref<!tpu.dma_semaphore, #tpu.memory_space<semaphore_mem>>) src(%dma_wait3A_57 : memref<80x128xf32, #tpu.memory_space<hbm>>) dst(%arg9 : memref<80x128xf32, #tpu.memory_space<vmem>>)
    %run_scoped3A_58 = arith.constant 24 : i32
    "tpu.region"() ({
      %run_scoped3A_72 = tpu.sem_alloc : memref<!tpu.dma_semaphore, #tpu.memory_space<semaphore_mem>>
      %dma_start3A_73 = arith.constant 0 : i32
      %dma_start3A_74 = tpu.memref_slice %arg8[%run_scoped3A_58, %dma_start3A_73] : memref<25x80xi32, #tpu.memory_space<vmem>> -> memref<1x80xi32, #tpu.memory_space<vmem>>
      %dma_start3A_75 = tpu.memref_squeeze %dma_start3A_74 : memref<1x80xi32, #tpu.memory_space<vmem>> -> memref<80xi32, #tpu.memory_space<vmem>>
      %dma_start3A_76 = arith.constant 0 : i32
      %dma_start3A_77 = arith.constant 0 : i32
      %dma_start3A_78 = tpu.memref_slice %arg11[%dma_start3A_76, %dma_start3A_77] : memref<10000x128xf32, #tpu.memory_space<vmem_shared>> -> memref<10000x128xf32, #tpu.memory_space<vmem_shared>>
      tpu.enqueue_indirect_dma source(%arg9 : memref<80x128xf32, #tpu.memory_space<vmem>>) target(%dma_start3A_78 : memref<10000x128xf32, #tpu.memory_space<vmem_shared>>) offsets(%dma_start3A_75 : memref<80xi32, #tpu.memory_space<vmem>>) semaphore(%run_scoped3A_72 : memref<!tpu.dma_semaphore, #tpu.memory_space<semaphore_mem>>) {add = true}
      %dma_wait3A_79 = arith.constant 0 : i32
      %dma_wait3A_80 = tpu.memref_slice %arg8[%run_scoped3A_58, %dma_wait3A_79] : memref<25x80xi32, #tpu.memory_space<vmem>> -> memref<1x80xi32, #tpu.memory_space<vmem>>
      %dma_wait3A_81 = tpu.memref_squeeze %dma_wait3A_80 : memref<1x80xi32, #tpu.memory_space<vmem>> -> memref<80xi32, #tpu.memory_space<vmem>>
      %dma_wait3A_82 = arith.constant 0 : i32
      %dma_wait3A_83 = arith.constant 0 : i32
      %dma_wait3A_84 = tpu.memref_slice %arg11[%dma_wait3A_82, %dma_wait3A_83] : memref<10000x128xf32, #tpu.memory_space<vmem_shared>> -> memref<10000x128xf32, #tpu.memory_space<vmem_shared>>
      tpu.wait_indirect_dma semaphore(%run_scoped3A_72 : memref<!tpu.dma_semaphore, #tpu.memory_space<semaphore_mem>>) src(%arg9 : memref<80x128xf32, #tpu.memory_space<vmem>>) dst(%dma_wait3A_84 : memref<10000x128xf32, #tpu.memory_space<vmem_shared>>)
      tpu.yield
    }) : () -> ()
    %barrier3A_59 = arith.constant 0 : index
    tpu.barrier barrier_id(%barrier3A_59)
    %mul3A_60 = arith.constant 10000 : i32
    %mul3A_61 = arith.muli %arg0, %mul3A_60 : i32
    %lt3A_62 = arith.constant 15 : i32
    %lt3A_63 = arith.cmpi slt, %arg1, %lt3A_62 : i32
    %convert_element_type3A_64 = arith.extui %lt3A_63 : i1 to i32
    %cond3A_65 = arith.constant 0 : i32
    %cond3A_66 = arith.cmpi ne, %convert_element_type3A_64, %cond3A_65 : i32
    scf.if %cond3A_66 {
      %mul3A_72 = arith.constant 632 : i32
      %mul3A_73 = arith.muli %arg1, %mul3A_72 : i32
      %add3A_74 = arith.constant 0 : i32
      %add3A_75 = arith.addi %add3A_74, %mul3A_73 : i32
      %mul3A_76 = arith.constant 632 : i32
      %mul3A_77 = arith.muli %arg1, %mul3A_76 : i32
      %add3A_78 = arith.addi %mul3A_61, %mul3A_77 : i32
      "tpu.region"() ({
        %run_scoped3A_79 = tpu.sem_alloc : memref<!tpu.dma_semaphore, #tpu.memory_space<semaphore_mem>>
        %dma_start3A_80 = arith.constant 0 : i32
        %dma_start3A_81 = tpu.memref_slice %arg7[%add3A_78, %dma_start3A_80] : memref<20000x128xf32, #tpu.memory_space<hbm>> -> memref<632x128xf32, #tpu.memory_space<hbm>>
        %dma_start3A_82 = arith.constant 0 : i32
        %dma_start3A_83 = tpu.memref_slice %arg11[%add3A_75, %dma_start3A_82] : memref<10000x128xf32, #tpu.memory_space<vmem_shared>> -> memref<632x128xf32, #tpu.memory_space<vmem_shared>>
        tpu.enqueue_dma source(%dma_start3A_83 : memref<632x128xf32, #tpu.memory_space<vmem_shared>>) target(%dma_start3A_81 : memref<632x128xf32, #tpu.memory_space<hbm>>) target_semaphore(%run_scoped3A_79 : memref<!tpu.dma_semaphore, #tpu.memory_space<semaphore_mem>>)
        %dma_wait3A_84 = arith.constant 0 : i32
        %dma_wait3A_85 = tpu.memref_slice %arg7[%add3A_78, %dma_wait3A_84] : memref<20000x128xf32, #tpu.memory_space<hbm>> -> memref<632x128xf32, #tpu.memory_space<hbm>>
        %dma_wait3A_86 = arith.constant 0 : i32
        %dma_wait3A_87 = tpu.memref_slice %arg11[%add3A_75, %dma_wait3A_86] : memref<10000x128xf32, #tpu.memory_space<vmem_shared>> -> memref<632x128xf32, #tpu.memory_space<vmem_shared>>
        tpu.wait_dma2 semaphore(%run_scoped3A_79 : memref<!tpu.dma_semaphore, #tpu.memory_space<semaphore_mem>>) src(%dma_wait3A_87 : memref<632x128xf32, #tpu.memory_space<vmem_shared>>) dst(%dma_wait3A_85 : memref<632x128xf32, #tpu.memory_space<hbm>>)
        tpu.yield
      }) : () -> ()
    } else {
    }
    %eq3A_67 = arith.constant 15 : i32
    %eq3A_68 = arith.cmpi eq, %arg1, %eq3A_67 : i32
    %convert_element_type3A_69 = arith.extui %eq3A_68 : i1 to i32
    %cond3A_70 = arith.constant 0 : i32
    %cond3A_71 = arith.cmpi ne, %convert_element_type3A_69, %cond3A_70 : i32
    scf.if %cond3A_71 {
      %add3A_72 = arith.constant 9480 : i32
      %add3A_73 = arith.addi %mul3A_61, %add3A_72 : i32
      "tpu.region"() ({
        %run_scoped3A_74 = tpu.sem_alloc : memref<!tpu.dma_semaphore, #tpu.memory_space<semaphore_mem>>
        %dma_start3A_75 = arith.constant 0 : i32
        %dma_start3A_76 = tpu.memref_slice %arg7[%add3A_73, %dma_start3A_75] : memref<20000x128xf32, #tpu.memory_space<hbm>> -> memref<520x128xf32, #tpu.memory_space<hbm>>
        %dma_start3A_77 = arith.constant 9480 : i32
        %dma_start3A_78 = arith.constant 0 : i32
        %dma_start3A_79 = tpu.memref_slice %arg11[%dma_start3A_77, %dma_start3A_78] : memref<10000x128xf32, #tpu.memory_space<vmem_shared>> -> memref<520x128xf32, #tpu.memory_space<vmem_shared>>
        tpu.enqueue_dma source(%dma_start3A_79 : memref<520x128xf32, #tpu.memory_space<vmem_shared>>) target(%dma_start3A_76 : memref<520x128xf32, #tpu.memory_space<hbm>>) target_semaphore(%run_scoped3A_74 : memref<!tpu.dma_semaphore, #tpu.memory_space<semaphore_mem>>)
        %dma_wait3A_80 = arith.constant 0 : i32
        %dma_wait3A_81 = tpu.memref_slice %arg7[%add3A_73, %dma_wait3A_80] : memref<20000x128xf32, #tpu.memory_space<hbm>> -> memref<520x128xf32, #tpu.memory_space<hbm>>
        %dma_wait3A_82 = arith.constant 9480 : i32
        %dma_wait3A_83 = arith.constant 0 : i32
        %dma_wait3A_84 = tpu.memref_slice %arg11[%dma_wait3A_82, %dma_wait3A_83] : memref<10000x128xf32, #tpu.memory_space<vmem_shared>> -> memref<520x128xf32, #tpu.memory_space<vmem_shared>>
        tpu.wait_dma2 semaphore(%run_scoped3A_74 : memref<!tpu.dma_semaphore, #tpu.memory_space<semaphore_mem>>) src(%dma_wait3A_84 : memref<520x128xf32, #tpu.memory_space<vmem_shared>>) dst(%dma_wait3A_81 : memref<520x128xf32, #tpu.memory_space<hbm>>)
        tpu.yield
      }) : () -> ()
    } else {
    }
    return
  }
}

module attributes {stable_mosaic.version = 14 : i64} {
  func.func @_msg_body(%arg0: i32, %arg1: memref<16x6400xf32, #tpu.memory_space<vmem>>, %arg2: memref<6400x128xf32, #tpu.memory_space<vmem>>, %arg3: memref<64000xf32, #tpu.memory_space<vmem>>, %arg4: memref<16x128xf32, #tpu.memory_space<vmem>>, %arg5: memref<1x128xf32, #tpu.memory_space<vmem>>, %arg6: memref<6400x128xf32, #tpu.memory_space<vmem>>) attributes {dimension_semantics = [#tpu.dimension_semantics<arbitrary>], iteration_bounds = array<i64: 10>, scalar_prefetch = 0 : i64, scratch_operands = 0 : i64, tpu.core_type = #tpu.core_type<tc>, window_params = [{transform_indices = @transform_0, window_bounds = array<i64: 16, 6400>}, {transform_indices = @transform_1, window_bounds = array<i64: 6400, 128>}, {pipeline_mode = #tpu.pipeline_mode<synchronous>, transform_indices = @transform_2, window_bounds = array<i64: 64000>}, {pipeline_mode = #tpu.pipeline_mode<synchronous>, transform_indices = @transform_3, window_bounds = array<i64: 16, 128>}, {pipeline_mode = #tpu.pipeline_mode<synchronous>, transform_indices = @transform_4, window_bounds = array<i64: 1, 128>}, {transform_indices = @transform_5, window_bounds = array<i64: 6400, 128>}]} {
    %get3A = arith.constant 0 : index
    %get3A_0 = arith.constant 0 : index
    %get3A_1 = vector.load %arg1[%get3A, %get3A_0] : memref<16x6400xf32, #tpu.memory_space<vmem>>, vector<16x6400xf32>
    %get3A_2 = arith.constant 0 : index
    %get3A_3 = arith.constant 0 : index
    %get3A_4 = vector.load %arg4[%get3A_2, %get3A_3] : memref<16x128xf32, #tpu.memory_space<vmem>>, vector<16x128xf32>
    %dot_general3A = arith.constant dense<0.000000e+00> : vector<6400x128xf32>
    %dot_general3A_5 = tpu.matmul %get3A_1, %get3A_4, %dot_general3A {dimension_numbers = #tpu.dot_dimension_numbers<[0], [0], [1], [1], [0, 1, 1, 1], [], []>, transpose_lhs_hint = false} : vector<16x6400xf32>, vector<16x128xf32>, vector<6400x128xf32> -> vector<6400x128xf32>
    %get3A_6 = arith.constant 0 : index
    %get3A_7 = arith.constant 0 : index
    %get3A_8 = vector.load %arg5[%get3A_6, %get3A_7] : memref<1x128xf32, #tpu.memory_space<vmem>>, vector<1x128xf32>
    %add3A = vector.broadcast %get3A_8 : vector<1x128xf32> to vector<6400x128xf32>
    %add3A_9 = arith.addf %dot_general3A_5, %add3A : vector<6400x128xf32>
    %get3A_10 = arith.constant 0 : index
    %get3A_11 = arith.constant 0 : index
    %get3A_12 = vector.load %arg2[%get3A_10, %get3A_11] : memref<6400x128xf32, #tpu.memory_space<vmem>>, vector<6400x128xf32>
    %add3A_13 = arith.addf %get3A_12, %add3A_9 : vector<6400x128xf32>
    %mul3A = arith.constant 5.000000e-01 : f32
    %mul3A_14 = vector.broadcast %mul3A : f32 to vector<6400x128xf32>
    %mul3A_15 = arith.mulf %mul3A_14, %add3A_13 : vector<6400x128xf32>
    %mul3A_16 = arith.constant 0.707106769 : f32
    %mul3A_17 = vector.broadcast %mul3A_16 : f32 to vector<6400x128xf32>
    %mul3A_18 = arith.mulf %add3A_13, %mul3A_17 : vector<6400x128xf32>
    %erf3A = math.erf %mul3A_18 : vector<6400x128xf32>
    %add3A_19 = arith.constant 1.000000e+00 : f32
    %add3A_20 = vector.broadcast %add3A_19 : f32 to vector<6400x128xf32>
    %add3A_21 = arith.addf %add3A_20, %erf3A : vector<6400x128xf32>
    %mul3A_22 = arith.mulf %mul3A_15, %add3A_21 : vector<6400x128xf32>
    %mul3A_23 = arith.constant 6400 : i32
    %mul3A_24 = arith.muli %arg0, %mul3A_23 : i32
    %get3A_25 = arith.index_cast %mul3A_24 : i32 to index
    %get3A_26 = vector.load %arg3[%get3A_25] : memref<64000xf32, #tpu.memory_space<vmem>>, vector<6400xf32>
    %broadcast_in_dim3A = vector.shape_cast %get3A_26 : vector<6400xf32> to vector<6400x1xf32>
    %mul3A_27 = vector.broadcast %broadcast_in_dim3A : vector<6400x1xf32> to vector<6400x128xf32>
    %mul3A_28 = arith.mulf %mul3A_22, %mul3A_27 : vector<6400x128xf32>
    %swap3A = arith.constant 0 : index
    %swap3A_29 = arith.constant 0 : index
    %swap3A_30 = vector.load %arg6[%swap3A, %swap3A_29] : memref<6400x128xf32, #tpu.memory_space<vmem>>, vector<6400x128xf32>
    tpu.vector_store %arg6[%swap3A, %swap3A_29], %mul3A_28 {strides = array<i32>} : memref<6400x128xf32, #tpu.memory_space<vmem>>, vector<6400x128xf32>,
    return
  }
  func.func @transform_0(%arg0: i32) -> (i32, i32) {
    %c0_i32 = arith.constant 0 : i32
    %c0_i32_0 = arith.constant 0 : i32
    return %c0_i32, %arg0 : i32, i32
  }
  func.func @transform_1(%arg0: i32) -> (i32, i32) {
    %c0_i32 = arith.constant 0 : i32
    %c0_i32_0 = arith.constant 0 : i32
    return %arg0, %c0_i32 : i32, i32
  }
  func.func @transform_2(%arg0: i32) -> i32 {
    %c0_i32 = arith.constant 0 : i32
    %c0_i32_0 = arith.constant 0 : i32
    return %c0_i32 : i32
  }
  func.func @transform_3(%arg0: i32) -> (i32, i32) {
    %c0_i32 = arith.constant 0 : i32
    %c0_i32_0 = arith.constant 0 : i32
    %c0_i32_1 = arith.constant 0 : i32
    return %c0_i32, %c0_i32_0 : i32, i32
  }
  func.func @transform_4(%arg0: i32) -> (i32, i32) {
    %c0_i32 = arith.constant 0 : i32
    %c0_i32_0 = arith.constant 0 : i32
    %c0_i32_1 = arith.constant 0 : i32
    return %c0_i32, %c0_i32_0 : i32, i32
  }
  func.func @transform_5(%arg0: i32) -> (i32, i32) {
    %c0_i32 = arith.constant 0 : i32
    %c0_i32_0 = arith.constant 0 : i32
    return %arg0, %c0_i32 : i32, i32
  }
}

module attributes {stable_mosaic.version = 14 : i64} {
  func.func @_fin_body(%arg0: i32, %arg1: memref<2000x128xf32, #tpu.memory_space<vmem>>, %arg2: memref<1x2000x128xf32, #tpu.memory_space<vmem>>, %arg3: memref<1x2000x128xf32, #tpu.memory_space<vmem>>, %arg4: memref<1x128xf32, #tpu.memory_space<vmem>>, %arg5: memref<128x128xf32, #tpu.memory_space<vmem>>, %arg6: memref<1x128xf32, #tpu.memory_space<vmem>>, %arg7: memref<128x128xf32, #tpu.memory_space<vmem>>, %arg8: memref<1x128xf32, #tpu.memory_space<vmem>>, %arg9: memref<2000x128xf32, #tpu.memory_space<vmem>>) attributes {dimension_semantics = [#tpu.dimension_semantics<arbitrary>], iteration_bounds = array<i64: 5>, scalar_prefetch = 0 : i64, scratch_operands = 0 : i64, tpu.core_type = #tpu.core_type<tc>, window_params = [{transform_indices = @transform_0, window_bounds = array<i64: 2000, 128>}, {transform_indices = @transform_1, window_bounds = array<i64: 1, 2000, 128>}, {transform_indices = @transform_2, window_bounds = array<i64: 1, 2000, 128>}, {pipeline_mode = #tpu.pipeline_mode<synchronous>, transform_indices = @transform_3, window_bounds = array<i64: 1, 128>}, {pipeline_mode = #tpu.pipeline_mode<synchronous>, transform_indices = @transform_4, window_bounds = array<i64: 128, 128>}, {pipeline_mode = #tpu.pipeline_mode<synchronous>, transform_indices = @transform_5, window_bounds = array<i64: 1, 128>}, {pipeline_mode = #tpu.pipeline_mode<synchronous>, transform_indices = @transform_6, window_bounds = array<i64: 128, 128>}, {pipeline_mode = #tpu.pipeline_mode<synchronous>, transform_indices = @transform_7, window_bounds = array<i64: 1, 128>}, {transform_indices = @transform_8, window_bounds = array<i64: 2000, 128>}]} {
    %get3A = arith.constant 0 : index
    %get3A_0 = arith.constant 0 : index
    %get3A_1 = vector.load %arg1[%get3A, %get3A_0] : memref<2000x128xf32, #tpu.memory_space<vmem>>, vector<2000x128xf32>
    %get3A_2 = arith.constant 0 : index
    %get3A_3 = arith.constant 0 : index
    %get3A_4 = vector.load %arg4[%get3A_2, %get3A_3] : memref<1x128xf32, #tpu.memory_space<vmem>>, vector<1x128xf32>
    %mul3A = vector.broadcast %get3A_4 : vector<1x128xf32> to vector<2000x128xf32>
    %mul3A_5 = arith.mulf %get3A_1, %mul3A : vector<2000x128xf32>
    %get3A_6 = arith.constant 0 : index
    %get3A_7 = arith.constant 0 : index
    %get3A_8 = arith.constant 0 : index
    %get3A_9 = vector.load %arg2[%get3A_6, %get3A_7, %get3A_8] : memref<1x2000x128xf32, #tpu.memory_space<vmem>>, vector<1x2000x128xf32>
    %get3A_10 = vector.shape_cast %get3A_9 : vector<1x2000x128xf32> to vector<2000x128xf32>
    %add3A = arith.addf %mul3A_5, %get3A_10 : vector<2000x128xf32>
    %get3A_11 = arith.constant 0 : index
    %get3A_12 = arith.constant 0 : index
    %get3A_13 = arith.constant 0 : index
    %get3A_14 = vector.load %arg3[%get3A_11, %get3A_12, %get3A_13] : memref<1x2000x128xf32, #tpu.memory_space<vmem>>, vector<1x2000x128xf32>
    %get3A_15 = vector.shape_cast %get3A_14 : vector<1x2000x128xf32> to vector<2000x128xf32>
    %add3A_16 = arith.addf %add3A, %get3A_15 : vector<2000x128xf32>
    %get3A_17 = arith.constant 0 : index
    %get3A_18 = arith.constant 0 : index
    %get3A_19 = vector.load %arg5[%get3A_17, %get3A_18] : memref<128x128xf32, #tpu.memory_space<vmem>>, vector<128x128xf32>
    %dot_general3A = arith.constant dense<0.000000e+00> : vector<2000x128xf32>
    %dot_general3A_20 = tpu.matmul %add3A_16, %get3A_19, %dot_general3A {dimension_numbers = #tpu.dot_dimension_numbers<[1], [0], [0], [1], [0, 0, 1, 1], [], []>, transpose_lhs_hint = false} : vector<2000x128xf32>, vector<128x128xf32>, vector<2000x128xf32> -> vector<2000x128xf32>
    %get3A_21 = arith.constant 0 : index
    %get3A_22 = arith.constant 0 : index
    %get3A_23 = vector.load %arg6[%get3A_21, %get3A_22] : memref<1x128xf32, #tpu.memory_space<vmem>>, vector<1x128xf32>
    %add3A_24 = vector.broadcast %get3A_23 : vector<1x128xf32> to vector<2000x128xf32>
    %add3A_25 = arith.addf %dot_general3A_20, %add3A_24 : vector<2000x128xf32>
    %max3A = arith.constant 0.000000e+00 : f32
    %max3A_26 = vector.broadcast %max3A : f32 to vector<2000x128xf32>
    %max3A_27 = arith.maximumf %add3A_25, %max3A_26 : vector<2000x128xf32>
    %get3A_28 = arith.constant 0 : index
    %get3A_29 = arith.constant 0 : index
    %get3A_30 = vector.load %arg7[%get3A_28, %get3A_29] : memref<128x128xf32, #tpu.memory_space<vmem>>, vector<128x128xf32>
    %dot_general3A_31 = arith.constant dense<0.000000e+00> : vector<2000x128xf32>
    %dot_general3A_32 = tpu.matmul %max3A_27, %get3A_30, %dot_general3A_31 {dimension_numbers = #tpu.dot_dimension_numbers<[1], [0], [0], [1], [0, 0, 1, 1], [], []>, transpose_lhs_hint = false} : vector<2000x128xf32>, vector<128x128xf32>, vector<2000x128xf32> -> vector<2000x128xf32>
    %get3A_33 = arith.constant 0 : index
    %get3A_34 = arith.constant 0 : index
    %get3A_35 = vector.load %arg8[%get3A_33, %get3A_34] : memref<1x128xf32, #tpu.memory_space<vmem>>, vector<1x128xf32>
    %add3A_36 = vector.broadcast %get3A_35 : vector<1x128xf32> to vector<2000x128xf32>
    %add3A_37 = arith.addf %dot_general3A_32, %add3A_36 : vector<2000x128xf32>
    %swap3A = arith.constant 0 : index
    %swap3A_38 = arith.constant 0 : index
    %swap3A_39 = vector.load %arg9[%swap3A, %swap3A_38] : memref<2000x128xf32, #tpu.memory_space<vmem>>, vector<2000x128xf32>
    tpu.vector_store %arg9[%swap3A, %swap3A_38], %add3A_37 {strides = array<i32>} : memref<2000x128xf32, #tpu.memory_space<vmem>>, vector<2000x128xf32>,
    return
  }
  func.func @transform_0(%arg0: i32) -> (i32, i32) {
    %c0_i32 = arith.constant 0 : i32
    %c0_i32_0 = arith.constant 0 : i32
    return %arg0, %c0_i32 : i32, i32
  }
  func.func @transform_1(%arg0: i32) -> (i32, i32, i32) {
    %c0_i32 = arith.constant 0 : i32
    %c0_i32_0 = arith.constant 0 : i32
    %c0_i32_1 = arith.constant 0 : i32
    return %c0_i32, %arg0, %c0_i32_0 : i32, i32, i32
  }
  func.func @transform_2(%arg0: i32) -> (i32, i32, i32) {
    %c1_i32 = arith.constant 1 : i32
    %c0_i32 = arith.constant 0 : i32
    %c0_i32_0 = arith.constant 0 : i32
    return %c1_i32, %arg0, %c0_i32 : i32, i32, i32
  }
  func.func @transform_3(%arg0: i32) -> (i32, i32) {
    %c0_i32 = arith.constant 0 : i32
    %c0_i32_0 = arith.constant 0 : i32
    %c0_i32_1 = arith.constant 0 : i32
    return %c0_i32, %c0_i32_0 : i32, i32
  }
  func.func @transform_4(%arg0: i32) -> (i32, i32) {
    %c0_i32 = arith.constant 0 : i32
    %c0_i32_0 = arith.constant 0 : i32
    %c0_i32_1 = arith.constant 0 : i32
    return %c0_i32, %c0_i32_0 : i32, i32
  }
  func.func @transform_5(%arg0: i32) -> (i32, i32) {
    %c0_i32 = arith.constant 0 : i32
    %c0_i32_0 = arith.constant 0 : i32
    %c0_i32_1 = arith.constant 0 : i32
    return %c0_i32, %c0_i32_0 : i32, i32
  }
  func.func @transform_6(%arg0: i32) -> (i32, i32) {
    %c0_i32 = arith.constant 0 : i32
    %c0_i32_0 = arith.constant 0 : i32
    %c0_i32_1 = arith.constant 0 : i32
    return %c0_i32, %c0_i32_0 : i32, i32
  }
  func.func @transform_7(%arg0: i32) -> (i32, i32) {
    %c0_i32 = arith.constant 0 : i32
    %c0_i32_0 = arith.constant 0 : i32
    %c0_i32_1 = arith.constant 0 : i32
    return %c0_i32, %c0_i32_0 : i32, i32
  }
  func.func @transform_8(%arg0: i32) -> (i32, i32) {
    %c0_i32 = arith.constant 0 : i32
    %c0_i32_0 = arith.constant 0 : i32
    return %arg0, %c0_i32 : i32, i32
  }
}

</mosaic_0001>

<sc_bundles>
// kernel: kernel.15.cloned.1.call-start
scs
__scs_entry_jumppad:
0x0: {  	(pc) =	sbr.rel $0x88, $3  }
0x1: {  	(tag) =	ssettag $0x0;
	lr =	simm.s32 $0x1  }
0x2: {  	[smem:$0x3F96] =	sst lr;
	_ =	strace $0xD0000000  }
0x3: {  	_ = 	snop  }
0x4: {  	_ = 	snop  }
0x5: {  	_ = 	snop  }
0x6: {  	_ = 	snop  }
0x7: {  	_ = 	snop  }
__scs_overlays_trampoline_lowered:
0x8: {  	[smem:$0x3FA5] =	sst s0  }
0x9: {  	[smem:$0x3FA6] =	sst s1  }
0xa: {  	[smem:$0x3FA7] =	sst s2  }
0xb: {  	[smem:$0x3FA8] =	sst s3  }
0xc: {  	[smem:$0x3FA9] =	sst s4  }
0xd: {  	[smem:$0x3FAA] =	sst s5  }
0xe: {  	[smem:$0x3FAB] =	sst s6  }
0xf: {  	[smem:$0x3FAC] =	sst s7  }
0x10: {  	[smem:$0x3FAD] =	sst s8  }
0x11: {  	[smem:$0x3FAE] =	sst s9;
	s0 =	simm.s32 @!p0 $0x0  }
0x12: {  	s1 =	sld [smem:$0x3F94];
	s0 =	simm.s32 @p0 $0x1  }
0x13: {  	[smem:$0x3FAF] =	sst s0;
	s0 =	simm.s32 @!p1 $0x0  }
0x14: {  	s2 =	sld [smem:$0x3F93];
	s0 =	simm.s32 @p1 $0x1  }
0x15: {  	[smem:$0x3FB0] =	sst s0;
	s0 =	simm.s32 @!p2 $0x0  }
0x16: {  	s3 =	sld [smem:$0x3FDB];
	s0 =	simm.s32 @p2 $0x1  }
0x17: {  	s4 =	simm.s32 $0x1BF5;
	[smem:$0x3FB2] =	sst s0  }
0x18: {  	s0 =	sld [smem:$0x3F95];
	_ =	swait.ge [sflag:s4], $0x0  }
0x19: {  	s7 =	sld [smem:$0x3F96]  }
0x1a: {  	s8 =	sadd.s32 $0xFFFFE003, lr  }
0x1b: {  	s9 =	sadd.s32 $0xFFFFFEF7, lr;
	s5 =	simm.s32 $0xFFFFFFFF;
	p2 =	slt.u32 s8, $0xFFFFF086  }
0x1c: {  	p1 =	slt.u32 s9, $0xF7A;
	s5 =	simm.s32 @!p2 $0x0  }
0x1d: {  	s5 =	simm.s32 @p1 $0x1;
	p0 =	seq.s32 s7, s2  }
0x1e: {  	s7 =	smul.u32 @!p0 $0xF7A, s2;
	p2 =	seq.s32 @!p0 s5, $0x0  }
0x1f: {  	s9 =	smul.u32 $0xF7A, s1;
	s8 =	simm.s32 @!p0 $0x1BF5;
	p2 =	por !p2, p0  }
0x20: {  	[sflag:s8] =	ssyncset.s32 @!p0 $0xFFFFF086;
	s6 =	sadd.s32 @!p0 s3, s7;
	s7 =	simm.s32 @!p0 $0x108  }
0x21: {  	s3 =	sadd.s32 s3, s9;
	s6 =	sadd.s32 @!p0 $0x88, s6;
	s7 =	simm.s32 @p2 $0x1082  }
0x22: {  	[simem:s7], [sflag:s8] =	dma.local @!p0 [hbm:s6], $0xF7A  }
0x23: {  	s9 =	sor.u32 $0xD0000000, s2;
	s6 =	simm.s32 $0x108;
	_ =	swait.ge @!p0 [sflag:s8], $0x0  }
0x24: {  	s3 =	sadd.s32 $0x88, s3;
	s6 =	simm.s32 @!p1 $0x1082;
	[sflag:s4] =	ssyncset.s32 $0xFFFFF086  }
0x25: {  	[simem:s6], [sflag:s4] =	dma.local [hbm:s3], $0xF7A  }
0x26: {  	[smem:$0x3F96] =	sst s1;
	(tag) =	ssettag s2;
	_ =	strace s9  }
0x27: {  	s1 =	sld [smem:$0x3FA6]  }
0x28: {  	s2 =	sld [smem:$0x3FA7]  }
0x29: {  	s4 =	sld [smem:$0x3FA9]  }
0x2a: {  	p0 =	seq.s32 s5, $0x0;
	s5 =	sld [smem:$0x3FAA]  }
0x2b: {  	s6 =	sld [smem:$0x3FAB]  }
0x2c: {  	s7 =	sld [smem:$0x3FAC]  }
0x2d: {  	s3 =	simm.s32 $0x108;
	s8 =	sld [smem:$0x3FAD]  }
0x2e: {  	s3 =	simm.s32 @!p0 $0x1082;
	s9 =	sld [smem:$0x3FAE]  }
0x2f: {  	lr =	sadd.s32 s0, s3;
	s0 =	sld [smem:$0x3FA5]  }
0x30: {  	s3 =	sld [smem:$0x3FA8]  }
0x31: {  	[smem:$0x3FB1] =	sst s10  }
0x32: {  	s10 =	sld [smem:$0x3FAF];
	_ =	sdelay $0x3  }
0x33: {  	p0 =	seq.s32 s10, $0x1;
	s10 =	sld [smem:$0x3FB1];
	_ =	sdelay $0x3  }
0x34: {  	[smem:$0x3FB1] =	sst s10  }
0x35: {  	s10 =	sld [smem:$0x3FB0];
	_ =	sdelay $0x3  }
0x36: {  	p1 =	seq.s32 s10, $0x1;
	s10 =	sld [smem:$0x3FB1];
	_ =	sdelay $0x3  }
0x37: {  	[smem:$0x3FB1] =	sst s10  }
0x38: {  	s10 =	sld [smem:$0x3FB2]  }
0x39: {  	_ = 	snop;
	(pc) =	sbr.ind lr, $3  }
0x3a: {  	_ = 	snop  }
0x3b: {  	_ = 	snop  }
0x3c: {  	p2 =	seq.s32 s10, $0x1;
	s10 =	sld [smem:$0x3FB1]  }
0x3d: {  	_ =	shalt  }
0x3e: {  	_ =	shalt  }
0x3f: {  	_ =	shalt  }
0x40: {  	_ =	shalt  }
0x41: {  	_ =	shalt  }
0x42: {  	_ =	shalt  }
0x43: {  	_ =	shalt  }
0x44: {  	_ =	shalt  }
0x45: {  	_ =	shalt  }
0x46: {  	_ =	shalt  }
0x47: {  	_ =	shalt  }
0x48: {  	_ =	shalt  }
0x49: {  	_ =	shalt  }
0x4a: {  	_ =	shalt  }
0x4b: {  	_ =	shalt  }
0x4c: {  	_ =	shalt  }
0x4d: {  	_ =	shalt  }
0x4e: {  	_ =	shalt  }
0x4f: {  	_ =	shalt  }
0x50: {  	_ =	shalt  }
0x51: {  	_ =	shalt  }
0x52: {  	_ =	shalt  }
0x53: {  	_ =	shalt  }
0x54: {  	_ =	shalt  }
0x55: {  	_ =	shalt  }
0x56: {  	_ =	shalt  }
0x57: {  	_ =	shalt  }
0x58: {  	_ =	shalt  }
0x59: {  	_ =	shalt  }
0x5a: {  	_ =	shalt  }
0x5b: {  	_ =	shalt  }
0x5c: {  	_ =	shalt  }
0x5d: {  	_ =	shalt  }
0x5e: {  	_ =	shalt  }
0x5f: {  	_ =	shalt  }
0x60: {  	_ =	shalt  }
0x61: {  	_ =	shalt  }
0x62: {  	_ =	shalt  }
0x63: {  	_ =	shalt  }
0x64: {  	_ =	shalt  }
0x65: {  	_ =	shalt  }
0x66: {  	_ =	shalt  }
0x67: {  	_ =	shalt  }
0x68: {  	_ =	shalt  }
0x69: {  	_ =	shalt  }
0x6a: {  	_ =	shalt  }
0x6b: {  	_ =	shalt  }
0x6c: {  	_ =	shalt  }
0x6d: {  	_ =	shalt  }
0x6e: {  	_ =	shalt  }
0x6f: {  	_ =	shalt  }
0x70: {  	_ =	shalt  }
0x71: {  	_ =	shalt  }
0x72: {  	_ =	shalt  }
0x73: {  	_ =	shalt  }
0x74: {  	_ =	shalt  }
0x75: {  	_ =	shalt  }
0x76: {  	_ =	shalt  }
0x77: {  	_ =	shalt  }
0x78: {  	_ =	shalt  }
0x79: {  	_ =	shalt  }
0x7a: {  	_ =	shalt  }
0x7b: {  	_ =	shalt  }
0x7c: {  	_ =	shalt  }
0x7d: {  	_ =	shalt  }
0x7e: {  	_ =	shalt  }
0x7f: {  	_ =	shalt  }
0x80: {  	_ =	shalt  }
0x81: {  	_ =	shalt  }
0x82: {  	_ =	shalt  }
0x83: {  	_ =	shalt  }
0x84: {  	_ =	shalt  }
0x85: {  	_ =	shalt  }
0x86: {  	_ =	shalt  }
0x87: {  	_ =	shalt  }
.Lfunc_end0:
.L_simem_size_0:
called_computation_lowered:
.L_overlay_start_0:
0x88: {  	s2 =	sld [smem:$0x3FD9]  }
0x89: {  	s3 =	sld [smem:$0x3FFE];
	_ =	sdelay $0x1  }
0x8a: {  	s1 =	srdreg.scid  }
0x8b: {  	s0 =	sand.u32 $0x1, s1  }
0x8c: {  	s17 =	sshll.u32 s0, $0xA;
	s2 =	sadd.s32 s3, s2  }
0x8d: {  	s2 =	sadd.s32 s2, s17  }
0x8e: {  	[smem:$0x3FBD] =	sst s2  }
0x8f: {  	_ = 	snop  }
0x90: {  	s18 =	sld [smem:$0x3FC9];
	(tm) =	ssettm $0x1  }
0x91: {  	s19 =	sld [smem:$0x3FFB];
	_ =	sdelay $0x3  }
0x92: {  	_ =	strace s19  }
0x93: {  	s2 =	sld [smem:$0x3FFC];
	_ =	sdelay $0x3  }
0x94: {  	_ =	strace s2  }
0x95: {  	s2 =	sld [smem:$0x3FFD];
	_ =	sdelay $0x3  }
0x96: {  	_ =	strace s2  }
0x97: {  	_ =	strace $0x8FFFFFFF  }
0x98: {  	s20 =	sld [smem:$0x3FDB];
	_ =	sdelay $0x1  }
0x99: {  	s4 =	simm.s32 $_scs_section_size  }
0x9a: {  	s5 =	simm.s32 $_size__tile_overlayer_lowered;
	s6 =	simm.s32 $_tile_overlayer_lowered  }
0x9b: {  	s7 =	simm.s32 $0x1BFF;
	s21 =	sshll.u32 s6, $0x1;
	s4 =	sadd.s32 s4, s20  }
0x9c: {  	s22 =	simm.s32 $0x0;
	s5 =	sshll.u32 s5, $0x1;
	s6 =	sadd.s32 s21, s4  }
0x9d: {  	[timem:s22], [sflag:s7] =	dma.local [hbm:s6], s5  }
0x9e: {  	_ =	swait.ge [sflag:s7], s5  }
0x9f: {  	s5 =	ssub.s32 $0x0, s5;
	[sflag:s7] =	ssyncset.done $0x0  }
0xa0: {  	[sflag:s7] =	ssyncadd.s32 s5;
	_ =	sdelay $0x1  }
0xa1: {  	s23 =	simm.s32 $0x1B8B  }
0xa2: {  	_ =	swait.ge [sflag:s23], $0x1  }
0xa3: {  	[sflag:s23] =	ssyncset.done $0x0  }
0xa4: {  	[sflag:s23] =	ssyncadd.s32 $0xFFFFFFFF  }
0xa5: {  	s5 =	sld [smem:$0x0]  }
0xa6: {  	s6 =	sand.u32 $0xFFFFFFFE, s1  }
0xa7: {  	p0 =	sne.s32 s1, s6  }
0xa8: {  	s6 =	sshll.u32 @p0 s6, $0xE  }
0xa9: {  	s6 =	sadd.s32 @p0 $0x11B8D, s6;
	s7 =	sshll.u32 @p0 s5, $0x11  }
0xaa: {  	s6 =	sor.u32 @p0 s7, s6  }
0xab: {  	[sflag:s6] =	ssyncadd.remote.s32 @p0 $0x1;
	_ =	sdelay $0x1  }
0xac: {  	s6 =	simm.s32 @p0 $0x1B8D  }
0xad: {  	_ =	swait.eq @p0 [sflag:s6], $0x1  }
0xae: {  	[sflag:s6] =	ssyncadd.s32 @p0 $0xFFFFFFFF  }
0xaf: {  	s7 =	sshll.u32 @!p0 s1, $0xE  }
0xb0: {  	s7 =	sor.u32 @!p0 $0x4000, s7;
	s6 =	simm.s32 @!p0 $0x1B8D  }
0xb1: {  	s5 =	sshll.u32 @!p0 s5, $0x11;
	s7 =	sadd.s32 @!p0 $0x11B8D, s7;
	_ =	swait.eq @!p0 [sflag:s6], $0x1  }
0xb2: {  	s5 =	sor.u32 @!p0 s5, s7;
	[sflag:s6] =	ssyncadd.s32 @!p0 $0xFFFFFFFF  }
0xb3: {  	s25 =	simm.s32 $0x1B8E;
	s24 =	sld [smem:$0x3FFE];
	[sflag:s5] =	ssyncadd.remote.s32 @!p0 $0x1  }
0xb4: {  	s26 =	simm.s32 $execute0_lowered;
	[smem:$0x3FD2] =	sst s25  }
0xb5: {  	s6 =	sshll.u32 s26, $0x1;
	_ =	strace $0x8000004C;
	[dreg:$0x1] =	wrdreg $0xFFFFFFFF  }
0xb6: {  	s28 =	simm.s32 $_size_execute0_lowered;
	s4 =	sadd.s32 s4, s6;
	[dreg:$0x0] =	wrdreg $0x0  }
0xb7: {  	s6 =	sshll.u32 s28, $0x1;
	[dreg:$0x2] =	wrdreg s4  }
0xb8: {  	[dreg:$0x3] =	wrdreg s6  }
0xb9: {  	[dreg:$0x4] =	wrdreg $0xC0  }
0xba: {  	_ =	task [dreg:s22], $0x5FFFF  }
0xbb: {  	[dreg:$0x1] =	wrdreg $0xFFFFFFFF  }
0xbc: {  	[dreg:$0x0] =	wrdreg $0x60  }
0xbd: {  	[dreg:$0x2] =	wrdreg s18  }
0xbe: {  	[dreg:$0x3] =	wrdreg s24  }
0xbf: {  	[dreg:$0x4] =	wrdreg $0x60000  }
0xc0: {  	[dreg:$0x5] =	wrdreg $0xB  }
0xc1: {  	_ =	task.clear_ibuf [dreg:s22], $0x6FFFF;
	_ =	strace $0x9000004C  }
0xc2: {  	s29 =	simm.s32 $0xB;
	_ =	strace $0x8000004E  }
0xc3: {  	_ =	swait.ge [sflag:s29], $0x1  }
0xc4: {  	[sflag:s29] =	ssyncadd.s32 $0xFFFFFFFF  }
0xc5: {  	_ =	strace $0x9000004E  }
0xc6: {  	_ =	sfence  }
0xc7: {  	s30 =	sld [smem:$0x0];
	_ =	sdelay $0x2  }
0xc8: {  	s31 =	sshll.u32 s1, $0xD;
	s1 =	sshrl.u32 s1, $0x2  }
0xc9: {  	s4 =	sand.u32 $0x4000, s31;
	s1 =	sadd.s32 s1, s30  }
0xca: {  	s0 =	sor.u32 s4, s0;
	s1 =	sshll.u32 s1, $0x11  }
0xcb: {  	s0 =	sor.u32 s1, s0  }
0xcc: {  	s0 =	sadd.s32 $0x8F2B, s0  }
0xcd: {  	[sflag:s0] =	ssyncadd.remote.s32 $0x1  }
0xce: {  	_ =	sfence.sel $0xFFFF  }
0xcf: {  	[dreg:$0x0] =	wrdreg $0xFFFFFFFF;
	(pc) =	sbr.abs _section_cstart, $3  }
0xd0: {  	[dreg:$0x1] =	wrdreg $0xFFFFFFFF  }
0xd1: {  	_ =	task.clear_ibuf [dreg:s22], $0x2FFFF;
	_ =	strace $0x9FFFFFFF  }
0xd2: {  	(tm) =	ssettm $0x7FFFFFFF  }
0xd3: {  	_ =	shalt  }
tec
execute0_lowered:
.L_overlay_start_1:
0x0: {  	(tag) =	ssettag $0x1  }
0x1: {  	s5 =	rddreg [dreg:$0x0]  }
0x2: {  	s4 =	rddreg [dreg:$0x1]  }
0x3: {  	s2 =	rddreg [dreg:$0x2]  }
0x4: {  	s0 =	rddreg [dreg:$0x3];
	s6 =	srdreg.scid  }
0x5: {  	s1 =	stileid.u32;
	s3 =	simm.s32 $0x0;
	s15 =	simm.s32 $0x1000  }
0x6: {  	s16 =	simm.s32 $0x3800;
	s17 =	simm.s32 $0x1;
	s18 =	simm.s32 $0x2  }
0x7: {  	s19 =	simm.s32 $0x0;
	s8 =	sand.u32 $0x1, s6;
	s9 =	smul.u32 $0x4F000, s1  }
0x8: {  	s28 =	sshll.u32 s1, $0x1;
	[smem:$0x7FF] =	sst s3;
	s11 =	smul.u32 $0x2780, s1  }
0x9: {  	s13 =	sadd.s32 $0x209000, s4;
	s14 =	smul.u32 $0xFA00, s1;
	p0 =	seq.s32 s1, $0xF  }
0xa: {  	s6 =	sor.u32 s8, s28;
	_ =	strace $0x8000004D;
	s10 =	ssub.s32 $0x2, s8  }
0xb: {  	s30 =	smul.u32 $0x7D00, s8;
	s7 =	sshll.u32 s6, $0x9;
	s12 =	sshrl.u32 s10, $0x1  }
0xc: {  	s9 =	sshrl.u32 s9, $0x2;
	s6 =	smul.u32 $0x3E800, s6;
	s31 =	sadd.s32 s14, s13  }
0xd: {  	s14 =	simm.s32 $0x50;
	s7 =	sadd.s32 s7, s4;
	s10 =	ssub.s32 s10, s12  }
0xe: {  	s12 =	sadd.s32 s9, s2;
	s4 =	sadd.s32 s5, s11;
	s11 =	sadd.s32 $0x128400, s2  }
0xf: {  	s5 =	sadd.s32 $0x25080, s5;
	s9 =	sadd.s32 s30, s31;
	s6 =	sshrl.u32 s6, $0x3  }
0x10: {  	s8 =	smax.u32 s10, $0x1;
	s10 =	sshrl.u32 @p0 s11, $0x3;
	s11 =	sshll.u32 @!p0 s1, $0x6  }
0x11: {  	s12 =	sshrl.u32 @!p0 s12, $0x3;
	s29 =	sadd.s32 s13, s6;
	s6 =	sadd.s32 $0x205000, s7  }
0x12: {  	s11 =	sor.u32 @!p0 $0x1C03, s11;
	s13 =	simm.s32 $0x3;
	s7 =	sadd.s32 $0x7800, s29  }
.LBB2_1:
0x13: {  	s20 =	simm.s32 @p0 $0x1FC3  }
0x14: {  	[spmem:s10], [sflag:s20] =	dma.local @p0 [hbm:s5], $0x2080  }
0x15: {  	s20 =	simm.s32 @p0 $0x3  }
0x16: {  	_ =	swait.ge @p0 [sflag:s20], $0x2080  }
0x17: {  	[sflag:s20] =	ssyncset.done @p0 $0x0  }
0x18: {  	[sflag:s20] =	ssyncadd.s32 @p0 $0xFFFFDF80;
	s20 =	simm.s32 @!p0 $0x3  }
0x19: {  	[spmem:s12], [sflag:s11] =	dma.local @!p0 [hbm:s4], $0x2780  }
0x1a: {  	_ =	swait.ge @!p0 [sflag:s20], $0x2780  }
0x1b: {  	[sflag:s20] =	ssyncset.done @!p0 $0x0  }
0x1c: {  	[sflag:s20] =	ssyncadd.s32 @!p0 $0xFFFFD880  }
0x1d: {  	[tilespmem:s3], [sflag:$0x3] =	stream.linear.gather [hbm4b:s6+s3], $0xC80, $0x38;
	[tilespmem:$0x19880] =	vst v63  }
0x1e: {  	_ =	swait.ge [sflag:s13], $0xC80  }
0x1f: {  	[sflag:s13] =	ssyncset.done $0x0  }
0x20: {  	[sflag:s13] =	ssyncadd.s32 $0xFFFFF380  }
0x21: {  	[bflag:$0x0] =	sbarrier.arrive $0xFFFF  }
0x22: {  	[tilespmem:s15], [sflag:$0x1] =	stream.indirect.gather [spmem:s2], $0x80, s3, s14, $0xb8;
	[tilespmem:$0x19880] =	vst v63  }
0x23: {  	s30 =	simm.s32 $0x80  }
0x24: {  	[tilespmem:s16], [sflag:$0x2] =	stream.indirect.gather [spmem:s2], $0x80, s30, s14, $0xb8;
	[tilespmem:$0x19880] =	vst v63  }
0x25: {  	_ =	swait.ge [sflag:s17], $0x2800  }
0x26: {  	[sflag:s17] =	ssyncset.done $0x0  }
0x27: {  	s31 =	sadd.s32 $0x0, s9;
	[sflag:s17] =	ssyncadd.s32 $0xFFFFD800  }
0x28: {  	[hbm4b:s31+s3] =	stream.linear.scatter [tilespmem:s15], [sflag:$0x3], $0x2800, $0x38;
	[tilespmem:$0x19880] =	vst v63  }
0x29: {  	_ =	swait.ge [sflag:s13], $0x2800  }
0x2a: {  	[sflag:s13] =	ssyncset.done $0x0  }
0x2b: {  	s21 =	simm.s32 $0x100;
	[sflag:s13] =	ssyncadd.s32 $0xFFFFD800  }
0x2c: {  	[tilespmem:s15], [sflag:$0x1] =	stream.indirect.gather [spmem:s2], $0x80, s21, s14, $0xb8;
	[tilespmem:$0x19880] =	vst v63  }
0x2d: {  	_ =	swait.ge [sflag:s18], $0x2800  }
0x2e: {  	[sflag:s18] =	ssyncset.done $0x0  }
0x2f: {  	s20 =	sadd.s32 $0x500, s31;
	[sflag:s18] =	ssyncadd.s32 $0xFFFFD800  }
0x30: {  	[hbm4b:s20+s3] =	stream.linear.scatter [tilespmem:s16], [sflag:$0x3], $0x2800, $0x38;
	[tilespmem:$0x19880] =	vst v63  }
0x31: {  	s22 =	simm.s32 $0x1400;
	_ =	swait.ge [sflag:s13], $0x2800  }
0x32: {  	s21 =	simm.s32 $0xA00;
	s20 =	simm.s32 $0x200;
	[sflag:s13] =	ssyncset.done $0x0  }
.LBB2_2:
0x33: {  	p1 =	sne.s32 s22, $0x6E00;
	s23 =	sadd.s32 $0xFFFFFF80, s20;
	[sflag:s13] =	ssyncadd.s32 $0xFFFFD800  }
0x34: {  	[tilespmem:s16], [sflag:$0x2] =	stream.indirect.gather [spmem:s2], $0x80, s23, s14, $0xb8;
	[tilespmem:$0x19880] =	vst v63  }
0x35: {  	s23 =	smov.u32 s22;
	s22 =	sadd.s32 $0xA00, s22;
	_ =	swait.ge [sflag:s17], $0x2800  }
0x36: {  	[sflag:s17] =	ssyncset.done $0x0  }
0x37: {  	s24 =	sadd.s32 s21, s9;
	s21 =	smov.u32 s23;
	[sflag:s17] =	ssyncadd.s32 $0xFFFFD800  }
0x38: {  	[hbm4b:s24+s3] =	stream.linear.scatter [tilespmem:s15], [sflag:$0x3], $0x2800, $0x38;
	[tilespmem:$0x19880] =	vst v63  }
0x39: {  	_ =	swait.ge [sflag:s13], $0x2800  }
0x3a: {  	[sflag:s13] =	ssyncset.done $0x0  }
0x3b: {  	[sflag:s13] =	ssyncadd.s32 $0xFFFFD800  }
0x3c: {  	[tilespmem:s15], [sflag:$0x1] =	stream.indirect.gather [spmem:s2], $0x80, s20, s14, $0xb8;
	[tilespmem:$0x19880] =	vst v63  }
0x3d: {  	_ =	swait.ge [sflag:s18], $0x2800  }
.Ltmp0:
0x3e: {  	[sflag:s18] =	ssyncset.done $0x0;
	(pc) =	sbr.rel @p1 .LBB2_2-.Ltmp0, $4  }
0x3f: {  	s23 =	sadd.s32 $0x500, s24;
	[sflag:s18] =	ssyncadd.s32 $0xFFFFD800  }
0x40: {  	[hbm4b:s23+s3] =	stream.linear.scatter [tilespmem:s16], [sflag:$0x3], $0x2800, $0x38;
	[tilespmem:$0x19880] =	vst v63  }
0x41: {  	_ =	swait.ge [sflag:s13], $0x2800  }
0x42: {  	s20 =	sadd.s32 $0x100, s20;
	[sflag:s13] =	ssyncset.done $0x0  }
0x43: {  	s22 =	sadd.s32 $0xFFFFFF80, s20;
	[sflag:s13] =	ssyncadd.s32 $0xFFFFD800  }
0x44: {  	[tilespmem:s16], [sflag:$0x2] =	stream.indirect.gather [spmem:s2], $0x80, s22, s14, $0xb8;
	[tilespmem:$0x19880] =	vst v63  }
0x45: {  	_ =	swait.ge [sflag:s17], $0x2800  }
0x46: {  	[sflag:s17] =	ssyncset.done $0x0  }
0x47: {  	s21 =	sadd.s32 s21, s9;
	[sflag:s17] =	ssyncadd.s32 $0xFFFFD800  }
0x48: {  	[hbm4b:s21+s3] =	stream.linear.scatter [tilespmem:s15], [sflag:$0x3], $0x2800, $0x38;
	[tilespmem:$0x19880] =	vst v63  }
0x49: {  	_ =	swait.ge [sflag:s13], $0x2800  }
0x4a: {  	[sflag:s13] =	ssyncset.done $0x0  }
0x4b: {  	[sflag:s13] =	ssyncadd.s32 $0xFFFFD800  }
0x4c: {  	[tilespmem:s15], [sflag:$0x1] =	stream.indirect.gather [spmem:s2], $0x80, s20, s14, $0xb8;
	[tilespmem:$0x19880] =	vst v63  }
0x4d: {  	_ =	swait.ge [sflag:s18], $0x2800  }
0x4e: {  	[sflag:s18] =	ssyncset.done $0x0  }
0x4f: {  	s31 =	sadd.s32 $0x500, s21;
	[sflag:s18] =	ssyncadd.s32 $0xFFFFD800  }
0x50: {  	[hbm4b:s31+s3] =	stream.linear.scatter [tilespmem:s16], [sflag:$0x3], $0x2800, $0x38;
	[tilespmem:$0x19880] =	vst v63  }
0x51: {  	_ =	swait.ge [sflag:s13], $0x2800  }
0x52: {  	[sflag:s13] =	ssyncset.done $0x0  }
0x53: {  	[sflag:s13] =	ssyncadd.s32 $0xFFFFD800  }
0x54: {  	s19 =	sadd.s32 $0x1, s19;
	_ =	swait.ge [sflag:s17], $0x2800  }
0x55: {  	p1 =	sne.s32 s19, s8;
	[sflag:s17] =	ssyncset.done $0x0  }
.Ltmp1:
0x56: {  	[sflag:s17] =	ssyncadd.s32 $0xFFFFD800;
	(pc) =	sbr.rel @p1 .LBB2_1-.Ltmp1, $4  }
0x57: {  	[hbm4b:s7+s3] =	stream.linear.scatter [tilespmem:s15], [sflag:$0x3], $0x2800, $0x38;
	[tilespmem:$0x19880] =	vst v63  }
0x58: {  	_ =	swait.ge [sflag:s13], $0x2800  }
0x59: {  	[sflag:s13] =	ssyncset.done $0x0  }
0x5a: {  	[sflag:s13] =	ssyncadd.s32 $0xFFFFD800  }
0x5b: {  	_ =	sfence.sel $0x180000  }
0x5c: {  	[bflag:$0x0] =	sbarrier.arrive $0xFFFF  }
0x5d: {  	p0 =	sne.s32 s1, $0x0;
	_ =	strace $0x9000004D  }
0x5e: {  	s0 =	sadd.s32 @!p0 $0x100000, s0;
	[bflag:$0x2] =	sbarrier.arrive $0xFFFF  }
0x5f: {  	[sflag:s0] =	ssyncadd.tile.s32 @!p0 $0x1;
	_ =	shalt  }
.Lfunc_end2:
_tile_overlayer_lowered:
.L_overlay_start_2:
0x60: {  	(tag) =	ssettag $0x2  }
0x61: {  	s0 =	rddreg [dreg:$0x0];
	s2 =	stileid.u32  }
0x62: {  	s1 =	rddreg [dreg:$0x1];
	p0 =	sne.s32 s2, $0x0  }
0x63: {  	s3 =	rddreg [dreg:$0x2];
	[bflag:$0x3] =	sbarrier.arrive $0xFFFF;
	s2 =	simm.s32 @!p0 $0x1C03  }
0x64: {  	[timem:s3], [sflag:s2] =	dma.local @!p0 [hbm:s0], s1  }
0x65: {  	s0 =	simm.s32 @!p0 $0x3  }
0x66: {  	_ =	swait.ge @!p0 [sflag:s0], s1  }
0x67: {  	s1 =	ssub.s32 @!p0 $0x0, s1;
	[sflag:s0] =	ssyncset.done @!p0 $0x0  }
0x68: {  	[sflag:s0] =	ssyncadd.s32 @!p0 s1  }
0x69: {  	[bflag:$0x3] =	sbarrier.arrive $0xFFFF  }
0x6a: {  	_ =	shalt  }

// kernel: kernel.18.cloned.1.call-start
scs
__scs_entry_jumppad:
0x0: {  	(pc) =	sbr.rel $0x88, $3  }
0x1: {  	(tag) =	ssettag $0x0;
	lr =	simm.s32 $0x1  }
0x2: {  	[smem:$0x3F96] =	sst lr;
	_ =	strace $0xD0000000  }
0x3: {  	_ = 	snop  }
0x4: {  	_ = 	snop  }
0x5: {  	_ = 	snop  }
0x6: {  	_ = 	snop  }
0x7: {  	_ = 	snop  }
__scs_overlays_trampoline_lowered:
0x8: {  	[smem:$0x3FA5] =	sst s0  }
0x9: {  	[smem:$0x3FA6] =	sst s1  }
0xa: {  	[smem:$0x3FA7] =	sst s2  }
0xb: {  	[smem:$0x3FA8] =	sst s3  }
0xc: {  	[smem:$0x3FA9] =	sst s4  }
0xd: {  	[smem:$0x3FAA] =	sst s5  }
0xe: {  	[smem:$0x3FAB] =	sst s6  }
0xf: {  	[smem:$0x3FAC] =	sst s7  }
0x10: {  	[smem:$0x3FAD] =	sst s8  }
0x11: {  	[smem:$0x3FAE] =	sst s9;
	s0 =	simm.s32 @!p0 $0x0  }
0x12: {  	s1 =	sld [smem:$0x3F94];
	s0 =	simm.s32 @p0 $0x1  }
0x13: {  	[smem:$0x3FAF] =	sst s0;
	s0 =	simm.s32 @!p1 $0x0  }
0x14: {  	s2 =	sld [smem:$0x3F93];
	s0 =	simm.s32 @p1 $0x1  }
0x15: {  	[smem:$0x3FB0] =	sst s0;
	s0 =	simm.s32 @!p2 $0x0  }
0x16: {  	s3 =	sld [smem:$0x3FDB];
	s0 =	simm.s32 @p2 $0x1  }
0x17: {  	s4 =	simm.s32 $0x1BF5;
	[smem:$0x3FB2] =	sst s0  }
0x18: {  	s0 =	sld [smem:$0x3F95];
	_ =	swait.ge [sflag:s4], $0x0  }
0x19: {  	s7 =	sld [smem:$0x3F96]  }
0x1a: {  	s8 =	sadd.s32 $0xFFFFE003, lr  }
0x1b: {  	s9 =	sadd.s32 $0xFFFFFEF7, lr;
	s5 =	simm.s32 $0xFFFFFFFF;
	p2 =	slt.u32 s8, $0xFFFFF086  }
0x1c: {  	p1 =	slt.u32 s9, $0xF7A;
	s5 =	simm.s32 @!p2 $0x0  }
0x1d: {  	s5 =	simm.s32 @p1 $0x1;
	p0 =	seq.s32 s7, s2  }
0x1e: {  	s7 =	smul.u32 @!p0 $0xF7A, s2;
	p2 =	seq.s32 @!p0 s5, $0x0  }
0x1f: {  	s9 =	smul.u32 $0xF7A, s1;
	s8 =	simm.s32 @!p0 $0x1BF5;
	p2 =	por !p2, p0  }
0x20: {  	[sflag:s8] =	ssyncset.s32 @!p0 $0xFFFFF086;
	s6 =	sadd.s32 @!p0 s3, s7;
	s7 =	simm.s32 @!p0 $0x108  }
0x21: {  	s3 =	sadd.s32 s3, s9;
	s6 =	sadd.s32 @!p0 $0x88, s6;
	s7 =	simm.s32 @p2 $0x1082  }
0x22: {  	[simem:s7], [sflag:s8] =	dma.local @!p0 [hbm:s6], $0xF7A  }
0x23: {  	s9 =	sor.u32 $0xD0000000, s2;
	s6 =	simm.s32 $0x108;
	_ =	swait.ge @!p0 [sflag:s8], $0x0  }
0x24: {  	s3 =	sadd.s32 $0x88, s3;
	s6 =	simm.s32 @!p1 $0x1082;
	[sflag:s4] =	ssyncset.s32 $0xFFFFF086  }
0x25: {  	[simem:s6], [sflag:s4] =	dma.local [hbm:s3], $0xF7A  }
0x26: {  	[smem:$0x3F96] =	sst s1;
	(tag) =	ssettag s2;
	_ =	strace s9  }
0x27: {  	s1 =	sld [smem:$0x3FA6]  }
0x28: {  	s2 =	sld [smem:$0x3FA7]  }
0x29: {  	s4 =	sld [smem:$0x3FA9]  }
0x2a: {  	p0 =	seq.s32 s5, $0x0;
	s5 =	sld [smem:$0x3FAA]  }
0x2b: {  	s6 =	sld [smem:$0x3FAB]  }
0x2c: {  	s7 =	sld [smem:$0x3FAC]  }
0x2d: {  	s3 =	simm.s32 $0x108;
	s8 =	sld [smem:$0x3FAD]  }
0x2e: {  	s3 =	simm.s32 @!p0 $0x1082;
	s9 =	sld [smem:$0x3FAE]  }
0x2f: {  	lr =	sadd.s32 s0, s3;
	s0 =	sld [smem:$0x3FA5]  }
0x30: {  	s3 =	sld [smem:$0x3FA8]  }
0x31: {  	[smem:$0x3FB1] =	sst s10  }
0x32: {  	s10 =	sld [smem:$0x3FAF];
	_ =	sdelay $0x3  }
0x33: {  	p0 =	seq.s32 s10, $0x1;
	s10 =	sld [smem:$0x3FB1];
	_ =	sdelay $0x3  }
0x34: {  	[smem:$0x3FB1] =	sst s10  }
0x35: {  	s10 =	sld [smem:$0x3FB0];
	_ =	sdelay $0x3  }
0x36: {  	p1 =	seq.s32 s10, $0x1;
	s10 =	sld [smem:$0x3FB1];
	_ =	sdelay $0x3  }
0x37: {  	[smem:$0x3FB1] =	sst s10  }
0x38: {  	s10 =	sld [smem:$0x3FB2]  }
0x39: {  	_ = 	snop;
	(pc) =	sbr.ind lr, $3  }
0x3a: {  	_ = 	snop  }
0x3b: {  	_ = 	snop  }
0x3c: {  	p2 =	seq.s32 s10, $0x1;
	s10 =	sld [smem:$0x3FB1]  }
0x3d: {  	_ =	shalt  }
0x3e: {  	_ =	shalt  }
0x3f: {  	_ =	shalt  }
0x40: {  	_ =	shalt  }
0x41: {  	_ =	shalt  }
0x42: {  	_ =	shalt  }
0x43: {  	_ =	shalt  }
0x44: {  	_ =	shalt  }
0x45: {  	_ =	shalt  }
0x46: {  	_ =	shalt  }
0x47: {  	_ =	shalt  }
0x48: {  	_ =	shalt  }
0x49: {  	_ =	shalt  }
0x4a: {  	_ =	shalt  }
0x4b: {  	_ =	shalt  }
0x4c: {  	_ =	shalt  }
0x4d: {  	_ =	shalt  }
0x4e: {  	_ =	shalt  }
0x4f: {  	_ =	shalt  }
0x50: {  	_ =	shalt  }
0x51: {  	_ =	shalt  }
0x52: {  	_ =	shalt  }
0x53: {  	_ =	shalt  }
0x54: {  	_ =	shalt  }
0x55: {  	_ =	shalt  }
0x56: {  	_ =	shalt  }
0x57: {  	_ =	shalt  }
0x58: {  	_ =	shalt  }
0x59: {  	_ =	shalt  }
0x5a: {  	_ =	shalt  }
0x5b: {  	_ =	shalt  }
0x5c: {  	_ =	shalt  }
0x5d: {  	_ =	shalt  }
0x5e: {  	_ =	shalt  }
0x5f: {  	_ =	shalt  }
0x60: {  	_ =	shalt  }
0x61: {  	_ =	shalt  }
0x62: {  	_ =	shalt  }
0x63: {  	_ =	shalt  }
0x64: {  	_ =	shalt  }
0x65: {  	_ =	shalt  }
0x66: {  	_ =	shalt  }
0x67: {  	_ =	shalt  }
0x68: {  	_ =	shalt  }
0x69: {  	_ =	shalt  }
0x6a: {  	_ =	shalt  }
0x6b: {  	_ =	shalt  }
0x6c: {  	_ =	shalt  }
0x6d: {  	_ =	shalt  }
0x6e: {  	_ =	shalt  }
0x6f: {  	_ =	shalt  }
0x70: {  	_ =	shalt  }
0x71: {  	_ =	shalt  }
0x72: {  	_ =	shalt  }
0x73: {  	_ =	shalt  }
0x74: {  	_ =	shalt  }
0x75: {  	_ =	shalt  }
0x76: {  	_ =	shalt  }
0x77: {  	_ =	shalt  }
0x78: {  	_ =	shalt  }
0x79: {  	_ =	shalt  }
0x7a: {  	_ =	shalt  }
0x7b: {  	_ =	shalt  }
0x7c: {  	_ =	shalt  }
0x7d: {  	_ =	shalt  }
0x7e: {  	_ =	shalt  }
0x7f: {  	_ =	shalt  }
0x80: {  	_ =	shalt  }
0x81: {  	_ =	shalt  }
0x82: {  	_ =	shalt  }
0x83: {  	_ =	shalt  }
0x84: {  	_ =	shalt  }
0x85: {  	_ =	shalt  }
0x86: {  	_ =	shalt  }
0x87: {  	_ =	shalt  }
.Lfunc_end0:
.L_simem_size_0:
called_computation.1_lowered:
.L_overlay_start_0:
0x88: {  	s2 =	sld [smem:$0x3FD9]  }
0x89: {  	s3 =	sld [smem:$0x3FFE];
	_ =	sdelay $0x1  }
0x8a: {  	s1 =	srdreg.scid  }
0x8b: {  	s0 =	sand.u32 $0x1, s1  }
0x8c: {  	s17 =	sshll.u32 s0, $0xA;
	s2 =	sadd.s32 s3, s2  }
0x8d: {  	s2 =	sadd.s32 s2, s17  }
0x8e: {  	[smem:$0x3FBD] =	sst s2  }
0x8f: {  	_ = 	snop  }
0x90: {  	s2 =	sld [smem:$0x3FC9];
	(tm) =	ssettm $0x1  }
0x91: {  	s18 =	sld [smem:$0x3FFB];
	_ =	sdelay $0x3  }
0x92: {  	_ =	strace s18  }
0x93: {  	s3 =	sld [smem:$0x3FFC];
	_ =	sdelay $0x3  }
0x94: {  	_ =	strace s3  }
0x95: {  	s3 =	sld [smem:$0x3FFD];
	_ =	sdelay $0x3  }
0x96: {  	_ =	strace s3  }
0x97: {  	_ =	strace $0x8FFFFFFF  }
0x98: {  	s19 =	sld [smem:$0x3FDB];
	_ =	sdelay $0x1  }
0x99: {  	s4 =	simm.s32 $_scs_section_size  }
0x9a: {  	s5 =	simm.s32 $_size__tile_overlayer_lowered;
	s6 =	simm.s32 $_tile_overlayer_lowered  }
0x9b: {  	s22 =	simm.s32 $0x1BFF;
	s21 =	sshll.u32 s6, $0x1;
	s3 =	sadd.s32 s4, s19  }
0x9c: {  	s7 =	simm.s32 $0x0;
	s20 =	sshll.u32 s5, $0x1;
	s5 =	sadd.s32 s21, s3  }
0x9d: {  	[timem:s7], [sflag:s22] =	dma.local [hbm:s5], s20  }
0x9e: {  	_ =	swait.ge [sflag:s22], s20  }
0x9f: {  	s4 =	ssub.s32 $0x0, s20;
	[sflag:s22] =	ssyncset.done $0x0  }
0xa0: {  	[sflag:s22] =	ssyncadd.s32 s4;
	_ =	sdelay $0x1  }
0xa1: {  	s23 =	simm.s32 $0x1B8B  }
0xa2: {  	_ =	swait.ge [sflag:s23], $0x1  }
0xa3: {  	[sflag:s23] =	ssyncset.done $0x0  }
0xa4: {  	s25 =	simm.s32 $0x1B8E;
	s24 =	sld [smem:$0x3FFE];
	[sflag:s23] =	ssyncadd.s32 $0xFFFFFFFF  }
0xa5: {  	s26 =	simm.s32 $execute0_lowered;
	[smem:$0x3FD2] =	sst s25  }
0xa6: {  	s5 =	sshll.u32 s26, $0x1;
	_ =	strace $0x80000046;
	[dreg:$0x1] =	wrdreg $0xFFFFFFFF  }
0xa7: {  	s28 =	simm.s32 $_size_execute0_lowered;
	s3 =	sadd.s32 s3, s5;
	[dreg:$0x0] =	wrdreg $0x0  }
0xa8: {  	s5 =	sshll.u32 s28, $0x1;
	[dreg:$0x2] =	wrdreg s3  }
0xa9: {  	[dreg:$0x3] =	wrdreg s5  }
0xaa: {  	[dreg:$0x4] =	wrdreg $0xC0  }
0xab: {  	_ =	task [dreg:s7], $0x5FFFF  }
0xac: {  	[dreg:$0x1] =	wrdreg $0xFFFFFFFF  }
0xad: {  	[dreg:$0x0] =	wrdreg $0x60  }
0xae: {  	[dreg:$0x2] =	wrdreg s2  }
0xaf: {  	[dreg:$0x3] =	wrdreg s24  }
0xb0: {  	[dreg:$0x4] =	wrdreg $0x60000  }
0xb1: {  	[dreg:$0x5] =	wrdreg $0xC  }
0xb2: {  	_ =	task.clear_ibuf [dreg:s7], $0x6FFFF;
	_ =	strace $0x90000046  }
0xb3: {  	s29 =	simm.s32 $0xC;
	_ =	strace $0x80000048  }
0xb4: {  	_ =	swait.ge [sflag:s29], $0x1  }
0xb5: {  	[sflag:s29] =	ssyncadd.s32 $0xFFFFFFFF  }
0xb6: {  	_ =	strace $0x90000048  }
0xb7: {  	_ =	sfence  }
0xb8: {  	s30 =	sld [smem:$0x0];
	_ =	sdelay $0x2  }
0xb9: {  	s31 =	sshll.u32 s1, $0xD;
	s1 =	sshrl.u32 s1, $0x2  }
0xba: {  	s3 =	sand.u32 $0x4000, s31;
	s1 =	sadd.s32 s1, s30  }
0xbb: {  	s0 =	sor.u32 s3, s0;
	s1 =	sshll.u32 s1, $0x11  }
0xbc: {  	s0 =	sor.u32 s1, s0  }
0xbd: {  	s0 =	sadd.s32 $0x8F2B, s0  }
0xbe: {  	[sflag:s0] =	ssyncadd.remote.s32 $0x1  }
0xbf: {  	_ =	sfence.sel $0xFFFF  }
0xc0: {  	[dreg:$0x0] =	wrdreg $0xFFFFFFFF;
	(pc) =	sbr.abs _section_cstart, $3  }
0xc1: {  	[dreg:$0x1] =	wrdreg $0xFFFFFFFF  }
0xc2: {  	_ =	task.clear_ibuf [dreg:s7], $0x2FFFF;
	_ =	strace $0x9FFFFFFF  }
0xc3: {  	(tm) =	ssettm $0x7FFFFFFF  }
tec
execute0_lowered:
.L_overlay_start_1:
0x0: {  	(tag) =	ssettag $0x1  }
0x1: {  	s5 =	rddreg [dreg:$0x0]  }
0x2: {  	s4 =	rddreg [dreg:$0x1]  }
0x3: {  	s2 =	rddreg [dreg:$0x2]  }
0x4: {  	s0 =	rddreg [dreg:$0x3];
	s6 =	srdreg.scid  }
0x5: {  	s1 =	stileid.u32;
	s3 =	simm.s32 $0x0;
	s15 =	simm.s32 $0x1000  }
0x6: {  	s16 =	simm.s32 $0x3800;
	s17 =	simm.s32 $0x1;
	s18 =	simm.s32 $0x2  }
0x7: {  	s19 =	simm.s32 $0x0;
	s8 =	sand.u32 $0x1, s6;
	s9 =	smul.u32 $0x4F000, s1  }
0x8: {  	s28 =	sshll.u32 s1, $0x1;
	[smem:$0x7FF] =	sst s3;
	s11 =	smul.u32 $0x2780, s1  }
0x9: {  	s13 =	sadd.s32 $0x11000, s4;
	s14 =	smul.u32 $0xFA00, s1;
	p0 =	seq.s32 s1, $0xF  }
0xa: {  	s6 =	sor.u32 s8, s28;
	_ =	strace $0x80000047;
	s10 =	ssub.s32 $0x2, s8  }
0xb: {  	s30 =	smul.u32 $0x7D00, s8;
	s7 =	sshll.u32 s6, $0x9;
	s12 =	sshrl.u32 s10, $0x1  }
0xc: {  	s9 =	sshrl.u32 s9, $0x2;
	s6 =	smul.u32 $0x3E800, s6;
	s31 =	sadd.s32 s14, s13  }
0xd: {  	s14 =	simm.s32 $0x50;
	s7 =	sadd.s32 s7, s4;
	s10 =	ssub.s32 s10, s12  }
0xe: {  	s12 =	sadd.s32 s9, s2;
	s4 =	sadd.s32 s5, s11;
	s11 =	sadd.s32 $0x128400, s2  }
0xf: {  	s5 =	sadd.s32 $0x25080, s5;
	s9 =	sadd.s32 s30, s31;
	s6 =	sshrl.u32 s6, $0x3  }
0x10: {  	s8 =	smax.u32 s10, $0x1;
	s10 =	sshrl.u32 @p0 s11, $0x3;
	s11 =	sshll.u32 @!p0 s1, $0x6  }
0x11: {  	s12 =	sshrl.u32 @!p0 s12, $0x3;
	s29 =	sadd.s32 s13, s6;
	s6 =	sadd.s32 $0x1000, s7  }
0x12: {  	s11 =	sor.u32 @!p0 $0x1C03, s11;
	s13 =	simm.s32 $0x3;
	s7 =	sadd.s32 $0x7800, s29  }
.LBB2_1:
0x13: {  	s20 =	simm.s32 @p0 $0x1FC3  }
0x14: {  	[spmem:s10], [sflag:s20] =	dma.local @p0 [hbm:s5], $0x2080  }
0x15: {  	s20 =	simm.s32 @p0 $0x3  }
0x16: {  	_ =	swait.ge @p0 [sflag:s20], $0x2080  }
0x17: {  	[sflag:s20] =	ssyncset.done @p0 $0x0  }
0x18: {  	[sflag:s20] =	ssyncadd.s32 @p0 $0xFFFFDF80;
	s20 =	simm.s32 @!p0 $0x3  }
0x19: {  	[spmem:s12], [sflag:s11] =	dma.local @!p0 [hbm:s4], $0x2780  }
0x1a: {  	_ =	swait.ge @!p0 [sflag:s20], $0x2780  }
0x1b: {  	[sflag:s20] =	ssyncset.done @!p0 $0x0  }
0x1c: {  	[sflag:s20] =	ssyncadd.s32 @!p0 $0xFFFFD880  }
0x1d: {  	[tilespmem:s3], [sflag:$0x3] =	stream.linear.gather [hbm4b:s6+s3], $0xC80, $0x38;
	[tilespmem:$0x19880] =	vst v63  }
0x1e: {  	_ =	swait.ge [sflag:s13], $0xC80  }
0x1f: {  	[sflag:s13] =	ssyncset.done $0x0  }
0x20: {  	[sflag:s13] =	ssyncadd.s32 $0xFFFFF380  }
0x21: {  	[bflag:$0x0] =	sbarrier.arrive $0xFFFF  }
0x22: {  	[tilespmem:s15], [sflag:$0x1] =	stream.indirect.gather [spmem:s2], $0x80, s3, s14, $0xb8;
	[tilespmem:$0x19880] =	vst v63  }
0x23: {  	s30 =	simm.s32 $0x80  }
0x24: {  	[tilespmem:s16], [sflag:$0x2] =	stream.indirect.gather [spmem:s2], $0x80, s30, s14, $0xb8;
	[tilespmem:$0x19880] =	vst v63  }
0x25: {  	_ =	swait.ge [sflag:s17], $0x2800  }
0x26: {  	[sflag:s17] =	ssyncset.done $0x0  }
0x27: {  	s31 =	sadd.s32 $0x0, s9;
	[sflag:s17] =	ssyncadd.s32 $0xFFFFD800  }
0x28: {  	[hbm4b:s31+s3] =	stream.linear.scatter [tilespmem:s15], [sflag:$0x3], $0x2800, $0x38;
	[tilespmem:$0x19880] =	vst v63  }
0x29: {  	_ =	swait.ge [sflag:s13], $0x2800  }
0x2a: {  	[sflag:s13] =	ssyncset.done $0x0  }
0x2b: {  	s21 =	simm.s32 $0x100;
	[sflag:s13] =	ssyncadd.s32 $0xFFFFD800  }
0x2c: {  	[tilespmem:s15], [sflag:$0x1] =	stream.indirect.gather [spmem:s2], $0x80, s21, s14, $0xb8;
	[tilespmem:$0x19880] =	vst v63  }
0x2d: {  	_ =	swait.ge [sflag:s18], $0x2800  }
0x2e: {  	[sflag:s18] =	ssyncset.done $0x0  }
0x2f: {  	s20 =	sadd.s32 $0x500, s31;
	[sflag:s18] =	ssyncadd.s32 $0xFFFFD800  }
0x30: {  	[hbm4b:s20+s3] =	stream.linear.scatter [tilespmem:s16], [sflag:$0x3], $0x2800, $0x38;
	[tilespmem:$0x19880] =	vst v63  }
0x31: {  	s22 =	simm.s32 $0x1400;
	_ =	swait.ge [sflag:s13], $0x2800  }
0x32: {  	s21 =	simm.s32 $0xA00;
	s20 =	simm.s32 $0x200;
	[sflag:s13] =	ssyncset.done $0x0  }
.LBB2_2:
0x33: {  	p1 =	sne.s32 s22, $0x6E00;
	s23 =	sadd.s32 $0xFFFFFF80, s20;
	[sflag:s13] =	ssyncadd.s32 $0xFFFFD800  }
0x34: {  	[tilespmem:s16], [sflag:$0x2] =	stream.indirect.gather [spmem:s2], $0x80, s23, s14, $0xb8;
	[tilespmem:$0x19880] =	vst v63  }
0x35: {  	s23 =	smov.u32 s22;
	s22 =	sadd.s32 $0xA00, s22;
	_ =	swait.ge [sflag:s17], $0x2800  }
0x36: {  	[sflag:s17] =	ssyncset.done $0x0  }
0x37: {  	s24 =	sadd.s32 s21, s9;
	s21 =	smov.u32 s23;
	[sflag:s17] =	ssyncadd.s32 $0xFFFFD800  }
0x38: {  	[hbm4b:s24+s3] =	stream.linear.scatter [tilespmem:s15], [sflag:$0x3], $0x2800, $0x38;
	[tilespmem:$0x19880] =	vst v63  }
0x39: {  	_ =	swait.ge [sflag:s13], $0x2800  }
0x3a: {  	[sflag:s13] =	ssyncset.done $0x0  }
0x3b: {  	[sflag:s13] =	ssyncadd.s32 $0xFFFFD800  }
0x3c: {  	[tilespmem:s15], [sflag:$0x1] =	stream.indirect.gather [spmem:s2], $0x80, s20, s14, $0xb8;
	[tilespmem:$0x19880] =	vst v63  }
0x3d: {  	_ =	swait.ge [sflag:s18], $0x2800  }
.Ltmp0:
0x3e: {  	[sflag:s18] =	ssyncset.done $0x0;
	(pc) =	sbr.rel @p1 .LBB2_2-.Ltmp0, $4  }
0x3f: {  	s23 =	sadd.s32 $0x500, s24;
	[sflag:s18] =	ssyncadd.s32 $0xFFFFD800  }
0x40: {  	[hbm4b:s23+s3] =	stream.linear.scatter [tilespmem:s16], [sflag:$0x3], $0x2800, $0x38;
	[tilespmem:$0x19880] =	vst v63  }
0x41: {  	_ =	swait.ge [sflag:s13], $0x2800  }
0x42: {  	s20 =	sadd.s32 $0x100, s20;
	[sflag:s13] =	ssyncset.done $0x0  }
0x43: {  	s22 =	sadd.s32 $0xFFFFFF80, s20;
	[sflag:s13] =	ssyncadd.s32 $0xFFFFD800  }
0x44: {  	[tilespmem:s16], [sflag:$0x2] =	stream.indirect.gather [spmem:s2], $0x80, s22, s14, $0xb8;
	[tilespmem:$0x19880] =	vst v63  }
0x45: {  	_ =	swait.ge [sflag:s17], $0x2800  }
0x46: {  	[sflag:s17] =	ssyncset.done $0x0  }
0x47: {  	s21 =	sadd.s32 s21, s9;
	[sflag:s17] =	ssyncadd.s32 $0xFFFFD800  }
0x48: {  	[hbm4b:s21+s3] =	stream.linear.scatter [tilespmem:s15], [sflag:$0x3], $0x2800, $0x38;
	[tilespmem:$0x19880] =	vst v63  }
0x49: {  	_ =	swait.ge [sflag:s13], $0x2800  }
0x4a: {  	[sflag:s13] =	ssyncset.done $0x0  }
0x4b: {  	[sflag:s13] =	ssyncadd.s32 $0xFFFFD800  }
0x4c: {  	[tilespmem:s15], [sflag:$0x1] =	stream.indirect.gather [spmem:s2], $0x80, s20, s14, $0xb8;
	[tilespmem:$0x19880] =	vst v63  }
0x4d: {  	_ =	swait.ge [sflag:s18], $0x2800  }
0x4e: {  	[sflag:s18] =	ssyncset.done $0x0  }
0x4f: {  	s31 =	sadd.s32 $0x500, s21;
	[sflag:s18] =	ssyncadd.s32 $0xFFFFD800  }
0x50: {  	[hbm4b:s31+s3] =	stream.linear.scatter [tilespmem:s16], [sflag:$0x3], $0x2800, $0x38;
	[tilespmem:$0x19880] =	vst v63  }
0x51: {  	_ =	swait.ge [sflag:s13], $0x2800  }
0x52: {  	[sflag:s13] =	ssyncset.done $0x0  }
0x53: {  	[sflag:s13] =	ssyncadd.s32 $0xFFFFD800  }
0x54: {  	s19 =	sadd.s32 $0x1, s19;
	_ =	swait.ge [sflag:s17], $0x2800  }
0x55: {  	p1 =	sne.s32 s19, s8;
	[sflag:s17] =	ssyncset.done $0x0  }
.Ltmp1:
0x56: {  	[sflag:s17] =	ssyncadd.s32 $0xFFFFD800;
	(pc) =	sbr.rel @p1 .LBB2_1-.Ltmp1, $4  }
0x57: {  	[hbm4b:s7+s3] =	stream.linear.scatter [tilespmem:s15], [sflag:$0x3], $0x2800, $0x38;
	[tilespmem:$0x19880] =	vst v63  }
0x58: {  	_ =	swait.ge [sflag:s13], $0x2800  }
0x59: {  	[sflag:s13] =	ssyncset.done $0x0  }
0x5a: {  	[sflag:s13] =	ssyncadd.s32 $0xFFFFD800  }
0x5b: {  	_ =	sfence.sel $0x180000  }
0x5c: {  	[bflag:$0x0] =	sbarrier.arrive $0xFFFF  }
0x5d: {  	p0 =	sne.s32 s1, $0x0;
	_ =	strace $0x90000047  }
0x5e: {  	s0 =	sadd.s32 @!p0 $0x100000, s0;
	[bflag:$0x2] =	sbarrier.arrive $0xFFFF  }
0x5f: {  	[sflag:s0] =	ssyncadd.tile.s32 @!p0 $0x1;
	_ =	shalt  }
.Lfunc_end2:
_tile_overlayer_lowered:
.L_overlay_start_2:
0x60: {  	(tag) =	ssettag $0x2  }
0x61: {  	s0 =	rddreg [dreg:$0x0];
	s2 =	stileid.u32  }
0x62: {  	s1 =	rddreg [dreg:$0x1];
	p0 =	sne.s32 s2, $0x0  }
0x63: {  	s3 =	rddreg [dreg:$0x2];
	[bflag:$0x3] =	sbarrier.arrive $0xFFFF;
	s2 =	simm.s32 @!p0 $0x1C03  }
0x64: {  	[timem:s3], [sflag:s2] =	dma.local @!p0 [hbm:s0], s1  }
0x65: {  	s0 =	simm.s32 @!p0 $0x3  }
0x66: {  	_ =	swait.ge @!p0 [sflag:s0], s1  }
0x67: {  	s1 =	ssub.s32 @!p0 $0x0, s1;
	[sflag:s0] =	ssyncset.done @!p0 $0x0  }
0x68: {  	[sflag:s0] =	ssyncadd.s32 @!p0 s1  }
0x69: {  	[bflag:$0x3] =	sbarrier.arrive $0xFFFF  }
0x6a: {  	_ =	shalt  }

// kernel: kernel.21.cloned.1.call-start
scs
__scs_entry_jumppad:
0x0: {  	(pc) =	sbr.rel $0x88, $3  }
0x1: {  	(tag) =	ssettag $0x0;
	lr =	simm.s32 $0x1  }
0x2: {  	[smem:$0x3F96] =	sst lr;
	_ =	strace $0xD0000000  }
0x3: {  	_ = 	snop  }
0x4: {  	_ = 	snop  }
0x5: {  	_ = 	snop  }
0x6: {  	_ = 	snop  }
0x7: {  	_ = 	snop  }
__scs_overlays_trampoline_lowered:
0x8: {  	[smem:$0x3FA5] =	sst s0  }
0x9: {  	[smem:$0x3FA6] =	sst s1  }
0xa: {  	[smem:$0x3FA7] =	sst s2  }
0xb: {  	[smem:$0x3FA8] =	sst s3  }
0xc: {  	[smem:$0x3FA9] =	sst s4  }
0xd: {  	[smem:$0x3FAA] =	sst s5  }
0xe: {  	[smem:$0x3FAB] =	sst s6  }
0xf: {  	[smem:$0x3FAC] =	sst s7  }
0x10: {  	[smem:$0x3FAD] =	sst s8  }
0x11: {  	[smem:$0x3FAE] =	sst s9;
	s0 =	simm.s32 @!p0 $0x0  }
0x12: {  	s1 =	sld [smem:$0x3F94];
	s0 =	simm.s32 @p0 $0x1  }
0x13: {  	[smem:$0x3FAF] =	sst s0;
	s0 =	simm.s32 @!p1 $0x0  }
0x14: {  	s2 =	sld [smem:$0x3F93];
	s0 =	simm.s32 @p1 $0x1  }
0x15: {  	[smem:$0x3FB0] =	sst s0;
	s0 =	simm.s32 @!p2 $0x0  }
0x16: {  	s3 =	sld [smem:$0x3FDB];
	s0 =	simm.s32 @p2 $0x1  }
0x17: {  	s4 =	simm.s32 $0x1BF5;
	[smem:$0x3FB2] =	sst s0  }
0x18: {  	s0 =	sld [smem:$0x3F95];
	_ =	swait.ge [sflag:s4], $0x0  }
0x19: {  	s7 =	sld [smem:$0x3F96]  }
0x1a: {  	s8 =	sadd.s32 $0xFFFFE003, lr  }
0x1b: {  	s9 =	sadd.s32 $0xFFFFFEF7, lr;
	s5 =	simm.s32 $0xFFFFFFFF;
	p2 =	slt.u32 s8, $0xFFFFF086  }
0x1c: {  	p1 =	slt.u32 s9, $0xF7A;
	s5 =	simm.s32 @!p2 $0x0  }
0x1d: {  	s5 =	simm.s32 @p1 $0x1;
	p0 =	seq.s32 s7, s2  }
0x1e: {  	s7 =	smul.u32 @!p0 $0xF7A, s2;
	p2 =	seq.s32 @!p0 s5, $0x0  }
0x1f: {  	s9 =	smul.u32 $0xF7A, s1;
	s8 =	simm.s32 @!p0 $0x1BF5;
	p2 =	por !p2, p0  }
0x20: {  	[sflag:s8] =	ssyncset.s32 @!p0 $0xFFFFF086;
	s6 =	sadd.s32 @!p0 s3, s7;
	s7 =	simm.s32 @!p0 $0x108  }
0x21: {  	s3 =	sadd.s32 s3, s9;
	s6 =	sadd.s32 @!p0 $0x88, s6;
	s7 =	simm.s32 @p2 $0x1082  }
0x22: {  	[simem:s7], [sflag:s8] =	dma.local @!p0 [hbm:s6], $0xF7A  }
0x23: {  	s9 =	sor.u32 $0xD0000000, s2;
	s6 =	simm.s32 $0x108;
	_ =	swait.ge @!p0 [sflag:s8], $0x0  }
0x24: {  	s3 =	sadd.s32 $0x88, s3;
	s6 =	simm.s32 @!p1 $0x1082;
	[sflag:s4] =	ssyncset.s32 $0xFFFFF086  }
0x25: {  	[simem:s6], [sflag:s4] =	dma.local [hbm:s3], $0xF7A  }
0x26: {  	[smem:$0x3F96] =	sst s1;
	(tag) =	ssettag s2;
	_ =	strace s9  }
0x27: {  	s1 =	sld [smem:$0x3FA6]  }
0x28: {  	s2 =	sld [smem:$0x3FA7]  }
0x29: {  	s4 =	sld [smem:$0x3FA9]  }
0x2a: {  	p0 =	seq.s32 s5, $0x0;
	s5 =	sld [smem:$0x3FAA]  }
0x2b: {  	s6 =	sld [smem:$0x3FAB]  }
0x2c: {  	s7 =	sld [smem:$0x3FAC]  }
0x2d: {  	s3 =	simm.s32 $0x108;
	s8 =	sld [smem:$0x3FAD]  }
0x2e: {  	s3 =	simm.s32 @!p0 $0x1082;
	s9 =	sld [smem:$0x3FAE]  }
0x2f: {  	lr =	sadd.s32 s0, s3;
	s0 =	sld [smem:$0x3FA5]  }
0x30: {  	s3 =	sld [smem:$0x3FA8]  }
0x31: {  	[smem:$0x3FB1] =	sst s10  }
0x32: {  	s10 =	sld [smem:$0x3FAF];
	_ =	sdelay $0x3  }
0x33: {  	p0 =	seq.s32 s10, $0x1;
	s10 =	sld [smem:$0x3FB1];
	_ =	sdelay $0x3  }
0x34: {  	[smem:$0x3FB1] =	sst s10  }
0x35: {  	s10 =	sld [smem:$0x3FB0];
	_ =	sdelay $0x3  }
0x36: {  	p1 =	seq.s32 s10, $0x1;
	s10 =	sld [smem:$0x3FB1];
	_ =	sdelay $0x3  }
0x37: {  	[smem:$0x3FB1] =	sst s10  }
0x38: {  	s10 =	sld [smem:$0x3FB2]  }
0x39: {  	_ = 	snop;
	(pc) =	sbr.ind lr, $3  }
0x3a: {  	_ = 	snop  }
0x3b: {  	_ = 	snop  }
0x3c: {  	p2 =	seq.s32 s10, $0x1;
	s10 =	sld [smem:$0x3FB1]  }
0x3d: {  	_ =	shalt  }
0x3e: {  	_ =	shalt  }
0x3f: {  	_ =	shalt  }
0x40: {  	_ =	shalt  }
0x41: {  	_ =	shalt  }
0x42: {  	_ =	shalt  }
0x43: {  	_ =	shalt  }
0x44: {  	_ =	shalt  }
0x45: {  	_ =	shalt  }
0x46: {  	_ =	shalt  }
0x47: {  	_ =	shalt  }
0x48: {  	_ =	shalt  }
0x49: {  	_ =	shalt  }
0x4a: {  	_ =	shalt  }
0x4b: {  	_ =	shalt  }
0x4c: {  	_ =	shalt  }
0x4d: {  	_ =	shalt  }
0x4e: {  	_ =	shalt  }
0x4f: {  	_ =	shalt  }
0x50: {  	_ =	shalt  }
0x51: {  	_ =	shalt  }
0x52: {  	_ =	shalt  }
0x53: {  	_ =	shalt  }
0x54: {  	_ =	shalt  }
0x55: {  	_ =	shalt  }
0x56: {  	_ =	shalt  }
0x57: {  	_ =	shalt  }
0x58: {  	_ =	shalt  }
0x59: {  	_ =	shalt  }
0x5a: {  	_ =	shalt  }
0x5b: {  	_ =	shalt  }
0x5c: {  	_ =	shalt  }
0x5d: {  	_ =	shalt  }
0x5e: {  	_ =	shalt  }
0x5f: {  	_ =	shalt  }
0x60: {  	_ =	shalt  }
0x61: {  	_ =	shalt  }
0x62: {  	_ =	shalt  }
0x63: {  	_ =	shalt  }
0x64: {  	_ =	shalt  }
0x65: {  	_ =	shalt  }
0x66: {  	_ =	shalt  }
0x67: {  	_ =	shalt  }
0x68: {  	_ =	shalt  }
0x69: {  	_ =	shalt  }
0x6a: {  	_ =	shalt  }
0x6b: {  	_ =	shalt  }
0x6c: {  	_ =	shalt  }
0x6d: {  	_ =	shalt  }
0x6e: {  	_ =	shalt  }
0x6f: {  	_ =	shalt  }
0x70: {  	_ =	shalt  }
0x71: {  	_ =	shalt  }
0x72: {  	_ =	shalt  }
0x73: {  	_ =	shalt  }
0x74: {  	_ =	shalt  }
0x75: {  	_ =	shalt  }
0x76: {  	_ =	shalt  }
0x77: {  	_ =	shalt  }
0x78: {  	_ =	shalt  }
0x79: {  	_ =	shalt  }
0x7a: {  	_ =	shalt  }
0x7b: {  	_ =	shalt  }
0x7c: {  	_ =	shalt  }
0x7d: {  	_ =	shalt  }
0x7e: {  	_ =	shalt  }
0x7f: {  	_ =	shalt  }
0x80: {  	_ =	shalt  }
0x81: {  	_ =	shalt  }
0x82: {  	_ =	shalt  }
0x83: {  	_ =	shalt  }
0x84: {  	_ =	shalt  }
0x85: {  	_ =	shalt  }
0x86: {  	_ =	shalt  }
0x87: {  	_ =	shalt  }
.Lfunc_end0:
.L_simem_size_0:
called_computation.2_lowered:
.L_overlay_start_0:
0x88: {  	s2 =	sld [smem:$0x3FD9]  }
0x89: {  	s3 =	sld [smem:$0x3FFE];
	_ =	sdelay $0x1  }
0x8a: {  	s1 =	srdreg.scid  }
0x8b: {  	s0 =	sand.u32 $0x1, s1  }
0x8c: {  	s17 =	sshll.u32 s0, $0xA;
	s2 =	sadd.s32 s3, s2  }
0x8d: {  	s2 =	sadd.s32 s2, s17  }
0x8e: {  	[smem:$0x3FBD] =	sst s2  }
0x8f: {  	_ = 	snop  }
0x90: {  	s18 =	sld [smem:$0x3FC9];
	(tm) =	ssettm $0x1  }
0x91: {  	s19 =	sld [smem:$0x3FFB];
	_ =	sdelay $0x3  }
0x92: {  	_ =	strace s19  }
0x93: {  	s2 =	sld [smem:$0x3FFC];
	_ =	sdelay $0x3  }
0x94: {  	_ =	strace s2  }
0x95: {  	s2 =	sld [smem:$0x3FFD];
	_ =	sdelay $0x3  }
0x96: {  	_ =	strace s2  }
0x97: {  	_ =	strace $0x8FFFFFFF  }
0x98: {  	s20 =	sld [smem:$0x3FDB];
	_ =	sdelay $0x1  }
0x99: {  	s4 =	simm.s32 $_scs_section_size  }
0x9a: {  	s5 =	simm.s32 $_size__tile_overlayer_lowered;
	s6 =	simm.s32 $_tile_overlayer_lowered  }
0x9b: {  	s7 =	simm.s32 $0x1BFF;
	s21 =	sshll.u32 s6, $0x1;
	s4 =	sadd.s32 s4, s20  }
0x9c: {  	s22 =	simm.s32 $0x0;
	s5 =	sshll.u32 s5, $0x1;
	s6 =	sadd.s32 s21, s4  }
0x9d: {  	[timem:s22], [sflag:s7] =	dma.local [hbm:s6], s5  }
0x9e: {  	_ =	swait.ge [sflag:s7], s5  }
0x9f: {  	s5 =	ssub.s32 $0x0, s5;
	[sflag:s7] =	ssyncset.done $0x0  }
0xa0: {  	[sflag:s7] =	ssyncadd.s32 s5;
	_ =	sdelay $0x1  }
0xa1: {  	s23 =	simm.s32 $0x1B8B  }
0xa2: {  	_ =	swait.ge [sflag:s23], $0x1  }
0xa3: {  	[sflag:s23] =	ssyncset.done $0x0  }
0xa4: {  	[sflag:s23] =	ssyncadd.s32 $0xFFFFFFFF  }
0xa5: {  	s5 =	sld [smem:$0x0]  }
0xa6: {  	s6 =	sand.u32 $0xFFFFFFFE, s1  }
0xa7: {  	p0 =	sne.s32 s1, s6  }
0xa8: {  	s6 =	sshll.u32 @p0 s6, $0xE  }
0xa9: {  	s6 =	sadd.s32 @p0 $0x11B8D, s6;
	s7 =	sshll.u32 @p0 s5, $0x11  }
0xaa: {  	s6 =	sor.u32 @p0 s7, s6  }
0xab: {  	[sflag:s6] =	ssyncadd.remote.s32 @p0 $0x1;
	_ =	sdelay $0x1  }
0xac: {  	s6 =	simm.s32 @p0 $0x1B8D  }
0xad: {  	_ =	swait.eq @p0 [sflag:s6], $0x1  }
0xae: {  	[sflag:s6] =	ssyncadd.s32 @p0 $0xFFFFFFFF  }
0xaf: {  	s7 =	sshll.u32 @!p0 s1, $0xE  }
0xb0: {  	s7 =	sor.u32 @!p0 $0x4000, s7;
	s6 =	simm.s32 @!p0 $0x1B8D  }
0xb1: {  	s5 =	sshll.u32 @!p0 s5, $0x11;
	s7 =	sadd.s32 @!p0 $0x11B8D, s7;
	_ =	swait.eq @!p0 [sflag:s6], $0x1  }
0xb2: {  	s5 =	sor.u32 @!p0 s5, s7;
	[sflag:s6] =	ssyncadd.s32 @!p0 $0xFFFFFFFF  }
0xb3: {  	s25 =	simm.s32 $0x1B8E;
	s24 =	sld [smem:$0x3FFE];
	[sflag:s5] =	ssyncadd.remote.s32 @!p0 $0x1  }
0xb4: {  	s26 =	simm.s32 $execute0_lowered;
	[smem:$0x3FD2] =	sst s25  }
0xb5: {  	s6 =	sshll.u32 s26, $0x1;
	_ =	strace $0x80000049;
	[dreg:$0x1] =	wrdreg $0xFFFFFFFF  }
0xb6: {  	s28 =	simm.s32 $_size_execute0_lowered;
	s4 =	sadd.s32 s4, s6;
	[dreg:$0x0] =	wrdreg $0x0  }
0xb7: {  	s6 =	sshll.u32 s28, $0x1;
	[dreg:$0x2] =	wrdreg s4  }
0xb8: {  	[dreg:$0x3] =	wrdreg s6  }
0xb9: {  	[dreg:$0x4] =	wrdreg $0xC0  }
0xba: {  	_ =	task [dreg:s22], $0x5FFFF  }
0xbb: {  	[dreg:$0x1] =	wrdreg $0xFFFFFFFF  }
0xbc: {  	[dreg:$0x0] =	wrdreg $0x60  }
0xbd: {  	[dreg:$0x2] =	wrdreg s18  }
0xbe: {  	[dreg:$0x3] =	wrdreg s24  }
0xbf: {  	[dreg:$0x4] =	wrdreg $0x60000  }
0xc0: {  	[dreg:$0x5] =	wrdreg $0xD  }
0xc1: {  	_ =	task.clear_ibuf [dreg:s22], $0x6FFFF;
	_ =	strace $0x90000049  }
0xc2: {  	s29 =	simm.s32 $0xD;
	_ =	strace $0x8000004B  }
0xc3: {  	_ =	swait.ge [sflag:s29], $0x1  }
0xc4: {  	[sflag:s29] =	ssyncadd.s32 $0xFFFFFFFF  }
0xc5: {  	_ =	strace $0x9000004B  }
0xc6: {  	_ =	sfence  }
0xc7: {  	s30 =	sld [smem:$0x0];
	_ =	sdelay $0x2  }
0xc8: {  	s31 =	sshll.u32 s1, $0xD;
	s1 =	sshrl.u32 s1, $0x2  }
0xc9: {  	s4 =	sand.u32 $0x4000, s31;
	s1 =	sadd.s32 s1, s30  }
0xca: {  	s0 =	sor.u32 s4, s0;
	s1 =	sshll.u32 s1, $0x11  }
0xcb: {  	s0 =	sor.u32 s1, s0  }
0xcc: {  	s0 =	sadd.s32 $0x8F2B, s0  }
0xcd: {  	[sflag:s0] =	ssyncadd.remote.s32 $0x1  }
0xce: {  	_ =	sfence.sel $0xFFFF  }
0xcf: {  	[dreg:$0x0] =	wrdreg $0xFFFFFFFF;
	(pc) =	sbr.abs _section_cstart, $3  }
0xd0: {  	[dreg:$0x1] =	wrdreg $0xFFFFFFFF  }
0xd1: {  	_ =	task.clear_ibuf [dreg:s22], $0x2FFFF;
	_ =	strace $0x9FFFFFFF  }
0xd2: {  	(tm) =	ssettm $0x7FFFFFFF  }
0xd3: {  	_ =	shalt  }
tec
execute0_lowered:
.L_overlay_start_1:
0x0: {  	(tag) =	ssettag $0x1  }
0x1: {  	s5 =	rddreg [dreg:$0x0]  }
0x2: {  	s4 =	rddreg [dreg:$0x1]  }
0x3: {  	s2 =	rddreg [dreg:$0x2]  }
0x4: {  	s0 =	rddreg [dreg:$0x3];
	s6 =	srdreg.scid  }
0x5: {  	s1 =	stileid.u32;
	s3 =	simm.s32 $0x0;
	s15 =	simm.s32 $0x1000  }
0x6: {  	s16 =	simm.s32 $0x3800;
	s17 =	simm.s32 $0x1;
	s18 =	simm.s32 $0x2  }
0x7: {  	s19 =	simm.s32 $0x0;
	s8 =	sand.u32 $0x1, s6;
	s9 =	smul.u32 $0x4F000, s1  }
0x8: {  	s28 =	sshll.u32 s1, $0x1;
	[smem:$0x7FF] =	sst s3;
	s11 =	smul.u32 $0x2780, s1  }
0x9: {  	s13 =	sadd.s32 $0x10B000, s4;
	s14 =	smul.u32 $0xFA00, s1;
	p0 =	seq.s32 s1, $0xF  }
0xa: {  	s6 =	sor.u32 s8, s28;
	_ =	strace $0x8000004A;
	s10 =	ssub.s32 $0x2, s8  }
0xb: {  	s30 =	smul.u32 $0x7D00, s8;
	s7 =	sshll.u32 s6, $0x9;
	s12 =	sshrl.u32 s10, $0x1  }
0xc: {  	s9 =	sshrl.u32 s9, $0x2;
	s6 =	smul.u32 $0x3E800, s6;
	s31 =	sadd.s32 s14, s13  }
0xd: {  	s14 =	simm.s32 $0x50;
	s7 =	sadd.s32 s7, s4;
	s10 =	ssub.s32 s10, s12  }
0xe: {  	s12 =	sadd.s32 s9, s2;
	s4 =	sadd.s32 s5, s11;
	s11 =	sadd.s32 $0x128400, s2  }
0xf: {  	s5 =	sadd.s32 $0x25080, s5;
	s9 =	sadd.s32 s30, s31;
	s6 =	sshrl.u32 s6, $0x3  }
0x10: {  	s8 =	smax.u32 s10, $0x1;
	s10 =	sshrl.u32 @p0 s11, $0x3;
	s11 =	sshll.u32 @!p0 s1, $0x6  }
0x11: {  	s12 =	sshrl.u32 @!p0 s12, $0x3;
	s29 =	sadd.s32 s13, s6;
	s6 =	sadd.s32 $0x5000, s7  }
0x12: {  	s11 =	sor.u32 @!p0 $0x1C03, s11;
	s13 =	simm.s32 $0x3;
	s7 =	sadd.s32 $0x7800, s29  }
.LBB2_1:
0x13: {  	s20 =	simm.s32 @p0 $0x1FC3  }
0x14: {  	[spmem:s10], [sflag:s20] =	dma.local @p0 [hbm:s5], $0x2080  }
0x15: {  	s20 =	simm.s32 @p0 $0x3  }
0x16: {  	_ =	swait.ge @p0 [sflag:s20], $0x2080  }
0x17: {  	[sflag:s20] =	ssyncset.done @p0 $0x0  }
0x18: {  	[sflag:s20] =	ssyncadd.s32 @p0 $0xFFFFDF80;
	s20 =	simm.s32 @!p0 $0x3  }
0x19: {  	[spmem:s12], [sflag:s11] =	dma.local @!p0 [hbm:s4], $0x2780  }
0x1a: {  	_ =	swait.ge @!p0 [sflag:s20], $0x2780  }
0x1b: {  	[sflag:s20] =	ssyncset.done @!p0 $0x0  }
0x1c: {  	[sflag:s20] =	ssyncadd.s32 @!p0 $0xFFFFD880  }
0x1d: {  	[tilespmem:s3], [sflag:$0x3] =	stream.linear.gather [hbm4b:s6+s3], $0xC80, $0x38;
	[tilespmem:$0x19880] =	vst v63  }
0x1e: {  	_ =	swait.ge [sflag:s13], $0xC80  }
0x1f: {  	[sflag:s13] =	ssyncset.done $0x0  }
0x20: {  	[sflag:s13] =	ssyncadd.s32 $0xFFFFF380  }
0x21: {  	[bflag:$0x0] =	sbarrier.arrive $0xFFFF  }
0x22: {  	[tilespmem:s15], [sflag:$0x1] =	stream.indirect.gather [spmem:s2], $0x80, s3, s14, $0xb8;
	[tilespmem:$0x19880] =	vst v63  }
0x23: {  	s30 =	simm.s32 $0x80  }
0x24: {  	[tilespmem:s16], [sflag:$0x2] =	stream.indirect.gather [spmem:s2], $0x80, s30, s14, $0xb8;
	[tilespmem:$0x19880] =	vst v63  }
0x25: {  	_ =	swait.ge [sflag:s17], $0x2800  }
0x26: {  	[sflag:s17] =	ssyncset.done $0x0  }
0x27: {  	s31 =	sadd.s32 $0x0, s9;
	[sflag:s17] =	ssyncadd.s32 $0xFFFFD800  }
0x28: {  	[hbm4b:s31+s3] =	stream.linear.scatter [tilespmem:s15], [sflag:$0x3], $0x2800, $0x38;
	[tilespmem:$0x19880] =	vst v63  }
0x29: {  	_ =	swait.ge [sflag:s13], $0x2800  }
0x2a: {  	[sflag:s13] =	ssyncset.done $0x0  }
0x2b: {  	s21 =	simm.s32 $0x100;
	[sflag:s13] =	ssyncadd.s32 $0xFFFFD800  }
0x2c: {  	[tilespmem:s15], [sflag:$0x1] =	stream.indirect.gather [spmem:s2], $0x80, s21, s14, $0xb8;
	[tilespmem:$0x19880] =	vst v63  }
0x2d: {  	_ =	swait.ge [sflag:s18], $0x2800  }
0x2e: {  	[sflag:s18] =	ssyncset.done $0x0  }
0x2f: {  	s20 =	sadd.s32 $0x500, s31;
	[sflag:s18] =	ssyncadd.s32 $0xFFFFD800  }
0x30: {  	[hbm4b:s20+s3] =	stream.linear.scatter [tilespmem:s16], [sflag:$0x3], $0x2800, $0x38;
	[tilespmem:$0x19880] =	vst v63  }
0x31: {  	s22 =	simm.s32 $0x1400;
	_ =	swait.ge [sflag:s13], $0x2800  }
0x32: {  	s21 =	simm.s32 $0xA00;
	s20 =	simm.s32 $0x200;
	[sflag:s13] =	ssyncset.done $0x0  }
.LBB2_2:
0x33: {  	p1 =	sne.s32 s22, $0x6E00;
	s23 =	sadd.s32 $0xFFFFFF80, s20;
	[sflag:s13] =	ssyncadd.s32 $0xFFFFD800  }
0x34: {  	[tilespmem:s16], [sflag:$0x2] =	stream.indirect.gather [spmem:s2], $0x80, s23, s14, $0xb8;
	[tilespmem:$0x19880] =	vst v63  }
0x35: {  	s23 =	smov.u32 s22;
	s22 =	sadd.s32 $0xA00, s22;
	_ =	swait.ge [sflag:s17], $0x2800  }
0x36: {  	[sflag:s17] =	ssyncset.done $0x0  }
0x37: {  	s24 =	sadd.s32 s21, s9;
	s21 =	smov.u32 s23;
	[sflag:s17] =	ssyncadd.s32 $0xFFFFD800  }
0x38: {  	[hbm4b:s24+s3] =	stream.linear.scatter [tilespmem:s15], [sflag:$0x3], $0x2800, $0x38;
	[tilespmem:$0x19880] =	vst v63  }
0x39: {  	_ =	swait.ge [sflag:s13], $0x2800  }
0x3a: {  	[sflag:s13] =	ssyncset.done $0x0  }
0x3b: {  	[sflag:s13] =	ssyncadd.s32 $0xFFFFD800  }
0x3c: {  	[tilespmem:s15], [sflag:$0x1] =	stream.indirect.gather [spmem:s2], $0x80, s20, s14, $0xb8;
	[tilespmem:$0x19880] =	vst v63  }
0x3d: {  	_ =	swait.ge [sflag:s18], $0x2800  }
.Ltmp0:
0x3e: {  	[sflag:s18] =	ssyncset.done $0x0;
	(pc) =	sbr.rel @p1 .LBB2_2-.Ltmp0, $4  }
0x3f: {  	s23 =	sadd.s32 $0x500, s24;
	[sflag:s18] =	ssyncadd.s32 $0xFFFFD800  }
0x40: {  	[hbm4b:s23+s3] =	stream.linear.scatter [tilespmem:s16], [sflag:$0x3], $0x2800, $0x38;
	[tilespmem:$0x19880] =	vst v63  }
0x41: {  	_ =	swait.ge [sflag:s13], $0x2800  }
0x42: {  	s20 =	sadd.s32 $0x100, s20;
	[sflag:s13] =	ssyncset.done $0x0  }
0x43: {  	s22 =	sadd.s32 $0xFFFFFF80, s20;
	[sflag:s13] =	ssyncadd.s32 $0xFFFFD800  }
0x44: {  	[tilespmem:s16], [sflag:$0x2] =	stream.indirect.gather [spmem:s2], $0x80, s22, s14, $0xb8;
	[tilespmem:$0x19880] =	vst v63  }
0x45: {  	_ =	swait.ge [sflag:s17], $0x2800  }
0x46: {  	[sflag:s17] =	ssyncset.done $0x0  }
0x47: {  	s21 =	sadd.s32 s21, s9;
	[sflag:s17] =	ssyncadd.s32 $0xFFFFD800  }
0x48: {  	[hbm4b:s21+s3] =	stream.linear.scatter [tilespmem:s15], [sflag:$0x3], $0x2800, $0x38;
	[tilespmem:$0x19880] =	vst v63  }
0x49: {  	_ =	swait.ge [sflag:s13], $0x2800  }
0x4a: {  	[sflag:s13] =	ssyncset.done $0x0  }
0x4b: {  	[sflag:s13] =	ssyncadd.s32 $0xFFFFD800  }
0x4c: {  	[tilespmem:s15], [sflag:$0x1] =	stream.indirect.gather [spmem:s2], $0x80, s20, s14, $0xb8;
	[tilespmem:$0x19880] =	vst v63  }
0x4d: {  	_ =	swait.ge [sflag:s18], $0x2800  }
0x4e: {  	[sflag:s18] =	ssyncset.done $0x0  }
0x4f: {  	s31 =	sadd.s32 $0x500, s21;
	[sflag:s18] =	ssyncadd.s32 $0xFFFFD800  }
0x50: {  	[hbm4b:s31+s3] =	stream.linear.scatter [tilespmem:s16], [sflag:$0x3], $0x2800, $0x38;
	[tilespmem:$0x19880] =	vst v63  }
0x51: {  	_ =	swait.ge [sflag:s13], $0x2800  }
0x52: {  	[sflag:s13] =	ssyncset.done $0x0  }
0x53: {  	[sflag:s13] =	ssyncadd.s32 $0xFFFFD800  }
0x54: {  	s19 =	sadd.s32 $0x1, s19;
	_ =	swait.ge [sflag:s17], $0x2800  }
0x55: {  	p1 =	sne.s32 s19, s8;
	[sflag:s17] =	ssyncset.done $0x0  }
.Ltmp1:
0x56: {  	[sflag:s17] =	ssyncadd.s32 $0xFFFFD800;
	(pc) =	sbr.rel @p1 .LBB2_1-.Ltmp1, $4  }
0x57: {  	[hbm4b:s7+s3] =	stream.linear.scatter [tilespmem:s15], [sflag:$0x3], $0x2800, $0x38;
	[tilespmem:$0x19880] =	vst v63  }
0x58: {  	_ =	swait.ge [sflag:s13], $0x2800  }
0x59: {  	[sflag:s13] =	ssyncset.done $0x0  }
0x5a: {  	[sflag:s13] =	ssyncadd.s32 $0xFFFFD800  }
0x5b: {  	_ =	sfence.sel $0x180000  }
0x5c: {  	[bflag:$0x0] =	sbarrier.arrive $0xFFFF  }
0x5d: {  	p0 =	sne.s32 s1, $0x0;
	_ =	strace $0x9000004A  }
0x5e: {  	s0 =	sadd.s32 @!p0 $0x100000, s0;
	[bflag:$0x2] =	sbarrier.arrive $0xFFFF  }
0x5f: {  	[sflag:s0] =	ssyncadd.tile.s32 @!p0 $0x1;
	_ =	shalt  }
.Lfunc_end2:
_tile_overlayer_lowered:
.L_overlay_start_2:
0x60: {  	(tag) =	ssettag $0x2  }
0x61: {  	s0 =	rddreg [dreg:$0x0];
	s2 =	stileid.u32  }
0x62: {  	s1 =	rddreg [dreg:$0x1];
	p0 =	sne.s32 s2, $0x0  }
0x63: {  	s3 =	rddreg [dreg:$0x2];
	[bflag:$0x3] =	sbarrier.arrive $0xFFFF;
	s2 =	simm.s32 @!p0 $0x1C03  }
0x64: {  	[timem:s3], [sflag:s2] =	dma.local @!p0 [hbm:s0], s1  }
0x65: {  	s0 =	simm.s32 @!p0 $0x3  }
0x66: {  	_ =	swait.ge @!p0 [sflag:s0], s1  }
0x67: {  	s1 =	ssub.s32 @!p0 $0x0, s1;
	[sflag:s0] =	ssyncset.done @!p0 $0x0  }
0x68: {  	[sflag:s0] =	ssyncadd.s32 @!p0 s1  }
0x69: {  	[bflag:$0x3] =	sbarrier.arrive $0xFFFF  }
0x6a: {  	_ =	shalt  }

// kernel: kernel.24.cloned.1.call-start
scs
__scs_entry_jumppad:
0x0: {  	(pc) =	sbr.rel $0x88, $3  }
0x1: {  	(tag) =	ssettag $0x0;
	lr =	simm.s32 $0x1  }
0x2: {  	[smem:$0x3F96] =	sst lr;
	_ =	strace $0xD0000000  }
0x3: {  	_ = 	snop  }
0x4: {  	_ = 	snop  }
0x5: {  	_ = 	snop  }
0x6: {  	_ = 	snop  }
0x7: {  	_ = 	snop  }
__scs_overlays_trampoline_lowered:
0x8: {  	[smem:$0x3FA5] =	sst s0  }
0x9: {  	[smem:$0x3FA6] =	sst s1  }
0xa: {  	[smem:$0x3FA7] =	sst s2  }
0xb: {  	[smem:$0x3FA8] =	sst s3  }
0xc: {  	[smem:$0x3FA9] =	sst s4  }
0xd: {  	[smem:$0x3FAA] =	sst s5  }
0xe: {  	[smem:$0x3FAB] =	sst s6  }
0xf: {  	[smem:$0x3FAC] =	sst s7  }
0x10: {  	[smem:$0x3FAD] =	sst s8  }
0x11: {  	[smem:$0x3FAE] =	sst s9;
	s0 =	simm.s32 @!p0 $0x0  }
0x12: {  	s1 =	sld [smem:$0x3F94];
	s0 =	simm.s32 @p0 $0x1  }
0x13: {  	[smem:$0x3FAF] =	sst s0;
	s0 =	simm.s32 @!p1 $0x0  }
0x14: {  	s2 =	sld [smem:$0x3F93];
	s0 =	simm.s32 @p1 $0x1  }
0x15: {  	[smem:$0x3FB0] =	sst s0;
	s0 =	simm.s32 @!p2 $0x0  }
0x16: {  	s3 =	sld [smem:$0x3FDB];
	s0 =	simm.s32 @p2 $0x1  }
0x17: {  	s4 =	simm.s32 $0x1BF5;
	[smem:$0x3FB2] =	sst s0  }
0x18: {  	s0 =	sld [smem:$0x3F95];
	_ =	swait.ge [sflag:s4], $0x0  }
0x19: {  	s7 =	sld [smem:$0x3F96]  }
0x1a: {  	s8 =	sadd.s32 $0xFFFFE003, lr  }
0x1b: {  	s9 =	sadd.s32 $0xFFFFFEF7, lr;
	s5 =	simm.s32 $0xFFFFFFFF;
	p2 =	slt.u32 s8, $0xFFFFF086  }
0x1c: {  	p1 =	slt.u32 s9, $0xF7A;
	s5 =	simm.s32 @!p2 $0x0  }
0x1d: {  	s5 =	simm.s32 @p1 $0x1;
	p0 =	seq.s32 s7, s2  }
0x1e: {  	s7 =	smul.u32 @!p0 $0xF7A, s2;
	p2 =	seq.s32 @!p0 s5, $0x0  }
0x1f: {  	s9 =	smul.u32 $0xF7A, s1;
	s8 =	simm.s32 @!p0 $0x1BF5;
	p2 =	por !p2, p0  }
0x20: {  	[sflag:s8] =	ssyncset.s32 @!p0 $0xFFFFF086;
	s6 =	sadd.s32 @!p0 s3, s7;
	s7 =	simm.s32 @!p0 $0x108  }
0x21: {  	s3 =	sadd.s32 s3, s9;
	s6 =	sadd.s32 @!p0 $0x88, s6;
	s7 =	simm.s32 @p2 $0x1082  }
0x22: {  	[simem:s7], [sflag:s8] =	dma.local @!p0 [hbm:s6], $0xF7A  }
0x23: {  	s9 =	sor.u32 $0xD0000000, s2;
	s6 =	simm.s32 $0x108;
	_ =	swait.ge @!p0 [sflag:s8], $0x0  }
0x24: {  	s3 =	sadd.s32 $0x88, s3;
	s6 =	simm.s32 @!p1 $0x1082;
	[sflag:s4] =	ssyncset.s32 $0xFFFFF086  }
0x25: {  	[simem:s6], [sflag:s4] =	dma.local [hbm:s3], $0xF7A  }
0x26: {  	[smem:$0x3F96] =	sst s1;
	(tag) =	ssettag s2;
	_ =	strace s9  }
0x27: {  	s1 =	sld [smem:$0x3FA6]  }
0x28: {  	s2 =	sld [smem:$0x3FA7]  }
0x29: {  	s4 =	sld [smem:$0x3FA9]  }
0x2a: {  	p0 =	seq.s32 s5, $0x0;
	s5 =	sld [smem:$0x3FAA]  }
0x2b: {  	s6 =	sld [smem:$0x3FAB]  }
0x2c: {  	s7 =	sld [smem:$0x3FAC]  }
0x2d: {  	s3 =	simm.s32 $0x108;
	s8 =	sld [smem:$0x3FAD]  }
0x2e: {  	s3 =	simm.s32 @!p0 $0x1082;
	s9 =	sld [smem:$0x3FAE]  }
0x2f: {  	lr =	sadd.s32 s0, s3;
	s0 =	sld [smem:$0x3FA5]  }
0x30: {  	s3 =	sld [smem:$0x3FA8]  }
0x31: {  	[smem:$0x3FB1] =	sst s10  }
0x32: {  	s10 =	sld [smem:$0x3FAF];
	_ =	sdelay $0x3  }
0x33: {  	p0 =	seq.s32 s10, $0x1;
	s10 =	sld [smem:$0x3FB1];
	_ =	sdelay $0x3  }
0x34: {  	[smem:$0x3FB1] =	sst s10  }
0x35: {  	s10 =	sld [smem:$0x3FB0];
	_ =	sdelay $0x3  }
0x36: {  	p1 =	seq.s32 s10, $0x1;
	s10 =	sld [smem:$0x3FB1];
	_ =	sdelay $0x3  }
0x37: {  	[smem:$0x3FB1] =	sst s10  }
0x38: {  	s10 =	sld [smem:$0x3FB2]  }
0x39: {  	_ = 	snop;
	(pc) =	sbr.ind lr, $3  }
0x3a: {  	_ = 	snop  }
0x3b: {  	_ = 	snop  }
0x3c: {  	p2 =	seq.s32 s10, $0x1;
	s10 =	sld [smem:$0x3FB1]  }
0x3d: {  	_ =	shalt  }
0x3e: {  	_ =	shalt  }
0x3f: {  	_ =	shalt  }
0x40: {  	_ =	shalt  }
0x41: {  	_ =	shalt  }
0x42: {  	_ =	shalt  }
0x43: {  	_ =	shalt  }
0x44: {  	_ =	shalt  }
0x45: {  	_ =	shalt  }
0x46: {  	_ =	shalt  }
0x47: {  	_ =	shalt  }
0x48: {  	_ =	shalt  }
0x49: {  	_ =	shalt  }
0x4a: {  	_ =	shalt  }
0x4b: {  	_ =	shalt  }
0x4c: {  	_ =	shalt  }
0x4d: {  	_ =	shalt  }
0x4e: {  	_ =	shalt  }
0x4f: {  	_ =	shalt  }
0x50: {  	_ =	shalt  }
0x51: {  	_ =	shalt  }
0x52: {  	_ =	shalt  }
0x53: {  	_ =	shalt  }
0x54: {  	_ =	shalt  }
0x55: {  	_ =	shalt  }
0x56: {  	_ =	shalt  }
0x57: {  	_ =	shalt  }
0x58: {  	_ =	shalt  }
0x59: {  	_ =	shalt  }
0x5a: {  	_ =	shalt  }
0x5b: {  	_ =	shalt  }
0x5c: {  	_ =	shalt  }
0x5d: {  	_ =	shalt  }
0x5e: {  	_ =	shalt  }
0x5f: {  	_ =	shalt  }
0x60: {  	_ =	shalt  }
0x61: {  	_ =	shalt  }
0x62: {  	_ =	shalt  }
0x63: {  	_ =	shalt  }
0x64: {  	_ =	shalt  }
0x65: {  	_ =	shalt  }
0x66: {  	_ =	shalt  }
0x67: {  	_ =	shalt  }
0x68: {  	_ =	shalt  }
0x69: {  	_ =	shalt  }
0x6a: {  	_ =	shalt  }
0x6b: {  	_ =	shalt  }
0x6c: {  	_ =	shalt  }
0x6d: {  	_ =	shalt  }
0x6e: {  	_ =	shalt  }
0x6f: {  	_ =	shalt  }
0x70: {  	_ =	shalt  }
0x71: {  	_ =	shalt  }
0x72: {  	_ =	shalt  }
0x73: {  	_ =	shalt  }
0x74: {  	_ =	shalt  }
0x75: {  	_ =	shalt  }
0x76: {  	_ =	shalt  }
0x77: {  	_ =	shalt  }
0x78: {  	_ =	shalt  }
0x79: {  	_ =	shalt  }
0x7a: {  	_ =	shalt  }
0x7b: {  	_ =	shalt  }
0x7c: {  	_ =	shalt  }
0x7d: {  	_ =	shalt  }
0x7e: {  	_ =	shalt  }
0x7f: {  	_ =	shalt  }
0x80: {  	_ =	shalt  }
0x81: {  	_ =	shalt  }
0x82: {  	_ =	shalt  }
0x83: {  	_ =	shalt  }
0x84: {  	_ =	shalt  }
0x85: {  	_ =	shalt  }
0x86: {  	_ =	shalt  }
0x87: {  	_ =	shalt  }
.Lfunc_end0:
.L_simem_size_0:
called_computation.3_lowered:
.L_overlay_start_0:
0x88: {  	s2 =	sld [smem:$0x3FD9]  }
0x89: {  	s3 =	sld [smem:$0x3FFE];
	_ =	sdelay $0x1  }
0x8a: {  	s1 =	srdreg.scid  }
0x8b: {  	s0 =	sand.u32 $0x1, s1  }
0x8c: {  	s17 =	sshll.u32 s0, $0xA;
	s2 =	sadd.s32 s3, s2  }
0x8d: {  	s2 =	sadd.s32 s2, s17  }
0x8e: {  	[smem:$0x3FBD] =	sst s2  }
0x8f: {  	_ = 	snop  }
0x90: {  	s18 =	sld [smem:$0x3FC9];
	(tm) =	ssettm $0x1  }
0x91: {  	s19 =	sld [smem:$0x3FFB];
	_ =	sdelay $0x3  }
0x92: {  	_ =	strace s19  }
0x93: {  	s2 =	sld [smem:$0x3FFC];
	_ =	sdelay $0x3  }
0x94: {  	_ =	strace s2  }
0x95: {  	s2 =	sld [smem:$0x3FFD];
	_ =	sdelay $0x3  }
0x96: {  	_ =	strace s2  }
0x97: {  	_ =	strace $0x8FFFFFFF  }
0x98: {  	s20 =	sld [smem:$0x3FDB];
	_ =	sdelay $0x1  }
0x99: {  	s4 =	simm.s32 $_scs_section_size  }
0x9a: {  	s5 =	simm.s32 $_size__tile_overlayer_lowered;
	s6 =	simm.s32 $_tile_overlayer_lowered  }
0x9b: {  	s7 =	simm.s32 $0x1BFF;
	s21 =	sshll.u32 s6, $0x1;
	s4 =	sadd.s32 s4, s20  }
0x9c: {  	s22 =	simm.s32 $0x0;
	s5 =	sshll.u32 s5, $0x1;
	s6 =	sadd.s32 s21, s4  }
0x9d: {  	[timem:s22], [sflag:s7] =	dma.local [hbm:s6], s5  }
0x9e: {  	_ =	swait.ge [sflag:s7], s5  }
0x9f: {  	s5 =	ssub.s32 $0x0, s5;
	[sflag:s7] =	ssyncset.done $0x0  }
0xa0: {  	[sflag:s7] =	ssyncadd.s32 s5;
	_ =	sdelay $0x1  }
0xa1: {  	s23 =	simm.s32 $0x1B8B  }
0xa2: {  	_ =	swait.ge [sflag:s23], $0x1  }
0xa3: {  	[sflag:s23] =	ssyncset.done $0x0  }
0xa4: {  	[sflag:s23] =	ssyncadd.s32 $0xFFFFFFFF  }
0xa5: {  	s5 =	sld [smem:$0x0]  }
0xa6: {  	s6 =	sand.u32 $0xFFFFFFFE, s1  }
0xa7: {  	p0 =	sne.s32 s1, s6  }
0xa8: {  	s6 =	sshll.u32 @p0 s6, $0xE  }
0xa9: {  	s6 =	sadd.s32 @p0 $0x11B8D, s6;
	s7 =	sshll.u32 @p0 s5, $0x11  }
0xaa: {  	s6 =	sor.u32 @p0 s7, s6  }
0xab: {  	[sflag:s6] =	ssyncadd.remote.s32 @p0 $0x1;
	_ =	sdelay $0x1  }
0xac: {  	s6 =	simm.s32 @p0 $0x1B8D  }
0xad: {  	_ =	swait.eq @p0 [sflag:s6], $0x1  }
0xae: {  	[sflag:s6] =	ssyncadd.s32 @p0 $0xFFFFFFFF  }
0xaf: {  	s7 =	sshll.u32 @!p0 s1, $0xE  }
0xb0: {  	s7 =	sor.u32 @!p0 $0x4000, s7;
	s6 =	simm.s32 @!p0 $0x1B8D  }
0xb1: {  	s5 =	sshll.u32 @!p0 s5, $0x11;
	s7 =	sadd.s32 @!p0 $0x11B8D, s7;
	_ =	swait.eq @!p0 [sflag:s6], $0x1  }
0xb2: {  	s5 =	sor.u32 @!p0 s5, s7;
	[sflag:s6] =	ssyncadd.s32 @!p0 $0xFFFFFFFF  }
0xb3: {  	s25 =	simm.s32 $0x1B8E;
	s24 =	sld [smem:$0x3FFE];
	[sflag:s5] =	ssyncadd.remote.s32 @!p0 $0x1  }
0xb4: {  	s26 =	simm.s32 $execute0_lowered;
	[smem:$0x3FD2] =	sst s25  }
0xb5: {  	s6 =	sshll.u32 s26, $0x1;
	_ =	strace $0x8000004F;
	[dreg:$0x1] =	wrdreg $0xFFFFFFFF  }
0xb6: {  	s28 =	simm.s32 $_size_execute0_lowered;
	s4 =	sadd.s32 s4, s6;
	[dreg:$0x0] =	wrdreg $0x0  }
0xb7: {  	s6 =	sshll.u32 s28, $0x1;
	[dreg:$0x2] =	wrdreg s4  }
0xb8: {  	[dreg:$0x3] =	wrdreg s6  }
0xb9: {  	[dreg:$0x4] =	wrdreg $0xC0  }
0xba: {  	_ =	task [dreg:s22], $0x5FFFF  }
0xbb: {  	[dreg:$0x1] =	wrdreg $0xFFFFFFFF  }
0xbc: {  	[dreg:$0x0] =	wrdreg $0x60  }
0xbd: {  	[dreg:$0x2] =	wrdreg s18  }
0xbe: {  	[dreg:$0x3] =	wrdreg s24  }
0xbf: {  	[dreg:$0x4] =	wrdreg $0x60000  }
0xc0: {  	[dreg:$0x5] =	wrdreg $0x9  }
0xc1: {  	_ =	task.clear_ibuf [dreg:s22], $0x6FFFF;
	_ =	strace $0x9000004F  }
0xc2: {  	s29 =	simm.s32 $0x9;
	_ =	strace $0x80000051  }
0xc3: {  	_ =	swait.ge [sflag:s29], $0x1  }
0xc4: {  	[sflag:s29] =	ssyncadd.s32 $0xFFFFFFFF  }
0xc5: {  	_ =	strace $0x90000051  }
0xc6: {  	_ =	sfence  }
0xc7: {  	s30 =	sld [smem:$0x0];
	_ =	sdelay $0x2  }
0xc8: {  	s31 =	sshll.u32 s1, $0xD;
	s1 =	sshrl.u32 s1, $0x2  }
0xc9: {  	s4 =	sand.u32 $0x4000, s31;
	s1 =	sadd.s32 s1, s30  }
0xca: {  	s0 =	sor.u32 s4, s0;
	s1 =	sshll.u32 s1, $0x11  }
0xcb: {  	s0 =	sor.u32 s1, s0  }
0xcc: {  	s0 =	sadd.s32 $0x8F2B, s0  }
0xcd: {  	[sflag:s0] =	ssyncadd.remote.s32 $0x1  }
0xce: {  	_ =	sfence.sel $0xFFFF  }
0xcf: {  	[dreg:$0x0] =	wrdreg $0xFFFFFFFF;
	(pc) =	sbr.abs _section_cstart, $3  }
0xd0: {  	[dreg:$0x1] =	wrdreg $0xFFFFFFFF  }
0xd1: {  	_ =	task.clear_ibuf [dreg:s22], $0x2FFFF;
	_ =	strace $0x9FFFFFFF  }
0xd2: {  	(tm) =	ssettm $0x7FFFFFFF  }
0xd3: {  	_ =	shalt  }
tec
execute0_lowered:
.L_overlay_start_1:
0x0: {  	(tag) =	ssettag $0x1  }
0x1: {  	s5 =	rddreg [dreg:$0x0]  }
0x2: {  	s4 =	rddreg [dreg:$0x1]  }
0x3: {  	s2 =	rddreg [dreg:$0x2]  }
0x4: {  	s0 =	rddreg [dreg:$0x3];
	s6 =	srdreg.scid  }
0x5: {  	s1 =	stileid.u32;
	s3 =	simm.s32 $0x0;
	s15 =	simm.s32 $0x1000  }
0x6: {  	s16 =	simm.s32 $0x3800;
	s17 =	simm.s32 $0x1;
	s18 =	simm.s32 $0x2  }
0x7: {  	s19 =	simm.s32 $0x0;
	s8 =	sand.u32 $0x1, s6;
	s9 =	smul.u32 $0x4F000, s1  }
0x8: {  	s28 =	sshll.u32 s1, $0x1;
	[smem:$0x7FF] =	sst s3;
	s11 =	smul.u32 $0x2780, s1  }
0x9: {  	s13 =	sadd.s32 $0x303000, s4;
	s14 =	smul.u32 $0xFA00, s1;
	p0 =	seq.s32 s1, $0xF  }
0xa: {  	s6 =	sor.u32 s8, s28;
	_ =	strace $0x80000050;
	s10 =	ssub.s32 $0x2, s8  }
0xb: {  	s30 =	smul.u32 $0x7D00, s8;
	s7 =	sshll.u32 s6, $0x9;
	s12 =	sshrl.u32 s10, $0x1  }
0xc: {  	s9 =	sshrl.u32 s9, $0x2;
	s6 =	smul.u32 $0x3E800, s6;
	s31 =	sadd.s32 s14, s13  }
0xd: {  	s14 =	simm.s32 $0x50;
	s7 =	sadd.s32 s7, s4;
	s10 =	ssub.s32 s10, s12  }
0xe: {  	s12 =	sadd.s32 s9, s2;
	s4 =	sadd.s32 s5, s11;
	s11 =	sadd.s32 $0x128400, s2  }
0xf: {  	s5 =	sadd.s32 $0x25080, s5;
	s9 =	sadd.s32 s30, s31;
	s6 =	sshrl.u32 s6, $0x3  }
0x10: {  	s8 =	smax.u32 s10, $0x1;
	s10 =	sshrl.u32 @p0 s11, $0x3;
	s11 =	sshll.u32 @!p0 s1, $0x6  }
0x11: {  	s12 =	sshrl.u32 @!p0 s12, $0x3;
	s29 =	sadd.s32 s13, s6;
	s6 =	sadd.s32 $0x9000, s7  }
0x12: {  	s11 =	sor.u32 @!p0 $0x1C03, s11;
	s13 =	simm.s32 $0x3;
	s7 =	sadd.s32 $0x7800, s29  }
.LBB2_1:
0x13: {  	s20 =	simm.s32 @p0 $0x1FC3  }
0x14: {  	[spmem:s10], [sflag:s20] =	dma.local @p0 [hbm:s5], $0x2080  }
0x15: {  	s20 =	simm.s32 @p0 $0x3  }
0x16: {  	_ =	swait.ge @p0 [sflag:s20], $0x2080  }
0x17: {  	[sflag:s20] =	ssyncset.done @p0 $0x0  }
0x18: {  	[sflag:s20] =	ssyncadd.s32 @p0 $0xFFFFDF80;
	s20 =	simm.s32 @!p0 $0x3  }
0x19: {  	[spmem:s12], [sflag:s11] =	dma.local @!p0 [hbm:s4], $0x2780  }
0x1a: {  	_ =	swait.ge @!p0 [sflag:s20], $0x2780  }
0x1b: {  	[sflag:s20] =	ssyncset.done @!p0 $0x0  }
0x1c: {  	[sflag:s20] =	ssyncadd.s32 @!p0 $0xFFFFD880  }
0x1d: {  	[tilespmem:s3], [sflag:$0x3] =	stream.linear.gather [hbm4b:s6+s3], $0xC80, $0x38;
	[tilespmem:$0x19880] =	vst v63  }
0x1e: {  	_ =	swait.ge [sflag:s13], $0xC80  }
0x1f: {  	[sflag:s13] =	ssyncset.done $0x0  }
0x20: {  	[sflag:s13] =	ssyncadd.s32 $0xFFFFF380  }
0x21: {  	[bflag:$0x0] =	sbarrier.arrive $0xFFFF  }
0x22: {  	[tilespmem:s15], [sflag:$0x1] =	stream.indirect.gather [spmem:s2], $0x80, s3, s14, $0xb8;
	[tilespmem:$0x19880] =	vst v63  }
0x23: {  	s30 =	simm.s32 $0x80  }
0x24: {  	[tilespmem:s16], [sflag:$0x2] =	stream.indirect.gather [spmem:s2], $0x80, s30, s14, $0xb8;
	[tilespmem:$0x19880] =	vst v63  }
0x25: {  	_ =	swait.ge [sflag:s17], $0x2800  }
0x26: {  	[sflag:s17] =	ssyncset.done $0x0  }
0x27: {  	s31 =	sadd.s32 $0x0, s9;
	[sflag:s17] =	ssyncadd.s32 $0xFFFFD800  }
0x28: {  	[hbm4b:s31+s3] =	stream.linear.scatter [tilespmem:s15], [sflag:$0x3], $0x2800, $0x38;
	[tilespmem:$0x19880] =	vst v63  }
0x29: {  	_ =	swait.ge [sflag:s13], $0x2800  }
0x2a: {  	[sflag:s13] =	ssyncset.done $0x0  }
0x2b: {  	s21 =	simm.s32 $0x100;
	[sflag:s13] =	ssyncadd.s32 $0xFFFFD800  }
0x2c: {  	[tilespmem:s15], [sflag:$0x1] =	stream.indirect.gather [spmem:s2], $0x80, s21, s14, $0xb8;
	[tilespmem:$0x19880] =	vst v63  }
0x2d: {  	_ =	swait.ge [sflag:s18], $0x2800  }
0x2e: {  	[sflag:s18] =	ssyncset.done $0x0  }
0x2f: {  	s20 =	sadd.s32 $0x500, s31;
	[sflag:s18] =	ssyncadd.s32 $0xFFFFD800  }
0x30: {  	[hbm4b:s20+s3] =	stream.linear.scatter [tilespmem:s16], [sflag:$0x3], $0x2800, $0x38;
	[tilespmem:$0x19880] =	vst v63  }
0x31: {  	s22 =	simm.s32 $0x1400;
	_ =	swait.ge [sflag:s13], $0x2800  }
0x32: {  	s21 =	simm.s32 $0xA00;
	s20 =	simm.s32 $0x200;
	[sflag:s13] =	ssyncset.done $0x0  }
.LBB2_2:
0x33: {  	p1 =	sne.s32 s22, $0x6E00;
	s23 =	sadd.s32 $0xFFFFFF80, s20;
	[sflag:s13] =	ssyncadd.s32 $0xFFFFD800  }
0x34: {  	[tilespmem:s16], [sflag:$0x2] =	stream.indirect.gather [spmem:s2], $0x80, s23, s14, $0xb8;
	[tilespmem:$0x19880] =	vst v63  }
0x35: {  	s23 =	smov.u32 s22;
	s22 =	sadd.s32 $0xA00, s22;
	_ =	swait.ge [sflag:s17], $0x2800  }
0x36: {  	[sflag:s17] =	ssyncset.done $0x0  }
0x37: {  	s24 =	sadd.s32 s21, s9;
	s21 =	smov.u32 s23;
	[sflag:s17] =	ssyncadd.s32 $0xFFFFD800  }
0x38: {  	[hbm4b:s24+s3] =	stream.linear.scatter [tilespmem:s15], [sflag:$0x3], $0x2800, $0x38;
	[tilespmem:$0x19880] =	vst v63  }
0x39: {  	_ =	swait.ge [sflag:s13], $0x2800  }
0x3a: {  	[sflag:s13] =	ssyncset.done $0x0  }
0x3b: {  	[sflag:s13] =	ssyncadd.s32 $0xFFFFD800  }
0x3c: {  	[tilespmem:s15], [sflag:$0x1] =	stream.indirect.gather [spmem:s2], $0x80, s20, s14, $0xb8;
	[tilespmem:$0x19880] =	vst v63  }
0x3d: {  	_ =	swait.ge [sflag:s18], $0x2800  }
.Ltmp0:
0x3e: {  	[sflag:s18] =	ssyncset.done $0x0;
	(pc) =	sbr.rel @p1 .LBB2_2-.Ltmp0, $4  }
0x3f: {  	s23 =	sadd.s32 $0x500, s24;
	[sflag:s18] =	ssyncadd.s32 $0xFFFFD800  }
0x40: {  	[hbm4b:s23+s3] =	stream.linear.scatter [tilespmem:s16], [sflag:$0x3], $0x2800, $0x38;
	[tilespmem:$0x19880] =	vst v63  }
0x41: {  	_ =	swait.ge [sflag:s13], $0x2800  }
0x42: {  	s20 =	sadd.s32 $0x100, s20;
	[sflag:s13] =	ssyncset.done $0x0  }
0x43: {  	s22 =	sadd.s32 $0xFFFFFF80, s20;
	[sflag:s13] =	ssyncadd.s32 $0xFFFFD800  }
0x44: {  	[tilespmem:s16], [sflag:$0x2] =	stream.indirect.gather [spmem:s2], $0x80, s22, s14, $0xb8;
	[tilespmem:$0x19880] =	vst v63  }
0x45: {  	_ =	swait.ge [sflag:s17], $0x2800  }
0x46: {  	[sflag:s17] =	ssyncset.done $0x0  }
0x47: {  	s21 =	sadd.s32 s21, s9;
	[sflag:s17] =	ssyncadd.s32 $0xFFFFD800  }
0x48: {  	[hbm4b:s21+s3] =	stream.linear.scatter [tilespmem:s15], [sflag:$0x3], $0x2800, $0x38;
	[tilespmem:$0x19880] =	vst v63  }
0x49: {  	_ =	swait.ge [sflag:s13], $0x2800  }
0x4a: {  	[sflag:s13] =	ssyncset.done $0x0  }
0x4b: {  	[sflag:s13] =	ssyncadd.s32 $0xFFFFD800  }
0x4c: {  	[tilespmem:s15], [sflag:$0x1] =	stream.indirect.gather [spmem:s2], $0x80, s20, s14, $0xb8;
	[tilespmem:$0x19880] =	vst v63  }
0x4d: {  	_ =	swait.ge [sflag:s18], $0x2800  }
0x4e: {  	[sflag:s18] =	ssyncset.done $0x0  }
0x4f: {  	s31 =	sadd.s32 $0x500, s21;
	[sflag:s18] =	ssyncadd.s32 $0xFFFFD800  }
0x50: {  	[hbm4b:s31+s3] =	stream.linear.scatter [tilespmem:s16], [sflag:$0x3], $0x2800, $0x38;
	[tilespmem:$0x19880] =	vst v63  }
0x51: {  	_ =	swait.ge [sflag:s13], $0x2800  }
0x52: {  	[sflag:s13] =	ssyncset.done $0x0  }
0x53: {  	[sflag:s13] =	ssyncadd.s32 $0xFFFFD800  }
0x54: {  	s19 =	sadd.s32 $0x1, s19;
	_ =	swait.ge [sflag:s17], $0x2800  }
0x55: {  	p1 =	sne.s32 s19, s8;
	[sflag:s17] =	ssyncset.done $0x0  }
.Ltmp1:
0x56: {  	[sflag:s17] =	ssyncadd.s32 $0xFFFFD800;
	(pc) =	sbr.rel @p1 .LBB2_1-.Ltmp1, $4  }
0x57: {  	[hbm4b:s7+s3] =	stream.linear.scatter [tilespmem:s15], [sflag:$0x3], $0x2800, $0x38;
	[tilespmem:$0x19880] =	vst v63  }
0x58: {  	_ =	swait.ge [sflag:s13], $0x2800  }
0x59: {  	[sflag:s13] =	ssyncset.done $0x0  }
0x5a: {  	[sflag:s13] =	ssyncadd.s32 $0xFFFFD800  }
0x5b: {  	_ =	sfence.sel $0x180000  }
0x5c: {  	[bflag:$0x0] =	sbarrier.arrive $0xFFFF  }
0x5d: {  	p0 =	sne.s32 s1, $0x0;
	_ =	strace $0x90000050  }
0x5e: {  	s0 =	sadd.s32 @!p0 $0x100000, s0;
	[bflag:$0x2] =	sbarrier.arrive $0xFFFF  }
0x5f: {  	[sflag:s0] =	ssyncadd.tile.s32 @!p0 $0x1;
	_ =	shalt  }
.Lfunc_end2:
_tile_overlayer_lowered:
.L_overlay_start_2:
0x60: {  	(tag) =	ssettag $0x2  }
0x61: {  	s0 =	rddreg [dreg:$0x0];
	s2 =	stileid.u32  }
0x62: {  	s1 =	rddreg [dreg:$0x1];
	p0 =	sne.s32 s2, $0x0  }
0x63: {  	s3 =	rddreg [dreg:$0x2];
	[bflag:$0x3] =	sbarrier.arrive $0xFFFF;
	s2 =	simm.s32 @!p0 $0x1C03  }
0x64: {  	[timem:s3], [sflag:s2] =	dma.local @!p0 [hbm:s0], s1  }
0x65: {  	s0 =	simm.s32 @!p0 $0x3  }
0x66: {  	_ =	swait.ge @!p0 [sflag:s0], s1  }
0x67: {  	s1 =	ssub.s32 @!p0 $0x0, s1;
	[sflag:s0] =	ssyncset.done @!p0 $0x0  }
0x68: {  	[sflag:s0] =	ssyncadd.s32 @!p0 s1  }
0x69: {  	[bflag:$0x3] =	sbarrier.arrive $0xFFFF  }
0x6a: {  	_ =	shalt  }

// kernel: kernel.27.cloned.1.call-start
scs
__scs_entry_jumppad:
0x0: {  	(pc) =	sbr.rel $0x88, $3  }
0x1: {  	(tag) =	ssettag $0x0;
	lr =	simm.s32 $0x1  }
0x2: {  	[smem:$0x3F96] =	sst lr;
	_ =	strace $0xD0000000  }
0x3: {  	_ = 	snop  }
0x4: {  	_ = 	snop  }
0x5: {  	_ = 	snop  }
0x6: {  	_ = 	snop  }
0x7: {  	_ = 	snop  }
__scs_overlays_trampoline_lowered:
0x8: {  	[smem:$0x3FA5] =	sst s0  }
0x9: {  	[smem:$0x3FA6] =	sst s1  }
0xa: {  	[smem:$0x3FA7] =	sst s2  }
0xb: {  	[smem:$0x3FA8] =	sst s3  }
0xc: {  	[smem:$0x3FA9] =	sst s4  }
0xd: {  	[smem:$0x3FAA] =	sst s5  }
0xe: {  	[smem:$0x3FAB] =	sst s6  }
0xf: {  	[smem:$0x3FAC] =	sst s7  }
0x10: {  	[smem:$0x3FAD] =	sst s8  }
0x11: {  	[smem:$0x3FAE] =	sst s9;
	s0 =	simm.s32 @!p0 $0x0  }
0x12: {  	s1 =	sld [smem:$0x3F94];
	s0 =	simm.s32 @p0 $0x1  }
0x13: {  	[smem:$0x3FAF] =	sst s0;
	s0 =	simm.s32 @!p1 $0x0  }
0x14: {  	s2 =	sld [smem:$0x3F93];
	s0 =	simm.s32 @p1 $0x1  }
0x15: {  	[smem:$0x3FB0] =	sst s0;
	s0 =	simm.s32 @!p2 $0x0  }
0x16: {  	s3 =	sld [smem:$0x3FDB];
	s0 =	simm.s32 @p2 $0x1  }
0x17: {  	s4 =	simm.s32 $0x1BF5;
	[smem:$0x3FB2] =	sst s0  }
0x18: {  	s0 =	sld [smem:$0x3F95];
	_ =	swait.ge [sflag:s4], $0x0  }
0x19: {  	s7 =	sld [smem:$0x3F96]  }
0x1a: {  	s8 =	sadd.s32 $0xFFFFE003, lr  }
0x1b: {  	s9 =	sadd.s32 $0xFFFFFEF7, lr;
	s5 =	simm.s32 $0xFFFFFFFF;
	p2 =	slt.u32 s8, $0xFFFFF086  }
0x1c: {  	p1 =	slt.u32 s9, $0xF7A;
	s5 =	simm.s32 @!p2 $0x0  }
0x1d: {  	s5 =	simm.s32 @p1 $0x1;
	p0 =	seq.s32 s7, s2  }
0x1e: {  	s7 =	smul.u32 @!p0 $0xF7A, s2;
	p2 =	seq.s32 @!p0 s5, $0x0  }
0x1f: {  	s9 =	smul.u32 $0xF7A, s1;
	s8 =	simm.s32 @!p0 $0x1BF5;
	p2 =	por !p2, p0  }
0x20: {  	[sflag:s8] =	ssyncset.s32 @!p0 $0xFFFFF086;
	s6 =	sadd.s32 @!p0 s3, s7;
	s7 =	simm.s32 @!p0 $0x108  }
0x21: {  	s3 =	sadd.s32 s3, s9;
	s6 =	sadd.s32 @!p0 $0x88, s6;
	s7 =	simm.s32 @p2 $0x1082  }
0x22: {  	[simem:s7], [sflag:s8] =	dma.local @!p0 [hbm:s6], $0xF7A  }
0x23: {  	s9 =	sor.u32 $0xD0000000, s2;
	s6 =	simm.s32 $0x108;
	_ =	swait.ge @!p0 [sflag:s8], $0x0  }
0x24: {  	s3 =	sadd.s32 $0x88, s3;
	s6 =	simm.s32 @!p1 $0x1082;
	[sflag:s4] =	ssyncset.s32 $0xFFFFF086  }
0x25: {  	[simem:s6], [sflag:s4] =	dma.local [hbm:s3], $0xF7A  }
0x26: {  	[smem:$0x3F96] =	sst s1;
	(tag) =	ssettag s2;
	_ =	strace s9  }
0x27: {  	s1 =	sld [smem:$0x3FA6]  }
0x28: {  	s2 =	sld [smem:$0x3FA7]  }
0x29: {  	s4 =	sld [smem:$0x3FA9]  }
0x2a: {  	p0 =	seq.s32 s5, $0x0;
	s5 =	sld [smem:$0x3FAA]  }
0x2b: {  	s6 =	sld [smem:$0x3FAB]  }
0x2c: {  	s7 =	sld [smem:$0x3FAC]  }
0x2d: {  	s3 =	simm.s32 $0x108;
	s8 =	sld [smem:$0x3FAD]  }
0x2e: {  	s3 =	simm.s32 @!p0 $0x1082;
	s9 =	sld [smem:$0x3FAE]  }
0x2f: {  	lr =	sadd.s32 s0, s3;
	s0 =	sld [smem:$0x3FA5]  }
0x30: {  	s3 =	sld [smem:$0x3FA8]  }
0x31: {  	[smem:$0x3FB1] =	sst s10  }
0x32: {  	s10 =	sld [smem:$0x3FAF];
	_ =	sdelay $0x3  }
0x33: {  	p0 =	seq.s32 s10, $0x1;
	s10 =	sld [smem:$0x3FB1];
	_ =	sdelay $0x3  }
0x34: {  	[smem:$0x3FB1] =	sst s10  }
0x35: {  	s10 =	sld [smem:$0x3FB0];
	_ =	sdelay $0x3  }
0x36: {  	p1 =	seq.s32 s10, $0x1;
	s10 =	sld [smem:$0x3FB1];
	_ =	sdelay $0x3  }
0x37: {  	[smem:$0x3FB1] =	sst s10  }
0x38: {  	s10 =	sld [smem:$0x3FB2]  }
0x39: {  	_ = 	snop;
	(pc) =	sbr.ind lr, $3  }
0x3a: {  	_ = 	snop  }
0x3b: {  	_ = 	snop  }
0x3c: {  	p2 =	seq.s32 s10, $0x1;
	s10 =	sld [smem:$0x3FB1]  }
0x3d: {  	_ =	shalt  }
0x3e: {  	_ =	shalt  }
0x3f: {  	_ =	shalt  }
0x40: {  	_ =	shalt  }
0x41: {  	_ =	shalt  }
0x42: {  	_ =	shalt  }
0x43: {  	_ =	shalt  }
0x44: {  	_ =	shalt  }
0x45: {  	_ =	shalt  }
0x46: {  	_ =	shalt  }
0x47: {  	_ =	shalt  }
0x48: {  	_ =	shalt  }
0x49: {  	_ =	shalt  }
0x4a: {  	_ =	shalt  }
0x4b: {  	_ =	shalt  }
0x4c: {  	_ =	shalt  }
0x4d: {  	_ =	shalt  }
0x4e: {  	_ =	shalt  }
0x4f: {  	_ =	shalt  }
0x50: {  	_ =	shalt  }
0x51: {  	_ =	shalt  }
0x52: {  	_ =	shalt  }
0x53: {  	_ =	shalt  }
0x54: {  	_ =	shalt  }
0x55: {  	_ =	shalt  }
0x56: {  	_ =	shalt  }
0x57: {  	_ =	shalt  }
0x58: {  	_ =	shalt  }
0x59: {  	_ =	shalt  }
0x5a: {  	_ =	shalt  }
0x5b: {  	_ =	shalt  }
0x5c: {  	_ =	shalt  }
0x5d: {  	_ =	shalt  }
0x5e: {  	_ =	shalt  }
0x5f: {  	_ =	shalt  }
0x60: {  	_ =	shalt  }
0x61: {  	_ =	shalt  }
0x62: {  	_ =	shalt  }
0x63: {  	_ =	shalt  }
0x64: {  	_ =	shalt  }
0x65: {  	_ =	shalt  }
0x66: {  	_ =	shalt  }
0x67: {  	_ =	shalt  }
0x68: {  	_ =	shalt  }
0x69: {  	_ =	shalt  }
0x6a: {  	_ =	shalt  }
0x6b: {  	_ =	shalt  }
0x6c: {  	_ =	shalt  }
0x6d: {  	_ =	shalt  }
0x6e: {  	_ =	shalt  }
0x6f: {  	_ =	shalt  }
0x70: {  	_ =	shalt  }
0x71: {  	_ =	shalt  }
0x72: {  	_ =	shalt  }
0x73: {  	_ =	shalt  }
0x74: {  	_ =	shalt  }
0x75: {  	_ =	shalt  }
0x76: {  	_ =	shalt  }
0x77: {  	_ =	shalt  }
0x78: {  	_ =	shalt  }
0x79: {  	_ =	shalt  }
0x7a: {  	_ =	shalt  }
0x7b: {  	_ =	shalt  }
0x7c: {  	_ =	shalt  }
0x7d: {  	_ =	shalt  }
0x7e: {  	_ =	shalt  }
0x7f: {  	_ =	shalt  }
0x80: {  	_ =	shalt  }
0x81: {  	_ =	shalt  }
0x82: {  	_ =	shalt  }
0x83: {  	_ =	shalt  }
0x84: {  	_ =	shalt  }
0x85: {  	_ =	shalt  }
0x86: {  	_ =	shalt  }
0x87: {  	_ =	shalt  }
.Lfunc_end0:
.L_simem_size_0:
called_computation.4_lowered:
.L_overlay_start_0:
0x88: {  	s2 =	sld [smem:$0x3FD9]  }
0x89: {  	s3 =	sld [smem:$0x3FFE];
	_ =	sdelay $0x1  }
0x8a: {  	s1 =	srdreg.scid  }
0x8b: {  	s0 =	sand.u32 $0x1, s1  }
0x8c: {  	s17 =	sshll.u32 s0, $0xA;
	s2 =	sadd.s32 s3, s2  }
0x8d: {  	s2 =	sadd.s32 s2, s17  }
0x8e: {  	[smem:$0x3FBD] =	sst s2  }
0x8f: {  	_ = 	snop  }
0x90: {  	s18 =	sld [smem:$0x3FC9];
	(tm) =	ssettm $0x1  }
0x91: {  	s19 =	sld [smem:$0x3FFB];
	_ =	sdelay $0x3  }
0x92: {  	_ =	strace s19  }
0x93: {  	s2 =	sld [smem:$0x3FFC];
	_ =	sdelay $0x3  }
0x94: {  	_ =	strace s2  }
0x95: {  	s2 =	sld [smem:$0x3FFD];
	_ =	sdelay $0x3  }
0x96: {  	_ =	strace s2  }
0x97: {  	_ =	strace $0x8FFFFFFF  }
0x98: {  	s20 =	sld [smem:$0x3FDB];
	_ =	sdelay $0x1  }
0x99: {  	s4 =	simm.s32 $_scs_section_size  }
0x9a: {  	s5 =	simm.s32 $_size__tile_overlayer_lowered;
	s6 =	simm.s32 $_tile_overlayer_lowered  }
0x9b: {  	s7 =	simm.s32 $0x1BFF;
	s21 =	sshll.u32 s6, $0x1;
	s4 =	sadd.s32 s4, s20  }
0x9c: {  	s22 =	simm.s32 $0x0;
	s5 =	sshll.u32 s5, $0x1;
	s6 =	sadd.s32 s21, s4  }
0x9d: {  	[timem:s22], [sflag:s7] =	dma.local [hbm:s6], s5  }
0x9e: {  	_ =	swait.ge [sflag:s7], s5  }
0x9f: {  	s5 =	ssub.s32 $0x0, s5;
	[sflag:s7] =	ssyncset.done $0x0  }
0xa0: {  	[sflag:s7] =	ssyncadd.s32 s5;
	_ =	sdelay $0x1  }
0xa1: {  	s23 =	simm.s32 $0x1B8B  }
0xa2: {  	_ =	swait.ge [sflag:s23], $0x1  }
0xa3: {  	[sflag:s23] =	ssyncset.done $0x0  }
0xa4: {  	[sflag:s23] =	ssyncadd.s32 $0xFFFFFFFF  }
0xa5: {  	s5 =	sld [smem:$0x0]  }
0xa6: {  	s6 =	sand.u32 $0xFFFFFFFE, s1  }
0xa7: {  	p0 =	sne.s32 s1, s6  }
0xa8: {  	s6 =	sshll.u32 @p0 s6, $0xE  }
0xa9: {  	s6 =	sadd.s32 @p0 $0x11B8D, s6;
	s7 =	sshll.u32 @p0 s5, $0x11  }
0xaa: {  	s6 =	sor.u32 @p0 s7, s6  }
0xab: {  	[sflag:s6] =	ssyncadd.remote.s32 @p0 $0x1;
	_ =	sdelay $0x1  }
0xac: {  	s6 =	simm.s32 @p0 $0x1B8D  }
0xad: {  	_ =	swait.eq @p0 [sflag:s6], $0x1  }
0xae: {  	[sflag:s6] =	ssyncadd.s32 @p0 $0xFFFFFFFF  }
0xaf: {  	s7 =	sshll.u32 @!p0 s1, $0xE  }
0xb0: {  	s7 =	sor.u32 @!p0 $0x4000, s7;
	s6 =	simm.s32 @!p0 $0x1B8D  }
0xb1: {  	s5 =	sshll.u32 @!p0 s5, $0x11;
	s7 =	sadd.s32 @!p0 $0x11B8D, s7;
	_ =	swait.eq @!p0 [sflag:s6], $0x1  }
0xb2: {  	s5 =	sor.u32 @!p0 s5, s7;
	[sflag:s6] =	ssyncadd.s32 @!p0 $0xFFFFFFFF  }
0xb3: {  	s25 =	simm.s32 $0x1B8E;
	s24 =	sld [smem:$0x3FFE];
	[sflag:s5] =	ssyncadd.remote.s32 @!p0 $0x1  }
0xb4: {  	s26 =	simm.s32 $execute0_lowered;
	[smem:$0x3FD2] =	sst s25  }
0xb5: {  	s6 =	sshll.u32 s26, $0x1;
	_ =	strace $0x80000052;
	[dreg:$0x1] =	wrdreg $0xFFFFFFFF  }
0xb6: {  	s28 =	simm.s32 $_size_execute0_lowered;
	s4 =	sadd.s32 s4, s6;
	[dreg:$0x0] =	wrdreg $0x0  }
0xb7: {  	s6 =	sshll.u32 s28, $0x1;
	[dreg:$0x2] =	wrdreg s4  }
0xb8: {  	[dreg:$0x3] =	wrdreg s6  }
0xb9: {  	[dreg:$0x4] =	wrdreg $0xC0  }
0xba: {  	_ =	task [dreg:s22], $0x5FFFF  }
0xbb: {  	[dreg:$0x1] =	wrdreg $0xFFFFFFFF  }
0xbc: {  	[dreg:$0x0] =	wrdreg $0x60  }
0xbd: {  	[dreg:$0x2] =	wrdreg s18  }
0xbe: {  	[dreg:$0x3] =	wrdreg s24  }
0xbf: {  	[dreg:$0x4] =	wrdreg $0x60000  }
0xc0: {  	[dreg:$0x5] =	wrdreg $0xA  }
0xc1: {  	_ =	task.clear_ibuf [dreg:s22], $0x6FFFF;
	_ =	strace $0x90000052  }
0xc2: {  	s29 =	simm.s32 $0xA;
	_ =	strace $0x80000054  }
0xc3: {  	_ =	swait.ge [sflag:s29], $0x1  }
0xc4: {  	[sflag:s29] =	ssyncadd.s32 $0xFFFFFFFF  }
0xc5: {  	_ =	strace $0x90000054  }
0xc6: {  	_ =	sfence  }
0xc7: {  	s30 =	sld [smem:$0x0];
	_ =	sdelay $0x2  }
0xc8: {  	s31 =	sshll.u32 s1, $0xD;
	s1 =	sshrl.u32 s1, $0x2  }
0xc9: {  	s4 =	sand.u32 $0x4000, s31;
	s1 =	sadd.s32 s1, s30  }
0xca: {  	s0 =	sor.u32 s4, s0;
	s1 =	sshll.u32 s1, $0x11  }
0xcb: {  	s0 =	sor.u32 s1, s0  }
0xcc: {  	s0 =	sadd.s32 $0x8F2B, s0  }
0xcd: {  	[sflag:s0] =	ssyncadd.remote.s32 $0x1  }
0xce: {  	_ =	sfence.sel $0xFFFF  }
0xcf: {  	[dreg:$0x0] =	wrdreg $0xFFFFFFFF;
	(pc) =	sbr.abs _section_cstart, $3  }
0xd0: {  	[dreg:$0x1] =	wrdreg $0xFFFFFFFF  }
0xd1: {  	_ =	task.clear_ibuf [dreg:s22], $0x2FFFF;
	_ =	strace $0x9FFFFFFF  }
0xd2: {  	(tm) =	ssettm $0x7FFFFFFF  }
0xd3: {  	_ =	shalt  }
tec
execute0_lowered:
.L_overlay_start_1:
0x0: {  	(tag) =	ssettag $0x1  }
0x1: {  	s5 =	rddreg [dreg:$0x0]  }
0x2: {  	s4 =	rddreg [dreg:$0x1]  }
0x3: {  	s2 =	rddreg [dreg:$0x2]  }
0x4: {  	s0 =	rddreg [dreg:$0x3];
	s6 =	srdreg.scid  }
0x5: {  	s1 =	stileid.u32;
	s3 =	simm.s32 $0x0;
	s15 =	simm.s32 $0x1000  }
0x6: {  	s16 =	simm.s32 $0x3800;
	s17 =	simm.s32 $0x1;
	s18 =	simm.s32 $0x2  }
0x7: {  	s19 =	simm.s32 $0x0;
	s8 =	sand.u32 $0x1, s6;
	s9 =	smul.u32 $0x4F000, s1  }
0x8: {  	s28 =	sshll.u32 s1, $0x1;
	[smem:$0x7FF] =	sst s3;
	s11 =	smul.u32 $0x2780, s1  }
0x9: {  	s13 =	sadd.s32 $0x3FD000, s4;
	s14 =	smul.u32 $0xFA00, s1;
	p0 =	seq.s32 s1, $0xF  }
0xa: {  	s6 =	sor.u32 s8, s28;
	_ =	strace $0x80000053;
	s10 =	ssub.s32 $0x2, s8  }
0xb: {  	s30 =	smul.u32 $0x7D00, s8;
	s7 =	sshll.u32 s6, $0x9;
	s12 =	sshrl.u32 s10, $0x1  }
0xc: {  	s9 =	sshrl.u32 s9, $0x2;
	s6 =	smul.u32 $0x3E800, s6;
	s31 =	sadd.s32 s14, s13  }
0xd: {  	s14 =	simm.s32 $0x50;
	s7 =	sadd.s32 s7, s4;
	s10 =	ssub.s32 s10, s12  }
0xe: {  	s12 =	sadd.s32 s9, s2;
	s4 =	sadd.s32 s5, s11;
	s11 =	sadd.s32 $0x128400, s2  }
0xf: {  	s5 =	sadd.s32 $0x25080, s5;
	s9 =	sadd.s32 s30, s31;
	s6 =	sshrl.u32 s6, $0x3  }
0x10: {  	s8 =	smax.u32 s10, $0x1;
	s10 =	sshrl.u32 @p0 s11, $0x3;
	s11 =	sshll.u32 @!p0 s1, $0x6  }
0x11: {  	s12 =	sshrl.u32 @!p0 s12, $0x3;
	s29 =	sadd.s32 s13, s6;
	s6 =	sadd.s32 $0xD000, s7  }
0x12: {  	s11 =	sor.u32 @!p0 $0x1C03, s11;
	s13 =	simm.s32 $0x3;
	s7 =	sadd.s32 $0x7800, s29  }
.LBB2_1:
0x13: {  	s20 =	simm.s32 @p0 $0x1FC3  }
0x14: {  	[spmem:s10], [sflag:s20] =	dma.local @p0 [hbm:s5], $0x2080  }
0x15: {  	s20 =	simm.s32 @p0 $0x3  }
0x16: {  	_ =	swait.ge @p0 [sflag:s20], $0x2080  }
0x17: {  	[sflag:s20] =	ssyncset.done @p0 $0x0  }
0x18: {  	[sflag:s20] =	ssyncadd.s32 @p0 $0xFFFFDF80;
	s20 =	simm.s32 @!p0 $0x3  }
0x19: {  	[spmem:s12], [sflag:s11] =	dma.local @!p0 [hbm:s4], $0x2780  }
0x1a: {  	_ =	swait.ge @!p0 [sflag:s20], $0x2780  }
0x1b: {  	[sflag:s20] =	ssyncset.done @!p0 $0x0  }
0x1c: {  	[sflag:s20] =	ssyncadd.s32 @!p0 $0xFFFFD880  }
0x1d: {  	[tilespmem:s3], [sflag:$0x3] =	stream.linear.gather [hbm4b:s6+s3], $0xC80, $0x38;
	[tilespmem:$0x19880] =	vst v63  }
0x1e: {  	_ =	swait.ge [sflag:s13], $0xC80  }
0x1f: {  	[sflag:s13] =	ssyncset.done $0x0  }
0x20: {  	[sflag:s13] =	ssyncadd.s32 $0xFFFFF380  }
0x21: {  	[bflag:$0x0] =	sbarrier.arrive $0xFFFF  }
0x22: {  	[tilespmem:s15], [sflag:$0x1] =	stream.indirect.gather [spmem:s2], $0x80, s3, s14, $0xb8;
	[tilespmem:$0x19880] =	vst v63  }
0x23: {  	s30 =	simm.s32 $0x80  }
0x24: {  	[tilespmem:s16], [sflag:$0x2] =	stream.indirect.gather [spmem:s2], $0x80, s30, s14, $0xb8;
	[tilespmem:$0x19880] =	vst v63  }
0x25: {  	_ =	swait.ge [sflag:s17], $0x2800  }
0x26: {  	[sflag:s17] =	ssyncset.done $0x0  }
0x27: {  	s31 =	sadd.s32 $0x0, s9;
	[sflag:s17] =	ssyncadd.s32 $0xFFFFD800  }
0x28: {  	[hbm4b:s31+s3] =	stream.linear.scatter [tilespmem:s15], [sflag:$0x3], $0x2800, $0x38;
	[tilespmem:$0x19880] =	vst v63  }
0x29: {  	_ =	swait.ge [sflag:s13], $0x2800  }
0x2a: {  	[sflag:s13] =	ssyncset.done $0x0  }
0x2b: {  	s21 =	simm.s32 $0x100;
	[sflag:s13] =	ssyncadd.s32 $0xFFFFD800  }
0x2c: {  	[tilespmem:s15], [sflag:$0x1] =	stream.indirect.gather [spmem:s2], $0x80, s21, s14, $0xb8;
	[tilespmem:$0x19880] =	vst v63  }
0x2d: {  	_ =	swait.ge [sflag:s18], $0x2800  }
0x2e: {  	[sflag:s18] =	ssyncset.done $0x0  }
0x2f: {  	s20 =	sadd.s32 $0x500, s31;
	[sflag:s18] =	ssyncadd.s32 $0xFFFFD800  }
0x30: {  	[hbm4b:s20+s3] =	stream.linear.scatter [tilespmem:s16], [sflag:$0x3], $0x2800, $0x38;
	[tilespmem:$0x19880] =	vst v63  }
0x31: {  	s22 =	simm.s32 $0x1400;
	_ =	swait.ge [sflag:s13], $0x2800  }
0x32: {  	s21 =	simm.s32 $0xA00;
	s20 =	simm.s32 $0x200;
	[sflag:s13] =	ssyncset.done $0x0  }
.LBB2_2:
0x33: {  	p1 =	sne.s32 s22, $0x6E00;
	s23 =	sadd.s32 $0xFFFFFF80, s20;
	[sflag:s13] =	ssyncadd.s32 $0xFFFFD800  }
0x34: {  	[tilespmem:s16], [sflag:$0x2] =	stream.indirect.gather [spmem:s2], $0x80, s23, s14, $0xb8;
	[tilespmem:$0x19880] =	vst v63  }
0x35: {  	s23 =	smov.u32 s22;
	s22 =	sadd.s32 $0xA00, s22;
	_ =	swait.ge [sflag:s17], $0x2800  }
0x36: {  	[sflag:s17] =	ssyncset.done $0x0  }
0x37: {  	s24 =	sadd.s32 s21, s9;
	s21 =	smov.u32 s23;
	[sflag:s17] =	ssyncadd.s32 $0xFFFFD800  }
0x38: {  	[hbm4b:s24+s3] =	stream.linear.scatter [tilespmem:s15], [sflag:$0x3], $0x2800, $0x38;
	[tilespmem:$0x19880] =	vst v63  }
0x39: {  	_ =	swait.ge [sflag:s13], $0x2800  }
0x3a: {  	[sflag:s13] =	ssyncset.done $0x0  }
0x3b: {  	[sflag:s13] =	ssyncadd.s32 $0xFFFFD800  }
0x3c: {  	[tilespmem:s15], [sflag:$0x1] =	stream.indirect.gather [spmem:s2], $0x80, s20, s14, $0xb8;
	[tilespmem:$0x19880] =	vst v63  }
0x3d: {  	_ =	swait.ge [sflag:s18], $0x2800  }
.Ltmp0:
0x3e: {  	[sflag:s18] =	ssyncset.done $0x0;
	(pc) =	sbr.rel @p1 .LBB2_2-.Ltmp0, $4  }
0x3f: {  	s23 =	sadd.s32 $0x500, s24;
	[sflag:s18] =	ssyncadd.s32 $0xFFFFD800  }
0x40: {  	[hbm4b:s23+s3] =	stream.linear.scatter [tilespmem:s16], [sflag:$0x3], $0x2800, $0x38;
	[tilespmem:$0x19880] =	vst v63  }
0x41: {  	_ =	swait.ge [sflag:s13], $0x2800  }
0x42: {  	s20 =	sadd.s32 $0x100, s20;
	[sflag:s13] =	ssyncset.done $0x0  }
0x43: {  	s22 =	sadd.s32 $0xFFFFFF80, s20;
	[sflag:s13] =	ssyncadd.s32 $0xFFFFD800  }
0x44: {  	[tilespmem:s16], [sflag:$0x2] =	stream.indirect.gather [spmem:s2], $0x80, s22, s14, $0xb8;
	[tilespmem:$0x19880] =	vst v63  }
0x45: {  	_ =	swait.ge [sflag:s17], $0x2800  }
0x46: {  	[sflag:s17] =	ssyncset.done $0x0  }
0x47: {  	s21 =	sadd.s32 s21, s9;
	[sflag:s17] =	ssyncadd.s32 $0xFFFFD800  }
0x48: {  	[hbm4b:s21+s3] =	stream.linear.scatter [tilespmem:s15], [sflag:$0x3], $0x2800, $0x38;
	[tilespmem:$0x19880] =	vst v63  }
0x49: {  	_ =	swait.ge [sflag:s13], $0x2800  }
0x4a: {  	[sflag:s13] =	ssyncset.done $0x0  }
0x4b: {  	[sflag:s13] =	ssyncadd.s32 $0xFFFFD800  }
0x4c: {  	[tilespmem:s15], [sflag:$0x1] =	stream.indirect.gather [spmem:s2], $0x80, s20, s14, $0xb8;
	[tilespmem:$0x19880] =	vst v63  }
0x4d: {  	_ =	swait.ge [sflag:s18], $0x2800  }
0x4e: {  	[sflag:s18] =	ssyncset.done $0x0  }
0x4f: {  	s31 =	sadd.s32 $0x500, s21;
	[sflag:s18] =	ssyncadd.s32 $0xFFFFD800  }
0x50: {  	[hbm4b:s31+s3] =	stream.linear.scatter [tilespmem:s16], [sflag:$0x3], $0x2800, $0x38;
	[tilespmem:$0x19880] =	vst v63  }
0x51: {  	_ =	swait.ge [sflag:s13], $0x2800  }
0x52: {  	[sflag:s13] =	ssyncset.done $0x0  }
0x53: {  	[sflag:s13] =	ssyncadd.s32 $0xFFFFD800  }
0x54: {  	s19 =	sadd.s32 $0x1, s19;
	_ =	swait.ge [sflag:s17], $0x2800  }
0x55: {  	p1 =	sne.s32 s19, s8;
	[sflag:s17] =	ssyncset.done $0x0  }
.Ltmp1:
0x56: {  	[sflag:s17] =	ssyncadd.s32 $0xFFFFD800;
	(pc) =	sbr.rel @p1 .LBB2_1-.Ltmp1, $4  }
0x57: {  	[hbm4b:s7+s3] =	stream.linear.scatter [tilespmem:s15], [sflag:$0x3], $0x2800, $0x38;
	[tilespmem:$0x19880] =	vst v63  }
0x58: {  	_ =	swait.ge [sflag:s13], $0x2800  }
0x59: {  	[sflag:s13] =	ssyncset.done $0x0  }
0x5a: {  	[sflag:s13] =	ssyncadd.s32 $0xFFFFD800  }
0x5b: {  	_ =	sfence.sel $0x180000  }
0x5c: {  	[bflag:$0x0] =	sbarrier.arrive $0xFFFF  }
0x5d: {  	p0 =	sne.s32 s1, $0x0;
	_ =	strace $0x90000053  }
0x5e: {  	s0 =	sadd.s32 @!p0 $0x100000, s0;
	[bflag:$0x2] =	sbarrier.arrive $0xFFFF  }
0x5f: {  	[sflag:s0] =	ssyncadd.tile.s32 @!p0 $0x1;
	_ =	shalt  }
.Lfunc_end2:
_tile_overlayer_lowered:
.L_overlay_start_2:
0x60: {  	(tag) =	ssettag $0x2  }
0x61: {  	s0 =	rddreg [dreg:$0x0];
	s2 =	stileid.u32  }
0x62: {  	s1 =	rddreg [dreg:$0x1];
	p0 =	sne.s32 s2, $0x0  }
0x63: {  	s3 =	rddreg [dreg:$0x2];
	[bflag:$0x3] =	sbarrier.arrive $0xFFFF;
	s2 =	simm.s32 @!p0 $0x1C03  }
0x64: {  	[timem:s3], [sflag:s2] =	dma.local @!p0 [hbm:s0], s1  }
0x65: {  	s0 =	simm.s32 @!p0 $0x3  }
0x66: {  	_ =	swait.ge @!p0 [sflag:s0], s1  }
0x67: {  	s1 =	ssub.s32 @!p0 $0x0, s1;
	[sflag:s0] =	ssyncset.done @!p0 $0x0  }
0x68: {  	[sflag:s0] =	ssyncadd.s32 @!p0 s1  }
0x69: {  	[bflag:$0x3] =	sbarrier.arrive $0xFFFF  }
0x6a: {  	_ =	shalt  }

// kernel: kernel.30.cloned.1.call-start
scs
__scs_entry_jumppad:
0x0: {  	(pc) =	sbr.rel $0x88, $3  }
0x1: {  	(tag) =	ssettag $0x0;
	lr =	simm.s32 $0x1  }
0x2: {  	[smem:$0x3F96] =	sst lr;
	_ =	strace $0xD0000000  }
0x3: {  	_ = 	snop  }
0x4: {  	_ = 	snop  }
0x5: {  	_ = 	snop  }
0x6: {  	_ = 	snop  }
0x7: {  	_ = 	snop  }
__scs_overlays_trampoline_lowered:
0x8: {  	[smem:$0x3FA5] =	sst s0  }
0x9: {  	[smem:$0x3FA6] =	sst s1  }
0xa: {  	[smem:$0x3FA7] =	sst s2  }
0xb: {  	[smem:$0x3FA8] =	sst s3  }
0xc: {  	[smem:$0x3FA9] =	sst s4  }
0xd: {  	[smem:$0x3FAA] =	sst s5  }
0xe: {  	[smem:$0x3FAB] =	sst s6  }
0xf: {  	[smem:$0x3FAC] =	sst s7  }
0x10: {  	[smem:$0x3FAD] =	sst s8  }
0x11: {  	[smem:$0x3FAE] =	sst s9;
	s0 =	simm.s32 @!p0 $0x0  }
0x12: {  	s1 =	sld [smem:$0x3F94];
	s0 =	simm.s32 @p0 $0x1  }
0x13: {  	[smem:$0x3FAF] =	sst s0;
	s0 =	simm.s32 @!p1 $0x0  }
0x14: {  	s2 =	sld [smem:$0x3F93];
	s0 =	simm.s32 @p1 $0x1  }
0x15: {  	[smem:$0x3FB0] =	sst s0;
	s0 =	simm.s32 @!p2 $0x0  }
0x16: {  	s3 =	sld [smem:$0x3FDB];
	s0 =	simm.s32 @p2 $0x1  }
0x17: {  	s4 =	simm.s32 $0x1BF5;
	[smem:$0x3FB2] =	sst s0  }
0x18: {  	s0 =	sld [smem:$0x3F95];
	_ =	swait.ge [sflag:s4], $0x0  }
0x19: {  	s7 =	sld [smem:$0x3F96]  }
0x1a: {  	s8 =	sadd.s32 $0xFFFFE003, lr  }
0x1b: {  	s9 =	sadd.s32 $0xFFFFFEF7, lr;
	s5 =	simm.s32 $0xFFFFFFFF;
	p2 =	slt.u32 s8, $0xFFFFF086  }
0x1c: {  	p1 =	slt.u32 s9, $0xF7A;
	s5 =	simm.s32 @!p2 $0x0  }
0x1d: {  	s5 =	simm.s32 @p1 $0x1;
	p0 =	seq.s32 s7, s2  }
0x1e: {  	s7 =	smul.u32 @!p0 $0xF7A, s2;
	p2 =	seq.s32 @!p0 s5, $0x0  }
0x1f: {  	s9 =	smul.u32 $0xF7A, s1;
	s8 =	simm.s32 @!p0 $0x1BF5;
	p2 =	por !p2, p0  }
0x20: {  	[sflag:s8] =	ssyncset.s32 @!p0 $0xFFFFF086;
	s6 =	sadd.s32 @!p0 s3, s7;
	s7 =	simm.s32 @!p0 $0x108  }
0x21: {  	s3 =	sadd.s32 s3, s9;
	s6 =	sadd.s32 @!p0 $0x88, s6;
	s7 =	simm.s32 @p2 $0x1082  }
0x22: {  	[simem:s7], [sflag:s8] =	dma.local @!p0 [hbm:s6], $0xF7A  }
0x23: {  	s9 =	sor.u32 $0xD0000000, s2;
	s6 =	simm.s32 $0x108;
	_ =	swait.ge @!p0 [sflag:s8], $0x0  }
0x24: {  	s3 =	sadd.s32 $0x88, s3;
	s6 =	simm.s32 @!p1 $0x1082;
	[sflag:s4] =	ssyncset.s32 $0xFFFFF086  }
0x25: {  	[simem:s6], [sflag:s4] =	dma.local [hbm:s3], $0xF7A  }
0x26: {  	[smem:$0x3F96] =	sst s1;
	(tag) =	ssettag s2;
	_ =	strace s9  }
0x27: {  	s1 =	sld [smem:$0x3FA6]  }
0x28: {  	s2 =	sld [smem:$0x3FA7]  }
0x29: {  	s4 =	sld [smem:$0x3FA9]  }
0x2a: {  	p0 =	seq.s32 s5, $0x0;
	s5 =	sld [smem:$0x3FAA]  }
0x2b: {  	s6 =	sld [smem:$0x3FAB]  }
0x2c: {  	s7 =	sld [smem:$0x3FAC]  }
0x2d: {  	s3 =	simm.s32 $0x108;
	s8 =	sld [smem:$0x3FAD]  }
0x2e: {  	s3 =	simm.s32 @!p0 $0x1082;
	s9 =	sld [smem:$0x3FAE]  }
0x2f: {  	lr =	sadd.s32 s0, s3;
	s0 =	sld [smem:$0x3FA5]  }
0x30: {  	s3 =	sld [smem:$0x3FA8]  }
0x31: {  	[smem:$0x3FB1] =	sst s10  }
0x32: {  	s10 =	sld [smem:$0x3FAF];
	_ =	sdelay $0x3  }
0x33: {  	p0 =	seq.s32 s10, $0x1;
	s10 =	sld [smem:$0x3FB1];
	_ =	sdelay $0x3  }
0x34: {  	[smem:$0x3FB1] =	sst s10  }
0x35: {  	s10 =	sld [smem:$0x3FB0];
	_ =	sdelay $0x3  }
0x36: {  	p1 =	seq.s32 s10, $0x1;
	s10 =	sld [smem:$0x3FB1];
	_ =	sdelay $0x3  }
0x37: {  	[smem:$0x3FB1] =	sst s10  }
0x38: {  	s10 =	sld [smem:$0x3FB2]  }
0x39: {  	_ = 	snop;
	(pc) =	sbr.ind lr, $3  }
0x3a: {  	_ = 	snop  }
0x3b: {  	_ = 	snop  }
0x3c: {  	p2 =	seq.s32 s10, $0x1;
	s10 =	sld [smem:$0x3FB1]  }
0x3d: {  	_ =	shalt  }
0x3e: {  	_ =	shalt  }
0x3f: {  	_ =	shalt  }
0x40: {  	_ =	shalt  }
0x41: {  	_ =	shalt  }
0x42: {  	_ =	shalt  }
0x43: {  	_ =	shalt  }
0x44: {  	_ =	shalt  }
0x45: {  	_ =	shalt  }
0x46: {  	_ =	shalt  }
0x47: {  	_ =	shalt  }
0x48: {  	_ =	shalt  }
0x49: {  	_ =	shalt  }
0x4a: {  	_ =	shalt  }
0x4b: {  	_ =	shalt  }
0x4c: {  	_ =	shalt  }
0x4d: {  	_ =	shalt  }
0x4e: {  	_ =	shalt  }
0x4f: {  	_ =	shalt  }
0x50: {  	_ =	shalt  }
0x51: {  	_ =	shalt  }
0x52: {  	_ =	shalt  }
0x53: {  	_ =	shalt  }
0x54: {  	_ =	shalt  }
0x55: {  	_ =	shalt  }
0x56: {  	_ =	shalt  }
0x57: {  	_ =	shalt  }
0x58: {  	_ =	shalt  }
0x59: {  	_ =	shalt  }
0x5a: {  	_ =	shalt  }
0x5b: {  	_ =	shalt  }
0x5c: {  	_ =	shalt  }
0x5d: {  	_ =	shalt  }
0x5e: {  	_ =	shalt  }
0x5f: {  	_ =	shalt  }
0x60: {  	_ =	shalt  }
0x61: {  	_ =	shalt  }
0x62: {  	_ =	shalt  }
0x63: {  	_ =	shalt  }
0x64: {  	_ =	shalt  }
0x65: {  	_ =	shalt  }
0x66: {  	_ =	shalt  }
0x67: {  	_ =	shalt  }
0x68: {  	_ =	shalt  }
0x69: {  	_ =	shalt  }
0x6a: {  	_ =	shalt  }
0x6b: {  	_ =	shalt  }
0x6c: {  	_ =	shalt  }
0x6d: {  	_ =	shalt  }
0x6e: {  	_ =	shalt  }
0x6f: {  	_ =	shalt  }
0x70: {  	_ =	shalt  }
0x71: {  	_ =	shalt  }
0x72: {  	_ =	shalt  }
0x73: {  	_ =	shalt  }
0x74: {  	_ =	shalt  }
0x75: {  	_ =	shalt  }
0x76: {  	_ =	shalt  }
0x77: {  	_ =	shalt  }
0x78: {  	_ =	shalt  }
0x79: {  	_ =	shalt  }
0x7a: {  	_ =	shalt  }
0x7b: {  	_ =	shalt  }
0x7c: {  	_ =	shalt  }
0x7d: {  	_ =	shalt  }
0x7e: {  	_ =	shalt  }
0x7f: {  	_ =	shalt  }
0x80: {  	_ =	shalt  }
0x81: {  	_ =	shalt  }
0x82: {  	_ =	shalt  }
0x83: {  	_ =	shalt  }
0x84: {  	_ =	shalt  }
0x85: {  	_ =	shalt  }
0x86: {  	_ =	shalt  }
0x87: {  	_ =	shalt  }
.Lfunc_end0:
.L_simem_size_0:
called_computation.5_lowered:
.L_overlay_start_0:
0x88: {  	s2 =	sld [smem:$0x3FD9]  }
0x89: {  	s3 =	sld [smem:$0x3FFE];
	_ =	sdelay $0x1  }
0x8a: {  	s1 =	srdreg.scid  }
0x8b: {  	s0 =	sand.u32 $0x1, s1  }
0x8c: {  	s17 =	sshll.u32 s0, $0xA;
	s2 =	sadd.s32 s3, s2  }
0x8d: {  	s2 =	sadd.s32 s2, s17  }
0x8e: {  	[smem:$0x3FBD] =	sst s2  }
0x8f: {  	_ = 	snop  }
0x90: {  	s18 =	sld [smem:$0x3FD0];
	(tm) =	ssettm $0x1  }
0x91: {  	s19 =	sld [smem:$0x3FFB];
	_ =	sdelay $0x3  }
0x92: {  	_ =	strace s19  }
0x93: {  	s2 =	sld [smem:$0x3FFC];
	_ =	sdelay $0x3  }
0x94: {  	_ =	strace s2  }
0x95: {  	s2 =	sld [smem:$0x3FFD];
	_ =	sdelay $0x3  }
0x96: {  	_ =	strace s2  }
0x97: {  	_ =	strace $0x8FFFFFFF  }
0x98: {  	s20 =	sld [smem:$0x3FDB];
	_ =	sdelay $0x1  }
0x99: {  	s4 =	simm.s32 $_scs_section_size  }
0x9a: {  	s5 =	simm.s32 $_size__tile_overlayer_lowered;
	s6 =	simm.s32 $_tile_overlayer_lowered  }
0x9b: {  	s7 =	simm.s32 $0x1BFF;
	s21 =	sshll.u32 s6, $0x1;
	s4 =	sadd.s32 s4, s20  }
0x9c: {  	s22 =	simm.s32 $0x0;
	s5 =	sshll.u32 s5, $0x1;
	s6 =	sadd.s32 s21, s4  }
0x9d: {  	[timem:s22], [sflag:s7] =	dma.local [hbm:s6], s5  }
0x9e: {  	_ =	swait.ge [sflag:s7], s5  }
0x9f: {  	s5 =	ssub.s32 $0x0, s5;
	[sflag:s7] =	ssyncset.done $0x0  }
0xa0: {  	[sflag:s7] =	ssyncadd.s32 s5;
	_ =	sdelay $0x1  }
0xa1: {  	s23 =	simm.s32 $0x1B8B  }
0xa2: {  	_ =	swait.ge [sflag:s23], $0x1  }
0xa3: {  	[sflag:s23] =	ssyncset.done $0x0  }
0xa4: {  	[sflag:s23] =	ssyncadd.s32 $0xFFFFFFFF  }
0xa5: {  	s5 =	sld [smem:$0x0]  }
0xa6: {  	s6 =	sand.u32 $0xFFFFFFFE, s1  }
0xa7: {  	p0 =	sne.s32 s1, s6  }
0xa8: {  	s6 =	sshll.u32 @p0 s6, $0xE  }
0xa9: {  	s6 =	sadd.s32 @p0 $0x11B8D, s6;
	s7 =	sshll.u32 @p0 s5, $0x11  }
0xaa: {  	s6 =	sor.u32 @p0 s7, s6  }
0xab: {  	[sflag:s6] =	ssyncadd.remote.s32 @p0 $0x1;
	_ =	sdelay $0x1  }
0xac: {  	s6 =	simm.s32 @p0 $0x1B8D  }
0xad: {  	_ =	swait.eq @p0 [sflag:s6], $0x1  }
0xae: {  	[sflag:s6] =	ssyncadd.s32 @p0 $0xFFFFFFFF  }
0xaf: {  	s7 =	sshll.u32 @!p0 s1, $0xE  }
0xb0: {  	s7 =	sor.u32 @!p0 $0x4000, s7;
	s6 =	simm.s32 @!p0 $0x1B8D  }
0xb1: {  	s5 =	sshll.u32 @!p0 s5, $0x11;
	s7 =	sadd.s32 @!p0 $0x11B8D, s7;
	_ =	swait.eq @!p0 [sflag:s6], $0x1  }
0xb2: {  	s5 =	sor.u32 @!p0 s5, s7;
	[sflag:s6] =	ssyncadd.s32 @!p0 $0xFFFFFFFF  }
0xb3: {  	s25 =	simm.s32 $0x1B8E;
	s24 =	sld [smem:$0x3FFE];
	[sflag:s5] =	ssyncadd.remote.s32 @!p0 $0x1  }
0xb4: {  	s26 =	simm.s32 $execute0_lowered;
	[smem:$0x3FD2] =	sst s25  }
0xb5: {  	s6 =	sshll.u32 s26, $0x1;
	_ =	strace $0x80000055;
	[dreg:$0x1] =	wrdreg $0xFFFFFFFF  }
0xb6: {  	s28 =	simm.s32 $_size_execute0_lowered;
	s4 =	sadd.s32 s4, s6;
	[dreg:$0x0] =	wrdreg $0x0  }
0xb7: {  	s6 =	sshll.u32 s28, $0x1;
	[dreg:$0x2] =	wrdreg s4  }
0xb8: {  	[dreg:$0x3] =	wrdreg s6  }
0xb9: {  	[dreg:$0x4] =	wrdreg $0xC0  }
0xba: {  	_ =	task [dreg:s22], $0x5FFFF  }
0xbb: {  	[dreg:$0x1] =	wrdreg $0xFFFFFFFF  }
0xbc: {  	[dreg:$0x0] =	wrdreg $0x60  }
0xbd: {  	[dreg:$0x2] =	wrdreg s24  }
0xbe: {  	[dreg:$0x3] =	wrdreg s18  }
0xbf: {  	[dreg:$0x4] =	wrdreg $0x60000  }
0xc0: {  	[dreg:$0x5] =	wrdreg $0xB  }
0xc1: {  	_ =	task.clear_ibuf [dreg:s22], $0x6FFFF;
	_ =	strace $0x90000055  }
0xc2: {  	s29 =	simm.s32 $0xB;
	_ =	strace $0x80000057  }
0xc3: {  	_ =	swait.ge [sflag:s29], $0x1  }
0xc4: {  	[sflag:s29] =	ssyncadd.s32 $0xFFFFFFFF  }
0xc5: {  	_ =	strace $0x90000057  }
0xc6: {  	_ =	sfence  }
0xc7: {  	s30 =	sld [smem:$0x0];
	_ =	sdelay $0x2  }
0xc8: {  	s31 =	sshll.u32 s1, $0xD;
	s1 =	sshrl.u32 s1, $0x2  }
0xc9: {  	s4 =	sand.u32 $0x4000, s31;
	s1 =	sadd.s32 s1, s30  }
0xca: {  	s0 =	sor.u32 s4, s0;
	s1 =	sshll.u32 s1, $0x11  }
0xcb: {  	s0 =	sor.u32 s1, s0  }
0xcc: {  	s0 =	sadd.s32 $0x8F2B, s0  }
0xcd: {  	[sflag:s0] =	ssyncadd.remote.s32 $0x1  }
0xce: {  	_ =	sfence.sel $0xFFFF  }
0xcf: {  	[dreg:$0x0] =	wrdreg $0xFFFFFFFF;
	(pc) =	sbr.abs _section_cstart, $3  }
0xd0: {  	[dreg:$0x1] =	wrdreg $0xFFFFFFFF  }
0xd1: {  	_ =	task.clear_ibuf [dreg:s22], $0x2FFFF;
	_ =	strace $0x9FFFFFFF  }
0xd2: {  	(tm) =	ssettm $0x7FFFFFFF  }
0xd3: {  	_ =	shalt  }
tec
execute0_lowered:
.L_overlay_start_1:
0x0: {  	(tag) =	ssettag $0x1  }
0x1: {  	s0 =	rddreg [dreg:$0x0]  }
0x2: {  	s2 =	rddreg [dreg:$0x1]  }
0x3: {  	s1 =	rddreg [dreg:$0x2];
	s3 =	simm.s32 $0x0;
	s4 =	srdreg.scid  }
0x4: {  	s20 =	stileid.u32;
	s28 =	simm.s32 $0x0;
	[smem:$0x7FF] =	sst s3  }
0x5: {  	s17 =	sadd.s32 $0x10B000, s0;
	s4 =	sand.u32 $0x1, s4;
	s8 =	smul.u32 $0x4F000, s20  }
0x6: {  	s5 =	sshll.u32 s20, $0x1;
	s18 =	sadd.s32 $0x54D800, s0;
	s14 =	smul.u32 $0x2780, s20  }
0x7: {  	s19 =	sadd.s32 $0x11000, s0;
	s24 =	sadd.s32 $0x128400, s1;
	s26 =	smul.u32 $0xFA00, s20  }
0x8: {  	p0 =	seq.s32 s20, $0xF;
	s20 =	simm.s32 $0x3;
	s25 =	smul.u32 $0x27100, s4  }
0x9: {  	_ =	strace $0x80000056;
	s6 =	sor.u32 s4, s5;
	s15 =	smul.u32 $0x138800, s4  }
0xa: {  	s7 =	ssub.s32 $0x2, s4;
	[dreg:$0x6] =	wrdreg s24;
	s29 =	smul.u32 $0x7D00, s4  }
0xb: {  	s24 =	simm.s32 $0x50;
	s5 =	sshll.u32 s6, $0x9;
	s21 =	sshrl.u32 s7, $0x1  }
0xc: {  	s22 =	sshrl.u32 s8, $0x2;
	s23 =	sadd.s32 s2, s14;
	s13 =	smul.u32 $0x7D00, s6  }
0xd: {  	s30 =	sadd.s32 s26, s17;
	s31 =	sadd.s32 s26, s18;
	s12 =	sadd.s32 s5, s0  }
0xe: {  	s0 =	sadd.s32 $0x205000, s0;
	s16 =	ssub.s32 s7, s21;
	s5 =	sadd.s32 s22, s1  }
0xf: {  	[dreg:$0x5] =	wrdreg s23;
	s7 =	sadd.s32 $0x25080, s2;
	s2 =	sadd.s32 s14, s25  }
0x10: {  	s15 =	sshrl.u32 s15, $0x3;
	s4 =	sadd.s32 s29, s30;
	s21 =	simm.s32 $0x1000  }
0x11: {  	s22 =	simm.s32 $0x3800;
	s23 =	simm.s32 $0x1;
	s25 =	simm.s32 $0x2  }
0x12: {  	[dreg:$0x4] =	wrdreg s5;
	s8 =	sadd.s32 $0x4F7000, s12;
	s9 =	sadd.s32 s17, s13  }
0x13: {  	s10 =	sadd.s32 $0x4FF000, s12;
	s11 =	sadd.s32 s18, s13;
	s12 =	sadd.s32 $0x4FB000, s12  }
0x14: {  	s13 =	sadd.s32 s19, s13;
	s14 =	sadd.s32 s0, s2;
	s0 =	sadd.s32 s0, s15  }
0x15: {  	s16 =	smax.u32 s16, $0x1;
	s2 =	sadd.s32 s26, s19;
	s18 =	sadd.s32 s29, s31  }
0x16: {  	s17 =	sadd.s32 $0xA00, s4;
	s15 =	sadd.s32 $0x25080, s0;
	s0 =	sadd.s32 s29, s2  }
0x17: {  	s26 =	simm.s32 $0xC00;
	s18 =	sadd.s32 $0xA00, s18;
	s19 =	sadd.s32 $0xA00, s0  }
.LBB2_1:
0x18: {  	s0 =	rddreg [dreg:$0x6]  }
0x19: {  	s29 =	sshrl.u32 @p0 s0, $0x3;
	s0 =	simm.s32 @p0 $0x1FC3  }
0x1a: {  	[spmem:s29], [sflag:s0] =	dma.local @p0 [hbm:s7], $0x2080  }
0x1b: {  	s0 =	simm.s32 @p0 $0x3  }
0x1c: {  	_ =	swait.ge @p0 [sflag:s0], $0x2080  }
0x1d: {  	s2 =	stileid.u32;
	[sflag:s0] =	ssyncset.done @p0 $0x0  }
0x1e: {  	s2 =	sshll.u32 @!p0 s2, $0x6;
	[sflag:s0] =	ssyncadd.s32 @p0 $0xFFFFDF80;
	s0 =	rddreg [dreg:$0x4]  }
0x1f: {  	s30 =	sor.u32 @!p0 $0x1C03, s2;
	s31 =	sshrl.u32 @!p0 s0, $0x3;
	s0 =	rddreg [dreg:$0x5]  }
0x20: {  	[spmem:s31], [sflag:s30] =	dma.local @!p0 [hbm:s0], $0x2780  }
0x21: {  	s0 =	simm.s32 @!p0 $0x3  }
0x22: {  	_ =	swait.ge @!p0 [sflag:s0], $0x2780  }
0x23: {  	[sflag:s0] =	ssyncset.done @!p0 $0x0  }
0x24: {  	[sflag:s0] =	ssyncadd.s32 @!p0 $0xFFFFD880  }
0x25: {  	[bflag:$0x0] =	sbarrier.arrive $0xFFFF  }
0x26: {  	[tilespmem:s3], [sflag:$0x3] =	stream.linear.gather [hbm4b:s8+s3], $0xC80, $0x38;
	[tilespmem:$0x19880] =	vst v63  }
0x27: {  	_ =	swait.ge [sflag:s20], $0xC80  }
0x28: {  	[sflag:s20] =	ssyncset.done $0x0  }
0x29: {  	[sflag:s20] =	ssyncadd.s32 $0xFFFFF380  }
0x2a: {  	[tilespmem:s21], [sflag:$0x1] =	stream.linear.gather [hbm4b:s9+s3], $0x2800, $0x38;
	[tilespmem:$0x19880] =	vst v63  }
0x2b: {  	s4 =	sadd.s32 $0xFFFFFB00, s17  }
0x2c: {  	[tilespmem:s22], [sflag:$0x2] =	stream.linear.gather [hbm4b:s4+s3], $0x2800, $0x38;
	[tilespmem:$0x19880] =	vst v63  }
0x2d: {  	_ =	swait.ge [sflag:s23], $0x2800  }
0x2e: {  	[sflag:s23] =	ssyncset.done $0x0  }
0x2f: {  	s5 =	simm.s32 $0x0;
	[sflag:s23] =	ssyncadd.s32 $0xFFFFD800  }
0x30: {  	[spmem:s1] =	stream.indirect.scatter.add.f32 [tilespmem:s21], [sflag:$0x3], $0x80, s5, s24, $0xb8;
	[tilespmem:$0x19880] =	vst v63  }
0x31: {  	_ =	swait.ge [sflag:s20], $0x2800  }
0x32: {  	[sflag:s20] =	ssyncset.done $0x0  }
0x33: {  	[sflag:s20] =	ssyncadd.s32 $0xFFFFD800  }
0x34: {  	[tilespmem:s21], [sflag:$0x1] =	stream.linear.gather [hbm4b:s17+s3], $0x2800, $0x38;
	[tilespmem:$0x19880] =	vst v63  }
0x35: {  	_ =	swait.ge [sflag:s25], $0x2800  }
0x36: {  	[sflag:s25] =	ssyncset.done $0x0  }
0x37: {  	s6 =	simm.s32 $0x80;
	[sflag:s25] =	ssyncadd.s32 $0xFFFFD800  }
0x38: {  	[spmem:s1] =	stream.indirect.scatter.add.f32 [tilespmem:s22], [sflag:$0x3], $0x80, s6, s24, $0xb8;
	[tilespmem:$0x19880] =	vst v63  }
0x39: {  	s2 =	simm.s32 $0x400;
	_ =	swait.ge [sflag:s20], $0x2800  }
0x3a: {  	s0 =	sadd.s32 $0xA00, s17;
	s4 =	simm.s32 $0x800;
	[sflag:s20] =	ssyncset.done $0x0  }
.LBB2_2:
0x3b: {  	p1 =	sne.s32 s4, $0x2C00;
	s5 =	sadd.s32 $0xFFFFFB00, s0;
	[sflag:s20] =	ssyncadd.s32 $0xFFFFD800  }
0x3c: {  	[tilespmem:s22], [sflag:$0x2] =	stream.linear.gather [hbm4b:s5+s3], $0x2800, $0x38;
	[tilespmem:$0x19880] =	vst v63  }
0x3d: {  	s5 =	smov.u32 s4;
	s4 =	sadd.s32 $0x400, s4;
	_ =	swait.ge [sflag:s23], $0x2800  }
0x3e: {  	[sflag:s23] =	ssyncset.done $0x0  }
0x3f: {  	s6 =	sshra.s32 s2, $0x2;
	s2 =	smov.u32 s5;
	[sflag:s23] =	ssyncadd.s32 $0xFFFFD800  }
0x40: {  	[spmem:s1] =	stream.indirect.scatter.add.f32 [tilespmem:s21], [sflag:$0x3], $0x80, s6, s24, $0xb8;
	[tilespmem:$0x19880] =	vst v63  }
0x41: {  	_ =	swait.ge [sflag:s20], $0x2800  }
0x42: {  	[sflag:s20] =	ssyncset.done $0x0  }
0x43: {  	[sflag:s20] =	ssyncadd.s32 $0xFFFFD800  }
0x44: {  	[tilespmem:s21], [sflag:$0x1] =	stream.linear.gather [hbm4b:s0+s3], $0x2800, $0x38;
	[tilespmem:$0x19880] =	vst v63  }
0x45: {  	_ =	swait.ge [sflag:s25], $0x2800  }
.Ltmp0:
0x46: {  	[sflag:s25] =	ssyncset.done $0x0;
	(pc) =	sbr.rel @p1 .LBB2_2-.Ltmp0, $4  }
0x47: {  	s5 =	sadd.s32 $0x80, s6;
	[sflag:s25] =	ssyncadd.s32 $0xFFFFD800  }
0x48: {  	[spmem:s1] =	stream.indirect.scatter.add.f32 [tilespmem:s22], [sflag:$0x3], $0x80, s5, s24, $0xb8;
	[tilespmem:$0x19880] =	vst v63  }
0x49: {  	_ =	swait.ge [sflag:s20], $0x2800  }
0x4a: {  	s0 =	sadd.s32 $0xA00, s0;
	[sflag:s20] =	ssyncset.done $0x0  }
0x4b: {  	s4 =	sadd.s32 $0xFFFFFB00, s0;
	[sflag:s20] =	ssyncadd.s32 $0xFFFFD800  }
0x4c: {  	[tilespmem:s22], [sflag:$0x2] =	stream.linear.gather [hbm4b:s4+s3], $0x2800, $0x38;
	[tilespmem:$0x19880] =	vst v63  }
0x4d: {  	_ =	swait.ge [sflag:s23], $0x2800  }
0x4e: {  	[sflag:s23] =	ssyncset.done $0x0  }
0x4f: {  	s2 =	sshra.s32 s2, $0x2;
	[sflag:s23] =	ssyncadd.s32 $0xFFFFD800  }
0x50: {  	[spmem:s1] =	stream.indirect.scatter.add.f32 [tilespmem:s21], [sflag:$0x3], $0x80, s2, s24, $0xb8;
	[tilespmem:$0x19880] =	vst v63  }
0x51: {  	_ =	swait.ge [sflag:s20], $0x2800  }
0x52: {  	[sflag:s20] =	ssyncset.done $0x0  }
0x53: {  	[sflag:s20] =	ssyncadd.s32 $0xFFFFD800  }
0x54: {  	[tilespmem:s21], [sflag:$0x1] =	stream.linear.gather [hbm4b:s0+s3], $0x2800, $0x38;
	[tilespmem:$0x19880] =	vst v63  }
0x55: {  	_ =	swait.ge [sflag:s25], $0x2800  }
0x56: {  	[sflag:s25] =	ssyncset.done $0x0  }
0x57: {  	s6 =	sadd.s32 $0x80, s2;
	[sflag:s25] =	ssyncadd.s32 $0xFFFFD800  }
0x58: {  	[spmem:s1] =	stream.indirect.scatter.add.f32 [tilespmem:s22], [sflag:$0x3], $0x80, s6, s24, $0xb8;
	[tilespmem:$0x19880] =	vst v63  }
0x59: {  	_ =	swait.ge [sflag:s20], $0x2800  }
0x5a: {  	[sflag:s20] =	ssyncset.done $0x0  }
0x5b: {  	[sflag:s20] =	ssyncadd.s32 $0xFFFFD800  }
0x5c: {  	_ =	swait.ge [sflag:s23], $0x2800  }
0x5d: {  	[sflag:s23] =	ssyncset.done $0x0  }
0x5e: {  	[sflag:s23] =	ssyncadd.s32 $0xFFFFD800  }
0x5f: {  	[spmem:s1] =	stream.indirect.scatter.add.f32 [tilespmem:s21], [sflag:$0x3], $0x80, s26, s24, $0xb8;
	[tilespmem:$0x19880] =	vst v63  }
0x60: {  	_ =	swait.ge [sflag:s20], $0x2800  }
0x61: {  	[sflag:s20] =	ssyncset.done $0x0  }
0x62: {  	s2 =	simm.s32 $0x0;
	[sflag:s20] =	ssyncadd.s32 $0xFFFFD800  }
0x63: {  	[tilespmem:s2], [sflag:$0x3] =	stream.linear.gather [hbm4b:s10+s2], $0xC80, $0x38;
	[tilespmem:$0x19880] =	vst v63  }
0x64: {  	_ =	swait.ge [sflag:s20], $0xC80  }
0x65: {  	[sflag:s20] =	ssyncset.done $0x0  }
0x66: {  	[sflag:s20] =	ssyncadd.s32 $0xFFFFF380  }
0x67: {  	[tilespmem:s21], [sflag:$0x1] =	stream.linear.gather [hbm4b:s11+s2], $0x2800, $0x38;
	[tilespmem:$0x19880] =	vst v63  }
0x68: {  	s4 =	sadd.s32 $0xFFFFFB00, s18  }
0x69: {  	[tilespmem:s22], [sflag:$0x2] =	stream.linear.gather [hbm4b:s4+s3], $0x2800, $0x38;
	[tilespmem:$0x19880] =	vst v63  }
0x6a: {  	_ =	swait.ge [sflag:s23], $0x2800  }
0x6b: {  	[sflag:s23] =	ssyncset.done $0x0  }
0x6c: {  	s5 =	simm.s32 $0x0;
	[sflag:s23] =	ssyncadd.s32 $0xFFFFD800  }
0x6d: {  	[spmem:s1] =	stream.indirect.scatter.add.f32 [tilespmem:s21], [sflag:$0x3], $0x80, s5, s24, $0xb8;
	[tilespmem:$0x19880] =	vst v63  }
0x6e: {  	_ =	swait.ge [sflag:s20], $0x2800  }
0x6f: {  	[sflag:s20] =	ssyncset.done $0x0  }
0x70: {  	[sflag:s20] =	ssyncadd.s32 $0xFFFFD800  }
0x71: {  	[tilespmem:s21], [sflag:$0x1] =	stream.linear.gather [hbm4b:s18+s3], $0x2800, $0x38;
	[tilespmem:$0x19880] =	vst v63  }
0x72: {  	_ =	swait.ge [sflag:s25], $0x2800  }
0x73: {  	[sflag:s25] =	ssyncset.done $0x0  }
0x74: {  	s6 =	simm.s32 $0x80;
	[sflag:s25] =	ssyncadd.s32 $0xFFFFD800  }
0x75: {  	[spmem:s1] =	stream.indirect.scatter.add.f32 [tilespmem:s22], [sflag:$0x3], $0x80, s6, s24, $0xb8;
	[tilespmem:$0x19880] =	vst v63  }
0x76: {  	s0 =	sadd.s32 $0xA00, s18;
	_ =	swait.ge [sflag:s20], $0x2800  }
0x77: {  	s2 =	simm.s32 $0x400;
	s4 =	simm.s32 $0x800;
	[sflag:s20] =	ssyncset.done $0x0  }
.LBB2_4:
0x78: {  	p1 =	sne.s32 s4, $0x2C00;
	s5 =	sadd.s32 $0xFFFFFB00, s0;
	[sflag:s20] =	ssyncadd.s32 $0xFFFFD800  }
0x79: {  	[tilespmem:s22], [sflag:$0x2] =	stream.linear.gather [hbm4b:s5+s3], $0x2800, $0x38;
	[tilespmem:$0x19880] =	vst v63  }
0x7a: {  	s5 =	smov.u32 s4;
	s4 =	sadd.s32 $0x400, s4;
	_ =	swait.ge [sflag:s23], $0x2800  }
0x7b: {  	[sflag:s23] =	ssyncset.done $0x0  }
0x7c: {  	s6 =	sshra.s32 s2, $0x2;
	s2 =	smov.u32 s5;
	[sflag:s23] =	ssyncadd.s32 $0xFFFFD800  }
0x7d: {  	[spmem:s1] =	stream.indirect.scatter.add.f32 [tilespmem:s21], [sflag:$0x3], $0x80, s6, s24, $0xb8;
	[tilespmem:$0x19880] =	vst v63  }
0x7e: {  	_ =	swait.ge [sflag:s20], $0x2800  }
0x7f: {  	[sflag:s20] =	ssyncset.done $0x0  }
0x80: {  	[sflag:s20] =	ssyncadd.s32 $0xFFFFD800  }
0x81: {  	[tilespmem:s21], [sflag:$0x1] =	stream.linear.gather [hbm4b:s0+s3], $0x2800, $0x38;
	[tilespmem:$0x19880] =	vst v63  }
0x82: {  	_ =	swait.ge [sflag:s25], $0x2800  }
.Ltmp1:
0x83: {  	[sflag:s25] =	ssyncset.done $0x0;
	(pc) =	sbr.rel @p1 .LBB2_4-.Ltmp1, $4  }
0x84: {  	s5 =	sadd.s32 $0x80, s6;
	[sflag:s25] =	ssyncadd.s32 $0xFFFFD800  }
0x85: {  	[spmem:s1] =	stream.indirect.scatter.add.f32 [tilespmem:s22], [sflag:$0x3], $0x80, s5, s24, $0xb8;
	[tilespmem:$0x19880] =	vst v63  }
0x86: {  	_ =	swait.ge [sflag:s20], $0x2800  }
0x87: {  	s0 =	sadd.s32 $0xA00, s0;
	[sflag:s20] =	ssyncset.done $0x0  }
0x88: {  	s4 =	sadd.s32 $0xFFFFFB00, s0;
	[sflag:s20] =	ssyncadd.s32 $0xFFFFD800  }
0x89: {  	[tilespmem:s22], [sflag:$0x2] =	stream.linear.gather [hbm4b:s4+s3], $0x2800, $0x38;
	[tilespmem:$0x19880] =	vst v63  }
0x8a: {  	_ =	swait.ge [sflag:s23], $0x2800  }
0x8b: {  	[sflag:s23] =	ssyncset.done $0x0  }
0x8c: {  	s2 =	sshra.s32 s2, $0x2;
	[sflag:s23] =	ssyncadd.s32 $0xFFFFD800  }
0x8d: {  	[spmem:s1] =	stream.indirect.scatter.add.f32 [tilespmem:s21], [sflag:$0x3], $0x80, s2, s24, $0xb8;
	[tilespmem:$0x19880] =	vst v63  }
0x8e: {  	_ =	swait.ge [sflag:s20], $0x2800  }
0x8f: {  	[sflag:s20] =	ssyncset.done $0x0  }
0x90: {  	[sflag:s20] =	ssyncadd.s32 $0xFFFFD800  }
0x91: {  	[tilespmem:s21], [sflag:$0x1] =	stream.linear.gather [hbm4b:s0+s3], $0x2800, $0x38;
	[tilespmem:$0x19880] =	vst v63  }
0x92: {  	_ =	swait.ge [sflag:s25], $0x2800  }
0x93: {  	[sflag:s25] =	ssyncset.done $0x0  }
0x94: {  	s6 =	sadd.s32 $0x80, s2;
	[sflag:s25] =	ssyncadd.s32 $0xFFFFD800  }
0x95: {  	[spmem:s1] =	stream.indirect.scatter.add.f32 [tilespmem:s22], [sflag:$0x3], $0x80, s6, s24, $0xb8;
	[tilespmem:$0x19880] =	vst v63  }
0x96: {  	_ =	swait.ge [sflag:s20], $0x2800  }
0x97: {  	[sflag:s20] =	ssyncset.done $0x0  }
0x98: {  	[sflag:s20] =	ssyncadd.s32 $0xFFFFD800  }
0x99: {  	_ =	swait.ge [sflag:s23], $0x2800  }
0x9a: {  	[sflag:s23] =	ssyncset.done $0x0  }
0x9b: {  	[sflag:s23] =	ssyncadd.s32 $0xFFFFD800  }
0x9c: {  	[spmem:s1] =	stream.indirect.scatter.add.f32 [tilespmem:s21], [sflag:$0x3], $0x80, s26, s24, $0xb8;
	[tilespmem:$0x19880] =	vst v63  }
0x9d: {  	_ =	swait.ge [sflag:s20], $0x2800  }
0x9e: {  	[sflag:s20] =	ssyncset.done $0x0  }
0x9f: {  	s2 =	simm.s32 $0x0;
	[sflag:s20] =	ssyncadd.s32 $0xFFFFD800  }
0xa0: {  	[tilespmem:s2], [sflag:$0x3] =	stream.linear.gather [hbm4b:s12+s2], $0xC80, $0x38;
	[tilespmem:$0x19880] =	vst v63  }
0xa1: {  	_ =	swait.ge [sflag:s20], $0xC80  }
0xa2: {  	[sflag:s20] =	ssyncset.done $0x0  }
0xa3: {  	[sflag:s20] =	ssyncadd.s32 $0xFFFFF380  }
0xa4: {  	[tilespmem:s21], [sflag:$0x1] =	stream.linear.gather [hbm4b:s13+s2], $0x2800, $0x38;
	[tilespmem:$0x19880] =	vst v63  }
0xa5: {  	s4 =	sadd.s32 $0xFFFFFB00, s19  }
0xa6: {  	[tilespmem:s22], [sflag:$0x2] =	stream.linear.gather [hbm4b:s4+s3], $0x2800, $0x38;
	[tilespmem:$0x19880] =	vst v63  }
0xa7: {  	_ =	swait.ge [sflag:s23], $0x2800  }
0xa8: {  	[sflag:s23] =	ssyncset.done $0x0  }
0xa9: {  	s5 =	simm.s32 $0x0;
	[sflag:s23] =	ssyncadd.s32 $0xFFFFD800  }
0xaa: {  	[spmem:s1] =	stream.indirect.scatter.add.f32 [tilespmem:s21], [sflag:$0x3], $0x80, s5, s24, $0xb8;
	[tilespmem:$0x19880] =	vst v63  }
0xab: {  	_ =	swait.ge [sflag:s20], $0x2800  }
0xac: {  	[sflag:s20] =	ssyncset.done $0x0  }
0xad: {  	[sflag:s20] =	ssyncadd.s32 $0xFFFFD800  }
0xae: {  	[tilespmem:s21], [sflag:$0x1] =	stream.linear.gather [hbm4b:s19+s3], $0x2800, $0x38;
	[tilespmem:$0x19880] =	vst v63  }
0xaf: {  	_ =	swait.ge [sflag:s25], $0x2800  }
0xb0: {  	[sflag:s25] =	ssyncset.done $0x0  }
0xb1: {  	s6 =	simm.s32 $0x80;
	[sflag:s25] =	ssyncadd.s32 $0xFFFFD800  }
0xb2: {  	[spmem:s1] =	stream.indirect.scatter.add.f32 [tilespmem:s22], [sflag:$0x3], $0x80, s6, s24, $0xb8;
	[tilespmem:$0x19880] =	vst v63  }
0xb3: {  	s0 =	sadd.s32 $0xA00, s19;
	_ =	swait.ge [sflag:s20], $0x2800  }
0xb4: {  	s2 =	simm.s32 $0x400;
	s4 =	simm.s32 $0x800;
	[sflag:s20] =	ssyncset.done $0x0  }
.LBB2_6:
0xb5: {  	p1 =	sne.s32 s4, $0x2C00;
	s5 =	sadd.s32 $0xFFFFFB00, s0;
	[sflag:s20] =	ssyncadd.s32 $0xFFFFD800  }
0xb6: {  	[tilespmem:s22], [sflag:$0x2] =	stream.linear.gather [hbm4b:s5+s3], $0x2800, $0x38;
	[tilespmem:$0x19880] =	vst v63  }
0xb7: {  	s5 =	smov.u32 s4;
	s4 =	sadd.s32 $0x400, s4;
	_ =	swait.ge [sflag:s23], $0x2800  }
0xb8: {  	[sflag:s23] =	ssyncset.done $0x0  }
0xb9: {  	s6 =	sshra.s32 s2, $0x2;
	s2 =	smov.u32 s5;
	[sflag:s23] =	ssyncadd.s32 $0xFFFFD800  }
0xba: {  	[spmem:s1] =	stream.indirect.scatter.add.f32 [tilespmem:s21], [sflag:$0x3], $0x80, s6, s24, $0xb8;
	[tilespmem:$0x19880] =	vst v63  }
0xbb: {  	_ =	swait.ge [sflag:s20], $0x2800  }
0xbc: {  	[sflag:s20] =	ssyncset.done $0x0  }
0xbd: {  	[sflag:s20] =	ssyncadd.s32 $0xFFFFD800  }
0xbe: {  	[tilespmem:s21], [sflag:$0x1] =	stream.linear.gather [hbm4b:s0+s3], $0x2800, $0x38;
	[tilespmem:$0x19880] =	vst v63  }
0xbf: {  	_ =	swait.ge [sflag:s25], $0x2800  }
.Ltmp2:
0xc0: {  	[sflag:s25] =	ssyncset.done $0x0;
	(pc) =	sbr.rel @p1 .LBB2_6-.Ltmp2, $4  }
0xc1: {  	s5 =	sadd.s32 $0x80, s6;
	[sflag:s25] =	ssyncadd.s32 $0xFFFFD800  }
0xc2: {  	[spmem:s1] =	stream.indirect.scatter.add.f32 [tilespmem:s22], [sflag:$0x3], $0x80, s5, s24, $0xb8;
	[tilespmem:$0x19880] =	vst v63  }
0xc3: {  	_ =	swait.ge [sflag:s20], $0x2800  }
0xc4: {  	s0 =	sadd.s32 $0xA00, s0;
	[sflag:s20] =	ssyncset.done $0x0  }
0xc5: {  	s4 =	sadd.s32 $0xFFFFFB00, s0;
	[sflag:s20] =	ssyncadd.s32 $0xFFFFD800  }
0xc6: {  	[tilespmem:s22], [sflag:$0x2] =	stream.linear.gather [hbm4b:s4+s3], $0x2800, $0x38;
	[tilespmem:$0x19880] =	vst v63  }
0xc7: {  	_ =	swait.ge [sflag:s23], $0x2800  }
0xc8: {  	[sflag:s23] =	ssyncset.done $0x0  }
0xc9: {  	s2 =	sshra.s32 s2, $0x2;
	[sflag:s23] =	ssyncadd.s32 $0xFFFFD800  }
0xca: {  	[spmem:s1] =	stream.indirect.scatter.add.f32 [tilespmem:s21], [sflag:$0x3], $0x80, s2, s24, $0xb8;
	[tilespmem:$0x19880] =	vst v63  }
0xcb: {  	_ =	swait.ge [sflag:s20], $0x2800  }
0xcc: {  	[sflag:s20] =	ssyncset.done $0x0  }
0xcd: {  	[sflag:s20] =	ssyncadd.s32 $0xFFFFD800  }
0xce: {  	[tilespmem:s21], [sflag:$0x1] =	stream.linear.gather [hbm4b:s0+s3], $0x2800, $0x38;
	[tilespmem:$0x19880] =	vst v63  }
0xcf: {  	_ =	swait.ge [sflag:s25], $0x2800  }
0xd0: {  	[sflag:s25] =	ssyncset.done $0x0  }
0xd1: {  	s6 =	sadd.s32 $0x80, s2;
	[sflag:s25] =	ssyncadd.s32 $0xFFFFD800  }
0xd2: {  	[spmem:s1] =	stream.indirect.scatter.add.f32 [tilespmem:s22], [sflag:$0x3], $0x80, s6, s24, $0xb8;
	[tilespmem:$0x19880] =	vst v63  }
0xd3: {  	_ =	swait.ge [sflag:s20], $0x2800  }
0xd4: {  	[sflag:s20] =	ssyncset.done $0x0  }
0xd5: {  	[sflag:s20] =	ssyncadd.s32 $0xFFFFD800  }
0xd6: {  	_ =	swait.ge [sflag:s23], $0x2800  }
0xd7: {  	[sflag:s23] =	ssyncset.done $0x0  }
0xd8: {  	[sflag:s23] =	ssyncadd.s32 $0xFFFFD800  }
0xd9: {  	[spmem:s1] =	stream.indirect.scatter.add.f32 [tilespmem:s21], [sflag:$0x3], $0x80, s26, s24, $0xb8;
	[tilespmem:$0x19880] =	vst v63  }
0xda: {  	_ =	swait.ge [sflag:s20], $0x2800  }
0xdb: {  	[sflag:s20] =	ssyncset.done $0x0  }
0xdc: {  	[sflag:s20] =	ssyncadd.s32 $0xFFFFD800  }
0xdd: {  	s0 =	simm.s32 @p0 $0x1FC3;
	[bflag:$0x0] =	sbarrier.arrive $0xFFFF  }
0xde: {  	[hbm:s15], [sflag:s0] =	dma.local @p0 [spmem:s29], $0x2080  }
0xdf: {  	s0 =	simm.s32 @p0 $0x3  }
0xe0: {  	s28 =	sadd.s32 $0x1, s28;
	_ =	swait.ge @p0 [sflag:s0], $0x2080  }
0xe1: {  	p1 =	sne.s32 s28, s16;
	[sflag:s0] =	ssyncset.done @p0 $0x0  }
.Ltmp3:
0xe2: {  	[sflag:s0] =	ssyncadd.s32 @p0 $0xFFFFDF80;
	s0 =	simm.s32 @!p0 $0x3;
	(pc) =	sbr.rel @p1 .LBB2_1-.Ltmp3, $4  }
0xe3: {  	[hbm:s14], [sflag:s30] =	dma.local @!p0 [spmem:s31], $0x2780  }
0xe4: {  	_ =	swait.ge @!p0 [sflag:s0], $0x2780  }
0xe5: {  	[sflag:s0] =	ssyncset.done @!p0 $0x0  }
0xe6: {  	[sflag:s0] =	ssyncadd.s32 @!p0 $0xFFFFD880  }
0xe7: {  	_ =	sfence.sel $0x180000  }
0xe8: {  	[bflag:$0x0] =	sbarrier.arrive $0xFFFF  }
0xe9: {  	_ =	strace $0x90000056  }
0xea: {  	s0 =	stileid.u32;
	[bflag:$0x2] =	sbarrier.arrive $0xFFFF  }
0xeb: {  	p0 =	sne.s32 s0, $0x0;
	s0 =	rddreg [dreg:$0x3]  }
0xec: {  	s0 =	sadd.s32 @!p0 $0x100000, s0  }
0xed: {  	[sflag:s0] =	ssyncadd.tile.s32 @!p0 $0x1;
	_ =	shalt  }
.Lfunc_end2:
_tile_overlayer_lowered:
.L_overlay_start_2:
0xee: {  	(tag) =	ssettag $0x2  }
0xef: {  	s0 =	rddreg [dreg:$0x0];
	s2 =	stileid.u32  }
0xf0: {  	s1 =	rddreg [dreg:$0x1];
	p0 =	sne.s32 s2, $0x0  }
0xf1: {  	s3 =	rddreg [dreg:$0x2];
	[bflag:$0x3] =	sbarrier.arrive $0xFFFF;
	s2 =	simm.s32 @!p0 $0x1C03  }
0xf2: {  	[timem:s3], [sflag:s2] =	dma.local @!p0 [hbm:s0], s1  }
0xf3: {  	s0 =	simm.s32 @!p0 $0x3  }
0xf4: {  	_ =	swait.ge @!p0 [sflag:s0], s1  }
0xf5: {  	s1 =	ssub.s32 @!p0 $0x0, s1;
	[sflag:s0] =	ssyncset.done @!p0 $0x0  }
0xf6: {  	[sflag:s0] =	ssyncadd.s32 @!p0 s1  }
0xf7: {  	[bflag:$0x3] =	sbarrier.arrive $0xFFFF  }
0xf8: {  	_ =	shalt  }

// kernel: kernel.33.cloned.1.call-start
scs
__scs_entry_jumppad:
0x0: {  	(pc) =	sbr.rel $0x88, $3  }
0x1: {  	(tag) =	ssettag $0x0;
	lr =	simm.s32 $0x1  }
0x2: {  	[smem:$0x3F96] =	sst lr;
	_ =	strace $0xD0000000  }
0x3: {  	_ = 	snop  }
0x4: {  	_ = 	snop  }
0x5: {  	_ = 	snop  }
0x6: {  	_ = 	snop  }
0x7: {  	_ = 	snop  }
__scs_overlays_trampoline_lowered:
0x8: {  	[smem:$0x3FA5] =	sst s0  }
0x9: {  	[smem:$0x3FA6] =	sst s1  }
0xa: {  	[smem:$0x3FA7] =	sst s2  }
0xb: {  	[smem:$0x3FA8] =	sst s3  }
0xc: {  	[smem:$0x3FA9] =	sst s4  }
0xd: {  	[smem:$0x3FAA] =	sst s5  }
0xe: {  	[smem:$0x3FAB] =	sst s6  }
0xf: {  	[smem:$0x3FAC] =	sst s7  }
0x10: {  	[smem:$0x3FAD] =	sst s8  }
0x11: {  	[smem:$0x3FAE] =	sst s9;
	s0 =	simm.s32 @!p0 $0x0  }
0x12: {  	s1 =	sld [smem:$0x3F94];
	s0 =	simm.s32 @p0 $0x1  }
0x13: {  	[smem:$0x3FAF] =	sst s0;
	s0 =	simm.s32 @!p1 $0x0  }
0x14: {  	s2 =	sld [smem:$0x3F93];
	s0 =	simm.s32 @p1 $0x1  }
0x15: {  	[smem:$0x3FB0] =	sst s0;
	s0 =	simm.s32 @!p2 $0x0  }
0x16: {  	s3 =	sld [smem:$0x3FDB];
	s0 =	simm.s32 @p2 $0x1  }
0x17: {  	s4 =	simm.s32 $0x1BF5;
	[smem:$0x3FB2] =	sst s0  }
0x18: {  	s0 =	sld [smem:$0x3F95];
	_ =	swait.ge [sflag:s4], $0x0  }
0x19: {  	s7 =	sld [smem:$0x3F96]  }
0x1a: {  	s8 =	sadd.s32 $0xFFFFE003, lr  }
0x1b: {  	s9 =	sadd.s32 $0xFFFFFEF7, lr;
	s5 =	simm.s32 $0xFFFFFFFF;
	p2 =	slt.u32 s8, $0xFFFFF086  }
0x1c: {  	p1 =	slt.u32 s9, $0xF7A;
	s5 =	simm.s32 @!p2 $0x0  }
0x1d: {  	s5 =	simm.s32 @p1 $0x1;
	p0 =	seq.s32 s7, s2  }
0x1e: {  	s7 =	smul.u32 @!p0 $0xF7A, s2;
	p2 =	seq.s32 @!p0 s5, $0x0  }
0x1f: {  	s9 =	smul.u32 $0xF7A, s1;
	s8 =	simm.s32 @!p0 $0x1BF5;
	p2 =	por !p2, p0  }
0x20: {  	[sflag:s8] =	ssyncset.s32 @!p0 $0xFFFFF086;
	s6 =	sadd.s32 @!p0 s3, s7;
	s7 =	simm.s32 @!p0 $0x108  }
0x21: {  	s3 =	sadd.s32 s3, s9;
	s6 =	sadd.s32 @!p0 $0x88, s6;
	s7 =	simm.s32 @p2 $0x1082  }
0x22: {  	[simem:s7], [sflag:s8] =	dma.local @!p0 [hbm:s6], $0xF7A  }
0x23: {  	s9 =	sor.u32 $0xD0000000, s2;
	s6 =	simm.s32 $0x108;
	_ =	swait.ge @!p0 [sflag:s8], $0x0  }
0x24: {  	s3 =	sadd.s32 $0x88, s3;
	s6 =	simm.s32 @!p1 $0x1082;
	[sflag:s4] =	ssyncset.s32 $0xFFFFF086  }
0x25: {  	[simem:s6], [sflag:s4] =	dma.local [hbm:s3], $0xF7A  }
0x26: {  	[smem:$0x3F96] =	sst s1;
	(tag) =	ssettag s2;
	_ =	strace s9  }
0x27: {  	s1 =	sld [smem:$0x3FA6]  }
0x28: {  	s2 =	sld [smem:$0x3FA7]  }
0x29: {  	s4 =	sld [smem:$0x3FA9]  }
0x2a: {  	p0 =	seq.s32 s5, $0x0;
	s5 =	sld [smem:$0x3FAA]  }
0x2b: {  	s6 =	sld [smem:$0x3FAB]  }
0x2c: {  	s7 =	sld [smem:$0x3FAC]  }
0x2d: {  	s3 =	simm.s32 $0x108;
	s8 =	sld [smem:$0x3FAD]  }
0x2e: {  	s3 =	simm.s32 @!p0 $0x1082;
	s9 =	sld [smem:$0x3FAE]  }
0x2f: {  	lr =	sadd.s32 s0, s3;
	s0 =	sld [smem:$0x3FA5]  }
0x30: {  	s3 =	sld [smem:$0x3FA8]  }
0x31: {  	[smem:$0x3FB1] =	sst s10  }
0x32: {  	s10 =	sld [smem:$0x3FAF];
	_ =	sdelay $0x3  }
0x33: {  	p0 =	seq.s32 s10, $0x1;
	s10 =	sld [smem:$0x3FB1];
	_ =	sdelay $0x3  }
0x34: {  	[smem:$0x3FB1] =	sst s10  }
0x35: {  	s10 =	sld [smem:$0x3FB0];
	_ =	sdelay $0x3  }
0x36: {  	p1 =	seq.s32 s10, $0x1;
	s10 =	sld [smem:$0x3FB1];
	_ =	sdelay $0x3  }
0x37: {  	[smem:$0x3FB1] =	sst s10  }
0x38: {  	s10 =	sld [smem:$0x3FB2]  }
0x39: {  	_ = 	snop;
	(pc) =	sbr.ind lr, $3  }
0x3a: {  	_ = 	snop  }
0x3b: {  	_ = 	snop  }
0x3c: {  	p2 =	seq.s32 s10, $0x1;
	s10 =	sld [smem:$0x3FB1]  }
0x3d: {  	_ =	shalt  }
0x3e: {  	_ =	shalt  }
0x3f: {  	_ =	shalt  }
0x40: {  	_ =	shalt  }
0x41: {  	_ =	shalt  }
0x42: {  	_ =	shalt  }
0x43: {  	_ =	shalt  }
0x44: {  	_ =	shalt  }
0x45: {  	_ =	shalt  }
0x46: {  	_ =	shalt  }
0x47: {  	_ =	shalt  }
0x48: {  	_ =	shalt  }
0x49: {  	_ =	shalt  }
0x4a: {  	_ =	shalt  }
0x4b: {  	_ =	shalt  }
0x4c: {  	_ =	shalt  }
0x4d: {  	_ =	shalt  }
0x4e: {  	_ =	shalt  }
0x4f: {  	_ =	shalt  }
0x50: {  	_ =	shalt  }
0x51: {  	_ =	shalt  }
0x52: {  	_ =	shalt  }
0x53: {  	_ =	shalt  }
0x54: {  	_ =	shalt  }
0x55: {  	_ =	shalt  }
0x56: {  	_ =	shalt  }
0x57: {  	_ =	shalt  }
0x58: {  	_ =	shalt  }
0x59: {  	_ =	shalt  }
0x5a: {  	_ =	shalt  }
0x5b: {  	_ =	shalt  }
0x5c: {  	_ =	shalt  }
0x5d: {  	_ =	shalt  }
0x5e: {  	_ =	shalt  }
0x5f: {  	_ =	shalt  }
0x60: {  	_ =	shalt  }
0x61: {  	_ =	shalt  }
0x62: {  	_ =	shalt  }
0x63: {  	_ =	shalt  }
0x64: {  	_ =	shalt  }
0x65: {  	_ =	shalt  }
0x66: {  	_ =	shalt  }
0x67: {  	_ =	shalt  }
0x68: {  	_ =	shalt  }
0x69: {  	_ =	shalt  }
0x6a: {  	_ =	shalt  }
0x6b: {  	_ =	shalt  }
0x6c: {  	_ =	shalt  }
0x6d: {  	_ =	shalt  }
0x6e: {  	_ =	shalt  }
0x6f: {  	_ =	shalt  }
0x70: {  	_ =	shalt  }
0x71: {  	_ =	shalt  }
0x72: {  	_ =	shalt  }
0x73: {  	_ =	shalt  }
0x74: {  	_ =	shalt  }
0x75: {  	_ =	shalt  }
0x76: {  	_ =	shalt  }
0x77: {  	_ =	shalt  }
0x78: {  	_ =	shalt  }
0x79: {  	_ =	shalt  }
0x7a: {  	_ =	shalt  }
0x7b: {  	_ =	shalt  }
0x7c: {  	_ =	shalt  }
0x7d: {  	_ =	shalt  }
0x7e: {  	_ =	shalt  }
0x7f: {  	_ =	shalt  }
0x80: {  	_ =	shalt  }
0x81: {  	_ =	shalt  }
0x82: {  	_ =	shalt  }
0x83: {  	_ =	shalt  }
0x84: {  	_ =	shalt  }
0x85: {  	_ =	shalt  }
0x86: {  	_ =	shalt  }
0x87: {  	_ =	shalt  }
.Lfunc_end0:
.L_simem_size_0:
called_computation.6_lowered:
.L_overlay_start_0:
0x88: {  	s2 =	sld [smem:$0x3FD9]  }
0x89: {  	s3 =	sld [smem:$0x3FFE];
	_ =	sdelay $0x1  }
0x8a: {  	s1 =	srdreg.scid  }
0x8b: {  	s0 =	sand.u32 $0x1, s1  }
0x8c: {  	s16 =	sshll.u32 s0, $0xA;
	s2 =	sadd.s32 s3, s2  }
0x8d: {  	s2 =	sadd.s32 s2, s16  }
0x8e: {  	[smem:$0x3FBD] =	sst s2  }
0x8f: {  	_ = 	snop  }
0x90: {  	(tm) =	ssettm $0x1  }
0x91: {  	s17 =	sld [smem:$0x3FFB];
	_ =	sdelay $0x3  }
0x92: {  	_ =	strace s17  }
0x93: {  	s2 =	sld [smem:$0x3FFC];
	_ =	sdelay $0x3  }
0x94: {  	_ =	strace s2  }
0x95: {  	s2 =	sld [smem:$0x3FFD];
	_ =	sdelay $0x3  }
0x96: {  	_ =	strace s2  }
0x97: {  	_ =	strace $0x8FFFFFFF  }
0x98: {  	s18 =	sld [smem:$0x3FDB];
	_ =	sdelay $0x1  }
0x99: {  	s19 =	simm.s32 $_scs_section_size  }
0x9a: {  	s4 =	simm.s32 $_size__tile_overlayer_lowered;
	s5 =	simm.s32 $_tile_overlayer_lowered  }
0x9b: {  	s22 =	simm.s32 $0x1BFF;
	s21 =	sshll.u32 s5, $0x1;
	s2 =	sadd.s32 s19, s18  }
0x9c: {  	s6 =	simm.s32 $0x0;
	s20 =	sshll.u32 s4, $0x1;
	s4 =	sadd.s32 s21, s2  }
0x9d: {  	[timem:s6], [sflag:s22] =	dma.local [hbm:s4], s20  }
0x9e: {  	_ =	swait.ge [sflag:s22], s20  }
0x9f: {  	s3 =	ssub.s32 $0x0, s20;
	[sflag:s22] =	ssyncset.done $0x0  }
0xa0: {  	[sflag:s22] =	ssyncadd.s32 s3;
	_ =	sdelay $0x1  }
0xa1: {  	s23 =	simm.s32 $0x1B8B  }
0xa2: {  	_ =	swait.ge [sflag:s23], $0x1  }
0xa3: {  	[sflag:s23] =	ssyncset.done $0x0  }
0xa4: {  	s25 =	simm.s32 $0x1B8E;
	s24 =	sld [smem:$0x3FFE];
	[sflag:s23] =	ssyncadd.s32 $0xFFFFFFFF  }
0xa5: {  	s26 =	simm.s32 $execute0_lowered;
	[smem:$0x3FD2] =	sst s25  }
0xa6: {  	s4 =	sshll.u32 s26, $0x1;
	_ =	strace $0x80000058;
	[dreg:$0x1] =	wrdreg $0xFFFFFFFF  }
0xa7: {  	s28 =	simm.s32 $_size_execute0_lowered;
	s2 =	sadd.s32 s2, s4;
	[dreg:$0x0] =	wrdreg $0x0  }
0xa8: {  	s4 =	sshll.u32 s28, $0x1;
	[dreg:$0x2] =	wrdreg s2  }
0xa9: {  	[dreg:$0x3] =	wrdreg s4  }
0xaa: {  	[dreg:$0x4] =	wrdreg $0xC0  }
0xab: {  	_ =	task [dreg:s6], $0x5FFFF  }
0xac: {  	[dreg:$0x1] =	wrdreg $0xFFFFFFFF  }
0xad: {  	[dreg:$0x0] =	wrdreg $0x60  }
0xae: {  	[dreg:$0x2] =	wrdreg s24  }
0xaf: {  	[dreg:$0x3] =	wrdreg $0x60000  }
0xb0: {  	[dreg:$0x4] =	wrdreg $0x9  }
0xb1: {  	_ =	task.clear_ibuf [dreg:s6], $0x5FFFF;
	_ =	strace $0x90000058  }
0xb2: {  	s29 =	simm.s32 $0x9;
	_ =	strace $0x8000005A  }
0xb3: {  	_ =	swait.ge [sflag:s29], $0x1  }
0xb4: {  	[sflag:s29] =	ssyncadd.s32 $0xFFFFFFFF  }
0xb5: {  	_ =	strace $0x9000005A  }
0xb6: {  	_ =	sfence  }
0xb7: {  	s30 =	sld [smem:$0x0];
	_ =	sdelay $0x2  }
0xb8: {  	s31 =	sshll.u32 s1, $0xD;
	s1 =	sshrl.u32 s1, $0x2  }
0xb9: {  	s3 =	sand.u32 $0x4000, s31;
	s1 =	sadd.s32 s1, s30  }
0xba: {  	s0 =	sor.u32 s3, s0;
	s1 =	sshll.u32 s1, $0x11  }
0xbb: {  	s0 =	sor.u32 s1, s0  }
0xbc: {  	s0 =	sadd.s32 $0x8F2B, s0  }
0xbd: {  	[sflag:s0] =	ssyncadd.remote.s32 $0x1  }
0xbe: {  	_ =	sfence.sel $0xFFFF  }
0xbf: {  	[dreg:$0x0] =	wrdreg $0xFFFFFFFF;
	(pc) =	sbr.abs _section_cstart, $3  }
0xc0: {  	[dreg:$0x1] =	wrdreg $0xFFFFFFFF  }
0xc1: {  	_ =	task.clear_ibuf [dreg:s6], $0x2FFFF;
	_ =	strace $0x9FFFFFFF  }
0xc2: {  	(tm) =	ssettm $0x7FFFFFFF  }
0xc3: {  	_ =	shalt  }
tec
execute0_lowered:
.L_overlay_start_1:
0x0: {  	(tag) =	ssettag $0x1  }
0x1: {  	s4 =	rddreg [dreg:$0x0]  }
0x2: {  	s1 =	rddreg [dreg:$0x1];
	s3 =	simm.s32 $0x0  }
0x3: {  	s5 =	srdreg.scid;
	s0 =	stileid.u32;
	s21 =	simm.s32 $0x50  }
0x4: {  	s22 =	simm.s32 $0x2;
	[smem:$0x7FF] =	sst s3;
	s8 =	smul.u32 $0x4F000, s0  }
0x5: {  	s12 =	sand.u32 $0x1, s5;
	s13 =	sadd.s32 $0x647800, s4;
	s9 =	smul.u32 $0x278, s0  }
0x6: {  	s14 =	sadd.s32 $0x253200, s4;
	s11 =	sadd.s32 $0x205000, s4;
	s20 =	smul.u32 $0xFA00, s0  }
0x7: {  	s17 =	sadd.s32 $0x50B000, s4;
	p0 =	seq.s32 s0, $0xF;
	s6 =	smul.u32 $0x2710, s12  }
0x8: {  	s23 =	sshll.u32 s0, $0x1;
	_ =	strace $0x80000059;
	s16 =	smul.u32 $0x138800, s12  }
0x9: {  	s5 =	sor.u32 s12, s23;
	s24 =	ssub.s32 $0x2, s12;
	s29 =	smul.u32 $0x7D00, s12  }
0xa: {  	s23 =	simm.s32 $0xC00;
	s7 =	sshll.u32 s5, $0x9;
	s15 =	sshrl.u32 s24, $0x1  }
0xb: {  	s25 =	sshrl.u32 s8, $0x2;
	s19 =	smul.u32 $0x7D00, s5;
	s30 =	sadd.s32 s20, s13  }
0xc: {  	s10 =	sadd.s32 s7, s4;
	s15 =	ssub.s32 s24, s15;
	s4 =	sadd.s32 s25, s1  }
0xd: {  	s6 =	sadd.s32 s9, s6;
	s26 =	sshrl.u32 s16, $0x3;
	s16 =	sadd.s32 s29, s30  }
0xe: {  	s24 =	simm.s32 $0x0;
	s28 =	sshll.u32 s6, $0x4;
	s18 =	sadd.s32 $0x25080, s26  }
0xf: {  	s6 =	sadd.s32 $0x128400, s1;
	s8 =	sadd.s32 $0x507000, s10;
	s9 =	sadd.s32 s13, s19  }
0x10: {  	s10 =	sadd.s32 $0x503000, s10;
	s5 =	sadd.s32 s11, s28;
	s7 =	sadd.s32 s11, s18  }
0x11: {  	s11 =	sadd.s32 s14, s19;
	s12 =	sadd.s32 s17, s28;
	s14 =	sadd.s32 s20, s14  }
0x12: {  	s13 =	sadd.s32 s17, s18;
	s17 =	simm.s32 $0x3;
	s18 =	simm.s32 $0x1000  }
0x13: {  	s19 =	simm.s32 $0x3800;
	s20 =	simm.s32 $0x1;
	s31 =	sadd.s32 s29, s14  }
0x14: {  	s14 =	smax.u32 s15, $0x1;
	s15 =	sadd.s32 $0xA00, s16;
	s16 =	sadd.s32 $0xA00, s31  }
.LBB2_1:
0x15: {  	s25 =	sshrl.u32 @p0 s6, $0x3;
	s26 =	simm.s32 @p0 $0x1FC3  }
0x16: {  	[spmem:s25], [sflag:s26] =	dma.local @p0 [hbm:s7], $0x2080  }
0x17: {  	s26 =	simm.s32 @p0 $0x3  }
0x18: {  	s0 =	stileid.u32;
	_ =	swait.ge @p0 [sflag:s26], $0x2080  }
0x19: {  	s29 =	simm.s32 @!p0 $0x3;
	s28 =	sshll.u32 @!p0 s0, $0x6;
	[sflag:s26] =	ssyncset.done @p0 $0x0  }
0x1a: {  	[sflag:s26] =	ssyncadd.s32 @p0 $0xFFFFDF80;
	s26 =	sor.u32 @!p0 $0x1C03, s28;
	s28 =	sshrl.u32 @!p0 s4, $0x3  }
0x1b: {  	[spmem:s28], [sflag:s26] =	dma.local @!p0 [hbm:s5], $0x2780  }
0x1c: {  	_ =	swait.ge @!p0 [sflag:s29], $0x2780  }
0x1d: {  	[sflag:s29] =	ssyncset.done @!p0 $0x0  }
0x1e: {  	[sflag:s29] =	ssyncadd.s32 @!p0 $0xFFFFD880  }
0x1f: {  	[bflag:$0x0] =	sbarrier.arrive $0xFFFF  }
0x20: {  	[tilespmem:s3], [sflag:$0x3] =	stream.linear.gather [hbm4b:s8+s3], $0xC80, $0x38;
	[tilespmem:$0x19880] =	vst v63  }
0x21: {  	_ =	swait.ge [sflag:s17], $0xC80  }
0x22: {  	[sflag:s17] =	ssyncset.done $0x0  }
0x23: {  	[sflag:s17] =	ssyncadd.s32 $0xFFFFF380  }
0x24: {  	[tilespmem:s18], [sflag:$0x1] =	stream.linear.gather [hbm4b:s9+s3], $0x2800, $0x38;
	[tilespmem:$0x19880] =	vst v63  }
0x25: {  	s29 =	sadd.s32 $0xFFFFFB00, s15  }
0x26: {  	[tilespmem:s19], [sflag:$0x2] =	stream.linear.gather [hbm4b:s29+s3], $0x2800, $0x38;
	[tilespmem:$0x19880] =	vst v63  }
0x27: {  	_ =	swait.ge [sflag:s20], $0x2800  }
0x28: {  	[sflag:s20] =	ssyncset.done $0x0  }
0x29: {  	s29 =	simm.s32 $0x0;
	[sflag:s20] =	ssyncadd.s32 $0xFFFFD800  }
0x2a: {  	[spmem:s1] =	stream.indirect.scatter.add.f32 [tilespmem:s18], [sflag:$0x3], $0x80, s29, s21, $0xb8;
	[tilespmem:$0x19880] =	vst v63  }
0x2b: {  	_ =	swait.ge [sflag:s17], $0x2800  }
0x2c: {  	[sflag:s17] =	ssyncset.done $0x0  }
0x2d: {  	[sflag:s17] =	ssyncadd.s32 $0xFFFFD800  }
0x2e: {  	[tilespmem:s18], [sflag:$0x1] =	stream.linear.gather [hbm4b:s15+s3], $0x2800, $0x38;
	[tilespmem:$0x19880] =	vst v63  }
0x2f: {  	_ =	swait.ge [sflag:s22], $0x2800  }
0x30: {  	[sflag:s22] =	ssyncset.done $0x0  }
0x31: {  	s29 =	simm.s32 $0x80;
	[sflag:s22] =	ssyncadd.s32 $0xFFFFD800  }
0x32: {  	[spmem:s1] =	stream.indirect.scatter.add.f32 [tilespmem:s19], [sflag:$0x3], $0x80, s29, s21, $0xb8;
	[tilespmem:$0x19880] =	vst v63  }
0x33: {  	s30 =	simm.s32 $0x400;
	_ =	swait.ge [sflag:s17], $0x2800  }
0x34: {  	s31 =	simm.s32 $0x800;
	s29 =	sadd.s32 $0xA00, s15;
	[sflag:s17] =	ssyncset.done $0x0  }
.LBB2_2:
0x35: {  	p1 =	sne.s32 s31, $0x2C00;
	s0 =	sadd.s32 $0xFFFFFB00, s29;
	[sflag:s17] =	ssyncadd.s32 $0xFFFFD800  }
0x36: {  	[tilespmem:s19], [sflag:$0x2] =	stream.linear.gather [hbm4b:s0+s3], $0x2800, $0x38;
	[tilespmem:$0x19880] =	vst v63  }
0x37: {  	s0 =	smov.u32 s31;
	s31 =	sadd.s32 $0x400, s31;
	_ =	swait.ge [sflag:s20], $0x2800  }
0x38: {  	[sflag:s20] =	ssyncset.done $0x0  }
0x39: {  	s2 =	sshra.s32 s30, $0x2;
	s30 =	smov.u32 s0;
	[sflag:s20] =	ssyncadd.s32 $0xFFFFD800  }
0x3a: {  	[spmem:s1] =	stream.indirect.scatter.add.f32 [tilespmem:s18], [sflag:$0x3], $0x80, s2, s21, $0xb8;
	[tilespmem:$0x19880] =	vst v63  }
0x3b: {  	_ =	swait.ge [sflag:s17], $0x2800  }
0x3c: {  	[sflag:s17] =	ssyncset.done $0x0  }
0x3d: {  	[sflag:s17] =	ssyncadd.s32 $0xFFFFD800  }
0x3e: {  	[tilespmem:s18], [sflag:$0x1] =	stream.linear.gather [hbm4b:s29+s3], $0x2800, $0x38;
	[tilespmem:$0x19880] =	vst v63  }
0x3f: {  	_ =	swait.ge [sflag:s22], $0x2800  }
.Ltmp0:
0x40: {  	[sflag:s22] =	ssyncset.done $0x0;
	(pc) =	sbr.rel @p1 .LBB2_2-.Ltmp0, $4  }
0x41: {  	s0 =	sadd.s32 $0x80, s2;
	[sflag:s22] =	ssyncadd.s32 $0xFFFFD800  }
0x42: {  	[spmem:s1] =	stream.indirect.scatter.add.f32 [tilespmem:s19], [sflag:$0x3], $0x80, s0, s21, $0xb8;
	[tilespmem:$0x19880] =	vst v63  }
0x43: {  	_ =	swait.ge [sflag:s17], $0x2800  }
0x44: {  	s29 =	sadd.s32 $0xA00, s29;
	[sflag:s17] =	ssyncset.done $0x0  }
0x45: {  	s0 =	sadd.s32 $0xFFFFFB00, s29;
	[sflag:s17] =	ssyncadd.s32 $0xFFFFD800  }
0x46: {  	[tilespmem:s19], [sflag:$0x2] =	stream.linear.gather [hbm4b:s0+s3], $0x2800, $0x38;
	[tilespmem:$0x19880] =	vst v63  }
0x47: {  	_ =	swait.ge [sflag:s20], $0x2800  }
0x48: {  	[sflag:s20] =	ssyncset.done $0x0  }
0x49: {  	s2 =	sshra.s32 s30, $0x2;
	[sflag:s20] =	ssyncadd.s32 $0xFFFFD800  }
0x4a: {  	[spmem:s1] =	stream.indirect.scatter.add.f32 [tilespmem:s18], [sflag:$0x3], $0x80, s2, s21, $0xb8;
	[tilespmem:$0x19880] =	vst v63  }
0x4b: {  	_ =	swait.ge [sflag:s17], $0x2800  }
0x4c: {  	[sflag:s17] =	ssyncset.done $0x0  }
0x4d: {  	[sflag:s17] =	ssyncadd.s32 $0xFFFFD800  }
0x4e: {  	[tilespmem:s18], [sflag:$0x1] =	stream.linear.gather [hbm4b:s29+s3], $0x2800, $0x38;
	[tilespmem:$0x19880] =	vst v63  }
0x4f: {  	_ =	swait.ge [sflag:s22], $0x2800  }
0x50: {  	[sflag:s22] =	ssyncset.done $0x0  }
0x51: {  	s0 =	sadd.s32 $0x80, s2;
	[sflag:s22] =	ssyncadd.s32 $0xFFFFD800  }
0x52: {  	[spmem:s1] =	stream.indirect.scatter.add.f32 [tilespmem:s19], [sflag:$0x3], $0x80, s0, s21, $0xb8;
	[tilespmem:$0x19880] =	vst v63  }
0x53: {  	_ =	swait.ge [sflag:s17], $0x2800  }
0x54: {  	[sflag:s17] =	ssyncset.done $0x0  }
0x55: {  	[sflag:s17] =	ssyncadd.s32 $0xFFFFD800  }
0x56: {  	_ =	swait.ge [sflag:s20], $0x2800  }
0x57: {  	[sflag:s20] =	ssyncset.done $0x0  }
0x58: {  	[sflag:s20] =	ssyncadd.s32 $0xFFFFD800  }
0x59: {  	[spmem:s1] =	stream.indirect.scatter.add.f32 [tilespmem:s18], [sflag:$0x3], $0x80, s23, s21, $0xb8;
	[tilespmem:$0x19880] =	vst v63  }
0x5a: {  	_ =	swait.ge [sflag:s17], $0x2800  }
0x5b: {  	[sflag:s17] =	ssyncset.done $0x0  }
0x5c: {  	s2 =	simm.s32 $0x0;
	[sflag:s17] =	ssyncadd.s32 $0xFFFFD800  }
0x5d: {  	[tilespmem:s2], [sflag:$0x3] =	stream.linear.gather [hbm4b:s10+s2], $0xC80, $0x38;
	[tilespmem:$0x19880] =	vst v63  }
0x5e: {  	_ =	swait.ge [sflag:s17], $0xC80  }
0x5f: {  	[sflag:s17] =	ssyncset.done $0x0  }
0x60: {  	[sflag:s17] =	ssyncadd.s32 $0xFFFFF380  }
0x61: {  	[tilespmem:s18], [sflag:$0x1] =	stream.linear.gather [hbm4b:s11+s2], $0x2800, $0x38;
	[tilespmem:$0x19880] =	vst v63  }
0x62: {  	s2 =	sadd.s32 $0xFFFFFB00, s16  }
0x63: {  	[tilespmem:s19], [sflag:$0x2] =	stream.linear.gather [hbm4b:s2+s3], $0x2800, $0x38;
	[tilespmem:$0x19880] =	vst v63  }
0x64: {  	_ =	swait.ge [sflag:s20], $0x2800  }
0x65: {  	[sflag:s20] =	ssyncset.done $0x0  }
0x66: {  	s2 =	simm.s32 $0x0;
	[sflag:s20] =	ssyncadd.s32 $0xFFFFD800  }
0x67: {  	[spmem:s1] =	stream.indirect.scatter.add.f32 [tilespmem:s18], [sflag:$0x3], $0x80, s2, s21, $0xb8;
	[tilespmem:$0x19880] =	vst v63  }
0x68: {  	_ =	swait.ge [sflag:s17], $0x2800  }
0x69: {  	[sflag:s17] =	ssyncset.done $0x0  }
0x6a: {  	[sflag:s17] =	ssyncadd.s32 $0xFFFFD800  }
0x6b: {  	[tilespmem:s18], [sflag:$0x1] =	stream.linear.gather [hbm4b:s16+s3], $0x2800, $0x38;
	[tilespmem:$0x19880] =	vst v63  }
0x6c: {  	_ =	swait.ge [sflag:s22], $0x2800  }
0x6d: {  	[sflag:s22] =	ssyncset.done $0x0  }
0x6e: {  	s2 =	simm.s32 $0x80;
	[sflag:s22] =	ssyncadd.s32 $0xFFFFD800  }
0x6f: {  	[spmem:s1] =	stream.indirect.scatter.add.f32 [tilespmem:s19], [sflag:$0x3], $0x80, s2, s21, $0xb8;
	[tilespmem:$0x19880] =	vst v63  }
0x70: {  	s30 =	simm.s32 $0x400;
	_ =	swait.ge [sflag:s17], $0x2800  }
0x71: {  	s31 =	simm.s32 $0x800;
	s29 =	sadd.s32 $0xA00, s16;
	[sflag:s17] =	ssyncset.done $0x0  }
.LBB2_4:
0x72: {  	p1 =	sne.s32 s31, $0x2C00;
	s0 =	sadd.s32 $0xFFFFFB00, s29;
	[sflag:s17] =	ssyncadd.s32 $0xFFFFD800  }
0x73: {  	[tilespmem:s19], [sflag:$0x2] =	stream.linear.gather [hbm4b:s0+s3], $0x2800, $0x38;
	[tilespmem:$0x19880] =	vst v63  }
0x74: {  	s0 =	smov.u32 s31;
	s31 =	sadd.s32 $0x400, s31;
	_ =	swait.ge [sflag:s20], $0x2800  }
0x75: {  	[sflag:s20] =	ssyncset.done $0x0  }
0x76: {  	s2 =	sshra.s32 s30, $0x2;
	s30 =	smov.u32 s0;
	[sflag:s20] =	ssyncadd.s32 $0xFFFFD800  }
0x77: {  	[spmem:s1] =	stream.indirect.scatter.add.f32 [tilespmem:s18], [sflag:$0x3], $0x80, s2, s21, $0xb8;
	[tilespmem:$0x19880] =	vst v63  }
0x78: {  	_ =	swait.ge [sflag:s17], $0x2800  }
0x79: {  	[sflag:s17] =	ssyncset.done $0x0  }
0x7a: {  	[sflag:s17] =	ssyncadd.s32 $0xFFFFD800  }
0x7b: {  	[tilespmem:s18], [sflag:$0x1] =	stream.linear.gather [hbm4b:s29+s3], $0x2800, $0x38;
	[tilespmem:$0x19880] =	vst v63  }
0x7c: {  	_ =	swait.ge [sflag:s22], $0x2800  }
.Ltmp1:
0x7d: {  	[sflag:s22] =	ssyncset.done $0x0;
	(pc) =	sbr.rel @p1 .LBB2_4-.Ltmp1, $4  }
0x7e: {  	s0 =	sadd.s32 $0x80, s2;
	[sflag:s22] =	ssyncadd.s32 $0xFFFFD800  }
0x7f: {  	[spmem:s1] =	stream.indirect.scatter.add.f32 [tilespmem:s19], [sflag:$0x3], $0x80, s0, s21, $0xb8;
	[tilespmem:$0x19880] =	vst v63  }
0x80: {  	_ =	swait.ge [sflag:s17], $0x2800  }
0x81: {  	s29 =	sadd.s32 $0xA00, s29;
	[sflag:s17] =	ssyncset.done $0x0  }
0x82: {  	s0 =	sadd.s32 $0xFFFFFB00, s29;
	[sflag:s17] =	ssyncadd.s32 $0xFFFFD800  }
0x83: {  	[tilespmem:s19], [sflag:$0x2] =	stream.linear.gather [hbm4b:s0+s3], $0x2800, $0x38;
	[tilespmem:$0x19880] =	vst v63  }
0x84: {  	_ =	swait.ge [sflag:s20], $0x2800  }
0x85: {  	[sflag:s20] =	ssyncset.done $0x0  }
0x86: {  	s31 =	sshra.s32 s30, $0x2;
	[sflag:s20] =	ssyncadd.s32 $0xFFFFD800  }
0x87: {  	[spmem:s1] =	stream.indirect.scatter.add.f32 [tilespmem:s18], [sflag:$0x3], $0x80, s31, s21, $0xb8;
	[tilespmem:$0x19880] =	vst v63  }
0x88: {  	_ =	swait.ge [sflag:s17], $0x2800  }
0x89: {  	[sflag:s17] =	ssyncset.done $0x0  }
0x8a: {  	[sflag:s17] =	ssyncadd.s32 $0xFFFFD800  }
0x8b: {  	[tilespmem:s18], [sflag:$0x1] =	stream.linear.gather [hbm4b:s29+s3], $0x2800, $0x38;
	[tilespmem:$0x19880] =	vst v63  }
0x8c: {  	_ =	swait.ge [sflag:s22], $0x2800  }
0x8d: {  	[sflag:s22] =	ssyncset.done $0x0  }
0x8e: {  	s0 =	sadd.s32 $0x80, s31;
	[sflag:s22] =	ssyncadd.s32 $0xFFFFD800  }
0x8f: {  	[spmem:s1] =	stream.indirect.scatter.add.f32 [tilespmem:s19], [sflag:$0x3], $0x80, s0, s21, $0xb8;
	[tilespmem:$0x19880] =	vst v63  }
0x90: {  	_ =	swait.ge [sflag:s17], $0x2800  }
0x91: {  	[sflag:s17] =	ssyncset.done $0x0  }
0x92: {  	[sflag:s17] =	ssyncadd.s32 $0xFFFFD800  }
0x93: {  	_ =	swait.ge [sflag:s20], $0x2800  }
0x94: {  	[sflag:s20] =	ssyncset.done $0x0  }
0x95: {  	[sflag:s20] =	ssyncadd.s32 $0xFFFFD800  }
0x96: {  	[spmem:s1] =	stream.indirect.scatter.add.f32 [tilespmem:s18], [sflag:$0x3], $0x80, s23, s21, $0xb8;
	[tilespmem:$0x19880] =	vst v63  }
0x97: {  	_ =	swait.ge [sflag:s17], $0x2800  }
0x98: {  	[sflag:s17] =	ssyncset.done $0x0  }
0x99: {  	[sflag:s17] =	ssyncadd.s32 $0xFFFFD800  }
0x9a: {  	s0 =	simm.s32 @p0 $0x1FC3;
	[bflag:$0x0] =	sbarrier.arrive $0xFFFF  }
0x9b: {  	[hbm:s13], [sflag:s0] =	dma.local @p0 [spmem:s25], $0x2080  }
0x9c: {  	s0 =	simm.s32 @p0 $0x3  }
0x9d: {  	s24 =	sadd.s32 $0x1, s24;
	_ =	swait.ge @p0 [sflag:s0], $0x2080  }
0x9e: {  	p1 =	sne.s32 s24, s14;
	[sflag:s0] =	ssyncset.done @p0 $0x0  }
.Ltmp2:
0x9f: {  	[sflag:s0] =	ssyncadd.s32 @p0 $0xFFFFDF80;
	s0 =	simm.s32 @!p0 $0x3;
	(pc) =	sbr.rel @p1 .LBB2_1-.Ltmp2, $4  }
0xa0: {  	[hbm:s12], [sflag:s26] =	dma.local @!p0 [spmem:s28], $0x2780  }
0xa1: {  	_ =	swait.ge @!p0 [sflag:s0], $0x2780  }
0xa2: {  	[sflag:s0] =	ssyncset.done @!p0 $0x0  }
0xa3: {  	[sflag:s0] =	ssyncadd.s32 @!p0 $0xFFFFD880  }
0xa4: {  	_ =	sfence.sel $0x180000  }
0xa5: {  	[bflag:$0x0] =	sbarrier.arrive $0xFFFF  }
0xa6: {  	_ =	strace $0x90000059  }
0xa7: {  	s0 =	stileid.u32;
	[bflag:$0x2] =	sbarrier.arrive $0xFFFF  }
0xa8: {  	p0 =	sne.s32 s0, $0x0;
	s0 =	rddreg [dreg:$0x2]  }
0xa9: {  	s0 =	sadd.s32 @!p0 $0x100000, s0  }
0xaa: {  	[sflag:s0] =	ssyncadd.tile.s32 @!p0 $0x1;
	_ =	shalt  }
.Lfunc_end2:
_tile_overlayer_lowered:
.L_overlay_start_2:
0xab: {  	(tag) =	ssettag $0x2  }
0xac: {  	s0 =	rddreg [dreg:$0x0];
	s2 =	stileid.u32  }
0xad: {  	s1 =	rddreg [dreg:$0x1];
	p0 =	sne.s32 s2, $0x0  }
0xae: {  	s3 =	rddreg [dreg:$0x2];
	[bflag:$0x3] =	sbarrier.arrive $0xFFFF;
	s2 =	simm.s32 @!p0 $0x1C03  }
0xaf: {  	[timem:s3], [sflag:s2] =	dma.local @!p0 [hbm:s0], s1  }
0xb0: {  	s0 =	simm.s32 @!p0 $0x3  }
0xb1: {  	_ =	swait.ge @!p0 [sflag:s0], s1  }
0xb2: {  	s1 =	ssub.s32 @!p0 $0x0, s1;
	[sflag:s0] =	ssyncset.done @!p0 $0x0  }
0xb3: {  	[sflag:s0] =	ssyncadd.s32 @!p0 s1  }
0xb4: {  	[bflag:$0x3] =	sbarrier.arrive $0xFFFF  }
0xb5: {  	_ =	shalt  }

</sc_bundles>
